<compile_context>
chip_gen: v7x
topology: tpu7x:2x2x1
jax: 0.10.2.dev20260603
libtpu: 0.0.44.dev20260713+nightly
codegen_flags: <defaults>
</compile_context>

<pallas_src>
import functools

import jax
import jax.numpy as jnp
import numpy as np
from jax import lax
from jax.experimental import pallas as pl
from jax.experimental.pallas import tpu as pltpu
from jax.experimental.pallas import tpu_sc as plsc

R = 0.8
K = 64
NUM_BATCH = 16
R2 = np.float32(R * R)
R2_BITS = int(np.float32(R * R).view(np.int32))

NC, NS, LANES = 2, 16, 16
NW = NC * NS

QGRP = 16



def _a_body(xb, pb, w1x, w1p, b1r, wb, qb):
  qv = jnp.dot(pb[...], w1p[...], preferred_element_type=jnp.float32)
  w = (
      jnp.dot(xb[...], w1x[...], preferred_element_type=jnp.float32)
      + qv + b1r[...]
  )
  wb[...] = w
  qb[...] = qv


def _precompute_wq(x, posp, W1x, W1p, b1r):
  n, d = x.shape
  bq = 1000
  grid = n // bq
  return pl.pallas_call(
      _a_body,
      grid=(grid,),
      in_specs=[
          pl.BlockSpec((bq, d), lambda i: (i, 0)),
          pl.BlockSpec((bq, 8), lambda i: (i, 0)),
          pl.BlockSpec((d, 128), lambda i: (0, 0)),
          pl.BlockSpec((8, 128), lambda i: (0, 0)),
          pl.BlockSpec((1, 128), lambda i: (0, 0)),
      ],
      out_specs=[
          pl.BlockSpec((bq, 128), lambda i: (i, 0)),
          pl.BlockSpec((bq, 128), lambda i: (i, 0)),
      ],
      out_shape=[
          jax.ShapeDtypeStruct((n, 128), jnp.float32),
          jax.ShapeDtypeStruct((n, 128), jnp.float32),
      ],
  )(x, posp, W1x, W1p, b1r)



def _sel_body(n, qoff, qcap, grp_per_w, px_h, py_h, pz_h, bt_h, idx_h,
              px, py, pz, bt, seglo, seghi, cd, cj, stage):
  cid = lax.axis_index("c")
  sid = lax.axis_index("s")
  wid = sid * NC + cid

  pltpu.sync_copy(px_h, px.at[pl.ds(0, n)])
  pltpu.sync_copy(py_h, py.at[pl.ds(0, n)])
  pltpu.sync_copy(pz_h, pz.at[pl.ds(0, n)])
  pltpu.sync_copy(bt_h, bt.at[pl.ds(0, n)])

  lane = jax.lax.iota(jnp.int32, LANES)

  def _first_ge(b):
    blo, bhi = jnp.int32(0), jnp.int32(n)
    for _ in range(14):
      mid = (blo + bhi) >> 1
      v = bt[pl.ds(mid, LANES)][0]
      ge = v >= b
      bhi = jnp.where(ge, mid, bhi)
      blo = jnp.where(ge, blo, mid + 1)
    return bhi

  prev = _first_ge(0)
  for b in range(NUM_BATCH):
    nxt = _first_ge(b + 1)
    seglo[b] = prev
    seghi[b] = nxt
    prev = nxt

  def _per_query(qq, gbase):
    i = gbase + qq
    b = bt[pl.ds(i, LANES)][0]
    lo = seglo[b]
    hi = seghi[b]
    pix = px[pl.ds(i, LANES)][0]
    piy = py[pl.ds(i, LANES)][0]
    piz = pz[pl.ds(i, LANES)][0]
    c0 = lo // LANES
    c1 = (hi + LANES - 1) // LANES

    def _scan_chunk(cc, cnt):
      base = cc * LANES
      jv = base + lane
      dx = px[pl.ds(base, LANES)] - pix
      dy = py[pl.ds(base, LANES)] - piy
      dz = pz[pl.ds(base, LANES)] - piz
      d2 = dx * dx + dy * dy + dz * dz
      m = (d2 <= R2) & (jv >= lo) & (jv < hi)
      plsc.store_compressed(cd.at[pl.ds(cnt, LANES)],
                            plsc.bitcast(d2, jnp.int32), mask=m)
      plsc.store_compressed(cj.at[pl.ds(cnt, LANES)], jv, mask=m)
      return cnt + plsc.all_reduce_population_count(m)[0]

    cnt = lax.fori_loop(c0, c1, _scan_chunk, jnp.int32(0))
    nch = (cnt + LANES - 1) // LANES

    def _find_t(_):
      def _bs_step(_, lh):
        blo, bhi = lh
        mid = (blo + bhi) >> 1

        def _cnt_chunk(k, cv):
          dv = cd[pl.ds(k * LANES, LANES)]
          mm = (dv <= mid) & ((k * LANES + lane) < cnt)
          return cv + plsc.all_reduce_population_count(mm)

        cmid = lax.fori_loop(0, nch, _cnt_chunk,
                             jnp.zeros((LANES,), jnp.int32))[0]
        take = cmid >= K
        return (jnp.where(take, blo, mid + 1), jnp.where(take, mid, bhi))

      blo, bhi = lax.fori_loop(0, 31, _bs_step,
                               (jnp.int32(0), jnp.int32(R2_BITS)))
      return bhi

    t = lax.cond(cnt > K, _find_t, lambda _: jnp.int32(R2_BITS),
                 operand=jnp.int32(0))

    rowoff = qq * K
    for c in range(K // LANES):
      stage[pl.ds(rowoff + c * LANES, LANES)] = jnp.full((LANES,), i,
                                                         jnp.int32)

    def _emit_chunk(k, wp):
      dv = cd[pl.ds(k * LANES, LANES)]
      jv = cj[pl.ds(k * LANES, LANES)]
      m2 = (dv <= t) & ((k * LANES + lane) < cnt)
      pc = plsc.cumsum(m2.astype(jnp.int32))
      m3 = m2 & ((wp + pc) <= K)
      plsc.store_compressed(stage.at[pl.ds(rowoff + wp, LANES)], jv, mask=m3)
      return wp + plsc.all_reduce_population_count(m3)[0]

    lax.fori_loop(0, nch, _emit_chunk, jnp.int32(0))
    return gbase

  def _per_group(g, _):
    gbase = qoff + wid * (QGRP * grp_per_w) + g * QGRP

    @pl.when(gbase < qcap)
    def _():
      lax.fori_loop(0, QGRP, _per_query, gbase)
      pltpu.sync_copy(stage.at[pl.ds(0, QGRP * K)],
                      idx_h.at[pl.ds((gbase - qoff) * K, QGRP * K)])

    return 0

  lax.fori_loop(0, grp_per_w, _per_group, 0)


def _select_neighbors(posx, posy, posz, batch, qoff, qlen):
  n = posx.shape[0]
  grp_per_w = -(-qlen // (NW * QGRP))
  mesh = plsc.VectorSubcoreMesh(core_axis_name="c", subcore_axis_name="s",
                                num_cores=NC, num_subcores=NS)
  return pl.kernel(
      functools.partial(_sel_body, n, qoff, qoff + qlen, grp_per_w),
      out_type=jax.ShapeDtypeStruct((qlen * K,), jnp.int32),
      mesh=mesh,
      compiler_params=pltpu.CompilerParams(needs_layout_passes=False),
      scratch_types=[
          pltpu.VMEM((n + LANES,), jnp.float32),
          pltpu.VMEM((n + LANES,), jnp.float32),
          pltpu.VMEM((n + LANES,), jnp.float32),
          pltpu.VMEM((n + LANES,), jnp.int32),
          pltpu.SMEM((NUM_BATCH,), jnp.int32),
          pltpu.SMEM((NUM_BATCH,), jnp.int32),
          pltpu.VMEM((n + LANES,), jnp.int32),
          pltpu.VMEM((n + LANES,), jnp.int32),
          pltpu.VMEM((QGRP * K + LANES,), jnp.int32),
      ],
  )(posx, posy, posz, batch)



GCH = 128


NBUF = 6
DPTH = 4
WPK = 128


def _gather_body(e_per_w, n_full, tail, w_h, idxf_h, wg_h,
                 idxv, rows, gsems, ssems):
  cid = lax.axis_index("c")
  sid = lax.axis_index("s")
  wid = sid * NC + cid
  base = wid * e_per_w

  pltpu.sync_copy(idxf_h.at[pl.ds(base, e_per_w)], idxv)

  def _gather(g, b):
    return pltpu.make_async_copy(w_h.at[idxv.at[pl.ds(g * GCH, GCH)]],
                                 rows[b], gsems[b])

  def _store(g, b):
    return pltpu.make_async_copy(rows[b], wg_h.at[pl.ds(base + g * GCH, GCH)],
                                 ssems[b])

  def _visit(g, b):
    @pl.when((g - NBUF >= 0) & (g - NBUF < n_full))
    def _():
      _store(g - NBUF, b).wait()

    @pl.when(g < n_full)
    def _():
      _gather(g, b).start()

    bs = (b - DPTH) % NBUF

    @pl.when((g - DPTH >= 0) & (g - DPTH < n_full))
    def _():
      _gather(g - DPTH, bs).wait()
      _store(g - DPTH, bs).start()

  def _step(h, _):
    g0 = h * NBUF
    for b in range(NBUF):
      _visit(g0 + b, b)
    return 0

  nvis = (n_full + DPTH + NBUF - 1) // NBUF + 1
  lax.fori_loop(0, nvis, _step, 0)


  if tail:
    pltpu.async_copy(
        w_h.at[idxv.at[pl.ds(n_full * GCH, tail)]],
        rows[0].at[pl.ds(0, tail)], gsems[0])
    pltpu.make_async_copy(
        w_h.at[idxv.at[pl.ds(n_full * GCH, tail)]],
        rows[0].at[pl.ds(0, tail)], gsems[0]).wait()
    pltpu.sync_copy(rows[0].at[pl.ds(0, tail)],
                    wg_h.at[pl.ds(base + n_full * GCH, tail)])


def _gather_rows(w, idxf):
  e = idxf.shape[0]
  e_per_w = e // NW
  n_full = e_per_w // GCH
  tail = e_per_w - n_full * GCH
  mesh = plsc.VectorSubcoreMesh(core_axis_name="c", subcore_axis_name="s",
                                num_cores=NC, num_subcores=NS)

  def body(w_h, idxf_h, wg_h, idxv, *rs):
    _gather_body(e_per_w, n_full, tail, w_h, idxf_h, wg_h,
                 idxv, rs[:NBUF], rs[NBUF:2 * NBUF], rs[2 * NBUF:])

  return pl.kernel(
      body,
      out_type=jax.ShapeDtypeStruct((e, WPK), jnp.float32),
      mesh=mesh,
      scratch_types=(
          [pltpu.VMEM((e_per_w,), jnp.int32)]
          + [pltpu.VMEM((GCH, WPK), jnp.float32) for _ in range(NBUF)]
          + [pltpu.SemaphoreType.DMA for _ in range(2 * NBUF)]
      ),
  )(w, idxf)



def _c_body(wg_b, q_b, w2, b2r, out_b):
  qc = q_b.shape[0]
  h1 = jnp.maximum(wg_b[...] - q_b[...][:, None, :], 0.0)
  h2 = jnp.dot(h1.reshape(qc * K, 128), w2[...],
               preferred_element_type=jnp.float32) + b2r[...]
  h2 = jnp.maximum(h2, 0.0)
  out_b[...] = jnp.max(h2.reshape(qc, K, 128), axis=1)


def _conv_max(wg, q, W2, b2r):
  n = q.shape[0]
  qc = next(c for c in range(248, 0, -8) if n % c == 0 and c % 8 == 0)
  grid = n // qc
  return pl.pallas_call(
      _c_body,
      grid=(grid,),
      in_specs=[
          pl.BlockSpec((qc, K, WPK), lambda i: (i, 0, 0)),
          pl.BlockSpec((qc, 128), lambda i: (i, 0)),
          pl.BlockSpec((128, 128), lambda i: (0, 0)),
          pl.BlockSpec((1, 128), lambda i: (0, 0)),
      ],
      out_specs=pl.BlockSpec((qc, 128), lambda i: (i, 0)),
      out_shape=jax.ShapeDtypeStruct((n, 128), jnp.float32),
  )(wg, q, W2, b2r)



def kernel(x, pos, batch, W1, b1, W2, b2):
  n, d = x.shape
  posp = jnp.pad(pos, ((0, 0), (0, 5)))
  W1x = W1[:d]
  W1p = jnp.pad(W1[d:], ((0, 5), (0, 0)))
  b1r = b1.reshape(1, 128)
  b2r = b2.reshape(1, 128)

  w, q = _precompute_wq(x, posp, W1x, W1p, b1r)

  slices = [(0, n)]
  bi = batch.astype(jnp.int32)
  outs = []
  for qoff, qlen in slices:
    idx = _select_neighbors(pos[:, 0], pos[:, 1], pos[:, 2], bi, qoff, qlen)
    wg = _gather_rows(w, idx)
    outs.append(_conv_max(wg.reshape(qlen, K, WPK),
                          lax.slice_in_dim(q, qoff, qoff + qlen), W2, b2r))
  out = jnp.concatenate(outs, axis=0) if len(outs) > 1 else outs[0]
  return (out, pos, batch)

# --- scband reference (transcript-rebuilt; emitter-appended) ---
"""Pipeline reference for scband-samodule-43705587204348 (READ-ONLY COPY).

The authoritative reference and input builder live on the scoring server;
editing this copy changes nothing except your own understanding.
"""

import jax, jax.numpy as jnp
import numpy as np

R = 0.8
K = 64  # max_num_neighbors in radius()
N = 10000
D = 128
NUM_BATCH = 16


def setup_inputs(seed: int = 0) -> dict:
    key = jax.random.key(seed)
    k1, k2, k3, k4, k5 = jax.random.split(key, 5)
    x = jax.random.normal(k1, (N, D), dtype=jnp.float32)
    pos = jax.random.normal(k2, (N, 3), dtype=jnp.float32)
    batch = jnp.sort(jax.random.randint(k3, (N,), 0, NUM_BATCH)).astype(jnp.int32)
    # feature_nn = Seq(Lin(D+3, 128), ReLU, Lin(128, 128), ReLU)
    W1 = jax.random.normal(k4, (D + 3, 128), dtype=jnp.float32) * 0.05
    b1 = jnp.zeros((128,), dtype=jnp.float32)
    W2 = jax.random.normal(k5, (128, 128), dtype=jnp.float32) * 0.05
    b2 = jnp.zeros((128,), dtype=jnp.float32)
    return {"x": x, "pos": pos, "batch": batch, "W1": W1, "b1": b1, "W2": W2, "b2": b2}


def radius_neighbors(pos, batch):
    # emulates torch_cluster.radius(pos, pos, R, batch, batch, max_num_neighbors=K)
    # returns dense neighbor indices [N, K] and validity mask [N, K]
    n = pos.shape[0]
    idx_chunks, mask_chunks = [], []
    chunk = 1000
    for s in range(0, n, chunk):
        q = pos[s:s + chunk]
        d2 = jnp.sum((q[:, None, :] - pos[None, :, :]) ** 2, axis=-1)
        same = batch[s:s + chunk, None] == batch[None, :]
        d2 = jnp.where(same, d2, jnp.inf)
        negv, idx = jax.lax.top_k(-d2, K)
        mask = (-negv) <= R * R
        idx_chunks.append(idx)
        mask_chunks.append(mask)
    return jnp.concatenate(idx_chunks, axis=0), jnp.concatenate(mask_chunks, axis=0)


def reference(x, pos, batch, W1, b1, W2, b2):
    idx, mask = radius_neighbors(pos, batch)
    # PointConv (PointNetConv) message: local_nn(cat([x_j, pos_j - pos_i])), max-aggregated
    xj = jnp.take(x, idx, axis=0)                      # [N, K, D]  gather
    rel = jnp.take(pos, idx, axis=0) - pos[:, None, :]  # [N, K, 3]
    h = jnp.concatenate([xj, rel], axis=-1)            # [N, K, D+3]
    h = jax.nn.relu(h @ W1 + b1)
    h = jax.nn.relu(h @ W2 + b2)
    h = jnp.where(mask[:, :, None], h, -jnp.inf)
    out = jnp.max(h, axis=1)                           # max aggregation per dst node
    out = jnp.where(jnp.isfinite(out), out, 0.0)
    return (out, pos, batch)

if __name__ == "__main__":
    import jax
    _d = setup_inputs()
    print(jax.jit(kernel)(*tuple(_d.values())))

</pallas_src>

<mosaic_0001>
#map = affine_map<(d0, d1) -> (0)>
module attributes {stable_mosaic.version = 14 : i64} {
  func.func @_sel_body(%arg0: i32, %arg1: i32, %arg2: memref<10000xf32, #tpu.memory_space<hbm>>, %arg3: memref<10000xf32, #tpu.memory_space<hbm>>, %arg4: memref<10000xf32, #tpu.memory_space<hbm>>, %arg5: memref<10000xi32, #tpu.memory_space<hbm>>, %arg6: memref<640000xi32, #tpu.memory_space<hbm>>, %arg7: memref<10016xf32, #tpu.memory_space<vmem>>, %arg8: memref<10016xf32, #tpu.memory_space<vmem>>, %arg9: memref<10016xf32, #tpu.memory_space<vmem>>, %arg10: memref<10016xi32, #tpu.memory_space<vmem>>, %arg11: memref<16xi32, #tpu.memory_space<smem>>, %arg12: memref<16xi32, #tpu.memory_space<smem>>, %arg13: memref<10016xi32, #tpu.memory_space<vmem>>, %arg14: memref<10016xi32, #tpu.memory_space<vmem>>, %arg15: memref<1040xi32, #tpu.memory_space<vmem>>) attributes {dimension_semantics = [#tpu.dimension_semantics<core_parallel>, #tpu.dimension_semantics<subcore_parallel>], iteration_bounds = array<i64: 2, 16>, scalar_prefetch = 0 : i64, scratch_operands = 9 : i64, tpu.core_type = #tpu.core_type<sc_vector_subcore>, window_params = [{transform_indices = #map}, {transform_indices = #map}, {transform_indices = #map}, {transform_indices = #map}, {transform_indices = #map}]} {
    %mul3A = arith.constant 2 : i32
    %mul3A_0 = arith.muli %arg1, %mul3A : i32
    %add3A = arith.addi %mul3A_0, %arg0 : i32
    "tpu.region"() ({
      %run_scoped3A = tpu.sem_alloc : memref<!tpu.dma_semaphore, #tpu.memory_space<semaphore_mem>>
      %dma_start3A = arith.constant 0 : i32
      %dma_start3A_3257 = tpu.memref_slice %arg7[%dma_start3A] : memref<10016xf32, #tpu.memory_space<vmem>> -> memref<10000xf32, #tpu.memory_space<vmem>>
      %dma_start3A_3258 = arith.constant 0 : i32
      %dma_start3A_3259 = tpu.memref_slice %arg7[%dma_start3A_3258] : memref<10016xf32, #tpu.memory_space<vmem>> -> memref<10000xf32, #tpu.memory_space<vmem>>
      tpu.enqueue_dma source(%arg2 : memref<10000xf32, #tpu.memory_space<hbm>>) target(%dma_start3A_3259 : memref<10000xf32, #tpu.memory_space<vmem>>) target_semaphore(%run_scoped3A : memref<!tpu.dma_semaphore, #tpu.memory_space<semaphore_mem>>)
      %dma_wait3A = arith.constant 0 : i32
      %dma_wait3A_3260 = tpu.memref_slice %arg7[%dma_wait3A] : memref<10016xf32, #tpu.memory_space<vmem>> -> memref<10000xf32, #tpu.memory_space<vmem>>
      %dma_wait3A_3261 = arith.constant 0 : i32
      %dma_wait3A_3262 = tpu.memref_slice %arg7[%dma_wait3A_3261] : memref<10016xf32, #tpu.memory_space<vmem>> -> memref<10000xf32, #tpu.memory_space<vmem>>
      tpu.wait_dma2 semaphore(%run_scoped3A : memref<!tpu.dma_semaphore, #tpu.memory_space<semaphore_mem>>) src(%arg2 : memref<10000xf32, #tpu.memory_space<hbm>>) dst(%dma_wait3A_3262 : memref<10000xf32, #tpu.memory_space<vmem>>)
      tpu.yield
    }) : () -> ()
    "tpu.region"() ({
      %run_scoped3A = tpu.sem_alloc : memref<!tpu.dma_semaphore, #tpu.memory_space<semaphore_mem>>
      %dma_start3A = arith.constant 0 : i32
      %dma_start3A_3257 = tpu.memref_slice %arg8[%dma_start3A] : memref<10016xf32, #tpu.memory_space<vmem>> -> memref<10000xf32, #tpu.memory_space<vmem>>
      %dma_start3A_3258 = arith.constant 0 : i32
      %dma_start3A_3259 = tpu.memref_slice %arg8[%dma_start3A_3258] : memref<10016xf32, #tpu.memory_space<vmem>> -> memref<10000xf32, #tpu.memory_space<vmem>>
      tpu.enqueue_dma source(%arg3 : memref<10000xf32, #tpu.memory_space<hbm>>) target(%dma_start3A_3259 : memref<10000xf32, #tpu.memory_space<vmem>>) target_semaphore(%run_scoped3A : memref<!tpu.dma_semaphore, #tpu.memory_space<semaphore_mem>>)
      %dma_wait3A = arith.constant 0 : i32
      %dma_wait3A_3260 = tpu.memref_slice %arg8[%dma_wait3A] : memref<10016xf32, #tpu.memory_space<vmem>> -> memref<10000xf32, #tpu.memory_space<vmem>>
      %dma_wait3A_3261 = arith.constant 0 : i32
      %dma_wait3A_3262 = tpu.memref_slice %arg8[%dma_wait3A_3261] : memref<10016xf32, #tpu.memory_space<vmem>> -> memref<10000xf32, #tpu.memory_space<vmem>>
      tpu.wait_dma2 semaphore(%run_scoped3A : memref<!tpu.dma_semaphore, #tpu.memory_space<semaphore_mem>>) src(%arg3 : memref<10000xf32, #tpu.memory_space<hbm>>) dst(%dma_wait3A_3262 : memref<10000xf32, #tpu.memory_space<vmem>>)
      tpu.yield
    }) : () -> ()
    "tpu.region"() ({
      %run_scoped3A = tpu.sem_alloc : memref<!tpu.dma_semaphore, #tpu.memory_space<semaphore_mem>>
      %dma_start3A = arith.constant 0 : i32
      %dma_start3A_3257 = tpu.memref_slice %arg9[%dma_start3A] : memref<10016xf32, #tpu.memory_space<vmem>> -> memref<10000xf32, #tpu.memory_space<vmem>>
      %dma_start3A_3258 = arith.constant 0 : i32
      %dma_start3A_3259 = tpu.memref_slice %arg9[%dma_start3A_3258] : memref<10016xf32, #tpu.memory_space<vmem>> -> memref<10000xf32, #tpu.memory_space<vmem>>
      tpu.enqueue_dma source(%arg4 : memref<10000xf32, #tpu.memory_space<hbm>>) target(%dma_start3A_3259 : memref<10000xf32, #tpu.memory_space<vmem>>) target_semaphore(%run_scoped3A : memref<!tpu.dma_semaphore, #tpu.memory_space<semaphore_mem>>)
      %dma_wait3A = arith.constant 0 : i32
      %dma_wait3A_3260 = tpu.memref_slice %arg9[%dma_wait3A] : memref<10016xf32, #tpu.memory_space<vmem>> -> memref<10000xf32, #tpu.memory_space<vmem>>
      %dma_wait3A_3261 = arith.constant 0 : i32
      %dma_wait3A_3262 = tpu.memref_slice %arg9[%dma_wait3A_3261] : memref<10016xf32, #tpu.memory_space<vmem>> -> memref<10000xf32, #tpu.memory_space<vmem>>
      tpu.wait_dma2 semaphore(%run_scoped3A : memref<!tpu.dma_semaphore, #tpu.memory_space<semaphore_mem>>) src(%arg4 : memref<10000xf32, #tpu.memory_space<hbm>>) dst(%dma_wait3A_3262 : memref<10000xf32, #tpu.memory_space<vmem>>)
      tpu.yield
    }) : () -> ()
    "tpu.region"() ({
      %run_scoped3A = tpu.sem_alloc : memref<!tpu.dma_semaphore, #tpu.memory_space<semaphore_mem>>
      %dma_start3A = arith.constant 0 : i32
      %dma_start3A_3257 = tpu.memref_slice %arg10[%dma_start3A] : memref<10016xi32, #tpu.memory_space<vmem>> -> memref<10000xi32, #tpu.memory_space<vmem>>
      %dma_start3A_3258 = arith.constant 0 : i32
      %dma_start3A_3259 = tpu.memref_slice %arg10[%dma_start3A_3258] : memref<10016xi32, #tpu.memory_space<vmem>> -> memref<10000xi32, #tpu.memory_space<vmem>>
      tpu.enqueue_dma source(%arg5 : memref<10000xi32, #tpu.memory_space<hbm>>) target(%dma_start3A_3259 : memref<10000xi32, #tpu.memory_space<vmem>>) target_semaphore(%run_scoped3A : memref<!tpu.dma_semaphore, #tpu.memory_space<semaphore_mem>>)
      %dma_wait3A = arith.constant 0 : i32
      %dma_wait3A_3260 = tpu.memref_slice %arg10[%dma_wait3A] : memref<10016xi32, #tpu.memory_space<vmem>> -> memref<10000xi32, #tpu.memory_space<vmem>>
      %dma_wait3A_3261 = arith.constant 0 : i32
      %dma_wait3A_3262 = tpu.memref_slice %arg10[%dma_wait3A_3261] : memref<10016xi32, #tpu.memory_space<vmem>> -> memref<10000xi32, #tpu.memory_space<vmem>>
      tpu.wait_dma2 semaphore(%run_scoped3A : memref<!tpu.dma_semaphore, #tpu.memory_space<semaphore_mem>>) src(%arg5 : memref<10000xi32, #tpu.memory_space<hbm>>) dst(%dma_wait3A_3262 : memref<10000xi32, #tpu.memory_space<vmem>>)
      tpu.yield
    }) : () -> ()
    %iota3A = tpu.iota {dimensions = array<i32: 0>} : vector<16xi32>
    %add3A_1 = arith.constant 0 : i32
    %add3A_2 = arith.constant 10000 : i32
    %add3A_3 = arith.addi %add3A_1, %add3A_2 : i32
    %shift_right_arithmetic3A = arith.constant 1 : i32
    %shift_right_arithmetic3A_4 = arith.shrsi %add3A_3, %shift_right_arithmetic3A : i32
    %get3A = arith.index_cast %shift_right_arithmetic3A_4 : i32 to index
    %get3A_5 = tpu.vector_load %arg10[%get3A] {strides = array<i32>} : memref<10016xi32, #tpu.memory_space<vmem>>, vector<16xi32>,
    %slice3A = vector.extract_strided_slice %get3A_5 {offsets = [0], sizes = [1], strides = [1]} : vector<16xi32> to vector<1xi32>
    %squeeze3A = vector.extract %slice3A[0] : i32 from vector<1xi32>
    %ge3A = arith.constant 0 : i32
    %ge3A_6 = arith.cmpi sge, %squeeze3A, %ge3A : i32
    %jit3A = arith.constant 10000 : i32
    %select_n3A = arith.select %ge3A_6, %shift_right_arithmetic3A_4, %jit3A : i32
    %add3A_7 = arith.constant 1 : i32
    %add3A_8 = arith.addi %shift_right_arithmetic3A_4, %add3A_7 : i32
    %jit3A_9 = arith.constant 0 : i32
    %select_n3A_10 = arith.select %ge3A_6, %jit3A_9, %add3A_8 : i32
    %add3A_11 = arith.addi %select_n3A_10, %select_n3A : i32
    %shift_right_arithmetic3A_12 = arith.constant 1 : i32
    %shift_right_arithmetic3A_13 = arith.shrsi %add3A_11, %shift_right_arithmetic3A_12 : i32
    %get3A_14 = arith.index_cast %shift_right_arithmetic3A_13 : i32 to index
    %get3A_15 = tpu.vector_load %arg10[%get3A_14] {strides = array<i32>} : memref<10016xi32, #tpu.memory_space<vmem>>, vector<16xi32>,
    %slice3A_16 = vector.extract_strided_slice %get3A_15 {offsets = [0], sizes = [1], strides = [1]} : vector<16xi32> to vector<1xi32>
    %squeeze3A_17 = vector.extract %slice3A_16[0] : i32 from vector<1xi32>
    %ge3A_18 = arith.constant 0 : i32
    %ge3A_19 = arith.cmpi sge, %squeeze3A_17, %ge3A_18 : i32
    %select_n3A_20 = arith.select %ge3A_19, %shift_right_arithmetic3A_13, %select_n3A : i32
    %add3A_21 = arith.constant 1 : i32
    %add3A_22 = arith.addi %shift_right_arithmetic3A_13, %add3A_21 : i32
    %select_n3A_23 = arith.select %ge3A_19, %select_n3A_10, %add3A_22 : i32
    %add3A_24 = arith.addi %select_n3A_23, %select_n3A_20 : i32
    %shift_right_arithmetic3A_25 = arith.constant 1 : i32
    %shift_right_arithmetic3A_26 = arith.shrsi %add3A_24, %shift_right_arithmetic3A_25 : i32
    %get3A_27 = arith.index_cast %shift_right_arithmetic3A_26 : i32 to index
    %get3A_28 = tpu.vector_load %arg10[%get3A_27] {strides = array<i32>} : memref<10016xi32, #tpu.memory_space<vmem>>, vector<16xi32>,
    %slice3A_29 = vector.extract_strided_slice %get3A_28 {offsets = [0], sizes = [1], strides = [1]} : vector<16xi32> to vector<1xi32>
    %squeeze3A_30 = vector.extract %slice3A_29[0] : i32 from vector<1xi32>
    %ge3A_31 = arith.constant 0 : i32
    %ge3A_32 = arith.cmpi sge, %squeeze3A_30, %ge3A_31 : i32
    %select_n3A_33 = arith.select %ge3A_32, %shift_right_arithmetic3A_26, %select_n3A_20 : i32
    %add3A_34 = arith.constant 1 : i32
    %add3A_35 = arith.addi %shift_right_arithmetic3A_26, %add3A_34 : i32
    %select_n3A_36 = arith.select %ge3A_32, %select_n3A_23, %add3A_35 : i32
    %add3A_37 = arith.addi %select_n3A_36, %select_n3A_33 : i32
    %shift_right_arithmetic3A_38 = arith.constant 1 : i32
    %shift_right_arithmetic3A_39 = arith.shrsi %add3A_37, %shift_right_arithmetic3A_38 : i32
    %get3A_40 = arith.index_cast %shift_right_arithmetic3A_39 : i32 to index
    %get3A_41 = tpu.vector_load %arg10[%get3A_40] {strides = array<i32>} : memref<10016xi32, #tpu.memory_space<vmem>>, vector<16xi32>,
    %slice3A_42 = vector.extract_strided_slice %get3A_41 {offsets = [0], sizes = [1], strides = [1]} : vector<16xi32> to vector<1xi32>
    %squeeze3A_43 = vector.extract %slice3A_42[0] : i32 from vector<1xi32>
    %ge3A_44 = arith.constant 0 : i32
    %ge3A_45 = arith.cmpi sge, %squeeze3A_43, %ge3A_44 : i32
    %select_n3A_46 = arith.select %ge3A_45, %shift_right_arithmetic3A_39, %select_n3A_33 : i32
    %add3A_47 = arith.constant 1 : i32
    %add3A_48 = arith.addi %shift_right_arithmetic3A_39, %add3A_47 : i32
    %select_n3A_49 = arith.select %ge3A_45, %select_n3A_36, %add3A_48 : i32
    %add3A_50 = arith.addi %select_n3A_49, %select_n3A_46 : i32
    %shift_right_arithmetic3A_51 = arith.constant 1 : i32
    %shift_right_arithmetic3A_52 = arith.shrsi %add3A_50, %shift_right_arithmetic3A_51 : i32
    %get3A_53 = arith.index_cast %shift_right_arithmetic3A_52 : i32 to index
    %get3A_54 = tpu.vector_load %arg10[%get3A_53] {strides = array<i32>} : memref<10016xi32, #tpu.memory_space<vmem>>, vector<16xi32>,
    %slice3A_55 = vector.extract_strided_slice %get3A_54 {offsets = [0], sizes = [1], strides = [1]} : vector<16xi32> to vector<1xi32>
    %squeeze3A_56 = vector.extract %slice3A_55[0] : i32 from vector<1xi32>
    %ge3A_57 = arith.constant 0 : i32
    %ge3A_58 = arith.cmpi sge, %squeeze3A_56, %ge3A_57 : i32
    %select_n3A_59 = arith.select %ge3A_58, %shift_right_arithmetic3A_52, %select_n3A_46 : i32
    %add3A_60 = arith.constant 1 : i32
    %add3A_61 = arith.addi %shift_right_arithmetic3A_52, %add3A_60 : i32
    %select_n3A_62 = arith.select %ge3A_58, %select_n3A_49, %add3A_61 : i32
    %add3A_63 = arith.addi %select_n3A_62, %select_n3A_59 : i32
    %shift_right_arithmetic3A_64 = arith.constant 1 : i32
    %shift_right_arithmetic3A_65 = arith.shrsi %add3A_63, %shift_right_arithmetic3A_64 : i32
    %get3A_66 = arith.index_cast %shift_right_arithmetic3A_65 : i32 to index
    %get3A_67 = tpu.vector_load %arg10[%get3A_66] {strides = array<i32>} : memref<10016xi32, #tpu.memory_space<vmem>>, vector<16xi32>,
    %slice3A_68 = vector.extract_strided_slice %get3A_67 {offsets = [0], sizes = [1], strides = [1]} : vector<16xi32> to vector<1xi32>
    %squeeze3A_69 = vector.extract %slice3A_68[0] : i32 from vector<1xi32>
    %ge3A_70 = arith.constant 0 : i32
    %ge3A_71 = arith.cmpi sge, %squeeze3A_69, %ge3A_70 : i32
    %select_n3A_72 = arith.select %ge3A_71, %shift_right_arithmetic3A_65, %select_n3A_59 : i32
    %add3A_73 = arith.constant 1 : i32
    %add3A_74 = arith.addi %shift_right_arithmetic3A_65, %add3A_73 : i32
    %select_n3A_75 = arith.select %ge3A_71, %select_n3A_62, %add3A_74 : i32
    %add3A_76 = arith.addi %select_n3A_75, %select_n3A_72 : i32
    %shift_right_arithmetic3A_77 = arith.constant 1 : i32
    %shift_right_arithmetic3A_78 = arith.shrsi %add3A_76, %shift_right_arithmetic3A_77 : i32
    %get3A_79 = arith.index_cast %shift_right_arithmetic3A_78 : i32 to index
    %get3A_80 = tpu.vector_load %arg10[%get3A_79] {strides = array<i32>} : memref<10016xi32, #tpu.memory_space<vmem>>, vector<16xi32>,
    %slice3A_81 = vector.extract_strided_slice %get3A_80 {offsets = [0], sizes = [1], strides = [1]} : vector<16xi32> to vector<1xi32>
    %squeeze3A_82 = vector.extract %slice3A_81[0] : i32 from vector<1xi32>
    %ge3A_83 = arith.constant 0 : i32
    %ge3A_84 = arith.cmpi sge, %squeeze3A_82, %ge3A_83 : i32
    %select_n3A_85 = arith.select %ge3A_84, %shift_right_arithmetic3A_78, %select_n3A_72 : i32
    %add3A_86 = arith.constant 1 : i32
    %add3A_87 = arith.addi %shift_right_arithmetic3A_78, %add3A_86 : i32
    %select_n3A_88 = arith.select %ge3A_84, %select_n3A_75, %add3A_87 : i32
    %add3A_89 = arith.addi %select_n3A_88, %select_n3A_85 : i32
    %shift_right_arithmetic3A_90 = arith.constant 1 : i32
    %shift_right_arithmetic3A_91 = arith.shrsi %add3A_89, %shift_right_arithmetic3A_90 : i32
    %get3A_92 = arith.index_cast %shift_right_arithmetic3A_91 : i32 to index
    %get3A_93 = tpu.vector_load %arg10[%get3A_92] {strides = array<i32>} : memref<10016xi32, #tpu.memory_space<vmem>>, vector<16xi32>,
    %slice3A_94 = vector.extract_strided_slice %get3A_93 {offsets = [0], sizes = [1], strides = [1]} : vector<16xi32> to vector<1xi32>
    %squeeze3A_95 = vector.extract %slice3A_94[0] : i32 from vector<1xi32>
    %ge3A_96 = arith.constant 0 : i32
    %ge3A_97 = arith.cmpi sge, %squeeze3A_95, %ge3A_96 : i32
    %select_n3A_98 = arith.select %ge3A_97, %shift_right_arithmetic3A_91, %select_n3A_85 : i32
    %add3A_99 = arith.constant 1 : i32
    %add3A_100 = arith.addi %shift_right_arithmetic3A_91, %add3A_99 : i32
    %select_n3A_101 = arith.select %ge3A_97, %select_n3A_88, %add3A_100 : i32
    %add3A_102 = arith.addi %select_n3A_101, %select_n3A_98 : i32
    %shift_right_arithmetic3A_103 = arith.constant 1 : i32
    %shift_right_arithmetic3A_104 = arith.shrsi %add3A_102, %shift_right_arithmetic3A_103 : i32
    %get3A_105 = arith.index_cast %shift_right_arithmetic3A_104 : i32 to index
    %get3A_106 = tpu.vector_load %arg10[%get3A_105] {strides = array<i32>} : memref<10016xi32, #tpu.memory_space<vmem>>, vector<16xi32>,
    %slice3A_107 = vector.extract_strided_slice %get3A_106 {offsets = [0], sizes = [1], strides = [1]} : vector<16xi32> to vector<1xi32>
    %squeeze3A_108 = vector.extract %slice3A_107[0] : i32 from vector<1xi32>
    %ge3A_109 = arith.constant 0 : i32
    %ge3A_110 = arith.cmpi sge, %squeeze3A_108, %ge3A_109 : i32
    %select_n3A_111 = arith.select %ge3A_110, %shift_right_arithmetic3A_104, %select_n3A_98 : i32
    %add3A_112 = arith.constant 1 : i32
    %add3A_113 = arith.addi %shift_right_arithmetic3A_104, %add3A_112 : i32
    %select_n3A_114 = arith.select %ge3A_110, %select_n3A_101, %add3A_113 : i32
    %add3A_115 = arith.addi %select_n3A_114, %select_n3A_111 : i32
    %shift_right_arithmetic3A_116 = arith.constant 1 : i32
    %shift_right_arithmetic3A_117 = arith.shrsi %add3A_115, %shift_right_arithmetic3A_116 : i32
    %get3A_118 = arith.index_cast %shift_right_arithmetic3A_117 : i32 to index
    %get3A_119 = tpu.vector_load %arg10[%get3A_118] {strides = array<i32>} : memref<10016xi32, #tpu.memory_space<vmem>>, vector<16xi32>,
    %slice3A_120 = vector.extract_strided_slice %get3A_119 {offsets = [0], sizes = [1], strides = [1]} : vector<16xi32> to vector<1xi32>
    %squeeze3A_121 = vector.extract %slice3A_120[0] : i32 from vector<1xi32>
    %ge3A_122 = arith.constant 0 : i32
    %ge3A_123 = arith.cmpi sge, %squeeze3A_121, %ge3A_122 : i32
    %select_n3A_124 = arith.select %ge3A_123, %shift_right_arithmetic3A_117, %select_n3A_111 : i32
    %add3A_125 = arith.constant 1 : i32
    %add3A_126 = arith.addi %shift_right_arithmetic3A_117, %add3A_125 : i32
    %select_n3A_127 = arith.select %ge3A_123, %select_n3A_114, %add3A_126 : i32
    %add3A_128 = arith.addi %select_n3A_127, %select_n3A_124 : i32
    %shift_right_arithmetic3A_129 = arith.constant 1 : i32
    %shift_right_arithmetic3A_130 = arith.shrsi %add3A_128, %shift_right_arithmetic3A_129 : i32
    %get3A_131 = arith.index_cast %shift_right_arithmetic3A_130 : i32 to index
    %get3A_132 = tpu.vector_load %arg10[%get3A_131] {strides = array<i32>} : memref<10016xi32, #tpu.memory_space<vmem>>, vector<16xi32>,
    %slice3A_133 = vector.extract_strided_slice %get3A_132 {offsets = [0], sizes = [1], strides = [1]} : vector<16xi32> to vector<1xi32>
    %squeeze3A_134 = vector.extract %slice3A_133[0] : i32 from vector<1xi32>
    %ge3A_135 = arith.constant 0 : i32
    %ge3A_136 = arith.cmpi sge, %squeeze3A_134, %ge3A_135 : i32
    %select_n3A_137 = arith.select %ge3A_136, %shift_right_arithmetic3A_130, %select_n3A_124 : i32
    %add3A_138 = arith.constant 1 : i32
    %add3A_139 = arith.addi %shift_right_arithmetic3A_130, %add3A_138 : i32
    %select_n3A_140 = arith.select %ge3A_136, %select_n3A_127, %add3A_139 : i32
    %add3A_141 = arith.addi %select_n3A_140, %select_n3A_137 : i32
    %shift_right_arithmetic3A_142 = arith.constant 1 : i32
    %shift_right_arithmetic3A_143 = arith.shrsi %add3A_141, %shift_right_arithmetic3A_142 : i32
    %get3A_144 = arith.index_cast %shift_right_arithmetic3A_143 : i32 to index
    %get3A_145 = tpu.vector_load %arg10[%get3A_144] {strides = array<i32>} : memref<10016xi32, #tpu.memory_space<vmem>>, vector<16xi32>,
    %slice3A_146 = vector.extract_strided_slice %get3A_145 {offsets = [0], sizes = [1], strides = [1]} : vector<16xi32> to vector<1xi32>
    %squeeze3A_147 = vector.extract %slice3A_146[0] : i32 from vector<1xi32>
    %ge3A_148 = arith.constant 0 : i32
    %ge3A_149 = arith.cmpi sge, %squeeze3A_147, %ge3A_148 : i32
    %select_n3A_150 = arith.select %ge3A_149, %shift_right_arithmetic3A_143, %select_n3A_137 : i32
    %add3A_151 = arith.constant 1 : i32
    %add3A_152 = arith.addi %shift_right_arithmetic3A_143, %add3A_151 : i32
    %select_n3A_153 = arith.select %ge3A_149, %select_n3A_140, %add3A_152 : i32
    %add3A_154 = arith.addi %select_n3A_153, %select_n3A_150 : i32
    %shift_right_arithmetic3A_155 = arith.constant 1 : i32
    %shift_right_arithmetic3A_156 = arith.shrsi %add3A_154, %shift_right_arithmetic3A_155 : i32
    %get3A_157 = arith.index_cast %shift_right_arithmetic3A_156 : i32 to index
    %get3A_158 = tpu.vector_load %arg10[%get3A_157] {strides = array<i32>} : memref<10016xi32, #tpu.memory_space<vmem>>, vector<16xi32>,
    %slice3A_159 = vector.extract_strided_slice %get3A_158 {offsets = [0], sizes = [1], strides = [1]} : vector<16xi32> to vector<1xi32>
    %squeeze3A_160 = vector.extract %slice3A_159[0] : i32 from vector<1xi32>
    %ge3A_161 = arith.constant 0 : i32
    %ge3A_162 = arith.cmpi sge, %squeeze3A_160, %ge3A_161 : i32
    %select_n3A_163 = arith.select %ge3A_162, %shift_right_arithmetic3A_156, %select_n3A_150 : i32
    %add3A_164 = arith.constant 1 : i32
    %add3A_165 = arith.addi %shift_right_arithmetic3A_156, %add3A_164 : i32
    %select_n3A_166 = arith.select %ge3A_162, %select_n3A_153, %add3A_165 : i32
    %add3A_167 = arith.addi %select_n3A_166, %select_n3A_163 : i32
    %shift_right_arithmetic3A_168 = arith.constant 1 : i32
    %shift_right_arithmetic3A_169 = arith.shrsi %add3A_167, %shift_right_arithmetic3A_168 : i32
    %get3A_170 = arith.index_cast %shift_right_arithmetic3A_169 : i32 to index
    %get3A_171 = tpu.vector_load %arg10[%get3A_170] {strides = array<i32>} : memref<10016xi32, #tpu.memory_space<vmem>>, vector<16xi32>,
    %slice3A_172 = vector.extract_strided_slice %get3A_171 {offsets = [0], sizes = [1], strides = [1]} : vector<16xi32> to vector<1xi32>
    %squeeze3A_173 = vector.extract %slice3A_172[0] : i32 from vector<1xi32>
    %ge3A_174 = arith.constant 0 : i32
    %ge3A_175 = arith.cmpi sge, %squeeze3A_173, %ge3A_174 : i32
    %select_n3A_176 = arith.select %ge3A_175, %shift_right_arithmetic3A_169, %select_n3A_163 : i32
    %add3A_177 = arith.constant 1 : i32
    %add3A_178 = arith.addi %shift_right_arithmetic3A_169, %add3A_177 : i32
    %select_n3A_179 = arith.select %ge3A_175, %select_n3A_166, %add3A_178 : i32
    %add3A_180 = arith.constant 0 : i32
    %add3A_181 = arith.constant 10000 : i32
    %add3A_182 = arith.addi %add3A_180, %add3A_181 : i32
    %shift_right_arithmetic3A_183 = arith.constant 1 : i32
    %shift_right_arithmetic3A_184 = arith.shrsi %add3A_182, %shift_right_arithmetic3A_183 : i32
    %get3A_185 = arith.index_cast %shift_right_arithmetic3A_184 : i32 to index
    %get3A_186 = tpu.vector_load %arg10[%get3A_185] {strides = array<i32>} : memref<10016xi32, #tpu.memory_space<vmem>>, vector<16xi32>,
    %slice3A_187 = vector.extract_strided_slice %get3A_186 {offsets = [0], sizes = [1], strides = [1]} : vector<16xi32> to vector<1xi32>
    %squeeze3A_188 = vector.extract %slice3A_187[0] : i32 from vector<1xi32>
    %ge3A_189 = arith.constant 1 : i32
    %ge3A_190 = arith.cmpi sge, %squeeze3A_188, %ge3A_189 : i32
    %jit3A_191 = arith.constant 10000 : i32
    %select_n3A_192 = arith.select %ge3A_190, %shift_right_arithmetic3A_184, %jit3A_191 : i32
    %add3A_193 = arith.constant 1 : i32
    %add3A_194 = arith.addi %shift_right_arithmetic3A_184, %add3A_193 : i32
    %jit3A_195 = arith.constant 0 : i32
    %select_n3A_196 = arith.select %ge3A_190, %jit3A_195, %add3A_194 : i32
    %add3A_197 = arith.addi %select_n3A_196, %select_n3A_192 : i32
    %shift_right_arithmetic3A_198 = arith.constant 1 : i32
    %shift_right_arithmetic3A_199 = arith.shrsi %add3A_197, %shift_right_arithmetic3A_198 : i32
    %get3A_200 = arith.index_cast %shift_right_arithmetic3A_199 : i32 to index
    %get3A_201 = tpu.vector_load %arg10[%get3A_200] {strides = array<i32>} : memref<10016xi32, #tpu.memory_space<vmem>>, vector<16xi32>,
    %slice3A_202 = vector.extract_strided_slice %get3A_201 {offsets = [0], sizes = [1], strides = [1]} : vector<16xi32> to vector<1xi32>
    %squeeze3A_203 = vector.extract %slice3A_202[0] : i32 from vector<1xi32>
    %ge3A_204 = arith.constant 1 : i32
    %ge3A_205 = arith.cmpi sge, %squeeze3A_203, %ge3A_204 : i32
    %select_n3A_206 = arith.select %ge3A_205, %shift_right_arithmetic3A_199, %select_n3A_192 : i32
    %add3A_207 = arith.constant 1 : i32
    %add3A_208 = arith.addi %shift_right_arithmetic3A_199, %add3A_207 : i32
    %select_n3A_209 = arith.select %ge3A_205, %select_n3A_196, %add3A_208 : i32
    %add3A_210 = arith.addi %select_n3A_209, %select_n3A_206 : i32
    %shift_right_arithmetic3A_211 = arith.constant 1 : i32
    %shift_right_arithmetic3A_212 = arith.shrsi %add3A_210, %shift_right_arithmetic3A_211 : i32
    %get3A_213 = arith.index_cast %shift_right_arithmetic3A_212 : i32 to index
    %get3A_214 = tpu.vector_load %arg10[%get3A_213] {strides = array<i32>} : memref<10016xi32, #tpu.memory_space<vmem>>, vector<16xi32>,
    %slice3A_215 = vector.extract_strided_slice %get3A_214 {offsets = [0], sizes = [1], strides = [1]} : vector<16xi32> to vector<1xi32>
    %squeeze3A_216 = vector.extract %slice3A_215[0] : i32 from vector<1xi32>
    %ge3A_217 = arith.constant 1 : i32
    %ge3A_218 = arith.cmpi sge, %squeeze3A_216, %ge3A_217 : i32
    %select_n3A_219 = arith.select %ge3A_218, %shift_right_arithmetic3A_212, %select_n3A_206 : i32
    %add3A_220 = arith.constant 1 : i32
    %add3A_221 = arith.addi %shift_right_arithmetic3A_212, %add3A_220 : i32
    %select_n3A_222 = arith.select %ge3A_218, %select_n3A_209, %add3A_221 : i32
    %add3A_223 = arith.addi %select_n3A_222, %select_n3A_219 : i32
    %shift_right_arithmetic3A_224 = arith.constant 1 : i32
    %shift_right_arithmetic3A_225 = arith.shrsi %add3A_223, %shift_right_arithmetic3A_224 : i32
    %get3A_226 = arith.index_cast %shift_right_arithmetic3A_225 : i32 to index
    %get3A_227 = tpu.vector_load %arg10[%get3A_226] {strides = array<i32>} : memref<10016xi32, #tpu.memory_space<vmem>>, vector<16xi32>,
    %slice3A_228 = vector.extract_strided_slice %get3A_227 {offsets = [0], sizes = [1], strides = [1]} : vector<16xi32> to vector<1xi32>
    %squeeze3A_229 = vector.extract %slice3A_228[0] : i32 from vector<1xi32>
    %ge3A_230 = arith.constant 1 : i32
    %ge3A_231 = arith.cmpi sge, %squeeze3A_229, %ge3A_230 : i32
    %select_n3A_232 = arith.select %ge3A_231, %shift_right_arithmetic3A_225, %select_n3A_219 : i32
    %add3A_233 = arith.constant 1 : i32
    %add3A_234 = arith.addi %shift_right_arithmetic3A_225, %add3A_233 : i32
    %select_n3A_235 = arith.select %ge3A_231, %select_n3A_222, %add3A_234 : i32
    %add3A_236 = arith.addi %select_n3A_235, %select_n3A_232 : i32
    %shift_right_arithmetic3A_237 = arith.constant 1 : i32
    %shift_right_arithmetic3A_238 = arith.shrsi %add3A_236, %shift_right_arithmetic3A_237 : i32
    %get3A_239 = arith.index_cast %shift_right_arithmetic3A_238 : i32 to index
    %get3A_240 = tpu.vector_load %arg10[%get3A_239] {strides = array<i32>} : memref<10016xi32, #tpu.memory_space<vmem>>, vector<16xi32>,
    %slice3A_241 = vector.extract_strided_slice %get3A_240 {offsets = [0], sizes = [1], strides = [1]} : vector<16xi32> to vector<1xi32>
    %squeeze3A_242 = vector.extract %slice3A_241[0] : i32 from vector<1xi32>
    %ge3A_243 = arith.constant 1 : i32
    %ge3A_244 = arith.cmpi sge, %squeeze3A_242, %ge3A_243 : i32
    %select_n3A_245 = arith.select %ge3A_244, %shift_right_arithmetic3A_238, %select_n3A_232 : i32
    %add3A_246 = arith.constant 1 : i32
    %add3A_247 = arith.addi %shift_right_arithmetic3A_238, %add3A_246 : i32
    %select_n3A_248 = arith.select %ge3A_244, %select_n3A_235, %add3A_247 : i32
    %add3A_249 = arith.addi %select_n3A_248, %select_n3A_245 : i32
    %shift_right_arithmetic3A_250 = arith.constant 1 : i32
    %shift_right_arithmetic3A_251 = arith.shrsi %add3A_249, %shift_right_arithmetic3A_250 : i32
    %get3A_252 = arith.index_cast %shift_right_arithmetic3A_251 : i32 to index
    %get3A_253 = tpu.vector_load %arg10[%get3A_252] {strides = array<i32>} : memref<10016xi32, #tpu.memory_space<vmem>>, vector<16xi32>,
    %slice3A_254 = vector.extract_strided_slice %get3A_253 {offsets = [0], sizes = [1], strides = [1]} : vector<16xi32> to vector<1xi32>
    %squeeze3A_255 = vector.extract %slice3A_254[0] : i32 from vector<1xi32>
    %ge3A_256 = arith.constant 1 : i32
    %ge3A_257 = arith.cmpi sge, %squeeze3A_255, %ge3A_256 : i32
    %select_n3A_258 = arith.select %ge3A_257, %shift_right_arithmetic3A_251, %select_n3A_245 : i32
    %add3A_259 = arith.constant 1 : i32
    %add3A_260 = arith.addi %shift_right_arithmetic3A_251, %add3A_259 : i32
    %select_n3A_261 = arith.select %ge3A_257, %select_n3A_248, %add3A_260 : i32
    %add3A_262 = arith.addi %select_n3A_261, %select_n3A_258 : i32
    %shift_right_arithmetic3A_263 = arith.constant 1 : i32
    %shift_right_arithmetic3A_264 = arith.shrsi %add3A_262, %shift_right_arithmetic3A_263 : i32
    %get3A_265 = arith.index_cast %shift_right_arithmetic3A_264 : i32 to index
    %get3A_266 = tpu.vector_load %arg10[%get3A_265] {strides = array<i32>} : memref<10016xi32, #tpu.memory_space<vmem>>, vector<16xi32>,
    %slice3A_267 = vector.extract_strided_slice %get3A_266 {offsets = [0], sizes = [1], strides = [1]} : vector<16xi32> to vector<1xi32>
    %squeeze3A_268 = vector.extract %slice3A_267[0] : i32 from vector<1xi32>
    %ge3A_269 = arith.constant 1 : i32
    %ge3A_270 = arith.cmpi sge, %squeeze3A_268, %ge3A_269 : i32
    %select_n3A_271 = arith.select %ge3A_270, %shift_right_arithmetic3A_264, %select_n3A_258 : i32
    %add3A_272 = arith.constant 1 : i32
    %add3A_273 = arith.addi %shift_right_arithmetic3A_264, %add3A_272 : i32
    %select_n3A_274 = arith.select %ge3A_270, %select_n3A_261, %add3A_273 : i32
    %add3A_275 = arith.addi %select_n3A_274, %select_n3A_271 : i32
    %shift_right_arithmetic3A_276 = arith.constant 1 : i32
    %shift_right_arithmetic3A_277 = arith.shrsi %add3A_275, %shift_right_arithmetic3A_276 : i32
    %get3A_278 = arith.index_cast %shift_right_arithmetic3A_277 : i32 to index
    %get3A_279 = tpu.vector_load %arg10[%get3A_278] {strides = array<i32>} : memref<10016xi32, #tpu.memory_space<vmem>>, vector<16xi32>,
    %slice3A_280 = vector.extract_strided_slice %get3A_279 {offsets = [0], sizes = [1], strides = [1]} : vector<16xi32> to vector<1xi32>
    %squeeze3A_281 = vector.extract %slice3A_280[0] : i32 from vector<1xi32>
    %ge3A_282 = arith.constant 1 : i32
    %ge3A_283 = arith.cmpi sge, %squeeze3A_281, %ge3A_282 : i32
    %select_n3A_284 = arith.select %ge3A_283, %shift_right_arithmetic3A_277, %select_n3A_271 : i32
    %add3A_285 = arith.constant 1 : i32
    %add3A_286 = arith.addi %shift_right_arithmetic3A_277, %add3A_285 : i32
    %select_n3A_287 = arith.select %ge3A_283, %select_n3A_274, %add3A_286 : i32
    %add3A_288 = arith.addi %select_n3A_287, %select_n3A_284 : i32
    %shift_right_arithmetic3A_289 = arith.constant 1 : i32
    %shift_right_arithmetic3A_290 = arith.shrsi %add3A_288, %shift_right_arithmetic3A_289 : i32
    %get3A_291 = arith.index_cast %shift_right_arithmetic3A_290 : i32 to index
    %get3A_292 = tpu.vector_load %arg10[%get3A_291] {strides = array<i32>} : memref<10016xi32, #tpu.memory_space<vmem>>, vector<16xi32>,
    %slice3A_293 = vector.extract_strided_slice %get3A_292 {offsets = [0], sizes = [1], strides = [1]} : vector<16xi32> to vector<1xi32>
    %squeeze3A_294 = vector.extract %slice3A_293[0] : i32 from vector<1xi32>
    %ge3A_295 = arith.constant 1 : i32
    %ge3A_296 = arith.cmpi sge, %squeeze3A_294, %ge3A_295 : i32
    %select_n3A_297 = arith.select %ge3A_296, %shift_right_arithmetic3A_290, %select_n3A_284 : i32
    %add3A_298 = arith.constant 1 : i32
    %add3A_299 = arith.addi %shift_right_arithmetic3A_290, %add3A_298 : i32
    %select_n3A_300 = arith.select %ge3A_296, %select_n3A_287, %add3A_299 : i32
    %add3A_301 = arith.addi %select_n3A_300, %select_n3A_297 : i32
    %shift_right_arithmetic3A_302 = arith.constant 1 : i32
    %shift_right_arithmetic3A_303 = arith.shrsi %add3A_301, %shift_right_arithmetic3A_302 : i32
    %get3A_304 = arith.index_cast %shift_right_arithmetic3A_303 : i32 to index
    %get3A_305 = tpu.vector_load %arg10[%get3A_304] {strides = array<i32>} : memref<10016xi32, #tpu.memory_space<vmem>>, vector<16xi32>,
    %slice3A_306 = vector.extract_strided_slice %get3A_305 {offsets = [0], sizes = [1], strides = [1]} : vector<16xi32> to vector<1xi32>
    %squeeze3A_307 = vector.extract %slice3A_306[0] : i32 from vector<1xi32>
    %ge3A_308 = arith.constant 1 : i32
    %ge3A_309 = arith.cmpi sge, %squeeze3A_307, %ge3A_308 : i32
    %select_n3A_310 = arith.select %ge3A_309, %shift_right_arithmetic3A_303, %select_n3A_297 : i32
    %add3A_311 = arith.constant 1 : i32
    %add3A_312 = arith.addi %shift_right_arithmetic3A_303, %add3A_311 : i32
    %select_n3A_313 = arith.select %ge3A_309, %select_n3A_300, %add3A_312 : i32
    %add3A_314 = arith.addi %select_n3A_313, %select_n3A_310 : i32
    %shift_right_arithmetic3A_315 = arith.constant 1 : i32
    %shift_right_arithmetic3A_316 = arith.shrsi %add3A_314, %shift_right_arithmetic3A_315 : i32
    %get3A_317 = arith.index_cast %shift_right_arithmetic3A_316 : i32 to index
    %get3A_318 = tpu.vector_load %arg10[%get3A_317] {strides = array<i32>} : memref<10016xi32, #tpu.memory_space<vmem>>, vector<16xi32>,
    %slice3A_319 = vector.extract_strided_slice %get3A_318 {offsets = [0], sizes = [1], strides = [1]} : vector<16xi32> to vector<1xi32>
    %squeeze3A_320 = vector.extract %slice3A_319[0] : i32 from vector<1xi32>
    %ge3A_321 = arith.constant 1 : i32
    %ge3A_322 = arith.cmpi sge, %squeeze3A_320, %ge3A_321 : i32
    %select_n3A_323 = arith.select %ge3A_322, %shift_right_arithmetic3A_316, %select_n3A_310 : i32
    %add3A_324 = arith.constant 1 : i32
    %add3A_325 = arith.addi %shift_right_arithmetic3A_316, %add3A_324 : i32
    %select_n3A_326 = arith.select %ge3A_322, %select_n3A_313, %add3A_325 : i32
    %add3A_327 = arith.addi %select_n3A_326, %select_n3A_323 : i32
    %shift_right_arithmetic3A_328 = arith.constant 1 : i32
    %shift_right_arithmetic3A_329 = arith.shrsi %add3A_327, %shift_right_arithmetic3A_328 : i32
    %get3A_330 = arith.index_cast %shift_right_arithmetic3A_329 : i32 to index
    %get3A_331 = tpu.vector_load %arg10[%get3A_330] {strides = array<i32>} : memref<10016xi32, #tpu.memory_space<vmem>>, vector<16xi32>,
    %slice3A_332 = vector.extract_strided_slice %get3A_331 {offsets = [0], sizes = [1], strides = [1]} : vector<16xi32> to vector<1xi32>
    %squeeze3A_333 = vector.extract %slice3A_332[0] : i32 from vector<1xi32>
    %ge3A_334 = arith.constant 1 : i32
    %ge3A_335 = arith.cmpi sge, %squeeze3A_333, %ge3A_334 : i32
    %select_n3A_336 = arith.select %ge3A_335, %shift_right_arithmetic3A_329, %select_n3A_323 : i32
    %add3A_337 = arith.constant 1 : i32
    %add3A_338 = arith.addi %shift_right_arithmetic3A_329, %add3A_337 : i32
    %select_n3A_339 = arith.select %ge3A_335, %select_n3A_326, %add3A_338 : i32
    %add3A_340 = arith.addi %select_n3A_339, %select_n3A_336 : i32
    %shift_right_arithmetic3A_341 = arith.constant 1 : i32
    %shift_right_arithmetic3A_342 = arith.shrsi %add3A_340, %shift_right_arithmetic3A_341 : i32
    %get3A_343 = arith.index_cast %shift_right_arithmetic3A_342 : i32 to index
    %get3A_344 = tpu.vector_load %arg10[%get3A_343] {strides = array<i32>} : memref<10016xi32, #tpu.memory_space<vmem>>, vector<16xi32>,
    %slice3A_345 = vector.extract_strided_slice %get3A_344 {offsets = [0], sizes = [1], strides = [1]} : vector<16xi32> to vector<1xi32>
    %squeeze3A_346 = vector.extract %slice3A_345[0] : i32 from vector<1xi32>
    %ge3A_347 = arith.constant 1 : i32
    %ge3A_348 = arith.cmpi sge, %squeeze3A_346, %ge3A_347 : i32
    %select_n3A_349 = arith.select %ge3A_348, %shift_right_arithmetic3A_342, %select_n3A_336 : i32
    %add3A_350 = arith.constant 1 : i32
    %add3A_351 = arith.addi %shift_right_arithmetic3A_342, %add3A_350 : i32
    %select_n3A_352 = arith.select %ge3A_348, %select_n3A_339, %add3A_351 : i32
    %add3A_353 = arith.addi %select_n3A_352, %select_n3A_349 : i32
    %shift_right_arithmetic3A_354 = arith.constant 1 : i32
    %shift_right_arithmetic3A_355 = arith.shrsi %add3A_353, %shift_right_arithmetic3A_354 : i32
    %get3A_356 = arith.index_cast %shift_right_arithmetic3A_355 : i32 to index
    %get3A_357 = tpu.vector_load %arg10[%get3A_356] {strides = array<i32>} : memref<10016xi32, #tpu.memory_space<vmem>>, vector<16xi32>,
    %slice3A_358 = vector.extract_strided_slice %get3A_357 {offsets = [0], sizes = [1], strides = [1]} : vector<16xi32> to vector<1xi32>
    %squeeze3A_359 = vector.extract %slice3A_358[0] : i32 from vector<1xi32>
    %ge3A_360 = arith.constant 1 : i32
    %ge3A_361 = arith.cmpi sge, %squeeze3A_359, %ge3A_360 : i32
    %select_n3A_362 = arith.select %ge3A_361, %shift_right_arithmetic3A_355, %select_n3A_349 : i32
    %add3A_363 = arith.constant 1 : i32
    %add3A_364 = arith.addi %shift_right_arithmetic3A_355, %add3A_363 : i32
    %select_n3A_365 = arith.select %ge3A_361, %select_n3A_352, %add3A_364 : i32
    %swap3A = arith.constant 0 : i32
    %swap3A_366 = arith.index_cast %swap3A : i32 to index
    %swap3A_367 = memref.load %arg11[%swap3A_366] : memref<16xi32, #tpu.memory_space<smem>>
    memref.store %select_n3A_176, %arg11[%swap3A_366] : memref<16xi32, #tpu.memory_space<smem>>
    %swap3A_368 = arith.constant 0 : i32
    %swap3A_369 = arith.index_cast %swap3A_368 : i32 to index
    %swap3A_370 = memref.load %arg12[%swap3A_369] : memref<16xi32, #tpu.memory_space<smem>>
    memref.store %select_n3A_362, %arg12[%swap3A_369] : memref<16xi32, #tpu.memory_space<smem>>
    %add3A_371 = arith.constant 0 : i32
    %add3A_372 = arith.constant 10000 : i32
    %add3A_373 = arith.addi %add3A_371, %add3A_372 : i32
    %shift_right_arithmetic3A_374 = arith.constant 1 : i32
    %shift_right_arithmetic3A_375 = arith.shrsi %add3A_373, %shift_right_arithmetic3A_374 : i32
    %get3A_376 = arith.index_cast %shift_right_arithmetic3A_375 : i32 to index
    %get3A_377 = tpu.vector_load %arg10[%get3A_376] {strides = array<i32>} : memref<10016xi32, #tpu.memory_space<vmem>>, vector<16xi32>,
    %slice3A_378 = vector.extract_strided_slice %get3A_377 {offsets = [0], sizes = [1], strides = [1]} : vector<16xi32> to vector<1xi32>
    %squeeze3A_379 = vector.extract %slice3A_378[0] : i32 from vector<1xi32>
    %ge3A_380 = arith.constant 2 : i32
    %ge3A_381 = arith.cmpi sge, %squeeze3A_379, %ge3A_380 : i32
    %jit3A_382 = arith.constant 10000 : i32
    %select_n3A_383 = arith.select %ge3A_381, %shift_right_arithmetic3A_375, %jit3A_382 : i32
    %add3A_384 = arith.constant 1 : i32
    %add3A_385 = arith.addi %shift_right_arithmetic3A_375, %add3A_384 : i32
    %jit3A_386 = arith.constant 0 : i32
    %select_n3A_387 = arith.select %ge3A_381, %jit3A_386, %add3A_385 : i32
    %add3A_388 = arith.addi %select_n3A_387, %select_n3A_383 : i32
    %shift_right_arithmetic3A_389 = arith.constant 1 : i32
    %shift_right_arithmetic3A_390 = arith.shrsi %add3A_388, %shift_right_arithmetic3A_389 : i32
    %get3A_391 = arith.index_cast %shift_right_arithmetic3A_390 : i32 to index
    %get3A_392 = tpu.vector_load %arg10[%get3A_391] {strides = array<i32>} : memref<10016xi32, #tpu.memory_space<vmem>>, vector<16xi32>,
    %slice3A_393 = vector.extract_strided_slice %get3A_392 {offsets = [0], sizes = [1], strides = [1]} : vector<16xi32> to vector<1xi32>
    %squeeze3A_394 = vector.extract %slice3A_393[0] : i32 from vector<1xi32>
    %ge3A_395 = arith.constant 2 : i32
    %ge3A_396 = arith.cmpi sge, %squeeze3A_394, %ge3A_395 : i32
    %select_n3A_397 = arith.select %ge3A_396, %shift_right_arithmetic3A_390, %select_n3A_383 : i32
    %add3A_398 = arith.constant 1 : i32
    %add3A_399 = arith.addi %shift_right_arithmetic3A_390, %add3A_398 : i32
    %select_n3A_400 = arith.select %ge3A_396, %select_n3A_387, %add3A_399 : i32
    %add3A_401 = arith.addi %select_n3A_400, %select_n3A_397 : i32
    %shift_right_arithmetic3A_402 = arith.constant 1 : i32
    %shift_right_arithmetic3A_403 = arith.shrsi %add3A_401, %shift_right_arithmetic3A_402 : i32
    %get3A_404 = arith.index_cast %shift_right_arithmetic3A_403 : i32 to index
    %get3A_405 = tpu.vector_load %arg10[%get3A_404] {strides = array<i32>} : memref<10016xi32, #tpu.memory_space<vmem>>, vector<16xi32>,
    %slice3A_406 = vector.extract_strided_slice %get3A_405 {offsets = [0], sizes = [1], strides = [1]} : vector<16xi32> to vector<1xi32>
    %squeeze3A_407 = vector.extract %slice3A_406[0] : i32 from vector<1xi32>
    %ge3A_408 = arith.constant 2 : i32
    %ge3A_409 = arith.cmpi sge, %squeeze3A_407, %ge3A_408 : i32
    %select_n3A_410 = arith.select %ge3A_409, %shift_right_arithmetic3A_403, %select_n3A_397 : i32
    %add3A_411 = arith.constant 1 : i32
    %add3A_412 = arith.addi %shift_right_arithmetic3A_403, %add3A_411 : i32
    %select_n3A_413 = arith.select %ge3A_409, %select_n3A_400, %add3A_412 : i32
    %add3A_414 = arith.addi %select_n3A_413, %select_n3A_410 : i32
    %shift_right_arithmetic3A_415 = arith.constant 1 : i32
    %shift_right_arithmetic3A_416 = arith.shrsi %add3A_414, %shift_right_arithmetic3A_415 : i32
    %get3A_417 = arith.index_cast %shift_right_arithmetic3A_416 : i32 to index
    %get3A_418 = tpu.vector_load %arg10[%get3A_417] {strides = array<i32>} : memref<10016xi32, #tpu.memory_space<vmem>>, vector<16xi32>,
    %slice3A_419 = vector.extract_strided_slice %get3A_418 {offsets = [0], sizes = [1], strides = [1]} : vector<16xi32> to vector<1xi32>
    %squeeze3A_420 = vector.extract %slice3A_419[0] : i32 from vector<1xi32>
    %ge3A_421 = arith.constant 2 : i32
    %ge3A_422 = arith.cmpi sge, %squeeze3A_420, %ge3A_421 : i32
    %select_n3A_423 = arith.select %ge3A_422, %shift_right_arithmetic3A_416, %select_n3A_410 : i32
    %add3A_424 = arith.constant 1 : i32
    %add3A_425 = arith.addi %shift_right_arithmetic3A_416, %add3A_424 : i32
    %select_n3A_426 = arith.select %ge3A_422, %select_n3A_413, %add3A_425 : i32
    %add3A_427 = arith.addi %select_n3A_426, %select_n3A_423 : i32
    %shift_right_arithmetic3A_428 = arith.constant 1 : i32
    %shift_right_arithmetic3A_429 = arith.shrsi %add3A_427, %shift_right_arithmetic3A_428 : i32
    %get3A_430 = arith.index_cast %shift_right_arithmetic3A_429 : i32 to index
    %get3A_431 = tpu.vector_load %arg10[%get3A_430] {strides = array<i32>} : memref<10016xi32, #tpu.memory_space<vmem>>, vector<16xi32>,
    %slice3A_432 = vector.extract_strided_slice %get3A_431 {offsets = [0], sizes = [1], strides = [1]} : vector<16xi32> to vector<1xi32>
    %squeeze3A_433 = vector.extract %slice3A_432[0] : i32 from vector<1xi32>
    %ge3A_434 = arith.constant 2 : i32
    %ge3A_435 = arith.cmpi sge, %squeeze3A_433, %ge3A_434 : i32
    %select_n3A_436 = arith.select %ge3A_435, %shift_right_arithmetic3A_429, %select_n3A_423 : i32
    %add3A_437 = arith.constant 1 : i32
    %add3A_438 = arith.addi %shift_right_arithmetic3A_429, %add3A_437 : i32
    %select_n3A_439 = arith.select %ge3A_435, %select_n3A_426, %add3A_438 : i32
    %add3A_440 = arith.addi %select_n3A_439, %select_n3A_436 : i32
    %shift_right_arithmetic3A_441 = arith.constant 1 : i32
    %shift_right_arithmetic3A_442 = arith.shrsi %add3A_440, %shift_right_arithmetic3A_441 : i32
    %get3A_443 = arith.index_cast %shift_right_arithmetic3A_442 : i32 to index
    %get3A_444 = tpu.vector_load %arg10[%get3A_443] {strides = array<i32>} : memref<10016xi32, #tpu.memory_space<vmem>>, vector<16xi32>,
    %slice3A_445 = vector.extract_strided_slice %get3A_444 {offsets = [0], sizes = [1], strides = [1]} : vector<16xi32> to vector<1xi32>
    %squeeze3A_446 = vector.extract %slice3A_445[0] : i32 from vector<1xi32>
    %ge3A_447 = arith.constant 2 : i32
    %ge3A_448 = arith.cmpi sge, %squeeze3A_446, %ge3A_447 : i32
    %select_n3A_449 = arith.select %ge3A_448, %shift_right_arithmetic3A_442, %select_n3A_436 : i32
    %add3A_450 = arith.constant 1 : i32
    %add3A_451 = arith.addi %shift_right_arithmetic3A_442, %add3A_450 : i32
    %select_n3A_452 = arith.select %ge3A_448, %select_n3A_439, %add3A_451 : i32
    %add3A_453 = arith.addi %select_n3A_452, %select_n3A_449 : i32
    %shift_right_arithmetic3A_454 = arith.constant 1 : i32
    %shift_right_arithmetic3A_455 = arith.shrsi %add3A_453, %shift_right_arithmetic3A_454 : i32
    %get3A_456 = arith.index_cast %shift_right_arithmetic3A_455 : i32 to index
    %get3A_457 = tpu.vector_load %arg10[%get3A_456] {strides = array<i32>} : memref<10016xi32, #tpu.memory_space<vmem>>, vector<16xi32>,
    %slice3A_458 = vector.extract_strided_slice %get3A_457 {offsets = [0], sizes = [1], strides = [1]} : vector<16xi32> to vector<1xi32>
    %squeeze3A_459 = vector.extract %slice3A_458[0] : i32 from vector<1xi32>
    %ge3A_460 = arith.constant 2 : i32
    %ge3A_461 = arith.cmpi sge, %squeeze3A_459, %ge3A_460 : i32
    %select_n3A_462 = arith.select %ge3A_461, %shift_right_arithmetic3A_455, %select_n3A_449 : i32
    %add3A_463 = arith.constant 1 : i32
    %add3A_464 = arith.addi %shift_right_arithmetic3A_455, %add3A_463 : i32
    %select_n3A_465 = arith.select %ge3A_461, %select_n3A_452, %add3A_464 : i32
    %add3A_466 = arith.addi %select_n3A_465, %select_n3A_462 : i32
    %shift_right_arithmetic3A_467 = arith.constant 1 : i32
    %shift_right_arithmetic3A_468 = arith.shrsi %add3A_466, %shift_right_arithmetic3A_467 : i32
    %get3A_469 = arith.index_cast %shift_right_arithmetic3A_468 : i32 to index
    %get3A_470 = tpu.vector_load %arg10[%get3A_469] {strides = array<i32>} : memref<10016xi32, #tpu.memory_space<vmem>>, vector<16xi32>,
    %slice3A_471 = vector.extract_strided_slice %get3A_470 {offsets = [0], sizes = [1], strides = [1]} : vector<16xi32> to vector<1xi32>
    %squeeze3A_472 = vector.extract %slice3A_471[0] : i32 from vector<1xi32>
    %ge3A_473 = arith.constant 2 : i32
    %ge3A_474 = arith.cmpi sge, %squeeze3A_472, %ge3A_473 : i32
    %select_n3A_475 = arith.select %ge3A_474, %shift_right_arithmetic3A_468, %select_n3A_462 : i32
    %add3A_476 = arith.constant 1 : i32
    %add3A_477 = arith.addi %shift_right_arithmetic3A_468, %add3A_476 : i32
    %select_n3A_478 = arith.select %ge3A_474, %select_n3A_465, %add3A_477 : i32
    %add3A_479 = arith.addi %select_n3A_478, %select_n3A_475 : i32
    %shift_right_arithmetic3A_480 = arith.constant 1 : i32
    %shift_right_arithmetic3A_481 = arith.shrsi %add3A_479, %shift_right_arithmetic3A_480 : i32
    %get3A_482 = arith.index_cast %shift_right_arithmetic3A_481 : i32 to index
    %get3A_483 = tpu.vector_load %arg10[%get3A_482] {strides = array<i32>} : memref<10016xi32, #tpu.memory_space<vmem>>, vector<16xi32>,
    %slice3A_484 = vector.extract_strided_slice %get3A_483 {offsets = [0], sizes = [1], strides = [1]} : vector<16xi32> to vector<1xi32>
    %squeeze3A_485 = vector.extract %slice3A_484[0] : i32 from vector<1xi32>
    %ge3A_486 = arith.constant 2 : i32
    %ge3A_487 = arith.cmpi sge, %squeeze3A_485, %ge3A_486 : i32
    %select_n3A_488 = arith.select %ge3A_487, %shift_right_arithmetic3A_481, %select_n3A_475 : i32
    %add3A_489 = arith.constant 1 : i32
    %add3A_490 = arith.addi %shift_right_arithmetic3A_481, %add3A_489 : i32
    %select_n3A_491 = arith.select %ge3A_487, %select_n3A_478, %add3A_490 : i32
    %add3A_492 = arith.addi %select_n3A_491, %select_n3A_488 : i32
    %shift_right_arithmetic3A_493 = arith.constant 1 : i32
    %shift_right_arithmetic3A_494 = arith.shrsi %add3A_492, %shift_right_arithmetic3A_493 : i32
    %get3A_495 = arith.index_cast %shift_right_arithmetic3A_494 : i32 to index
    %get3A_496 = tpu.vector_load %arg10[%get3A_495] {strides = array<i32>} : memref<10016xi32, #tpu.memory_space<vmem>>, vector<16xi32>,
    %slice3A_497 = vector.extract_strided_slice %get3A_496 {offsets = [0], sizes = [1], strides = [1]} : vector<16xi32> to vector<1xi32>
    %squeeze3A_498 = vector.extract %slice3A_497[0] : i32 from vector<1xi32>
    %ge3A_499 = arith.constant 2 : i32
    %ge3A_500 = arith.cmpi sge, %squeeze3A_498, %ge3A_499 : i32
    %select_n3A_501 = arith.select %ge3A_500, %shift_right_arithmetic3A_494, %select_n3A_488 : i32
    %add3A_502 = arith.constant 1 : i32
    %add3A_503 = arith.addi %shift_right_arithmetic3A_494, %add3A_502 : i32
    %select_n3A_504 = arith.select %ge3A_500, %select_n3A_491, %add3A_503 : i32
    %add3A_505 = arith.addi %select_n3A_504, %select_n3A_501 : i32
    %shift_right_arithmetic3A_506 = arith.constant 1 : i32
    %shift_right_arithmetic3A_507 = arith.shrsi %add3A_505, %shift_right_arithmetic3A_506 : i32
    %get3A_508 = arith.index_cast %shift_right_arithmetic3A_507 : i32 to index
    %get3A_509 = tpu.vector_load %arg10[%get3A_508] {strides = array<i32>} : memref<10016xi32, #tpu.memory_space<vmem>>, vector<16xi32>,
    %slice3A_510 = vector.extract_strided_slice %get3A_509 {offsets = [0], sizes = [1], strides = [1]} : vector<16xi32> to vector<1xi32>
    %squeeze3A_511 = vector.extract %slice3A_510[0] : i32 from vector<1xi32>
    %ge3A_512 = arith.constant 2 : i32
    %ge3A_513 = arith.cmpi sge, %squeeze3A_511, %ge3A_512 : i32
    %select_n3A_514 = arith.select %ge3A_513, %shift_right_arithmetic3A_507, %select_n3A_501 : i32
    %add3A_515 = arith.constant 1 : i32
    %add3A_516 = arith.addi %shift_right_arithmetic3A_507, %add3A_515 : i32
    %select_n3A_517 = arith.select %ge3A_513, %select_n3A_504, %add3A_516 : i32
    %add3A_518 = arith.addi %select_n3A_517, %select_n3A_514 : i32
    %shift_right_arithmetic3A_519 = arith.constant 1 : i32
    %shift_right_arithmetic3A_520 = arith.shrsi %add3A_518, %shift_right_arithmetic3A_519 : i32
    %get3A_521 = arith.index_cast %shift_right_arithmetic3A_520 : i32 to index
    %get3A_522 = tpu.vector_load %arg10[%get3A_521] {strides = array<i32>} : memref<10016xi32, #tpu.memory_space<vmem>>, vector<16xi32>,
    %slice3A_523 = vector.extract_strided_slice %get3A_522 {offsets = [0], sizes = [1], strides = [1]} : vector<16xi32> to vector<1xi32>
    %squeeze3A_524 = vector.extract %slice3A_523[0] : i32 from vector<1xi32>
    %ge3A_525 = arith.constant 2 : i32
    %ge3A_526 = arith.cmpi sge, %squeeze3A_524, %ge3A_525 : i32
    %select_n3A_527 = arith.select %ge3A_526, %shift_right_arithmetic3A_520, %select_n3A_514 : i32
    %add3A_528 = arith.constant 1 : i32
    %add3A_529 = arith.addi %shift_right_arithmetic3A_520, %add3A_528 : i32
    %select_n3A_530 = arith.select %ge3A_526, %select_n3A_517, %add3A_529 : i32
    %add3A_531 = arith.addi %select_n3A_530, %select_n3A_527 : i32
    %shift_right_arithmetic3A_532 = arith.constant 1 : i32
    %shift_right_arithmetic3A_533 = arith.shrsi %add3A_531, %shift_right_arithmetic3A_532 : i32
    %get3A_534 = arith.index_cast %shift_right_arithmetic3A_533 : i32 to index
    %get3A_535 = tpu.vector_load %arg10[%get3A_534] {strides = array<i32>} : memref<10016xi32, #tpu.memory_space<vmem>>, vector<16xi32>,
    %slice3A_536 = vector.extract_strided_slice %get3A_535 {offsets = [0], sizes = [1], strides = [1]} : vector<16xi32> to vector<1xi32>
    %squeeze3A_537 = vector.extract %slice3A_536[0] : i32 from vector<1xi32>
    %ge3A_538 = arith.constant 2 : i32
    %ge3A_539 = arith.cmpi sge, %squeeze3A_537, %ge3A_538 : i32
    %select_n3A_540 = arith.select %ge3A_539, %shift_right_arithmetic3A_533, %select_n3A_527 : i32
    %add3A_541 = arith.constant 1 : i32
    %add3A_542 = arith.addi %shift_right_arithmetic3A_533, %add3A_541 : i32
    %select_n3A_543 = arith.select %ge3A_539, %select_n3A_530, %add3A_542 : i32
    %add3A_544 = arith.addi %select_n3A_543, %select_n3A_540 : i32
    %shift_right_arithmetic3A_545 = arith.constant 1 : i32
    %shift_right_arithmetic3A_546 = arith.shrsi %add3A_544, %shift_right_arithmetic3A_545 : i32
    %get3A_547 = arith.index_cast %shift_right_arithmetic3A_546 : i32 to index
    %get3A_548 = tpu.vector_load %arg10[%get3A_547] {strides = array<i32>} : memref<10016xi32, #tpu.memory_space<vmem>>, vector<16xi32>,
    %slice3A_549 = vector.extract_strided_slice %get3A_548 {offsets = [0], sizes = [1], strides = [1]} : vector<16xi32> to vector<1xi32>
    %squeeze3A_550 = vector.extract %slice3A_549[0] : i32 from vector<1xi32>
    %ge3A_551 = arith.constant 2 : i32
    %ge3A_552 = arith.cmpi sge, %squeeze3A_550, %ge3A_551 : i32
    %select_n3A_553 = arith.select %ge3A_552, %shift_right_arithmetic3A_546, %select_n3A_540 : i32
    %add3A_554 = arith.constant 1 : i32
    %add3A_555 = arith.addi %shift_right_arithmetic3A_546, %add3A_554 : i32
    %select_n3A_556 = arith.select %ge3A_552, %select_n3A_543, %add3A_555 : i32
    %swap3A_557 = arith.constant 1 : i32
    %swap3A_558 = arith.index_cast %swap3A_557 : i32 to index
    %swap3A_559 = memref.load %arg11[%swap3A_558] : memref<16xi32, #tpu.memory_space<smem>>
    memref.store %select_n3A_362, %arg11[%swap3A_558] : memref<16xi32, #tpu.memory_space<smem>>
    %swap3A_560 = arith.constant 1 : i32
    %swap3A_561 = arith.index_cast %swap3A_560 : i32 to index
    %swap3A_562 = memref.load %arg12[%swap3A_561] : memref<16xi32, #tpu.memory_space<smem>>
    memref.store %select_n3A_553, %arg12[%swap3A_561] : memref<16xi32, #tpu.memory_space<smem>>
    %add3A_563 = arith.constant 0 : i32
    %add3A_564 = arith.constant 10000 : i32
    %add3A_565 = arith.addi %add3A_563, %add3A_564 : i32
    %shift_right_arithmetic3A_566 = arith.constant 1 : i32
    %shift_right_arithmetic3A_567 = arith.shrsi %add3A_565, %shift_right_arithmetic3A_566 : i32
    %get3A_568 = arith.index_cast %shift_right_arithmetic3A_567 : i32 to index
    %get3A_569 = tpu.vector_load %arg10[%get3A_568] {strides = array<i32>} : memref<10016xi32, #tpu.memory_space<vmem>>, vector<16xi32>,
    %slice3A_570 = vector.extract_strided_slice %get3A_569 {offsets = [0], sizes = [1], strides = [1]} : vector<16xi32> to vector<1xi32>
    %squeeze3A_571 = vector.extract %slice3A_570[0] : i32 from vector<1xi32>
    %ge3A_572 = arith.constant 3 : i32
    %ge3A_573 = arith.cmpi sge, %squeeze3A_571, %ge3A_572 : i32
    %jit3A_574 = arith.constant 10000 : i32
    %select_n3A_575 = arith.select %ge3A_573, %shift_right_arithmetic3A_567, %jit3A_574 : i32
    %add3A_576 = arith.constant 1 : i32
    %add3A_577 = arith.addi %shift_right_arithmetic3A_567, %add3A_576 : i32
    %jit3A_578 = arith.constant 0 : i32
    %select_n3A_579 = arith.select %ge3A_573, %jit3A_578, %add3A_577 : i32
    %add3A_580 = arith.addi %select_n3A_579, %select_n3A_575 : i32
    %shift_right_arithmetic3A_581 = arith.constant 1 : i32
    %shift_right_arithmetic3A_582 = arith.shrsi %add3A_580, %shift_right_arithmetic3A_581 : i32
    %get3A_583 = arith.index_cast %shift_right_arithmetic3A_582 : i32 to index
    %get3A_584 = tpu.vector_load %arg10[%get3A_583] {strides = array<i32>} : memref<10016xi32, #tpu.memory_space<vmem>>, vector<16xi32>,
    %slice3A_585 = vector.extract_strided_slice %get3A_584 {offsets = [0], sizes = [1], strides = [1]} : vector<16xi32> to vector<1xi32>
    %squeeze3A_586 = vector.extract %slice3A_585[0] : i32 from vector<1xi32>
    %ge3A_587 = arith.constant 3 : i32
    %ge3A_588 = arith.cmpi sge, %squeeze3A_586, %ge3A_587 : i32
    %select_n3A_589 = arith.select %ge3A_588, %shift_right_arithmetic3A_582, %select_n3A_575 : i32
    %add3A_590 = arith.constant 1 : i32
    %add3A_591 = arith.addi %shift_right_arithmetic3A_582, %add3A_590 : i32
    %select_n3A_592 = arith.select %ge3A_588, %select_n3A_579, %add3A_591 : i32
    %add3A_593 = arith.addi %select_n3A_592, %select_n3A_589 : i32
    %shift_right_arithmetic3A_594 = arith.constant 1 : i32
    %shift_right_arithmetic3A_595 = arith.shrsi %add3A_593, %shift_right_arithmetic3A_594 : i32
    %get3A_596 = arith.index_cast %shift_right_arithmetic3A_595 : i32 to index
    %get3A_597 = tpu.vector_load %arg10[%get3A_596] {strides = array<i32>} : memref<10016xi32, #tpu.memory_space<vmem>>, vector<16xi32>,
    %slice3A_598 = vector.extract_strided_slice %get3A_597 {offsets = [0], sizes = [1], strides = [1]} : vector<16xi32> to vector<1xi32>
    %squeeze3A_599 = vector.extract %slice3A_598[0] : i32 from vector<1xi32>
    %ge3A_600 = arith.constant 3 : i32
    %ge3A_601 = arith.cmpi sge, %squeeze3A_599, %ge3A_600 : i32
    %select_n3A_602 = arith.select %ge3A_601, %shift_right_arithmetic3A_595, %select_n3A_589 : i32
    %add3A_603 = arith.constant 1 : i32
    %add3A_604 = arith.addi %shift_right_arithmetic3A_595, %add3A_603 : i32
    %select_n3A_605 = arith.select %ge3A_601, %select_n3A_592, %add3A_604 : i32
    %add3A_606 = arith.addi %select_n3A_605, %select_n3A_602 : i32
    %shift_right_arithmetic3A_607 = arith.constant 1 : i32
    %shift_right_arithmetic3A_608 = arith.shrsi %add3A_606, %shift_right_arithmetic3A_607 : i32
    %get3A_609 = arith.index_cast %shift_right_arithmetic3A_608 : i32 to index
    %get3A_610 = tpu.vector_load %arg10[%get3A_609] {strides = array<i32>} : memref<10016xi32, #tpu.memory_space<vmem>>, vector<16xi32>,
    %slice3A_611 = vector.extract_strided_slice %get3A_610 {offsets = [0], sizes = [1], strides = [1]} : vector<16xi32> to vector<1xi32>
    %squeeze3A_612 = vector.extract %slice3A_611[0] : i32 from vector<1xi32>
    %ge3A_613 = arith.constant 3 : i32
    %ge3A_614 = arith.cmpi sge, %squeeze3A_612, %ge3A_613 : i32
    %select_n3A_615 = arith.select %ge3A_614, %shift_right_arithmetic3A_608, %select_n3A_602 : i32
    %add3A_616 = arith.constant 1 : i32
    %add3A_617 = arith.addi %shift_right_arithmetic3A_608, %add3A_616 : i32
    %select_n3A_618 = arith.select %ge3A_614, %select_n3A_605, %add3A_617 : i32
    %add3A_619 = arith.addi %select_n3A_618, %select_n3A_615 : i32
    %shift_right_arithmetic3A_620 = arith.constant 1 : i32
    %shift_right_arithmetic3A_621 = arith.shrsi %add3A_619, %shift_right_arithmetic3A_620 : i32
    %get3A_622 = arith.index_cast %shift_right_arithmetic3A_621 : i32 to index
    %get3A_623 = tpu.vector_load %arg10[%get3A_622] {strides = array<i32>} : memref<10016xi32, #tpu.memory_space<vmem>>, vector<16xi32>,
    %slice3A_624 = vector.extract_strided_slice %get3A_623 {offsets = [0], sizes = [1], strides = [1]} : vector<16xi32> to vector<1xi32>
    %squeeze3A_625 = vector.extract %slice3A_624[0] : i32 from vector<1xi32>
    %ge3A_626 = arith.constant 3 : i32
    %ge3A_627 = arith.cmpi sge, %squeeze3A_625, %ge3A_626 : i32
    %select_n3A_628 = arith.select %ge3A_627, %shift_right_arithmetic3A_621, %select_n3A_615 : i32
    %add3A_629 = arith.constant 1 : i32
    %add3A_630 = arith.addi %shift_right_arithmetic3A_621, %add3A_629 : i32
    %select_n3A_631 = arith.select %ge3A_627, %select_n3A_618, %add3A_630 : i32
    %add3A_632 = arith.addi %select_n3A_631, %select_n3A_628 : i32
    %shift_right_arithmetic3A_633 = arith.constant 1 : i32
    %shift_right_arithmetic3A_634 = arith.shrsi %add3A_632, %shift_right_arithmetic3A_633 : i32
    %get3A_635 = arith.index_cast %shift_right_arithmetic3A_634 : i32 to index
    %get3A_636 = tpu.vector_load %arg10[%get3A_635] {strides = array<i32>} : memref<10016xi32, #tpu.memory_space<vmem>>, vector<16xi32>,
    %slice3A_637 = vector.extract_strided_slice %get3A_636 {offsets = [0], sizes = [1], strides = [1]} : vector<16xi32> to vector<1xi32>
    %squeeze3A_638 = vector.extract %slice3A_637[0] : i32 from vector<1xi32>
    %ge3A_639 = arith.constant 3 : i32
    %ge3A_640 = arith.cmpi sge, %squeeze3A_638, %ge3A_639 : i32
    %select_n3A_641 = arith.select %ge3A_640, %shift_right_arithmetic3A_634, %select_n3A_628 : i32
    %add3A_642 = arith.constant 1 : i32
    %add3A_643 = arith.addi %shift_right_arithmetic3A_634, %add3A_642 : i32
    %select_n3A_644 = arith.select %ge3A_640, %select_n3A_631, %add3A_643 : i32
    %add3A_645 = arith.addi %select_n3A_644, %select_n3A_641 : i32
    %shift_right_arithmetic3A_646 = arith.constant 1 : i32
    %shift_right_arithmetic3A_647 = arith.shrsi %add3A_645, %shift_right_arithmetic3A_646 : i32
    %get3A_648 = arith.index_cast %shift_right_arithmetic3A_647 : i32 to index
    %get3A_649 = tpu.vector_load %arg10[%get3A_648] {strides = array<i32>} : memref<10016xi32, #tpu.memory_space<vmem>>, vector<16xi32>,
    %slice3A_650 = vector.extract_strided_slice %get3A_649 {offsets = [0], sizes = [1], strides = [1]} : vector<16xi32> to vector<1xi32>
    %squeeze3A_651 = vector.extract %slice3A_650[0] : i32 from vector<1xi32>
    %ge3A_652 = arith.constant 3 : i32
    %ge3A_653 = arith.cmpi sge, %squeeze3A_651, %ge3A_652 : i32
    %select_n3A_654 = arith.select %ge3A_653, %shift_right_arithmetic3A_647, %select_n3A_641 : i32
    %add3A_655 = arith.constant 1 : i32
    %add3A_656 = arith.addi %shift_right_arithmetic3A_647, %add3A_655 : i32
    %select_n3A_657 = arith.select %ge3A_653, %select_n3A_644, %add3A_656 : i32
    %add3A_658 = arith.addi %select_n3A_657, %select_n3A_654 : i32
    %shift_right_arithmetic3A_659 = arith.constant 1 : i32
    %shift_right_arithmetic3A_660 = arith.shrsi %add3A_658, %shift_right_arithmetic3A_659 : i32
    %get3A_661 = arith.index_cast %shift_right_arithmetic3A_660 : i32 to index
    %get3A_662 = tpu.vector_load %arg10[%get3A_661] {strides = array<i32>} : memref<10016xi32, #tpu.memory_space<vmem>>, vector<16xi32>,
    %slice3A_663 = vector.extract_strided_slice %get3A_662 {offsets = [0], sizes = [1], strides = [1]} : vector<16xi32> to vector<1xi32>
    %squeeze3A_664 = vector.extract %slice3A_663[0] : i32 from vector<1xi32>
    %ge3A_665 = arith.constant 3 : i32
    %ge3A_666 = arith.cmpi sge, %squeeze3A_664, %ge3A_665 : i32
    %select_n3A_667 = arith.select %ge3A_666, %shift_right_arithmetic3A_660, %select_n3A_654 : i32
    %add3A_668 = arith.constant 1 : i32
    %add3A_669 = arith.addi %shift_right_arithmetic3A_660, %add3A_668 : i32
    %select_n3A_670 = arith.select %ge3A_666, %select_n3A_657, %add3A_669 : i32
    %add3A_671 = arith.addi %select_n3A_670, %select_n3A_667 : i32
    %shift_right_arithmetic3A_672 = arith.constant 1 : i32
    %shift_right_arithmetic3A_673 = arith.shrsi %add3A_671, %shift_right_arithmetic3A_672 : i32
    %get3A_674 = arith.index_cast %shift_right_arithmetic3A_673 : i32 to index
    %get3A_675 = tpu.vector_load %arg10[%get3A_674] {strides = array<i32>} : memref<10016xi32, #tpu.memory_space<vmem>>, vector<16xi32>,
    %slice3A_676 = vector.extract_strided_slice %get3A_675 {offsets = [0], sizes = [1], strides = [1]} : vector<16xi32> to vector<1xi32>
    %squeeze3A_677 = vector.extract %slice3A_676[0] : i32 from vector<1xi32>
    %ge3A_678 = arith.constant 3 : i32
    %ge3A_679 = arith.cmpi sge, %squeeze3A_677, %ge3A_678 : i32
    %select_n3A_680 = arith.select %ge3A_679, %shift_right_arithmetic3A_673, %select_n3A_667 : i32
    %add3A_681 = arith.constant 1 : i32
    %add3A_682 = arith.addi %shift_right_arithmetic3A_673, %add3A_681 : i32
    %select_n3A_683 = arith.select %ge3A_679, %select_n3A_670, %add3A_682 : i32
    %add3A_684 = arith.addi %select_n3A_683, %select_n3A_680 : i32
    %shift_right_arithmetic3A_685 = arith.constant 1 : i32
    %shift_right_arithmetic3A_686 = arith.shrsi %add3A_684, %shift_right_arithmetic3A_685 : i32
    %get3A_687 = arith.index_cast %shift_right_arithmetic3A_686 : i32 to index
    %get3A_688 = tpu.vector_load %arg10[%get3A_687] {strides = array<i32>} : memref<10016xi32, #tpu.memory_space<vmem>>, vector<16xi32>,
    %slice3A_689 = vector.extract_strided_slice %get3A_688 {offsets = [0], sizes = [1], strides = [1]} : vector<16xi32> to vector<1xi32>
    %squeeze3A_690 = vector.extract %slice3A_689[0] : i32 from vector<1xi32>
    %ge3A_691 = arith.constant 3 : i32
    %ge3A_692 = arith.cmpi sge, %squeeze3A_690, %ge3A_691 : i32
    %select_n3A_693 = arith.select %ge3A_692, %shift_right_arithmetic3A_686, %select_n3A_680 : i32
    %add3A_694 = arith.constant 1 : i32
    %add3A_695 = arith.addi %shift_right_arithmetic3A_686, %add3A_694 : i32
    %select_n3A_696 = arith.select %ge3A_692, %select_n3A_683, %add3A_695 : i32
    %add3A_697 = arith.addi %select_n3A_696, %select_n3A_693 : i32
    %shift_right_arithmetic3A_698 = arith.constant 1 : i32
    %shift_right_arithmetic3A_699 = arith.shrsi %add3A_697, %shift_right_arithmetic3A_698 : i32
    %get3A_700 = arith.index_cast %shift_right_arithmetic3A_699 : i32 to index
    %get3A_701 = tpu.vector_load %arg10[%get3A_700] {strides = array<i32>} : memref<10016xi32, #tpu.memory_space<vmem>>, vector<16xi32>,
    %slice3A_702 = vector.extract_strided_slice %get3A_701 {offsets = [0], sizes = [1], strides = [1]} : vector<16xi32> to vector<1xi32>
    %squeeze3A_703 = vector.extract %slice3A_702[0] : i32 from vector<1xi32>
    %ge3A_704 = arith.constant 3 : i32
    %ge3A_705 = arith.cmpi sge, %squeeze3A_703, %ge3A_704 : i32
    %select_n3A_706 = arith.select %ge3A_705, %shift_right_arithmetic3A_699, %select_n3A_693 : i32
    %add3A_707 = arith.constant 1 : i32
    %add3A_708 = arith.addi %shift_right_arithmetic3A_699, %add3A_707 : i32
    %select_n3A_709 = arith.select %ge3A_705, %select_n3A_696, %add3A_708 : i32
    %add3A_710 = arith.addi %select_n3A_709, %select_n3A_706 : i32
    %shift_right_arithmetic3A_711 = arith.constant 1 : i32
    %shift_right_arithmetic3A_712 = arith.shrsi %add3A_710, %shift_right_arithmetic3A_711 : i32
    %get3A_713 = arith.index_cast %shift_right_arithmetic3A_712 : i32 to index
    %get3A_714 = tpu.vector_load %arg10[%get3A_713] {strides = array<i32>} : memref<10016xi32, #tpu.memory_space<vmem>>, vector<16xi32>,
    %slice3A_715 = vector.extract_strided_slice %get3A_714 {offsets = [0], sizes = [1], strides = [1]} : vector<16xi32> to vector<1xi32>
    %squeeze3A_716 = vector.extract %slice3A_715[0] : i32 from vector<1xi32>
    %ge3A_717 = arith.constant 3 : i32
    %ge3A_718 = arith.cmpi sge, %squeeze3A_716, %ge3A_717 : i32
    %select_n3A_719 = arith.select %ge3A_718, %shift_right_arithmetic3A_712, %select_n3A_706 : i32
    %add3A_720 = arith.constant 1 : i32
    %add3A_721 = arith.addi %shift_right_arithmetic3A_712, %add3A_720 : i32
    %select_n3A_722 = arith.select %ge3A_718, %select_n3A_709, %add3A_721 : i32
    %add3A_723 = arith.addi %select_n3A_722, %select_n3A_719 : i32
    %shift_right_arithmetic3A_724 = arith.constant 1 : i32
    %shift_right_arithmetic3A_725 = arith.shrsi %add3A_723, %shift_right_arithmetic3A_724 : i32
    %get3A_726 = arith.index_cast %shift_right_arithmetic3A_725 : i32 to index
    %get3A_727 = tpu.vector_load %arg10[%get3A_726] {strides = array<i32>} : memref<10016xi32, #tpu.memory_space<vmem>>, vector<16xi32>,
    %slice3A_728 = vector.extract_strided_slice %get3A_727 {offsets = [0], sizes = [1], strides = [1]} : vector<16xi32> to vector<1xi32>
    %squeeze3A_729 = vector.extract %slice3A_728[0] : i32 from vector<1xi32>
    %ge3A_730 = arith.constant 3 : i32
    %ge3A_731 = arith.cmpi sge, %squeeze3A_729, %ge3A_730 : i32
    %select_n3A_732 = arith.select %ge3A_731, %shift_right_arithmetic3A_725, %select_n3A_719 : i32
    %add3A_733 = arith.constant 1 : i32
    %add3A_734 = arith.addi %shift_right_arithmetic3A_725, %add3A_733 : i32
    %select_n3A_735 = arith.select %ge3A_731, %select_n3A_722, %add3A_734 : i32
    %add3A_736 = arith.addi %select_n3A_735, %select_n3A_732 : i32
    %shift_right_arithmetic3A_737 = arith.constant 1 : i32
    %shift_right_arithmetic3A_738 = arith.shrsi %add3A_736, %shift_right_arithmetic3A_737 : i32
    %get3A_739 = arith.index_cast %shift_right_arithmetic3A_738 : i32 to index
    %get3A_740 = tpu.vector_load %arg10[%get3A_739] {strides = array<i32>} : memref<10016xi32, #tpu.memory_space<vmem>>, vector<16xi32>,
    %slice3A_741 = vector.extract_strided_slice %get3A_740 {offsets = [0], sizes = [1], strides = [1]} : vector<16xi32> to vector<1xi32>
    %squeeze3A_742 = vector.extract %slice3A_741[0] : i32 from vector<1xi32>
    %ge3A_743 = arith.constant 3 : i32
    %ge3A_744 = arith.cmpi sge, %squeeze3A_742, %ge3A_743 : i32
    %select_n3A_745 = arith.select %ge3A_744, %shift_right_arithmetic3A_738, %select_n3A_732 : i32
    %add3A_746 = arith.constant 1 : i32
    %add3A_747 = arith.addi %shift_right_arithmetic3A_738, %add3A_746 : i32
    %select_n3A_748 = arith.select %ge3A_744, %select_n3A_735, %add3A_747 : i32
    %swap3A_749 = arith.constant 2 : i32
    %swap3A_750 = arith.index_cast %swap3A_749 : i32 to index
    %swap3A_751 = memref.load %arg11[%swap3A_750] : memref<16xi32, #tpu.memory_space<smem>>
    memref.store %select_n3A_553, %arg11[%swap3A_750] : memref<16xi32, #tpu.memory_space<smem>>
    %swap3A_752 = arith.constant 2 : i32
    %swap3A_753 = arith.index_cast %swap3A_752 : i32 to index
    %swap3A_754 = memref.load %arg12[%swap3A_753] : memref<16xi32, #tpu.memory_space<smem>>
    memref.store %select_n3A_745, %arg12[%swap3A_753] : memref<16xi32, #tpu.memory_space<smem>>
    %add3A_755 = arith.constant 0 : i32
    %add3A_756 = arith.constant 10000 : i32
    %add3A_757 = arith.addi %add3A_755, %add3A_756 : i32
    %shift_right_arithmetic3A_758 = arith.constant 1 : i32
    %shift_right_arithmetic3A_759 = arith.shrsi %add3A_757, %shift_right_arithmetic3A_758 : i32
    %get3A_760 = arith.index_cast %shift_right_arithmetic3A_759 : i32 to index
    %get3A_761 = tpu.vector_load %arg10[%get3A_760] {strides = array<i32>} : memref<10016xi32, #tpu.memory_space<vmem>>, vector<16xi32>,
    %slice3A_762 = vector.extract_strided_slice %get3A_761 {offsets = [0], sizes = [1], strides = [1]} : vector<16xi32> to vector<1xi32>
    %squeeze3A_763 = vector.extract %slice3A_762[0] : i32 from vector<1xi32>
    %ge3A_764 = arith.constant 4 : i32
    %ge3A_765 = arith.cmpi sge, %squeeze3A_763, %ge3A_764 : i32
    %jit3A_766 = arith.constant 10000 : i32
    %select_n3A_767 = arith.select %ge3A_765, %shift_right_arithmetic3A_759, %jit3A_766 : i32
    %add3A_768 = arith.constant 1 : i32
    %add3A_769 = arith.addi %shift_right_arithmetic3A_759, %add3A_768 : i32
    %jit3A_770 = arith.constant 0 : i32
    %select_n3A_771 = arith.select %ge3A_765, %jit3A_770, %add3A_769 : i32
    %add3A_772 = arith.addi %select_n3A_771, %select_n3A_767 : i32
    %shift_right_arithmetic3A_773 = arith.constant 1 : i32
    %shift_right_arithmetic3A_774 = arith.shrsi %add3A_772, %shift_right_arithmetic3A_773 : i32
    %get3A_775 = arith.index_cast %shift_right_arithmetic3A_774 : i32 to index
    %get3A_776 = tpu.vector_load %arg10[%get3A_775] {strides = array<i32>} : memref<10016xi32, #tpu.memory_space<vmem>>, vector<16xi32>,
    %slice3A_777 = vector.extract_strided_slice %get3A_776 {offsets = [0], sizes = [1], strides = [1]} : vector<16xi32> to vector<1xi32>
    %squeeze3A_778 = vector.extract %slice3A_777[0] : i32 from vector<1xi32>
    %ge3A_779 = arith.constant 4 : i32
    %ge3A_780 = arith.cmpi sge, %squeeze3A_778, %ge3A_779 : i32
    %select_n3A_781 = arith.select %ge3A_780, %shift_right_arithmetic3A_774, %select_n3A_767 : i32
    %add3A_782 = arith.constant 1 : i32
    %add3A_783 = arith.addi %shift_right_arithmetic3A_774, %add3A_782 : i32
    %select_n3A_784 = arith.select %ge3A_780, %select_n3A_771, %add3A_783 : i32
    %add3A_785 = arith.addi %select_n3A_784, %select_n3A_781 : i32
    %shift_right_arithmetic3A_786 = arith.constant 1 : i32
    %shift_right_arithmetic3A_787 = arith.shrsi %add3A_785, %shift_right_arithmetic3A_786 : i32
    %get3A_788 = arith.index_cast %shift_right_arithmetic3A_787 : i32 to index
    %get3A_789 = tpu.vector_load %arg10[%get3A_788] {strides = array<i32>} : memref<10016xi32, #tpu.memory_space<vmem>>, vector<16xi32>,
    %slice3A_790 = vector.extract_strided_slice %get3A_789 {offsets = [0], sizes = [1], strides = [1]} : vector<16xi32> to vector<1xi32>
    %squeeze3A_791 = vector.extract %slice3A_790[0] : i32 from vector<1xi32>
    %ge3A_792 = arith.constant 4 : i32
    %ge3A_793 = arith.cmpi sge, %squeeze3A_791, %ge3A_792 : i32
    %select_n3A_794 = arith.select %ge3A_793, %shift_right_arithmetic3A_787, %select_n3A_781 : i32
    %add3A_795 = arith.constant 1 : i32
    %add3A_796 = arith.addi %shift_right_arithmetic3A_787, %add3A_795 : i32
    %select_n3A_797 = arith.select %ge3A_793, %select_n3A_784, %add3A_796 : i32
    %add3A_798 = arith.addi %select_n3A_797, %select_n3A_794 : i32
    %shift_right_arithmetic3A_799 = arith.constant 1 : i32
    %shift_right_arithmetic3A_800 = arith.shrsi %add3A_798, %shift_right_arithmetic3A_799 : i32
    %get3A_801 = arith.index_cast %shift_right_arithmetic3A_800 : i32 to index
    %get3A_802 = tpu.vector_load %arg10[%get3A_801] {strides = array<i32>} : memref<10016xi32, #tpu.memory_space<vmem>>, vector<16xi32>,
    %slice3A_803 = vector.extract_strided_slice %get3A_802 {offsets = [0], sizes = [1], strides = [1]} : vector<16xi32> to vector<1xi32>
    %squeeze3A_804 = vector.extract %slice3A_803[0] : i32 from vector<1xi32>
    %ge3A_805 = arith.constant 4 : i32
    %ge3A_806 = arith.cmpi sge, %squeeze3A_804, %ge3A_805 : i32
    %select_n3A_807 = arith.select %ge3A_806, %shift_right_arithmetic3A_800, %select_n3A_794 : i32
    %add3A_808 = arith.constant 1 : i32
    %add3A_809 = arith.addi %shift_right_arithmetic3A_800, %add3A_808 : i32
    %select_n3A_810 = arith.select %ge3A_806, %select_n3A_797, %add3A_809 : i32
    %add3A_811 = arith.addi %select_n3A_810, %select_n3A_807 : i32
    %shift_right_arithmetic3A_812 = arith.constant 1 : i32
    %shift_right_arithmetic3A_813 = arith.shrsi %add3A_811, %shift_right_arithmetic3A_812 : i32
    %get3A_814 = arith.index_cast %shift_right_arithmetic3A_813 : i32 to index
    %get3A_815 = tpu.vector_load %arg10[%get3A_814] {strides = array<i32>} : memref<10016xi32, #tpu.memory_space<vmem>>, vector<16xi32>,
    %slice3A_816 = vector.extract_strided_slice %get3A_815 {offsets = [0], sizes = [1], strides = [1]} : vector<16xi32> to vector<1xi32>
    %squeeze3A_817 = vector.extract %slice3A_816[0] : i32 from vector<1xi32>
    %ge3A_818 = arith.constant 4 : i32
    %ge3A_819 = arith.cmpi sge, %squeeze3A_817, %ge3A_818 : i32
    %select_n3A_820 = arith.select %ge3A_819, %shift_right_arithmetic3A_813, %select_n3A_807 : i32
    %add3A_821 = arith.constant 1 : i32
    %add3A_822 = arith.addi %shift_right_arithmetic3A_813, %add3A_821 : i32
    %select_n3A_823 = arith.select %ge3A_819, %select_n3A_810, %add3A_822 : i32
    %add3A_824 = arith.addi %select_n3A_823, %select_n3A_820 : i32
    %shift_right_arithmetic3A_825 = arith.constant 1 : i32
    %shift_right_arithmetic3A_826 = arith.shrsi %add3A_824, %shift_right_arithmetic3A_825 : i32
    %get3A_827 = arith.index_cast %shift_right_arithmetic3A_826 : i32 to index
    %get3A_828 = tpu.vector_load %arg10[%get3A_827] {strides = array<i32>} : memref<10016xi32, #tpu.memory_space<vmem>>, vector<16xi32>,
    %slice3A_829 = vector.extract_strided_slice %get3A_828 {offsets = [0], sizes = [1], strides = [1]} : vector<16xi32> to vector<1xi32>
    %squeeze3A_830 = vector.extract %slice3A_829[0] : i32 from vector<1xi32>
    %ge3A_831 = arith.constant 4 : i32
    %ge3A_832 = arith.cmpi sge, %squeeze3A_830, %ge3A_831 : i32
    %select_n3A_833 = arith.select %ge3A_832, %shift_right_arithmetic3A_826, %select_n3A_820 : i32
    %add3A_834 = arith.constant 1 : i32
    %add3A_835 = arith.addi %shift_right_arithmetic3A_826, %add3A_834 : i32
    %select_n3A_836 = arith.select %ge3A_832, %select_n3A_823, %add3A_835 : i32
    %add3A_837 = arith.addi %select_n3A_836, %select_n3A_833 : i32
    %shift_right_arithmetic3A_838 = arith.constant 1 : i32
    %shift_right_arithmetic3A_839 = arith.shrsi %add3A_837, %shift_right_arithmetic3A_838 : i32
    %get3A_840 = arith.index_cast %shift_right_arithmetic3A_839 : i32 to index
    %get3A_841 = tpu.vector_load %arg10[%get3A_840] {strides = array<i32>} : memref<10016xi32, #tpu.memory_space<vmem>>, vector<16xi32>,
    %slice3A_842 = vector.extract_strided_slice %get3A_841 {offsets = [0], sizes = [1], strides = [1]} : vector<16xi32> to vector<1xi32>
    %squeeze3A_843 = vector.extract %slice3A_842[0] : i32 from vector<1xi32>
    %ge3A_844 = arith.constant 4 : i32
    %ge3A_845 = arith.cmpi sge, %squeeze3A_843, %ge3A_844 : i32
    %select_n3A_846 = arith.select %ge3A_845, %shift_right_arithmetic3A_839, %select_n3A_833 : i32
    %add3A_847 = arith.constant 1 : i32
    %add3A_848 = arith.addi %shift_right_arithmetic3A_839, %add3A_847 : i32
    %select_n3A_849 = arith.select %ge3A_845, %select_n3A_836, %add3A_848 : i32
    %add3A_850 = arith.addi %select_n3A_849, %select_n3A_846 : i32
    %shift_right_arithmetic3A_851 = arith.constant 1 : i32
    %shift_right_arithmetic3A_852 = arith.shrsi %add3A_850, %shift_right_arithmetic3A_851 : i32
    %get3A_853 = arith.index_cast %shift_right_arithmetic3A_852 : i32 to index
    %get3A_854 = tpu.vector_load %arg10[%get3A_853] {strides = array<i32>} : memref<10016xi32, #tpu.memory_space<vmem>>, vector<16xi32>,
    %slice3A_855 = vector.extract_strided_slice %get3A_854 {offsets = [0], sizes = [1], strides = [1]} : vector<16xi32> to vector<1xi32>
    %squeeze3A_856 = vector.extract %slice3A_855[0] : i32 from vector<1xi32>
    %ge3A_857 = arith.constant 4 : i32
    %ge3A_858 = arith.cmpi sge, %squeeze3A_856, %ge3A_857 : i32
    %select_n3A_859 = arith.select %ge3A_858, %shift_right_arithmetic3A_852, %select_n3A_846 : i32
    %add3A_860 = arith.constant 1 : i32
    %add3A_861 = arith.addi %shift_right_arithmetic3A_852, %add3A_860 : i32
    %select_n3A_862 = arith.select %ge3A_858, %select_n3A_849, %add3A_861 : i32
    %add3A_863 = arith.addi %select_n3A_862, %select_n3A_859 : i32
    %shift_right_arithmetic3A_864 = arith.constant 1 : i32
    %shift_right_arithmetic3A_865 = arith.shrsi %add3A_863, %shift_right_arithmetic3A_864 : i32
    %get3A_866 = arith.index_cast %shift_right_arithmetic3A_865 : i32 to index
    %get3A_867 = tpu.vector_load %arg10[%get3A_866] {strides = array<i32>} : memref<10016xi32, #tpu.memory_space<vmem>>, vector<16xi32>,
    %slice3A_868 = vector.extract_strided_slice %get3A_867 {offsets = [0], sizes = [1], strides = [1]} : vector<16xi32> to vector<1xi32>
    %squeeze3A_869 = vector.extract %slice3A_868[0] : i32 from vector<1xi32>
    %ge3A_870 = arith.constant 4 : i32
    %ge3A_871 = arith.cmpi sge, %squeeze3A_869, %ge3A_870 : i32
    %select_n3A_872 = arith.select %ge3A_871, %shift_right_arithmetic3A_865, %select_n3A_859 : i32
    %add3A_873 = arith.constant 1 : i32
    %add3A_874 = arith.addi %shift_right_arithmetic3A_865, %add3A_873 : i32
    %select_n3A_875 = arith.select %ge3A_871, %select_n3A_862, %add3A_874 : i32
    %add3A_876 = arith.addi %select_n3A_875, %select_n3A_872 : i32
    %shift_right_arithmetic3A_877 = arith.constant 1 : i32
    %shift_right_arithmetic3A_878 = arith.shrsi %add3A_876, %shift_right_arithmetic3A_877 : i32
    %get3A_879 = arith.index_cast %shift_right_arithmetic3A_878 : i32 to index
    %get3A_880 = tpu.vector_load %arg10[%get3A_879] {strides = array<i32>} : memref<10016xi32, #tpu.memory_space<vmem>>, vector<16xi32>,
    %slice3A_881 = vector.extract_strided_slice %get3A_880 {offsets = [0], sizes = [1], strides = [1]} : vector<16xi32> to vector<1xi32>
    %squeeze3A_882 = vector.extract %slice3A_881[0] : i32 from vector<1xi32>
    %ge3A_883 = arith.constant 4 : i32
    %ge3A_884 = arith.cmpi sge, %squeeze3A_882, %ge3A_883 : i32
    %select_n3A_885 = arith.select %ge3A_884, %shift_right_arithmetic3A_878, %select_n3A_872 : i32
    %add3A_886 = arith.constant 1 : i32
    %add3A_887 = arith.addi %shift_right_arithmetic3A_878, %add3A_886 : i32
    %select_n3A_888 = arith.select %ge3A_884, %select_n3A_875, %add3A_887 : i32
    %add3A_889 = arith.addi %select_n3A_888, %select_n3A_885 : i32
    %shift_right_arithmetic3A_890 = arith.constant 1 : i32
    %shift_right_arithmetic3A_891 = arith.shrsi %add3A_889, %shift_right_arithmetic3A_890 : i32
    %get3A_892 = arith.index_cast %shift_right_arithmetic3A_891 : i32 to index
    %get3A_893 = tpu.vector_load %arg10[%get3A_892] {strides = array<i32>} : memref<10016xi32, #tpu.memory_space<vmem>>, vector<16xi32>,
    %slice3A_894 = vector.extract_strided_slice %get3A_893 {offsets = [0], sizes = [1], strides = [1]} : vector<16xi32> to vector<1xi32>
    %squeeze3A_895 = vector.extract %slice3A_894[0] : i32 from vector<1xi32>
    %ge3A_896 = arith.constant 4 : i32
    %ge3A_897 = arith.cmpi sge, %squeeze3A_895, %ge3A_896 : i32
    %select_n3A_898 = arith.select %ge3A_897, %shift_right_arithmetic3A_891, %select_n3A_885 : i32
    %add3A_899 = arith.constant 1 : i32
    %add3A_900 = arith.addi %shift_right_arithmetic3A_891, %add3A_899 : i32
    %select_n3A_901 = arith.select %ge3A_897, %select_n3A_888, %add3A_900 : i32
    %add3A_902 = arith.addi %select_n3A_901, %select_n3A_898 : i32
    %shift_right_arithmetic3A_903 = arith.constant 1 : i32
    %shift_right_arithmetic3A_904 = arith.shrsi %add3A_902, %shift_right_arithmetic3A_903 : i32
    %get3A_905 = arith.index_cast %shift_right_arithmetic3A_904 : i32 to index
    %get3A_906 = tpu.vector_load %arg10[%get3A_905] {strides = array<i32>} : memref<10016xi32, #tpu.memory_space<vmem>>, vector<16xi32>,
    %slice3A_907 = vector.extract_strided_slice %get3A_906 {offsets = [0], sizes = [1], strides = [1]} : vector<16xi32> to vector<1xi32>
    %squeeze3A_908 = vector.extract %slice3A_907[0] : i32 from vector<1xi32>
    %ge3A_909 = arith.constant 4 : i32
    %ge3A_910 = arith.cmpi sge, %squeeze3A_908, %ge3A_909 : i32
    %select_n3A_911 = arith.select %ge3A_910, %shift_right_arithmetic3A_904, %select_n3A_898 : i32
    %add3A_912 = arith.constant 1 : i32
    %add3A_913 = arith.addi %shift_right_arithmetic3A_904, %add3A_912 : i32
    %select_n3A_914 = arith.select %ge3A_910, %select_n3A_901, %add3A_913 : i32
    %add3A_915 = arith.addi %select_n3A_914, %select_n3A_911 : i32
    %shift_right_arithmetic3A_916 = arith.constant 1 : i32
    %shift_right_arithmetic3A_917 = arith.shrsi %add3A_915, %shift_right_arithmetic3A_916 : i32
    %get3A_918 = arith.index_cast %shift_right_arithmetic3A_917 : i32 to index
    %get3A_919 = tpu.vector_load %arg10[%get3A_918] {strides = array<i32>} : memref<10016xi32, #tpu.memory_space<vmem>>, vector<16xi32>,
    %slice3A_920 = vector.extract_strided_slice %get3A_919 {offsets = [0], sizes = [1], strides = [1]} : vector<16xi32> to vector<1xi32>
    %squeeze3A_921 = vector.extract %slice3A_920[0] : i32 from vector<1xi32>
    %ge3A_922 = arith.constant 4 : i32
    %ge3A_923 = arith.cmpi sge, %squeeze3A_921, %ge3A_922 : i32
    %select_n3A_924 = arith.select %ge3A_923, %shift_right_arithmetic3A_917, %select_n3A_911 : i32
    %add3A_925 = arith.constant 1 : i32
    %add3A_926 = arith.addi %shift_right_arithmetic3A_917, %add3A_925 : i32
    %select_n3A_927 = arith.select %ge3A_923, %select_n3A_914, %add3A_926 : i32
    %add3A_928 = arith.addi %select_n3A_927, %select_n3A_924 : i32
    %shift_right_arithmetic3A_929 = arith.constant 1 : i32
    %shift_right_arithmetic3A_930 = arith.shrsi %add3A_928, %shift_right_arithmetic3A_929 : i32
    %get3A_931 = arith.index_cast %shift_right_arithmetic3A_930 : i32 to index
    %get3A_932 = tpu.vector_load %arg10[%get3A_931] {strides = array<i32>} : memref<10016xi32, #tpu.memory_space<vmem>>, vector<16xi32>,
    %slice3A_933 = vector.extract_strided_slice %get3A_932 {offsets = [0], sizes = [1], strides = [1]} : vector<16xi32> to vector<1xi32>
    %squeeze3A_934 = vector.extract %slice3A_933[0] : i32 from vector<1xi32>
    %ge3A_935 = arith.constant 4 : i32
    %ge3A_936 = arith.cmpi sge, %squeeze3A_934, %ge3A_935 : i32
    %select_n3A_937 = arith.select %ge3A_936, %shift_right_arithmetic3A_930, %select_n3A_924 : i32
    %add3A_938 = arith.constant 1 : i32
    %add3A_939 = arith.addi %shift_right_arithmetic3A_930, %add3A_938 : i32
    %select_n3A_940 = arith.select %ge3A_936, %select_n3A_927, %add3A_939 : i32
    %swap3A_941 = arith.constant 3 : i32
    %swap3A_942 = arith.index_cast %swap3A_941 : i32 to index
    %swap3A_943 = memref.load %arg11[%swap3A_942] : memref<16xi32, #tpu.memory_space<smem>>
    memref.store %select_n3A_745, %arg11[%swap3A_942] : memref<16xi32, #tpu.memory_space<smem>>
    %swap3A_944 = arith.constant 3 : i32
    %swap3A_945 = arith.index_cast %swap3A_944 : i32 to index
    %swap3A_946 = memref.load %arg12[%swap3A_945] : memref<16xi32, #tpu.memory_space<smem>>
    memref.store %select_n3A_937, %arg12[%swap3A_945] : memref<16xi32, #tpu.memory_space<smem>>
    %add3A_947 = arith.constant 0 : i32
    %add3A_948 = arith.constant 10000 : i32
    %add3A_949 = arith.addi %add3A_947, %add3A_948 : i32
    %shift_right_arithmetic3A_950 = arith.constant 1 : i32
    %shift_right_arithmetic3A_951 = arith.shrsi %add3A_949, %shift_right_arithmetic3A_950 : i32
    %get3A_952 = arith.index_cast %shift_right_arithmetic3A_951 : i32 to index
    %get3A_953 = tpu.vector_load %arg10[%get3A_952] {strides = array<i32>} : memref<10016xi32, #tpu.memory_space<vmem>>, vector<16xi32>,
    %slice3A_954 = vector.extract_strided_slice %get3A_953 {offsets = [0], sizes = [1], strides = [1]} : vector<16xi32> to vector<1xi32>
    %squeeze3A_955 = vector.extract %slice3A_954[0] : i32 from vector<1xi32>
    %ge3A_956 = arith.constant 5 : i32
    %ge3A_957 = arith.cmpi sge, %squeeze3A_955, %ge3A_956 : i32
    %jit3A_958 = arith.constant 10000 : i32
    %select_n3A_959 = arith.select %ge3A_957, %shift_right_arithmetic3A_951, %jit3A_958 : i32
    %add3A_960 = arith.constant 1 : i32
    %add3A_961 = arith.addi %shift_right_arithmetic3A_951, %add3A_960 : i32
    %jit3A_962 = arith.constant 0 : i32
    %select_n3A_963 = arith.select %ge3A_957, %jit3A_962, %add3A_961 : i32
    %add3A_964 = arith.addi %select_n3A_963, %select_n3A_959 : i32
    %shift_right_arithmetic3A_965 = arith.constant 1 : i32
    %shift_right_arithmetic3A_966 = arith.shrsi %add3A_964, %shift_right_arithmetic3A_965 : i32
    %get3A_967 = arith.index_cast %shift_right_arithmetic3A_966 : i32 to index
    %get3A_968 = tpu.vector_load %arg10[%get3A_967] {strides = array<i32>} : memref<10016xi32, #tpu.memory_space<vmem>>, vector<16xi32>,
    %slice3A_969 = vector.extract_strided_slice %get3A_968 {offsets = [0], sizes = [1], strides = [1]} : vector<16xi32> to vector<1xi32>
    %squeeze3A_970 = vector.extract %slice3A_969[0] : i32 from vector<1xi32>
    %ge3A_971 = arith.constant 5 : i32
    %ge3A_972 = arith.cmpi sge, %squeeze3A_970, %ge3A_971 : i32
    %select_n3A_973 = arith.select %ge3A_972, %shift_right_arithmetic3A_966, %select_n3A_959 : i32
    %add3A_974 = arith.constant 1 : i32
    %add3A_975 = arith.addi %shift_right_arithmetic3A_966, %add3A_974 : i32
    %select_n3A_976 = arith.select %ge3A_972, %select_n3A_963, %add3A_975 : i32
    %add3A_977 = arith.addi %select_n3A_976, %select_n3A_973 : i32
    %shift_right_arithmetic3A_978 = arith.constant 1 : i32
    %shift_right_arithmetic3A_979 = arith.shrsi %add3A_977, %shift_right_arithmetic3A_978 : i32
    %get3A_980 = arith.index_cast %shift_right_arithmetic3A_979 : i32 to index
    %get3A_981 = tpu.vector_load %arg10[%get3A_980] {strides = array<i32>} : memref<10016xi32, #tpu.memory_space<vmem>>, vector<16xi32>,
    %slice3A_982 = vector.extract_strided_slice %get3A_981 {offsets = [0], sizes = [1], strides = [1]} : vector<16xi32> to vector<1xi32>
    %squeeze3A_983 = vector.extract %slice3A_982[0] : i32 from vector<1xi32>
    %ge3A_984 = arith.constant 5 : i32
    %ge3A_985 = arith.cmpi sge, %squeeze3A_983, %ge3A_984 : i32
    %select_n3A_986 = arith.select %ge3A_985, %shift_right_arithmetic3A_979, %select_n3A_973 : i32
    %add3A_987 = arith.constant 1 : i32
    %add3A_988 = arith.addi %shift_right_arithmetic3A_979, %add3A_987 : i32
    %select_n3A_989 = arith.select %ge3A_985, %select_n3A_976, %add3A_988 : i32
    %add3A_990 = arith.addi %select_n3A_989, %select_n3A_986 : i32
    %shift_right_arithmetic3A_991 = arith.constant 1 : i32
    %shift_right_arithmetic3A_992 = arith.shrsi %add3A_990, %shift_right_arithmetic3A_991 : i32
    %get3A_993 = arith.index_cast %shift_right_arithmetic3A_992 : i32 to index
    %get3A_994 = tpu.vector_load %arg10[%get3A_993] {strides = array<i32>} : memref<10016xi32, #tpu.memory_space<vmem>>, vector<16xi32>,
    %slice3A_995 = vector.extract_strided_slice %get3A_994 {offsets = [0], sizes = [1], strides = [1]} : vector<16xi32> to vector<1xi32>
    %squeeze3A_996 = vector.extract %slice3A_995[0] : i32 from vector<1xi32>
    %ge3A_997 = arith.constant 5 : i32
    %ge3A_998 = arith.cmpi sge, %squeeze3A_996, %ge3A_997 : i32
    %select_n3A_999 = arith.select %ge3A_998, %shift_right_arithmetic3A_992, %select_n3A_986 : i32
    %add3A_1000 = arith.constant 1 : i32
    %add3A_1001 = arith.addi %shift_right_arithmetic3A_992, %add3A_1000 : i32
    %select_n3A_1002 = arith.select %ge3A_998, %select_n3A_989, %add3A_1001 : i32
    %add3A_1003 = arith.addi %select_n3A_1002, %select_n3A_999 : i32
    %shift_right_arithmetic3A_1004 = arith.constant 1 : i32
    %shift_right_arithmetic3A_1005 = arith.shrsi %add3A_1003, %shift_right_arithmetic3A_1004 : i32
    %get3A_1006 = arith.index_cast %shift_right_arithmetic3A_1005 : i32 to index
    %get3A_1007 = tpu.vector_load %arg10[%get3A_1006] {strides = array<i32>} : memref<10016xi32, #tpu.memory_space<vmem>>, vector<16xi32>,
    %slice3A_1008 = vector.extract_strided_slice %get3A_1007 {offsets = [0], sizes = [1], strides = [1]} : vector<16xi32> to vector<1xi32>
    %squeeze3A_1009 = vector.extract %slice3A_1008[0] : i32 from vector<1xi32>
    %ge3A_1010 = arith.constant 5 : i32
    %ge3A_1011 = arith.cmpi sge, %squeeze3A_1009, %ge3A_1010 : i32
    %select_n3A_1012 = arith.select %ge3A_1011, %shift_right_arithmetic3A_1005, %select_n3A_999 : i32
    %add3A_1013 = arith.constant 1 : i32
    %add3A_1014 = arith.addi %shift_right_arithmetic3A_1005, %add3A_1013 : i32
    %select_n3A_1015 = arith.select %ge3A_1011, %select_n3A_1002, %add3A_1014 : i32
    %add3A_1016 = arith.addi %select_n3A_1015, %select_n3A_1012 : i32
    %shift_right_arithmetic3A_1017 = arith.constant 1 : i32
    %shift_right_arithmetic3A_1018 = arith.shrsi %add3A_1016, %shift_right_arithmetic3A_1017 : i32
    %get3A_1019 = arith.index_cast %shift_right_arithmetic3A_1018 : i32 to index
    %get3A_1020 = tpu.vector_load %arg10[%get3A_1019] {strides = array<i32>} : memref<10016xi32, #tpu.memory_space<vmem>>, vector<16xi32>,
    %slice3A_1021 = vector.extract_strided_slice %get3A_1020 {offsets = [0], sizes = [1], strides = [1]} : vector<16xi32> to vector<1xi32>
    %squeeze3A_1022 = vector.extract %slice3A_1021[0] : i32 from vector<1xi32>
    %ge3A_1023 = arith.constant 5 : i32
    %ge3A_1024 = arith.cmpi sge, %squeeze3A_1022, %ge3A_1023 : i32
    %select_n3A_1025 = arith.select %ge3A_1024, %shift_right_arithmetic3A_1018, %select_n3A_1012 : i32
    %add3A_1026 = arith.constant 1 : i32
    %add3A_1027 = arith.addi %shift_right_arithmetic3A_1018, %add3A_1026 : i32
    %select_n3A_1028 = arith.select %ge3A_1024, %select_n3A_1015, %add3A_1027 : i32
    %add3A_1029 = arith.addi %select_n3A_1028, %select_n3A_1025 : i32
    %shift_right_arithmetic3A_1030 = arith.constant 1 : i32
    %shift_right_arithmetic3A_1031 = arith.shrsi %add3A_1029, %shift_right_arithmetic3A_1030 : i32
    %get3A_1032 = arith.index_cast %shift_right_arithmetic3A_1031 : i32 to index
    %get3A_1033 = tpu.vector_load %arg10[%get3A_1032] {strides = array<i32>} : memref<10016xi32, #tpu.memory_space<vmem>>, vector<16xi32>,
    %slice3A_1034 = vector.extract_strided_slice %get3A_1033 {offsets = [0], sizes = [1], strides = [1]} : vector<16xi32> to vector<1xi32>
    %squeeze3A_1035 = vector.extract %slice3A_1034[0] : i32 from vector<1xi32>
    %ge3A_1036 = arith.constant 5 : i32
    %ge3A_1037 = arith.cmpi sge, %squeeze3A_1035, %ge3A_1036 : i32
    %select_n3A_1038 = arith.select %ge3A_1037, %shift_right_arithmetic3A_1031, %select_n3A_1025 : i32
    %add3A_1039 = arith.constant 1 : i32
    %add3A_1040 = arith.addi %shift_right_arithmetic3A_1031, %add3A_1039 : i32
    %select_n3A_1041 = arith.select %ge3A_1037, %select_n3A_1028, %add3A_1040 : i32
    %add3A_1042 = arith.addi %select_n3A_1041, %select_n3A_1038 : i32
    %shift_right_arithmetic3A_1043 = arith.constant 1 : i32
    %shift_right_arithmetic3A_1044 = arith.shrsi %add3A_1042, %shift_right_arithmetic3A_1043 : i32
    %get3A_1045 = arith.index_cast %shift_right_arithmetic3A_1044 : i32 to index
    %get3A_1046 = tpu.vector_load %arg10[%get3A_1045] {strides = array<i32>} : memref<10016xi32, #tpu.memory_space<vmem>>, vector<16xi32>,
    %slice3A_1047 = vector.extract_strided_slice %get3A_1046 {offsets = [0], sizes = [1], strides = [1]} : vector<16xi32> to vector<1xi32>
    %squeeze3A_1048 = vector.extract %slice3A_1047[0] : i32 from vector<1xi32>
    %ge3A_1049 = arith.constant 5 : i32
    %ge3A_1050 = arith.cmpi sge, %squeeze3A_1048, %ge3A_1049 : i32
    %select_n3A_1051 = arith.select %ge3A_1050, %shift_right_arithmetic3A_1044, %select_n3A_1038 : i32
    %add3A_1052 = arith.constant 1 : i32
    %add3A_1053 = arith.addi %shift_right_arithmetic3A_1044, %add3A_1052 : i32
    %select_n3A_1054 = arith.select %ge3A_1050, %select_n3A_1041, %add3A_1053 : i32
    %add3A_1055 = arith.addi %select_n3A_1054, %select_n3A_1051 : i32
    %shift_right_arithmetic3A_1056 = arith.constant 1 : i32
    %shift_right_arithmetic3A_1057 = arith.shrsi %add3A_1055, %shift_right_arithmetic3A_1056 : i32
    %get3A_1058 = arith.index_cast %shift_right_arithmetic3A_1057 : i32 to index
    %get3A_1059 = tpu.vector_load %arg10[%get3A_1058] {strides = array<i32>} : memref<10016xi32, #tpu.memory_space<vmem>>, vector<16xi32>,
    %slice3A_1060 = vector.extract_strided_slice %get3A_1059 {offsets = [0], sizes = [1], strides = [1]} : vector<16xi32> to vector<1xi32>
    %squeeze3A_1061 = vector.extract %slice3A_1060[0] : i32 from vector<1xi32>
    %ge3A_1062 = arith.constant 5 : i32
    %ge3A_1063 = arith.cmpi sge, %squeeze3A_1061, %ge3A_1062 : i32
    %select_n3A_1064 = arith.select %ge3A_1063, %shift_right_arithmetic3A_1057, %select_n3A_1051 : i32
    %add3A_1065 = arith.constant 1 : i32
    %add3A_1066 = arith.addi %shift_right_arithmetic3A_1057, %add3A_1065 : i32
    %select_n3A_1067 = arith.select %ge3A_1063, %select_n3A_1054, %add3A_1066 : i32
    %add3A_1068 = arith.addi %select_n3A_1067, %select_n3A_1064 : i32
    %shift_right_arithmetic3A_1069 = arith.constant 1 : i32
    %shift_right_arithmetic3A_1070 = arith.shrsi %add3A_1068, %shift_right_arithmetic3A_1069 : i32
    %get3A_1071 = arith.index_cast %shift_right_arithmetic3A_1070 : i32 to index
    %get3A_1072 = tpu.vector_load %arg10[%get3A_1071] {strides = array<i32>} : memref<10016xi32, #tpu.memory_space<vmem>>, vector<16xi32>,
    %slice3A_1073 = vector.extract_strided_slice %get3A_1072 {offsets = [0], sizes = [1], strides = [1]} : vector<16xi32> to vector<1xi32>
    %squeeze3A_1074 = vector.extract %slice3A_1073[0] : i32 from vector<1xi32>
    %ge3A_1075 = arith.constant 5 : i32
    %ge3A_1076 = arith.cmpi sge, %squeeze3A_1074, %ge3A_1075 : i32
    %select_n3A_1077 = arith.select %ge3A_1076, %shift_right_arithmetic3A_1070, %select_n3A_1064 : i32
    %add3A_1078 = arith.constant 1 : i32
    %add3A_1079 = arith.addi %shift_right_arithmetic3A_1070, %add3A_1078 : i32
    %select_n3A_1080 = arith.select %ge3A_1076, %select_n3A_1067, %add3A_1079 : i32
    %add3A_1081 = arith.addi %select_n3A_1080, %select_n3A_1077 : i32
    %shift_right_arithmetic3A_1082 = arith.constant 1 : i32
    %shift_right_arithmetic3A_1083 = arith.shrsi %add3A_1081, %shift_right_arithmetic3A_1082 : i32
    %get3A_1084 = arith.index_cast %shift_right_arithmetic3A_1083 : i32 to index
    %get3A_1085 = tpu.vector_load %arg10[%get3A_1084] {strides = array<i32>} : memref<10016xi32, #tpu.memory_space<vmem>>, vector<16xi32>,
    %slice3A_1086 = vector.extract_strided_slice %get3A_1085 {offsets = [0], sizes = [1], strides = [1]} : vector<16xi32> to vector<1xi32>
    %squeeze3A_1087 = vector.extract %slice3A_1086[0] : i32 from vector<1xi32>
    %ge3A_1088 = arith.constant 5 : i32
    %ge3A_1089 = arith.cmpi sge, %squeeze3A_1087, %ge3A_1088 : i32
    %select_n3A_1090 = arith.select %ge3A_1089, %shift_right_arithmetic3A_1083, %select_n3A_1077 : i32
    %add3A_1091 = arith.constant 1 : i32
    %add3A_1092 = arith.addi %shift_right_arithmetic3A_1083, %add3A_1091 : i32
    %select_n3A_1093 = arith.select %ge3A_1089, %select_n3A_1080, %add3A_1092 : i32
    %add3A_1094 = arith.addi %select_n3A_1093, %select_n3A_1090 : i32
    %shift_right_arithmetic3A_1095 = arith.constant 1 : i32
    %shift_right_arithmetic3A_1096 = arith.shrsi %add3A_1094, %shift_right_arithmetic3A_1095 : i32
    %get3A_1097 = arith.index_cast %shift_right_arithmetic3A_1096 : i32 to index
    %get3A_1098 = tpu.vector_load %arg10[%get3A_1097] {strides = array<i32>} : memref<10016xi32, #tpu.memory_space<vmem>>, vector<16xi32>,
    %slice3A_1099 = vector.extract_strided_slice %get3A_1098 {offsets = [0], sizes = [1], strides = [1]} : vector<16xi32> to vector<1xi32>
    %squeeze3A_1100 = vector.extract %slice3A_1099[0] : i32 from vector<1xi32>
    %ge3A_1101 = arith.constant 5 : i32
    %ge3A_1102 = arith.cmpi sge, %squeeze3A_1100, %ge3A_1101 : i32
    %select_n3A_1103 = arith.select %ge3A_1102, %shift_right_arithmetic3A_1096, %select_n3A_1090 : i32
    %add3A_1104 = arith.constant 1 : i32
    %add3A_1105 = arith.addi %shift_right_arithmetic3A_1096, %add3A_1104 : i32
    %select_n3A_1106 = arith.select %ge3A_1102, %select_n3A_1093, %add3A_1105 : i32
    %add3A_1107 = arith.addi %select_n3A_1106, %select_n3A_1103 : i32
    %shift_right_arithmetic3A_1108 = arith.constant 1 : i32
    %shift_right_arithmetic3A_1109 = arith.shrsi %add3A_1107, %shift_right_arithmetic3A_1108 : i32
    %get3A_1110 = arith.index_cast %shift_right_arithmetic3A_1109 : i32 to index
    %get3A_1111 = tpu.vector_load %arg10[%get3A_1110] {strides = array<i32>} : memref<10016xi32, #tpu.memory_space<vmem>>, vector<16xi32>,
    %slice3A_1112 = vector.extract_strided_slice %get3A_1111 {offsets = [0], sizes = [1], strides = [1]} : vector<16xi32> to vector<1xi32>
    %squeeze3A_1113 = vector.extract %slice3A_1112[0] : i32 from vector<1xi32>
    %ge3A_1114 = arith.constant 5 : i32
    %ge3A_1115 = arith.cmpi sge, %squeeze3A_1113, %ge3A_1114 : i32
    %select_n3A_1116 = arith.select %ge3A_1115, %shift_right_arithmetic3A_1109, %select_n3A_1103 : i32
    %add3A_1117 = arith.constant 1 : i32
    %add3A_1118 = arith.addi %shift_right_arithmetic3A_1109, %add3A_1117 : i32
    %select_n3A_1119 = arith.select %ge3A_1115, %select_n3A_1106, %add3A_1118 : i32
    %add3A_1120 = arith.addi %select_n3A_1119, %select_n3A_1116 : i32
    %shift_right_arithmetic3A_1121 = arith.constant 1 : i32
    %shift_right_arithmetic3A_1122 = arith.shrsi %add3A_1120, %shift_right_arithmetic3A_1121 : i32
    %get3A_1123 = arith.index_cast %shift_right_arithmetic3A_1122 : i32 to index
    %get3A_1124 = tpu.vector_load %arg10[%get3A_1123] {strides = array<i32>} : memref<10016xi32, #tpu.memory_space<vmem>>, vector<16xi32>,
    %slice3A_1125 = vector.extract_strided_slice %get3A_1124 {offsets = [0], sizes = [1], strides = [1]} : vector<16xi32> to vector<1xi32>
    %squeeze3A_1126 = vector.extract %slice3A_1125[0] : i32 from vector<1xi32>
    %ge3A_1127 = arith.constant 5 : i32
    %ge3A_1128 = arith.cmpi sge, %squeeze3A_1126, %ge3A_1127 : i32
    %select_n3A_1129 = arith.select %ge3A_1128, %shift_right_arithmetic3A_1122, %select_n3A_1116 : i32
    %add3A_1130 = arith.constant 1 : i32
    %add3A_1131 = arith.addi %shift_right_arithmetic3A_1122, %add3A_1130 : i32
    %select_n3A_1132 = arith.select %ge3A_1128, %select_n3A_1119, %add3A_1131 : i32
    %swap3A_1133 = arith.constant 4 : i32
    %swap3A_1134 = arith.index_cast %swap3A_1133 : i32 to index
    %swap3A_1135 = memref.load %arg11[%swap3A_1134] : memref<16xi32, #tpu.memory_space<smem>>
    memref.store %select_n3A_937, %arg11[%swap3A_1134] : memref<16xi32, #tpu.memory_space<smem>>
    %swap3A_1136 = arith.constant 4 : i32
    %swap3A_1137 = arith.index_cast %swap3A_1136 : i32 to index
    %swap3A_1138 = memref.load %arg12[%swap3A_1137] : memref<16xi32, #tpu.memory_space<smem>>
    memref.store %select_n3A_1129, %arg12[%swap3A_1137] : memref<16xi32, #tpu.memory_space<smem>>
    %add3A_1139 = arith.constant 0 : i32
    %add3A_1140 = arith.constant 10000 : i32
    %add3A_1141 = arith.addi %add3A_1139, %add3A_1140 : i32
    %shift_right_arithmetic3A_1142 = arith.constant 1 : i32
    %shift_right_arithmetic3A_1143 = arith.shrsi %add3A_1141, %shift_right_arithmetic3A_1142 : i32
    %get3A_1144 = arith.index_cast %shift_right_arithmetic3A_1143 : i32 to index
    %get3A_1145 = tpu.vector_load %arg10[%get3A_1144] {strides = array<i32>} : memref<10016xi32, #tpu.memory_space<vmem>>, vector<16xi32>,
    %slice3A_1146 = vector.extract_strided_slice %get3A_1145 {offsets = [0], sizes = [1], strides = [1]} : vector<16xi32> to vector<1xi32>
    %squeeze3A_1147 = vector.extract %slice3A_1146[0] : i32 from vector<1xi32>
    %ge3A_1148 = arith.constant 6 : i32
    %ge3A_1149 = arith.cmpi sge, %squeeze3A_1147, %ge3A_1148 : i32
    %jit3A_1150 = arith.constant 10000 : i32
    %select_n3A_1151 = arith.select %ge3A_1149, %shift_right_arithmetic3A_1143, %jit3A_1150 : i32
    %add3A_1152 = arith.constant 1 : i32
    %add3A_1153 = arith.addi %shift_right_arithmetic3A_1143, %add3A_1152 : i32
    %jit3A_1154 = arith.constant 0 : i32
    %select_n3A_1155 = arith.select %ge3A_1149, %jit3A_1154, %add3A_1153 : i32
    %add3A_1156 = arith.addi %select_n3A_1155, %select_n3A_1151 : i32
    %shift_right_arithmetic3A_1157 = arith.constant 1 : i32
    %shift_right_arithmetic3A_1158 = arith.shrsi %add3A_1156, %shift_right_arithmetic3A_1157 : i32
    %get3A_1159 = arith.index_cast %shift_right_arithmetic3A_1158 : i32 to index
    %get3A_1160 = tpu.vector_load %arg10[%get3A_1159] {strides = array<i32>} : memref<10016xi32, #tpu.memory_space<vmem>>, vector<16xi32>,
    %slice3A_1161 = vector.extract_strided_slice %get3A_1160 {offsets = [0], sizes = [1], strides = [1]} : vector<16xi32> to vector<1xi32>
    %squeeze3A_1162 = vector.extract %slice3A_1161[0] : i32 from vector<1xi32>
    %ge3A_1163 = arith.constant 6 : i32
    %ge3A_1164 = arith.cmpi sge, %squeeze3A_1162, %ge3A_1163 : i32
    %select_n3A_1165 = arith.select %ge3A_1164, %shift_right_arithmetic3A_1158, %select_n3A_1151 : i32
    %add3A_1166 = arith.constant 1 : i32
    %add3A_1167 = arith.addi %shift_right_arithmetic3A_1158, %add3A_1166 : i32
    %select_n3A_1168 = arith.select %ge3A_1164, %select_n3A_1155, %add3A_1167 : i32
    %add3A_1169 = arith.addi %select_n3A_1168, %select_n3A_1165 : i32
    %shift_right_arithmetic3A_1170 = arith.constant 1 : i32
    %shift_right_arithmetic3A_1171 = arith.shrsi %add3A_1169, %shift_right_arithmetic3A_1170 : i32
    %get3A_1172 = arith.index_cast %shift_right_arithmetic3A_1171 : i32 to index
    %get3A_1173 = tpu.vector_load %arg10[%get3A_1172] {strides = array<i32>} : memref<10016xi32, #tpu.memory_space<vmem>>, vector<16xi32>,
    %slice3A_1174 = vector.extract_strided_slice %get3A_1173 {offsets = [0], sizes = [1], strides = [1]} : vector<16xi32> to vector<1xi32>
    %squeeze3A_1175 = vector.extract %slice3A_1174[0] : i32 from vector<1xi32>
    %ge3A_1176 = arith.constant 6 : i32
    %ge3A_1177 = arith.cmpi sge, %squeeze3A_1175, %ge3A_1176 : i32
    %select_n3A_1178 = arith.select %ge3A_1177, %shift_right_arithmetic3A_1171, %select_n3A_1165 : i32
    %add3A_1179 = arith.constant 1 : i32
    %add3A_1180 = arith.addi %shift_right_arithmetic3A_1171, %add3A_1179 : i32
    %select_n3A_1181 = arith.select %ge3A_1177, %select_n3A_1168, %add3A_1180 : i32
    %add3A_1182 = arith.addi %select_n3A_1181, %select_n3A_1178 : i32
    %shift_right_arithmetic3A_1183 = arith.constant 1 : i32
    %shift_right_arithmetic3A_1184 = arith.shrsi %add3A_1182, %shift_right_arithmetic3A_1183 : i32
    %get3A_1185 = arith.index_cast %shift_right_arithmetic3A_1184 : i32 to index
    %get3A_1186 = tpu.vector_load %arg10[%get3A_1185] {strides = array<i32>} : memref<10016xi32, #tpu.memory_space<vmem>>, vector<16xi32>,
    %slice3A_1187 = vector.extract_strided_slice %get3A_1186 {offsets = [0], sizes = [1], strides = [1]} : vector<16xi32> to vector<1xi32>
    %squeeze3A_1188 = vector.extract %slice3A_1187[0] : i32 from vector<1xi32>
    %ge3A_1189 = arith.constant 6 : i32
    %ge3A_1190 = arith.cmpi sge, %squeeze3A_1188, %ge3A_1189 : i32
    %select_n3A_1191 = arith.select %ge3A_1190, %shift_right_arithmetic3A_1184, %select_n3A_1178 : i32
    %add3A_1192 = arith.constant 1 : i32
    %add3A_1193 = arith.addi %shift_right_arithmetic3A_1184, %add3A_1192 : i32
    %select_n3A_1194 = arith.select %ge3A_1190, %select_n3A_1181, %add3A_1193 : i32
    %add3A_1195 = arith.addi %select_n3A_1194, %select_n3A_1191 : i32
    %shift_right_arithmetic3A_1196 = arith.constant 1 : i32
    %shift_right_arithmetic3A_1197 = arith.shrsi %add3A_1195, %shift_right_arithmetic3A_1196 : i32
    %get3A_1198 = arith.index_cast %shift_right_arithmetic3A_1197 : i32 to index
    %get3A_1199 = tpu.vector_load %arg10[%get3A_1198] {strides = array<i32>} : memref<10016xi32, #tpu.memory_space<vmem>>, vector<16xi32>,
    %slice3A_1200 = vector.extract_strided_slice %get3A_1199 {offsets = [0], sizes = [1], strides = [1]} : vector<16xi32> to vector<1xi32>
    %squeeze3A_1201 = vector.extract %slice3A_1200[0] : i32 from vector<1xi32>
    %ge3A_1202 = arith.constant 6 : i32
    %ge3A_1203 = arith.cmpi sge, %squeeze3A_1201, %ge3A_1202 : i32
    %select_n3A_1204 = arith.select %ge3A_1203, %shift_right_arithmetic3A_1197, %select_n3A_1191 : i32
    %add3A_1205 = arith.constant 1 : i32
    %add3A_1206 = arith.addi %shift_right_arithmetic3A_1197, %add3A_1205 : i32
    %select_n3A_1207 = arith.select %ge3A_1203, %select_n3A_1194, %add3A_1206 : i32
    %add3A_1208 = arith.addi %select_n3A_1207, %select_n3A_1204 : i32
    %shift_right_arithmetic3A_1209 = arith.constant 1 : i32
    %shift_right_arithmetic3A_1210 = arith.shrsi %add3A_1208, %shift_right_arithmetic3A_1209 : i32
    %get3A_1211 = arith.index_cast %shift_right_arithmetic3A_1210 : i32 to index
    %get3A_1212 = tpu.vector_load %arg10[%get3A_1211] {strides = array<i32>} : memref<10016xi32, #tpu.memory_space<vmem>>, vector<16xi32>,
    %slice3A_1213 = vector.extract_strided_slice %get3A_1212 {offsets = [0], sizes = [1], strides = [1]} : vector<16xi32> to vector<1xi32>
    %squeeze3A_1214 = vector.extract %slice3A_1213[0] : i32 from vector<1xi32>
    %ge3A_1215 = arith.constant 6 : i32
    %ge3A_1216 = arith.cmpi sge, %squeeze3A_1214, %ge3A_1215 : i32
    %select_n3A_1217 = arith.select %ge3A_1216, %shift_right_arithmetic3A_1210, %select_n3A_1204 : i32
    %add3A_1218 = arith.constant 1 : i32
    %add3A_1219 = arith.addi %shift_right_arithmetic3A_1210, %add3A_1218 : i32
    %select_n3A_1220 = arith.select %ge3A_1216, %select_n3A_1207, %add3A_1219 : i32
    %add3A_1221 = arith.addi %select_n3A_1220, %select_n3A_1217 : i32
    %shift_right_arithmetic3A_1222 = arith.constant 1 : i32
    %shift_right_arithmetic3A_1223 = arith.shrsi %add3A_1221, %shift_right_arithmetic3A_1222 : i32
    %get3A_1224 = arith.index_cast %shift_right_arithmetic3A_1223 : i32 to index
    %get3A_1225 = tpu.vector_load %arg10[%get3A_1224] {strides = array<i32>} : memref<10016xi32, #tpu.memory_space<vmem>>, vector<16xi32>,
    %slice3A_1226 = vector.extract_strided_slice %get3A_1225 {offsets = [0], sizes = [1], strides = [1]} : vector<16xi32> to vector<1xi32>
    %squeeze3A_1227 = vector.extract %slice3A_1226[0] : i32 from vector<1xi32>
    %ge3A_1228 = arith.constant 6 : i32
    %ge3A_1229 = arith.cmpi sge, %squeeze3A_1227, %ge3A_1228 : i32
    %select_n3A_1230 = arith.select %ge3A_1229, %shift_right_arithmetic3A_1223, %select_n3A_1217 : i32
    %add3A_1231 = arith.constant 1 : i32
    %add3A_1232 = arith.addi %shift_right_arithmetic3A_1223, %add3A_1231 : i32
    %select_n3A_1233 = arith.select %ge3A_1229, %select_n3A_1220, %add3A_1232 : i32
    %add3A_1234 = arith.addi %select_n3A_1233, %select_n3A_1230 : i32
    %shift_right_arithmetic3A_1235 = arith.constant 1 : i32
    %shift_right_arithmetic3A_1236 = arith.shrsi %add3A_1234, %shift_right_arithmetic3A_1235 : i32
    %get3A_1237 = arith.index_cast %shift_right_arithmetic3A_1236 : i32 to index
    %get3A_1238 = tpu.vector_load %arg10[%get3A_1237] {strides = array<i32>} : memref<10016xi32, #tpu.memory_space<vmem>>, vector<16xi32>,
    %slice3A_1239 = vector.extract_strided_slice %get3A_1238 {offsets = [0], sizes = [1], strides = [1]} : vector<16xi32> to vector<1xi32>
    %squeeze3A_1240 = vector.extract %slice3A_1239[0] : i32 from vector<1xi32>
    %ge3A_1241 = arith.constant 6 : i32
    %ge3A_1242 = arith.cmpi sge, %squeeze3A_1240, %ge3A_1241 : i32
    %select_n3A_1243 = arith.select %ge3A_1242, %shift_right_arithmetic3A_1236, %select_n3A_1230 : i32
    %add3A_1244 = arith.constant 1 : i32
    %add3A_1245 = arith.addi %shift_right_arithmetic3A_1236, %add3A_1244 : i32
    %select_n3A_1246 = arith.select %ge3A_1242, %select_n3A_1233, %add3A_1245 : i32
    %add3A_1247 = arith.addi %select_n3A_1246, %select_n3A_1243 : i32
    %shift_right_arithmetic3A_1248 = arith.constant 1 : i32
    %shift_right_arithmetic3A_1249 = arith.shrsi %add3A_1247, %shift_right_arithmetic3A_1248 : i32
    %get3A_1250 = arith.index_cast %shift_right_arithmetic3A_1249 : i32 to index
    %get3A_1251 = tpu.vector_load %arg10[%get3A_1250] {strides = array<i32>} : memref<10016xi32, #tpu.memory_space<vmem>>, vector<16xi32>,
    %slice3A_1252 = vector.extract_strided_slice %get3A_1251 {offsets = [0], sizes = [1], strides = [1]} : vector<16xi32> to vector<1xi32>
    %squeeze3A_1253 = vector.extract %slice3A_1252[0] : i32 from vector<1xi32>
    %ge3A_1254 = arith.constant 6 : i32
    %ge3A_1255 = arith.cmpi sge, %squeeze3A_1253, %ge3A_1254 : i32
    %select_n3A_1256 = arith.select %ge3A_1255, %shift_right_arithmetic3A_1249, %select_n3A_1243 : i32
    %add3A_1257 = arith.constant 1 : i32
    %add3A_1258 = arith.addi %shift_right_arithmetic3A_1249, %add3A_1257 : i32
    %select_n3A_1259 = arith.select %ge3A_1255, %select_n3A_1246, %add3A_1258 : i32
    %add3A_1260 = arith.addi %select_n3A_1259, %select_n3A_1256 : i32
    %shift_right_arithmetic3A_1261 = arith.constant 1 : i32
    %shift_right_arithmetic3A_1262 = arith.shrsi %add3A_1260, %shift_right_arithmetic3A_1261 : i32
    %get3A_1263 = arith.index_cast %shift_right_arithmetic3A_1262 : i32 to index
    %get3A_1264 = tpu.vector_load %arg10[%get3A_1263] {strides = array<i32>} : memref<10016xi32, #tpu.memory_space<vmem>>, vector<16xi32>,
    %slice3A_1265 = vector.extract_strided_slice %get3A_1264 {offsets = [0], sizes = [1], strides = [1]} : vector<16xi32> to vector<1xi32>
    %squeeze3A_1266 = vector.extract %slice3A_1265[0] : i32 from vector<1xi32>
    %ge3A_1267 = arith.constant 6 : i32
    %ge3A_1268 = arith.cmpi sge, %squeeze3A_1266, %ge3A_1267 : i32
    %select_n3A_1269 = arith.select %ge3A_1268, %shift_right_arithmetic3A_1262, %select_n3A_1256 : i32
    %add3A_1270 = arith.constant 1 : i32
    %add3A_1271 = arith.addi %shift_right_arithmetic3A_1262, %add3A_1270 : i32
    %select_n3A_1272 = arith.select %ge3A_1268, %select_n3A_1259, %add3A_1271 : i32
    %add3A_1273 = arith.addi %select_n3A_1272, %select_n3A_1269 : i32
    %shift_right_arithmetic3A_1274 = arith.constant 1 : i32
    %shift_right_arithmetic3A_1275 = arith.shrsi %add3A_1273, %shift_right_arithmetic3A_1274 : i32
    %get3A_1276 = arith.index_cast %shift_right_arithmetic3A_1275 : i32 to index
    %get3A_1277 = tpu.vector_load %arg10[%get3A_1276] {strides = array<i32>} : memref<10016xi32, #tpu.memory_space<vmem>>, vector<16xi32>,
    %slice3A_1278 = vector.extract_strided_slice %get3A_1277 {offsets = [0], sizes = [1], strides = [1]} : vector<16xi32> to vector<1xi32>
    %squeeze3A_1279 = vector.extract %slice3A_1278[0] : i32 from vector<1xi32>
    %ge3A_1280 = arith.constant 6 : i32
    %ge3A_1281 = arith.cmpi sge, %squeeze3A_1279, %ge3A_1280 : i32
    %select_n3A_1282 = arith.select %ge3A_1281, %shift_right_arithmetic3A_1275, %select_n3A_1269 : i32
    %add3A_1283 = arith.constant 1 : i32
    %add3A_1284 = arith.addi %shift_right_arithmetic3A_1275, %add3A_1283 : i32
    %select_n3A_1285 = arith.select %ge3A_1281, %select_n3A_1272, %add3A_1284 : i32
    %add3A_1286 = arith.addi %select_n3A_1285, %select_n3A_1282 : i32
    %shift_right_arithmetic3A_1287 = arith.constant 1 : i32
    %shift_right_arithmetic3A_1288 = arith.shrsi %add3A_1286, %shift_right_arithmetic3A_1287 : i32
    %get3A_1289 = arith.index_cast %shift_right_arithmetic3A_1288 : i32 to index
    %get3A_1290 = tpu.vector_load %arg10[%get3A_1289] {strides = array<i32>} : memref<10016xi32, #tpu.memory_space<vmem>>, vector<16xi32>,
    %slice3A_1291 = vector.extract_strided_slice %get3A_1290 {offsets = [0], sizes = [1], strides = [1]} : vector<16xi32> to vector<1xi32>
    %squeeze3A_1292 = vector.extract %slice3A_1291[0] : i32 from vector<1xi32>
    %ge3A_1293 = arith.constant 6 : i32
    %ge3A_1294 = arith.cmpi sge, %squeeze3A_1292, %ge3A_1293 : i32
    %select_n3A_1295 = arith.select %ge3A_1294, %shift_right_arithmetic3A_1288, %select_n3A_1282 : i32
    %add3A_1296 = arith.constant 1 : i32
    %add3A_1297 = arith.addi %shift_right_arithmetic3A_1288, %add3A_1296 : i32
    %select_n3A_1298 = arith.select %ge3A_1294, %select_n3A_1285, %add3A_1297 : i32
    %add3A_1299 = arith.addi %select_n3A_1298, %select_n3A_1295 : i32
    %shift_right_arithmetic3A_1300 = arith.constant 1 : i32
    %shift_right_arithmetic3A_1301 = arith.shrsi %add3A_1299, %shift_right_arithmetic3A_1300 : i32
    %get3A_1302 = arith.index_cast %shift_right_arithmetic3A_1301 : i32 to index
    %get3A_1303 = tpu.vector_load %arg10[%get3A_1302] {strides = array<i32>} : memref<10016xi32, #tpu.memory_space<vmem>>, vector<16xi32>,
    %slice3A_1304 = vector.extract_strided_slice %get3A_1303 {offsets = [0], sizes = [1], strides = [1]} : vector<16xi32> to vector<1xi32>
    %squeeze3A_1305 = vector.extract %slice3A_1304[0] : i32 from vector<1xi32>
    %ge3A_1306 = arith.constant 6 : i32
    %ge3A_1307 = arith.cmpi sge, %squeeze3A_1305, %ge3A_1306 : i32
    %select_n3A_1308 = arith.select %ge3A_1307, %shift_right_arithmetic3A_1301, %select_n3A_1295 : i32
    %add3A_1309 = arith.constant 1 : i32
    %add3A_1310 = arith.addi %shift_right_arithmetic3A_1301, %add3A_1309 : i32
    %select_n3A_1311 = arith.select %ge3A_1307, %select_n3A_1298, %add3A_1310 : i32
    %add3A_1312 = arith.addi %select_n3A_1311, %select_n3A_1308 : i32
    %shift_right_arithmetic3A_1313 = arith.constant 1 : i32
    %shift_right_arithmetic3A_1314 = arith.shrsi %add3A_1312, %shift_right_arithmetic3A_1313 : i32
    %get3A_1315 = arith.index_cast %shift_right_arithmetic3A_1314 : i32 to index
    %get3A_1316 = tpu.vector_load %arg10[%get3A_1315] {strides = array<i32>} : memref<10016xi32, #tpu.memory_space<vmem>>, vector<16xi32>,
    %slice3A_1317 = vector.extract_strided_slice %get3A_1316 {offsets = [0], sizes = [1], strides = [1]} : vector<16xi32> to vector<1xi32>
    %squeeze3A_1318 = vector.extract %slice3A_1317[0] : i32 from vector<1xi32>
    %ge3A_1319 = arith.constant 6 : i32
    %ge3A_1320 = arith.cmpi sge, %squeeze3A_1318, %ge3A_1319 : i32
    %select_n3A_1321 = arith.select %ge3A_1320, %shift_right_arithmetic3A_1314, %select_n3A_1308 : i32
    %add3A_1322 = arith.constant 1 : i32
    %add3A_1323 = arith.addi %shift_right_arithmetic3A_1314, %add3A_1322 : i32
    %select_n3A_1324 = arith.select %ge3A_1320, %select_n3A_1311, %add3A_1323 : i32
    %swap3A_1325 = arith.constant 5 : i32
    %swap3A_1326 = arith.index_cast %swap3A_1325 : i32 to index
    %swap3A_1327 = memref.load %arg11[%swap3A_1326] : memref<16xi32, #tpu.memory_space<smem>>
    memref.store %select_n3A_1129, %arg11[%swap3A_1326] : memref<16xi32, #tpu.memory_space<smem>>
    %swap3A_1328 = arith.constant 5 : i32
    %swap3A_1329 = arith.index_cast %swap3A_1328 : i32 to index
    %swap3A_1330 = memref.load %arg12[%swap3A_1329] : memref<16xi32, #tpu.memory_space<smem>>
    memref.store %select_n3A_1321, %arg12[%swap3A_1329] : memref<16xi32, #tpu.memory_space<smem>>
    %add3A_1331 = arith.constant 0 : i32
    %add3A_1332 = arith.constant 10000 : i32
    %add3A_1333 = arith.addi %add3A_1331, %add3A_1332 : i32
    %shift_right_arithmetic3A_1334 = arith.constant 1 : i32
    %shift_right_arithmetic3A_1335 = arith.shrsi %add3A_1333, %shift_right_arithmetic3A_1334 : i32
    %get3A_1336 = arith.index_cast %shift_right_arithmetic3A_1335 : i32 to index
    %get3A_1337 = tpu.vector_load %arg10[%get3A_1336] {strides = array<i32>} : memref<10016xi32, #tpu.memory_space<vmem>>, vector<16xi32>,
    %slice3A_1338 = vector.extract_strided_slice %get3A_1337 {offsets = [0], sizes = [1], strides = [1]} : vector<16xi32> to vector<1xi32>
    %squeeze3A_1339 = vector.extract %slice3A_1338[0] : i32 from vector<1xi32>
    %ge3A_1340 = arith.constant 7 : i32
    %ge3A_1341 = arith.cmpi sge, %squeeze3A_1339, %ge3A_1340 : i32
    %jit3A_1342 = arith.constant 10000 : i32
    %select_n3A_1343 = arith.select %ge3A_1341, %shift_right_arithmetic3A_1335, %jit3A_1342 : i32
    %add3A_1344 = arith.constant 1 : i32
    %add3A_1345 = arith.addi %shift_right_arithmetic3A_1335, %add3A_1344 : i32
    %jit3A_1346 = arith.constant 0 : i32
    %select_n3A_1347 = arith.select %ge3A_1341, %jit3A_1346, %add3A_1345 : i32
    %add3A_1348 = arith.addi %select_n3A_1347, %select_n3A_1343 : i32
    %shift_right_arithmetic3A_1349 = arith.constant 1 : i32
    %shift_right_arithmetic3A_1350 = arith.shrsi %add3A_1348, %shift_right_arithmetic3A_1349 : i32
    %get3A_1351 = arith.index_cast %shift_right_arithmetic3A_1350 : i32 to index
    %get3A_1352 = tpu.vector_load %arg10[%get3A_1351] {strides = array<i32>} : memref<10016xi32, #tpu.memory_space<vmem>>, vector<16xi32>,
    %slice3A_1353 = vector.extract_strided_slice %get3A_1352 {offsets = [0], sizes = [1], strides = [1]} : vector<16xi32> to vector<1xi32>
    %squeeze3A_1354 = vector.extract %slice3A_1353[0] : i32 from vector<1xi32>
    %ge3A_1355 = arith.constant 7 : i32
    %ge3A_1356 = arith.cmpi sge, %squeeze3A_1354, %ge3A_1355 : i32
    %select_n3A_1357 = arith.select %ge3A_1356, %shift_right_arithmetic3A_1350, %select_n3A_1343 : i32
    %add3A_1358 = arith.constant 1 : i32
    %add3A_1359 = arith.addi %shift_right_arithmetic3A_1350, %add3A_1358 : i32
    %select_n3A_1360 = arith.select %ge3A_1356, %select_n3A_1347, %add3A_1359 : i32
    %add3A_1361 = arith.addi %select_n3A_1360, %select_n3A_1357 : i32
    %shift_right_arithmetic3A_1362 = arith.constant 1 : i32
    %shift_right_arithmetic3A_1363 = arith.shrsi %add3A_1361, %shift_right_arithmetic3A_1362 : i32
    %get3A_1364 = arith.index_cast %shift_right_arithmetic3A_1363 : i32 to index
    %get3A_1365 = tpu.vector_load %arg10[%get3A_1364] {strides = array<i32>} : memref<10016xi32, #tpu.memory_space<vmem>>, vector<16xi32>,
    %slice3A_1366 = vector.extract_strided_slice %get3A_1365 {offsets = [0], sizes = [1], strides = [1]} : vector<16xi32> to vector<1xi32>
    %squeeze3A_1367 = vector.extract %slice3A_1366[0] : i32 from vector<1xi32>
    %ge3A_1368 = arith.constant 7 : i32
    %ge3A_1369 = arith.cmpi sge, %squeeze3A_1367, %ge3A_1368 : i32
    %select_n3A_1370 = arith.select %ge3A_1369, %shift_right_arithmetic3A_1363, %select_n3A_1357 : i32
    %add3A_1371 = arith.constant 1 : i32
    %add3A_1372 = arith.addi %shift_right_arithmetic3A_1363, %add3A_1371 : i32
    %select_n3A_1373 = arith.select %ge3A_1369, %select_n3A_1360, %add3A_1372 : i32
    %add3A_1374 = arith.addi %select_n3A_1373, %select_n3A_1370 : i32
    %shift_right_arithmetic3A_1375 = arith.constant 1 : i32
    %shift_right_arithmetic3A_1376 = arith.shrsi %add3A_1374, %shift_right_arithmetic3A_1375 : i32
    %get3A_1377 = arith.index_cast %shift_right_arithmetic3A_1376 : i32 to index
    %get3A_1378 = tpu.vector_load %arg10[%get3A_1377] {strides = array<i32>} : memref<10016xi32, #tpu.memory_space<vmem>>, vector<16xi32>,
    %slice3A_1379 = vector.extract_strided_slice %get3A_1378 {offsets = [0], sizes = [1], strides = [1]} : vector<16xi32> to vector<1xi32>
    %squeeze3A_1380 = vector.extract %slice3A_1379[0] : i32 from vector<1xi32>
    %ge3A_1381 = arith.constant 7 : i32
    %ge3A_1382 = arith.cmpi sge, %squeeze3A_1380, %ge3A_1381 : i32
    %select_n3A_1383 = arith.select %ge3A_1382, %shift_right_arithmetic3A_1376, %select_n3A_1370 : i32
    %add3A_1384 = arith.constant 1 : i32
    %add3A_1385 = arith.addi %shift_right_arithmetic3A_1376, %add3A_1384 : i32
    %select_n3A_1386 = arith.select %ge3A_1382, %select_n3A_1373, %add3A_1385 : i32
    %add3A_1387 = arith.addi %select_n3A_1386, %select_n3A_1383 : i32
    %shift_right_arithmetic3A_1388 = arith.constant 1 : i32
    %shift_right_arithmetic3A_1389 = arith.shrsi %add3A_1387, %shift_right_arithmetic3A_1388 : i32
    %get3A_1390 = arith.index_cast %shift_right_arithmetic3A_1389 : i32 to index
    %get3A_1391 = tpu.vector_load %arg10[%get3A_1390] {strides = array<i32>} : memref<10016xi32, #tpu.memory_space<vmem>>, vector<16xi32>,
    %slice3A_1392 = vector.extract_strided_slice %get3A_1391 {offsets = [0], sizes = [1], strides = [1]} : vector<16xi32> to vector<1xi32>
    %squeeze3A_1393 = vector.extract %slice3A_1392[0] : i32 from vector<1xi32>
    %ge3A_1394 = arith.constant 7 : i32
    %ge3A_1395 = arith.cmpi sge, %squeeze3A_1393, %ge3A_1394 : i32
    %select_n3A_1396 = arith.select %ge3A_1395, %shift_right_arithmetic3A_1389, %select_n3A_1383 : i32
    %add3A_1397 = arith.constant 1 : i32
    %add3A_1398 = arith.addi %shift_right_arithmetic3A_1389, %add3A_1397 : i32
    %select_n3A_1399 = arith.select %ge3A_1395, %select_n3A_1386, %add3A_1398 : i32
    %add3A_1400 = arith.addi %select_n3A_1399, %select_n3A_1396 : i32
    %shift_right_arithmetic3A_1401 = arith.constant 1 : i32
    %shift_right_arithmetic3A_1402 = arith.shrsi %add3A_1400, %shift_right_arithmetic3A_1401 : i32
    %get3A_1403 = arith.index_cast %shift_right_arithmetic3A_1402 : i32 to index
    %get3A_1404 = tpu.vector_load %arg10[%get3A_1403] {strides = array<i32>} : memref<10016xi32, #tpu.memory_space<vmem>>, vector<16xi32>,
    %slice3A_1405 = vector.extract_strided_slice %get3A_1404 {offsets = [0], sizes = [1], strides = [1]} : vector<16xi32> to vector<1xi32>
    %squeeze3A_1406 = vector.extract %slice3A_1405[0] : i32 from vector<1xi32>
    %ge3A_1407 = arith.constant 7 : i32
    %ge3A_1408 = arith.cmpi sge, %squeeze3A_1406, %ge3A_1407 : i32
    %select_n3A_1409 = arith.select %ge3A_1408, %shift_right_arithmetic3A_1402, %select_n3A_1396 : i32
    %add3A_1410 = arith.constant 1 : i32
    %add3A_1411 = arith.addi %shift_right_arithmetic3A_1402, %add3A_1410 : i32
    %select_n3A_1412 = arith.select %ge3A_1408, %select_n3A_1399, %add3A_1411 : i32
    %add3A_1413 = arith.addi %select_n3A_1412, %select_n3A_1409 : i32
    %shift_right_arithmetic3A_1414 = arith.constant 1 : i32
    %shift_right_arithmetic3A_1415 = arith.shrsi %add3A_1413, %shift_right_arithmetic3A_1414 : i32
    %get3A_1416 = arith.index_cast %shift_right_arithmetic3A_1415 : i32 to index
    %get3A_1417 = tpu.vector_load %arg10[%get3A_1416] {strides = array<i32>} : memref<10016xi32, #tpu.memory_space<vmem>>, vector<16xi32>,
    %slice3A_1418 = vector.extract_strided_slice %get3A_1417 {offsets = [0], sizes = [1], strides = [1]} : vector<16xi32> to vector<1xi32>
    %squeeze3A_1419 = vector.extract %slice3A_1418[0] : i32 from vector<1xi32>
    %ge3A_1420 = arith.constant 7 : i32
    %ge3A_1421 = arith.cmpi sge, %squeeze3A_1419, %ge3A_1420 : i32
    %select_n3A_1422 = arith.select %ge3A_1421, %shift_right_arithmetic3A_1415, %select_n3A_1409 : i32
    %add3A_1423 = arith.constant 1 : i32
    %add3A_1424 = arith.addi %shift_right_arithmetic3A_1415, %add3A_1423 : i32
    %select_n3A_1425 = arith.select %ge3A_1421, %select_n3A_1412, %add3A_1424 : i32
    %add3A_1426 = arith.addi %select_n3A_1425, %select_n3A_1422 : i32
    %shift_right_arithmetic3A_1427 = arith.constant 1 : i32
    %shift_right_arithmetic3A_1428 = arith.shrsi %add3A_1426, %shift_right_arithmetic3A_1427 : i32
    %get3A_1429 = arith.index_cast %shift_right_arithmetic3A_1428 : i32 to index
    %get3A_1430 = tpu.vector_load %arg10[%get3A_1429] {strides = array<i32>} : memref<10016xi32, #tpu.memory_space<vmem>>, vector<16xi32>,
    %slice3A_1431 = vector.extract_strided_slice %get3A_1430 {offsets = [0], sizes = [1], strides = [1]} : vector<16xi32> to vector<1xi32>
    %squeeze3A_1432 = vector.extract %slice3A_1431[0] : i32 from vector<1xi32>
    %ge3A_1433 = arith.constant 7 : i32
    %ge3A_1434 = arith.cmpi sge, %squeeze3A_1432, %ge3A_1433 : i32
    %select_n3A_1435 = arith.select %ge3A_1434, %shift_right_arithmetic3A_1428, %select_n3A_1422 : i32
    %add3A_1436 = arith.constant 1 : i32
    %add3A_1437 = arith.addi %shift_right_arithmetic3A_1428, %add3A_1436 : i32
    %select_n3A_1438 = arith.select %ge3A_1434, %select_n3A_1425, %add3A_1437 : i32
    %add3A_1439 = arith.addi %select_n3A_1438, %select_n3A_1435 : i32
    %shift_right_arithmetic3A_1440 = arith.constant 1 : i32
    %shift_right_arithmetic3A_1441 = arith.shrsi %add3A_1439, %shift_right_arithmetic3A_1440 : i32
    %get3A_1442 = arith.index_cast %shift_right_arithmetic3A_1441 : i32 to index
    %get3A_1443 = tpu.vector_load %arg10[%get3A_1442] {strides = array<i32>} : memref<10016xi32, #tpu.memory_space<vmem>>, vector<16xi32>,
    %slice3A_1444 = vector.extract_strided_slice %get3A_1443 {offsets = [0], sizes = [1], strides = [1]} : vector<16xi32> to vector<1xi32>
    %squeeze3A_1445 = vector.extract %slice3A_1444[0] : i32 from vector<1xi32>
    %ge3A_1446 = arith.constant 7 : i32
    %ge3A_1447 = arith.cmpi sge, %squeeze3A_1445, %ge3A_1446 : i32
    %select_n3A_1448 = arith.select %ge3A_1447, %shift_right_arithmetic3A_1441, %select_n3A_1435 : i32
    %add3A_1449 = arith.constant 1 : i32
    %add3A_1450 = arith.addi %shift_right_arithmetic3A_1441, %add3A_1449 : i32
    %select_n3A_1451 = arith.select %ge3A_1447, %select_n3A_1438, %add3A_1450 : i32
    %add3A_1452 = arith.addi %select_n3A_1451, %select_n3A_1448 : i32
    %shift_right_arithmetic3A_1453 = arith.constant 1 : i32
    %shift_right_arithmetic3A_1454 = arith.shrsi %add3A_1452, %shift_right_arithmetic3A_1453 : i32
    %get3A_1455 = arith.index_cast %shift_right_arithmetic3A_1454 : i32 to index
    %get3A_1456 = tpu.vector_load %arg10[%get3A_1455] {strides = array<i32>} : memref<10016xi32, #tpu.memory_space<vmem>>, vector<16xi32>,
    %slice3A_1457 = vector.extract_strided_slice %get3A_1456 {offsets = [0], sizes = [1], strides = [1]} : vector<16xi32> to vector<1xi32>
    %squeeze3A_1458 = vector.extract %slice3A_1457[0] : i32 from vector<1xi32>
    %ge3A_1459 = arith.constant 7 : i32
    %ge3A_1460 = arith.cmpi sge, %squeeze3A_1458, %ge3A_1459 : i32
    %select_n3A_1461 = arith.select %ge3A_1460, %shift_right_arithmetic3A_1454, %select_n3A_1448 : i32
    %add3A_1462 = arith.constant 1 : i32
    %add3A_1463 = arith.addi %shift_right_arithmetic3A_1454, %add3A_1462 : i32
    %select_n3A_1464 = arith.select %ge3A_1460, %select_n3A_1451, %add3A_1463 : i32
    %add3A_1465 = arith.addi %select_n3A_1464, %select_n3A_1461 : i32
    %shift_right_arithmetic3A_1466 = arith.constant 1 : i32
    %shift_right_arithmetic3A_1467 = arith.shrsi %add3A_1465, %shift_right_arithmetic3A_1466 : i32
    %get3A_1468 = arith.index_cast %shift_right_arithmetic3A_1467 : i32 to index
    %get3A_1469 = tpu.vector_load %arg10[%get3A_1468] {strides = array<i32>} : memref<10016xi32, #tpu.memory_space<vmem>>, vector<16xi32>,
    %slice3A_1470 = vector.extract_strided_slice %get3A_1469 {offsets = [0], sizes = [1], strides = [1]} : vector<16xi32> to vector<1xi32>
    %squeeze3A_1471 = vector.extract %slice3A_1470[0] : i32 from vector<1xi32>
    %ge3A_1472 = arith.constant 7 : i32
    %ge3A_1473 = arith.cmpi sge, %squeeze3A_1471, %ge3A_1472 : i32
    %select_n3A_1474 = arith.select %ge3A_1473, %shift_right_arithmetic3A_1467, %select_n3A_1461 : i32
    %add3A_1475 = arith.constant 1 : i32
    %add3A_1476 = arith.addi %shift_right_arithmetic3A_1467, %add3A_1475 : i32
    %select_n3A_1477 = arith.select %ge3A_1473, %select_n3A_1464, %add3A_1476 : i32
    %add3A_1478 = arith.addi %select_n3A_1477, %select_n3A_1474 : i32
    %shift_right_arithmetic3A_1479 = arith.constant 1 : i32
    %shift_right_arithmetic3A_1480 = arith.shrsi %add3A_1478, %shift_right_arithmetic3A_1479 : i32
    %get3A_1481 = arith.index_cast %shift_right_arithmetic3A_1480 : i32 to index
    %get3A_1482 = tpu.vector_load %arg10[%get3A_1481] {strides = array<i32>} : memref<10016xi32, #tpu.memory_space<vmem>>, vector<16xi32>,
    %slice3A_1483 = vector.extract_strided_slice %get3A_1482 {offsets = [0], sizes = [1], strides = [1]} : vector<16xi32> to vector<1xi32>
    %squeeze3A_1484 = vector.extract %slice3A_1483[0] : i32 from vector<1xi32>
    %ge3A_1485 = arith.constant 7 : i32
    %ge3A_1486 = arith.cmpi sge, %squeeze3A_1484, %ge3A_1485 : i32
    %select_n3A_1487 = arith.select %ge3A_1486, %shift_right_arithmetic3A_1480, %select_n3A_1474 : i32
    %add3A_1488 = arith.constant 1 : i32
    %add3A_1489 = arith.addi %shift_right_arithmetic3A_1480, %add3A_1488 : i32
    %select_n3A_1490 = arith.select %ge3A_1486, %select_n3A_1477, %add3A_1489 : i32
    %add3A_1491 = arith.addi %select_n3A_1490, %select_n3A_1487 : i32
    %shift_right_arithmetic3A_1492 = arith.constant 1 : i32
    %shift_right_arithmetic3A_1493 = arith.shrsi %add3A_1491, %shift_right_arithmetic3A_1492 : i32
    %get3A_1494 = arith.index_cast %shift_right_arithmetic3A_1493 : i32 to index
    %get3A_1495 = tpu.vector_load %arg10[%get3A_1494] {strides = array<i32>} : memref<10016xi32, #tpu.memory_space<vmem>>, vector<16xi32>,
    %slice3A_1496 = vector.extract_strided_slice %get3A_1495 {offsets = [0], sizes = [1], strides = [1]} : vector<16xi32> to vector<1xi32>
    %squeeze3A_1497 = vector.extract %slice3A_1496[0] : i32 from vector<1xi32>
    %ge3A_1498 = arith.constant 7 : i32
    %ge3A_1499 = arith.cmpi sge, %squeeze3A_1497, %ge3A_1498 : i32
    %select_n3A_1500 = arith.select %ge3A_1499, %shift_right_arithmetic3A_1493, %select_n3A_1487 : i32
    %add3A_1501 = arith.constant 1 : i32
    %add3A_1502 = arith.addi %shift_right_arithmetic3A_1493, %add3A_1501 : i32
    %select_n3A_1503 = arith.select %ge3A_1499, %select_n3A_1490, %add3A_1502 : i32
    %add3A_1504 = arith.addi %select_n3A_1503, %select_n3A_1500 : i32
    %shift_right_arithmetic3A_1505 = arith.constant 1 : i32
    %shift_right_arithmetic3A_1506 = arith.shrsi %add3A_1504, %shift_right_arithmetic3A_1505 : i32
    %get3A_1507 = arith.index_cast %shift_right_arithmetic3A_1506 : i32 to index
    %get3A_1508 = tpu.vector_load %arg10[%get3A_1507] {strides = array<i32>} : memref<10016xi32, #tpu.memory_space<vmem>>, vector<16xi32>,
    %slice3A_1509 = vector.extract_strided_slice %get3A_1508 {offsets = [0], sizes = [1], strides = [1]} : vector<16xi32> to vector<1xi32>
    %squeeze3A_1510 = vector.extract %slice3A_1509[0] : i32 from vector<1xi32>
    %ge3A_1511 = arith.constant 7 : i32
    %ge3A_1512 = arith.cmpi sge, %squeeze3A_1510, %ge3A_1511 : i32
    %select_n3A_1513 = arith.select %ge3A_1512, %shift_right_arithmetic3A_1506, %select_n3A_1500 : i32
    %add3A_1514 = arith.constant 1 : i32
    %add3A_1515 = arith.addi %shift_right_arithmetic3A_1506, %add3A_1514 : i32
    %select_n3A_1516 = arith.select %ge3A_1512, %select_n3A_1503, %add3A_1515 : i32
    %swap3A_1517 = arith.constant 6 : i32
    %swap3A_1518 = arith.index_cast %swap3A_1517 : i32 to index
    %swap3A_1519 = memref.load %arg11[%swap3A_1518] : memref<16xi32, #tpu.memory_space<smem>>
    memref.store %select_n3A_1321, %arg11[%swap3A_1518] : memref<16xi32, #tpu.memory_space<smem>>
    %swap3A_1520 = arith.constant 6 : i32
    %swap3A_1521 = arith.index_cast %swap3A_1520 : i32 to index
    %swap3A_1522 = memref.load %arg12[%swap3A_1521] : memref<16xi32, #tpu.memory_space<smem>>
    memref.store %select_n3A_1513, %arg12[%swap3A_1521] : memref<16xi32, #tpu.memory_space<smem>>
    %add3A_1523 = arith.constant 0 : i32
    %add3A_1524 = arith.constant 10000 : i32
    %add3A_1525 = arith.addi %add3A_1523, %add3A_1524 : i32
    %shift_right_arithmetic3A_1526 = arith.constant 1 : i32
    %shift_right_arithmetic3A_1527 = arith.shrsi %add3A_1525, %shift_right_arithmetic3A_1526 : i32
    %get3A_1528 = arith.index_cast %shift_right_arithmetic3A_1527 : i32 to index
    %get3A_1529 = tpu.vector_load %arg10[%get3A_1528] {strides = array<i32>} : memref<10016xi32, #tpu.memory_space<vmem>>, vector<16xi32>,
    %slice3A_1530 = vector.extract_strided_slice %get3A_1529 {offsets = [0], sizes = [1], strides = [1]} : vector<16xi32> to vector<1xi32>
    %squeeze3A_1531 = vector.extract %slice3A_1530[0] : i32 from vector<1xi32>
    %ge3A_1532 = arith.constant 8 : i32
    %ge3A_1533 = arith.cmpi sge, %squeeze3A_1531, %ge3A_1532 : i32
    %jit3A_1534 = arith.constant 10000 : i32
    %select_n3A_1535 = arith.select %ge3A_1533, %shift_right_arithmetic3A_1527, %jit3A_1534 : i32
    %add3A_1536 = arith.constant 1 : i32
    %add3A_1537 = arith.addi %shift_right_arithmetic3A_1527, %add3A_1536 : i32
    %jit3A_1538 = arith.constant 0 : i32
    %select_n3A_1539 = arith.select %ge3A_1533, %jit3A_1538, %add3A_1537 : i32
    %add3A_1540 = arith.addi %select_n3A_1539, %select_n3A_1535 : i32
    %shift_right_arithmetic3A_1541 = arith.constant 1 : i32
    %shift_right_arithmetic3A_1542 = arith.shrsi %add3A_1540, %shift_right_arithmetic3A_1541 : i32
    %get3A_1543 = arith.index_cast %shift_right_arithmetic3A_1542 : i32 to index
    %get3A_1544 = tpu.vector_load %arg10[%get3A_1543] {strides = array<i32>} : memref<10016xi32, #tpu.memory_space<vmem>>, vector<16xi32>,
    %slice3A_1545 = vector.extract_strided_slice %get3A_1544 {offsets = [0], sizes = [1], strides = [1]} : vector<16xi32> to vector<1xi32>
    %squeeze3A_1546 = vector.extract %slice3A_1545[0] : i32 from vector<1xi32>
    %ge3A_1547 = arith.constant 8 : i32
    %ge3A_1548 = arith.cmpi sge, %squeeze3A_1546, %ge3A_1547 : i32
    %select_n3A_1549 = arith.select %ge3A_1548, %shift_right_arithmetic3A_1542, %select_n3A_1535 : i32
    %add3A_1550 = arith.constant 1 : i32
    %add3A_1551 = arith.addi %shift_right_arithmetic3A_1542, %add3A_1550 : i32
    %select_n3A_1552 = arith.select %ge3A_1548, %select_n3A_1539, %add3A_1551 : i32
    %add3A_1553 = arith.addi %select_n3A_1552, %select_n3A_1549 : i32
    %shift_right_arithmetic3A_1554 = arith.constant 1 : i32
    %shift_right_arithmetic3A_1555 = arith.shrsi %add3A_1553, %shift_right_arithmetic3A_1554 : i32
    %get3A_1556 = arith.index_cast %shift_right_arithmetic3A_1555 : i32 to index
    %get3A_1557 = tpu.vector_load %arg10[%get3A_1556] {strides = array<i32>} : memref<10016xi32, #tpu.memory_space<vmem>>, vector<16xi32>,
    %slice3A_1558 = vector.extract_strided_slice %get3A_1557 {offsets = [0], sizes = [1], strides = [1]} : vector<16xi32> to vector<1xi32>
    %squeeze3A_1559 = vector.extract %slice3A_1558[0] : i32 from vector<1xi32>
    %ge3A_1560 = arith.constant 8 : i32
    %ge3A_1561 = arith.cmpi sge, %squeeze3A_1559, %ge3A_1560 : i32
    %select_n3A_1562 = arith.select %ge3A_1561, %shift_right_arithmetic3A_1555, %select_n3A_1549 : i32
    %add3A_1563 = arith.constant 1 : i32
    %add3A_1564 = arith.addi %shift_right_arithmetic3A_1555, %add3A_1563 : i32
    %select_n3A_1565 = arith.select %ge3A_1561, %select_n3A_1552, %add3A_1564 : i32
    %add3A_1566 = arith.addi %select_n3A_1565, %select_n3A_1562 : i32
    %shift_right_arithmetic3A_1567 = arith.constant 1 : i32
    %shift_right_arithmetic3A_1568 = arith.shrsi %add3A_1566, %shift_right_arithmetic3A_1567 : i32
    %get3A_1569 = arith.index_cast %shift_right_arithmetic3A_1568 : i32 to index
    %get3A_1570 = tpu.vector_load %arg10[%get3A_1569] {strides = array<i32>} : memref<10016xi32, #tpu.memory_space<vmem>>, vector<16xi32>,
    %slice3A_1571 = vector.extract_strided_slice %get3A_1570 {offsets = [0], sizes = [1], strides = [1]} : vector<16xi32> to vector<1xi32>
    %squeeze3A_1572 = vector.extract %slice3A_1571[0] : i32 from vector<1xi32>
    %ge3A_1573 = arith.constant 8 : i32
    %ge3A_1574 = arith.cmpi sge, %squeeze3A_1572, %ge3A_1573 : i32
    %select_n3A_1575 = arith.select %ge3A_1574, %shift_right_arithmetic3A_1568, %select_n3A_1562 : i32
    %add3A_1576 = arith.constant 1 : i32
    %add3A_1577 = arith.addi %shift_right_arithmetic3A_1568, %add3A_1576 : i32
    %select_n3A_1578 = arith.select %ge3A_1574, %select_n3A_1565, %add3A_1577 : i32
    %add3A_1579 = arith.addi %select_n3A_1578, %select_n3A_1575 : i32
    %shift_right_arithmetic3A_1580 = arith.constant 1 : i32
    %shift_right_arithmetic3A_1581 = arith.shrsi %add3A_1579, %shift_right_arithmetic3A_1580 : i32
    %get3A_1582 = arith.index_cast %shift_right_arithmetic3A_1581 : i32 to index
    %get3A_1583 = tpu.vector_load %arg10[%get3A_1582] {strides = array<i32>} : memref<10016xi32, #tpu.memory_space<vmem>>, vector<16xi32>,
    %slice3A_1584 = vector.extract_strided_slice %get3A_1583 {offsets = [0], sizes = [1], strides = [1]} : vector<16xi32> to vector<1xi32>
    %squeeze3A_1585 = vector.extract %slice3A_1584[0] : i32 from vector<1xi32>
    %ge3A_1586 = arith.constant 8 : i32
    %ge3A_1587 = arith.cmpi sge, %squeeze3A_1585, %ge3A_1586 : i32
    %select_n3A_1588 = arith.select %ge3A_1587, %shift_right_arithmetic3A_1581, %select_n3A_1575 : i32
    %add3A_1589 = arith.constant 1 : i32
    %add3A_1590 = arith.addi %shift_right_arithmetic3A_1581, %add3A_1589 : i32
    %select_n3A_1591 = arith.select %ge3A_1587, %select_n3A_1578, %add3A_1590 : i32
    %add3A_1592 = arith.addi %select_n3A_1591, %select_n3A_1588 : i32
    %shift_right_arithmetic3A_1593 = arith.constant 1 : i32
    %shift_right_arithmetic3A_1594 = arith.shrsi %add3A_1592, %shift_right_arithmetic3A_1593 : i32
    %get3A_1595 = arith.index_cast %shift_right_arithmetic3A_1594 : i32 to index
    %get3A_1596 = tpu.vector_load %arg10[%get3A_1595] {strides = array<i32>} : memref<10016xi32, #tpu.memory_space<vmem>>, vector<16xi32>,
    %slice3A_1597 = vector.extract_strided_slice %get3A_1596 {offsets = [0], sizes = [1], strides = [1]} : vector<16xi32> to vector<1xi32>
    %squeeze3A_1598 = vector.extract %slice3A_1597[0] : i32 from vector<1xi32>
    %ge3A_1599 = arith.constant 8 : i32
    %ge3A_1600 = arith.cmpi sge, %squeeze3A_1598, %ge3A_1599 : i32
    %select_n3A_1601 = arith.select %ge3A_1600, %shift_right_arithmetic3A_1594, %select_n3A_1588 : i32
    %add3A_1602 = arith.constant 1 : i32
    %add3A_1603 = arith.addi %shift_right_arithmetic3A_1594, %add3A_1602 : i32
    %select_n3A_1604 = arith.select %ge3A_1600, %select_n3A_1591, %add3A_1603 : i32
    %add3A_1605 = arith.addi %select_n3A_1604, %select_n3A_1601 : i32
    %shift_right_arithmetic3A_1606 = arith.constant 1 : i32
    %shift_right_arithmetic3A_1607 = arith.shrsi %add3A_1605, %shift_right_arithmetic3A_1606 : i32
    %get3A_1608 = arith.index_cast %shift_right_arithmetic3A_1607 : i32 to index
    %get3A_1609 = tpu.vector_load %arg10[%get3A_1608] {strides = array<i32>} : memref<10016xi32, #tpu.memory_space<vmem>>, vector<16xi32>,
    %slice3A_1610 = vector.extract_strided_slice %get3A_1609 {offsets = [0], sizes = [1], strides = [1]} : vector<16xi32> to vector<1xi32>
    %squeeze3A_1611 = vector.extract %slice3A_1610[0] : i32 from vector<1xi32>
    %ge3A_1612 = arith.constant 8 : i32
    %ge3A_1613 = arith.cmpi sge, %squeeze3A_1611, %ge3A_1612 : i32
    %select_n3A_1614 = arith.select %ge3A_1613, %shift_right_arithmetic3A_1607, %select_n3A_1601 : i32
    %add3A_1615 = arith.constant 1 : i32
    %add3A_1616 = arith.addi %shift_right_arithmetic3A_1607, %add3A_1615 : i32
    %select_n3A_1617 = arith.select %ge3A_1613, %select_n3A_1604, %add3A_1616 : i32
    %add3A_1618 = arith.addi %select_n3A_1617, %select_n3A_1614 : i32
    %shift_right_arithmetic3A_1619 = arith.constant 1 : i32
    %shift_right_arithmetic3A_1620 = arith.shrsi %add3A_1618, %shift_right_arithmetic3A_1619 : i32
    %get3A_1621 = arith.index_cast %shift_right_arithmetic3A_1620 : i32 to index
    %get3A_1622 = tpu.vector_load %arg10[%get3A_1621] {strides = array<i32>} : memref<10016xi32, #tpu.memory_space<vmem>>, vector<16xi32>,
    %slice3A_1623 = vector.extract_strided_slice %get3A_1622 {offsets = [0], sizes = [1], strides = [1]} : vector<16xi32> to vector<1xi32>
    %squeeze3A_1624 = vector.extract %slice3A_1623[0] : i32 from vector<1xi32>
    %ge3A_1625 = arith.constant 8 : i32
    %ge3A_1626 = arith.cmpi sge, %squeeze3A_1624, %ge3A_1625 : i32
    %select_n3A_1627 = arith.select %ge3A_1626, %shift_right_arithmetic3A_1620, %select_n3A_1614 : i32
    %add3A_1628 = arith.constant 1 : i32
    %add3A_1629 = arith.addi %shift_right_arithmetic3A_1620, %add3A_1628 : i32
    %select_n3A_1630 = arith.select %ge3A_1626, %select_n3A_1617, %add3A_1629 : i32
    %add3A_1631 = arith.addi %select_n3A_1630, %select_n3A_1627 : i32
    %shift_right_arithmetic3A_1632 = arith.constant 1 : i32
    %shift_right_arithmetic3A_1633 = arith.shrsi %add3A_1631, %shift_right_arithmetic3A_1632 : i32
    %get3A_1634 = arith.index_cast %shift_right_arithmetic3A_1633 : i32 to index
    %get3A_1635 = tpu.vector_load %arg10[%get3A_1634] {strides = array<i32>} : memref<10016xi32, #tpu.memory_space<vmem>>, vector<16xi32>,
    %slice3A_1636 = vector.extract_strided_slice %get3A_1635 {offsets = [0], sizes = [1], strides = [1]} : vector<16xi32> to vector<1xi32>
    %squeeze3A_1637 = vector.extract %slice3A_1636[0] : i32 from vector<1xi32>
    %ge3A_1638 = arith.constant 8 : i32
    %ge3A_1639 = arith.cmpi sge, %squeeze3A_1637, %ge3A_1638 : i32
    %select_n3A_1640 = arith.select %ge3A_1639, %shift_right_arithmetic3A_1633, %select_n3A_1627 : i32
    %add3A_1641 = arith.constant 1 : i32
    %add3A_1642 = arith.addi %shift_right_arithmetic3A_1633, %add3A_1641 : i32
    %select_n3A_1643 = arith.select %ge3A_1639, %select_n3A_1630, %add3A_1642 : i32
    %add3A_1644 = arith.addi %select_n3A_1643, %select_n3A_1640 : i32
    %shift_right_arithmetic3A_1645 = arith.constant 1 : i32
    %shift_right_arithmetic3A_1646 = arith.shrsi %add3A_1644, %shift_right_arithmetic3A_1645 : i32
    %get3A_1647 = arith.index_cast %shift_right_arithmetic3A_1646 : i32 to index
    %get3A_1648 = tpu.vector_load %arg10[%get3A_1647] {strides = array<i32>} : memref<10016xi32, #tpu.memory_space<vmem>>, vector<16xi32>,
    %slice3A_1649 = vector.extract_strided_slice %get3A_1648 {offsets = [0], sizes = [1], strides = [1]} : vector<16xi32> to vector<1xi32>
    %squeeze3A_1650 = vector.extract %slice3A_1649[0] : i32 from vector<1xi32>
    %ge3A_1651 = arith.constant 8 : i32
    %ge3A_1652 = arith.cmpi sge, %squeeze3A_1650, %ge3A_1651 : i32
    %select_n3A_1653 = arith.select %ge3A_1652, %shift_right_arithmetic3A_1646, %select_n3A_1640 : i32
    %add3A_1654 = arith.constant 1 : i32
    %add3A_1655 = arith.addi %shift_right_arithmetic3A_1646, %add3A_1654 : i32
    %select_n3A_1656 = arith.select %ge3A_1652, %select_n3A_1643, %add3A_1655 : i32
    %add3A_1657 = arith.addi %select_n3A_1656, %select_n3A_1653 : i32
    %shift_right_arithmetic3A_1658 = arith.constant 1 : i32
    %shift_right_arithmetic3A_1659 = arith.shrsi %add3A_1657, %shift_right_arithmetic3A_1658 : i32
    %get3A_1660 = arith.index_cast %shift_right_arithmetic3A_1659 : i32 to index
    %get3A_1661 = tpu.vector_load %arg10[%get3A_1660] {strides = array<i32>} : memref<10016xi32, #tpu.memory_space<vmem>>, vector<16xi32>,
    %slice3A_1662 = vector.extract_strided_slice %get3A_1661 {offsets = [0], sizes = [1], strides = [1]} : vector<16xi32> to vector<1xi32>
    %squeeze3A_1663 = vector.extract %slice3A_1662[0] : i32 from vector<1xi32>
    %ge3A_1664 = arith.constant 8 : i32
    %ge3A_1665 = arith.cmpi sge, %squeeze3A_1663, %ge3A_1664 : i32
    %select_n3A_1666 = arith.select %ge3A_1665, %shift_right_arithmetic3A_1659, %select_n3A_1653 : i32
    %add3A_1667 = arith.constant 1 : i32
    %add3A_1668 = arith.addi %shift_right_arithmetic3A_1659, %add3A_1667 : i32
    %select_n3A_1669 = arith.select %ge3A_1665, %select_n3A_1656, %add3A_1668 : i32
    %add3A_1670 = arith.addi %select_n3A_1669, %select_n3A_1666 : i32
    %shift_right_arithmetic3A_1671 = arith.constant 1 : i32
    %shift_right_arithmetic3A_1672 = arith.shrsi %add3A_1670, %shift_right_arithmetic3A_1671 : i32
    %get3A_1673 = arith.index_cast %shift_right_arithmetic3A_1672 : i32 to index
    %get3A_1674 = tpu.vector_load %arg10[%get3A_1673] {strides = array<i32>} : memref<10016xi32, #tpu.memory_space<vmem>>, vector<16xi32>,
    %slice3A_1675 = vector.extract_strided_slice %get3A_1674 {offsets = [0], sizes = [1], strides = [1]} : vector<16xi32> to vector<1xi32>
    %squeeze3A_1676 = vector.extract %slice3A_1675[0] : i32 from vector<1xi32>
    %ge3A_1677 = arith.constant 8 : i32
    %ge3A_1678 = arith.cmpi sge, %squeeze3A_1676, %ge3A_1677 : i32
    %select_n3A_1679 = arith.select %ge3A_1678, %shift_right_arithmetic3A_1672, %select_n3A_1666 : i32
    %add3A_1680 = arith.constant 1 : i32
    %add3A_1681 = arith.addi %shift_right_arithmetic3A_1672, %add3A_1680 : i32
    %select_n3A_1682 = arith.select %ge3A_1678, %select_n3A_1669, %add3A_1681 : i32
    %add3A_1683 = arith.addi %select_n3A_1682, %select_n3A_1679 : i32
    %shift_right_arithmetic3A_1684 = arith.constant 1 : i32
    %shift_right_arithmetic3A_1685 = arith.shrsi %add3A_1683, %shift_right_arithmetic3A_1684 : i32
    %get3A_1686 = arith.index_cast %shift_right_arithmetic3A_1685 : i32 to index
    %get3A_1687 = tpu.vector_load %arg10[%get3A_1686] {strides = array<i32>} : memref<10016xi32, #tpu.memory_space<vmem>>, vector<16xi32>,
    %slice3A_1688 = vector.extract_strided_slice %get3A_1687 {offsets = [0], sizes = [1], strides = [1]} : vector<16xi32> to vector<1xi32>
    %squeeze3A_1689 = vector.extract %slice3A_1688[0] : i32 from vector<1xi32>
    %ge3A_1690 = arith.constant 8 : i32
    %ge3A_1691 = arith.cmpi sge, %squeeze3A_1689, %ge3A_1690 : i32
    %select_n3A_1692 = arith.select %ge3A_1691, %shift_right_arithmetic3A_1685, %select_n3A_1679 : i32
    %add3A_1693 = arith.constant 1 : i32
    %add3A_1694 = arith.addi %shift_right_arithmetic3A_1685, %add3A_1693 : i32
    %select_n3A_1695 = arith.select %ge3A_1691, %select_n3A_1682, %add3A_1694 : i32
    %add3A_1696 = arith.addi %select_n3A_1695, %select_n3A_1692 : i32
    %shift_right_arithmetic3A_1697 = arith.constant 1 : i32
    %shift_right_arithmetic3A_1698 = arith.shrsi %add3A_1696, %shift_right_arithmetic3A_1697 : i32
    %get3A_1699 = arith.index_cast %shift_right_arithmetic3A_1698 : i32 to index
    %get3A_1700 = tpu.vector_load %arg10[%get3A_1699] {strides = array<i32>} : memref<10016xi32, #tpu.memory_space<vmem>>, vector<16xi32>,
    %slice3A_1701 = vector.extract_strided_slice %get3A_1700 {offsets = [0], sizes = [1], strides = [1]} : vector<16xi32> to vector<1xi32>
    %squeeze3A_1702 = vector.extract %slice3A_1701[0] : i32 from vector<1xi32>
    %ge3A_1703 = arith.constant 8 : i32
    %ge3A_1704 = arith.cmpi sge, %squeeze3A_1702, %ge3A_1703 : i32
    %select_n3A_1705 = arith.select %ge3A_1704, %shift_right_arithmetic3A_1698, %select_n3A_1692 : i32
    %add3A_1706 = arith.constant 1 : i32
    %add3A_1707 = arith.addi %shift_right_arithmetic3A_1698, %add3A_1706 : i32
    %select_n3A_1708 = arith.select %ge3A_1704, %select_n3A_1695, %add3A_1707 : i32
    %swap3A_1709 = arith.constant 7 : i32
    %swap3A_1710 = arith.index_cast %swap3A_1709 : i32 to index
    %swap3A_1711 = memref.load %arg11[%swap3A_1710] : memref<16xi32, #tpu.memory_space<smem>>
    memref.store %select_n3A_1513, %arg11[%swap3A_1710] : memref<16xi32, #tpu.memory_space<smem>>
    %swap3A_1712 = arith.constant 7 : i32
    %swap3A_1713 = arith.index_cast %swap3A_1712 : i32 to index
    %swap3A_1714 = memref.load %arg12[%swap3A_1713] : memref<16xi32, #tpu.memory_space<smem>>
    memref.store %select_n3A_1705, %arg12[%swap3A_1713] : memref<16xi32, #tpu.memory_space<smem>>
    %add3A_1715 = arith.constant 0 : i32
    %add3A_1716 = arith.constant 10000 : i32
    %add3A_1717 = arith.addi %add3A_1715, %add3A_1716 : i32
    %shift_right_arithmetic3A_1718 = arith.constant 1 : i32
    %shift_right_arithmetic3A_1719 = arith.shrsi %add3A_1717, %shift_right_arithmetic3A_1718 : i32
    %get3A_1720 = arith.index_cast %shift_right_arithmetic3A_1719 : i32 to index
    %get3A_1721 = tpu.vector_load %arg10[%get3A_1720] {strides = array<i32>} : memref<10016xi32, #tpu.memory_space<vmem>>, vector<16xi32>,
    %slice3A_1722 = vector.extract_strided_slice %get3A_1721 {offsets = [0], sizes = [1], strides = [1]} : vector<16xi32> to vector<1xi32>
    %squeeze3A_1723 = vector.extract %slice3A_1722[0] : i32 from vector<1xi32>
    %ge3A_1724 = arith.constant 9 : i32
    %ge3A_1725 = arith.cmpi sge, %squeeze3A_1723, %ge3A_1724 : i32
    %jit3A_1726 = arith.constant 10000 : i32
    %select_n3A_1727 = arith.select %ge3A_1725, %shift_right_arithmetic3A_1719, %jit3A_1726 : i32
    %add3A_1728 = arith.constant 1 : i32
    %add3A_1729 = arith.addi %shift_right_arithmetic3A_1719, %add3A_1728 : i32
    %jit3A_1730 = arith.constant 0 : i32
    %select_n3A_1731 = arith.select %ge3A_1725, %jit3A_1730, %add3A_1729 : i32
    %add3A_1732 = arith.addi %select_n3A_1731, %select_n3A_1727 : i32
    %shift_right_arithmetic3A_1733 = arith.constant 1 : i32
    %shift_right_arithmetic3A_1734 = arith.shrsi %add3A_1732, %shift_right_arithmetic3A_1733 : i32
    %get3A_1735 = arith.index_cast %shift_right_arithmetic3A_1734 : i32 to index
    %get3A_1736 = tpu.vector_load %arg10[%get3A_1735] {strides = array<i32>} : memref<10016xi32, #tpu.memory_space<vmem>>, vector<16xi32>,
    %slice3A_1737 = vector.extract_strided_slice %get3A_1736 {offsets = [0], sizes = [1], strides = [1]} : vector<16xi32> to vector<1xi32>
    %squeeze3A_1738 = vector.extract %slice3A_1737[0] : i32 from vector<1xi32>
    %ge3A_1739 = arith.constant 9 : i32
    %ge3A_1740 = arith.cmpi sge, %squeeze3A_1738, %ge3A_1739 : i32
    %select_n3A_1741 = arith.select %ge3A_1740, %shift_right_arithmetic3A_1734, %select_n3A_1727 : i32
    %add3A_1742 = arith.constant 1 : i32
    %add3A_1743 = arith.addi %shift_right_arithmetic3A_1734, %add3A_1742 : i32
    %select_n3A_1744 = arith.select %ge3A_1740, %select_n3A_1731, %add3A_1743 : i32
    %add3A_1745 = arith.addi %select_n3A_1744, %select_n3A_1741 : i32
    %shift_right_arithmetic3A_1746 = arith.constant 1 : i32
    %shift_right_arithmetic3A_1747 = arith.shrsi %add3A_1745, %shift_right_arithmetic3A_1746 : i32
    %get3A_1748 = arith.index_cast %shift_right_arithmetic3A_1747 : i32 to index
    %get3A_1749 = tpu.vector_load %arg10[%get3A_1748] {strides = array<i32>} : memref<10016xi32, #tpu.memory_space<vmem>>, vector<16xi32>,
    %slice3A_1750 = vector.extract_strided_slice %get3A_1749 {offsets = [0], sizes = [1], strides = [1]} : vector<16xi32> to vector<1xi32>
    %squeeze3A_1751 = vector.extract %slice3A_1750[0] : i32 from vector<1xi32>
    %ge3A_1752 = arith.constant 9 : i32
    %ge3A_1753 = arith.cmpi sge, %squeeze3A_1751, %ge3A_1752 : i32
    %select_n3A_1754 = arith.select %ge3A_1753, %shift_right_arithmetic3A_1747, %select_n3A_1741 : i32
    %add3A_1755 = arith.constant 1 : i32
    %add3A_1756 = arith.addi %shift_right_arithmetic3A_1747, %add3A_1755 : i32
    %select_n3A_1757 = arith.select %ge3A_1753, %select_n3A_1744, %add3A_1756 : i32
    %add3A_1758 = arith.addi %select_n3A_1757, %select_n3A_1754 : i32
    %shift_right_arithmetic3A_1759 = arith.constant 1 : i32
    %shift_right_arithmetic3A_1760 = arith.shrsi %add3A_1758, %shift_right_arithmetic3A_1759 : i32
    %get3A_1761 = arith.index_cast %shift_right_arithmetic3A_1760 : i32 to index
    %get3A_1762 = tpu.vector_load %arg10[%get3A_1761] {strides = array<i32>} : memref<10016xi32, #tpu.memory_space<vmem>>, vector<16xi32>,
    %slice3A_1763 = vector.extract_strided_slice %get3A_1762 {offsets = [0], sizes = [1], strides = [1]} : vector<16xi32> to vector<1xi32>
    %squeeze3A_1764 = vector.extract %slice3A_1763[0] : i32 from vector<1xi32>
    %ge3A_1765 = arith.constant 9 : i32
    %ge3A_1766 = arith.cmpi sge, %squeeze3A_1764, %ge3A_1765 : i32
    %select_n3A_1767 = arith.select %ge3A_1766, %shift_right_arithmetic3A_1760, %select_n3A_1754 : i32
    %add3A_1768 = arith.constant 1 : i32
    %add3A_1769 = arith.addi %shift_right_arithmetic3A_1760, %add3A_1768 : i32
    %select_n3A_1770 = arith.select %ge3A_1766, %select_n3A_1757, %add3A_1769 : i32
    %add3A_1771 = arith.addi %select_n3A_1770, %select_n3A_1767 : i32
    %shift_right_arithmetic3A_1772 = arith.constant 1 : i32
    %shift_right_arithmetic3A_1773 = arith.shrsi %add3A_1771, %shift_right_arithmetic3A_1772 : i32
    %get3A_1774 = arith.index_cast %shift_right_arithmetic3A_1773 : i32 to index
    %get3A_1775 = tpu.vector_load %arg10[%get3A_1774] {strides = array<i32>} : memref<10016xi32, #tpu.memory_space<vmem>>, vector<16xi32>,
    %slice3A_1776 = vector.extract_strided_slice %get3A_1775 {offsets = [0], sizes = [1], strides = [1]} : vector<16xi32> to vector<1xi32>
    %squeeze3A_1777 = vector.extract %slice3A_1776[0] : i32 from vector<1xi32>
    %ge3A_1778 = arith.constant 9 : i32
    %ge3A_1779 = arith.cmpi sge, %squeeze3A_1777, %ge3A_1778 : i32
    %select_n3A_1780 = arith.select %ge3A_1779, %shift_right_arithmetic3A_1773, %select_n3A_1767 : i32
    %add3A_1781 = arith.constant 1 : i32
    %add3A_1782 = arith.addi %shift_right_arithmetic3A_1773, %add3A_1781 : i32
    %select_n3A_1783 = arith.select %ge3A_1779, %select_n3A_1770, %add3A_1782 : i32
    %add3A_1784 = arith.addi %select_n3A_1783, %select_n3A_1780 : i32
    %shift_right_arithmetic3A_1785 = arith.constant 1 : i32
    %shift_right_arithmetic3A_1786 = arith.shrsi %add3A_1784, %shift_right_arithmetic3A_1785 : i32
    %get3A_1787 = arith.index_cast %shift_right_arithmetic3A_1786 : i32 to index
    %get3A_1788 = tpu.vector_load %arg10[%get3A_1787] {strides = array<i32>} : memref<10016xi32, #tpu.memory_space<vmem>>, vector<16xi32>,
    %slice3A_1789 = vector.extract_strided_slice %get3A_1788 {offsets = [0], sizes = [1], strides = [1]} : vector<16xi32> to vector<1xi32>
    %squeeze3A_1790 = vector.extract %slice3A_1789[0] : i32 from vector<1xi32>
    %ge3A_1791 = arith.constant 9 : i32
    %ge3A_1792 = arith.cmpi sge, %squeeze3A_1790, %ge3A_1791 : i32
    %select_n3A_1793 = arith.select %ge3A_1792, %shift_right_arithmetic3A_1786, %select_n3A_1780 : i32
    %add3A_1794 = arith.constant 1 : i32
    %add3A_1795 = arith.addi %shift_right_arithmetic3A_1786, %add3A_1794 : i32
    %select_n3A_1796 = arith.select %ge3A_1792, %select_n3A_1783, %add3A_1795 : i32
    %add3A_1797 = arith.addi %select_n3A_1796, %select_n3A_1793 : i32
    %shift_right_arithmetic3A_1798 = arith.constant 1 : i32
    %shift_right_arithmetic3A_1799 = arith.shrsi %add3A_1797, %shift_right_arithmetic3A_1798 : i32
    %get3A_1800 = arith.index_cast %shift_right_arithmetic3A_1799 : i32 to index
    %get3A_1801 = tpu.vector_load %arg10[%get3A_1800] {strides = array<i32>} : memref<10016xi32, #tpu.memory_space<vmem>>, vector<16xi32>,
    %slice3A_1802 = vector.extract_strided_slice %get3A_1801 {offsets = [0], sizes = [1], strides = [1]} : vector<16xi32> to vector<1xi32>
    %squeeze3A_1803 = vector.extract %slice3A_1802[0] : i32 from vector<1xi32>
    %ge3A_1804 = arith.constant 9 : i32
    %ge3A_1805 = arith.cmpi sge, %squeeze3A_1803, %ge3A_1804 : i32
    %select_n3A_1806 = arith.select %ge3A_1805, %shift_right_arithmetic3A_1799, %select_n3A_1793 : i32
    %add3A_1807 = arith.constant 1 : i32
    %add3A_1808 = arith.addi %shift_right_arithmetic3A_1799, %add3A_1807 : i32
    %select_n3A_1809 = arith.select %ge3A_1805, %select_n3A_1796, %add3A_1808 : i32
    %add3A_1810 = arith.addi %select_n3A_1809, %select_n3A_1806 : i32
    %shift_right_arithmetic3A_1811 = arith.constant 1 : i32
    %shift_right_arithmetic3A_1812 = arith.shrsi %add3A_1810, %shift_right_arithmetic3A_1811 : i32
    %get3A_1813 = arith.index_cast %shift_right_arithmetic3A_1812 : i32 to index
    %get3A_1814 = tpu.vector_load %arg10[%get3A_1813] {strides = array<i32>} : memref<10016xi32, #tpu.memory_space<vmem>>, vector<16xi32>,
    %slice3A_1815 = vector.extract_strided_slice %get3A_1814 {offsets = [0], sizes = [1], strides = [1]} : vector<16xi32> to vector<1xi32>
    %squeeze3A_1816 = vector.extract %slice3A_1815[0] : i32 from vector<1xi32>
    %ge3A_1817 = arith.constant 9 : i32
    %ge3A_1818 = arith.cmpi sge, %squeeze3A_1816, %ge3A_1817 : i32
    %select_n3A_1819 = arith.select %ge3A_1818, %shift_right_arithmetic3A_1812, %select_n3A_1806 : i32
    %add3A_1820 = arith.constant 1 : i32
    %add3A_1821 = arith.addi %shift_right_arithmetic3A_1812, %add3A_1820 : i32
    %select_n3A_1822 = arith.select %ge3A_1818, %select_n3A_1809, %add3A_1821 : i32
    %add3A_1823 = arith.addi %select_n3A_1822, %select_n3A_1819 : i32
    %shift_right_arithmetic3A_1824 = arith.constant 1 : i32
    %shift_right_arithmetic3A_1825 = arith.shrsi %add3A_1823, %shift_right_arithmetic3A_1824 : i32
    %get3A_1826 = arith.index_cast %shift_right_arithmetic3A_1825 : i32 to index
    %get3A_1827 = tpu.vector_load %arg10[%get3A_1826] {strides = array<i32>} : memref<10016xi32, #tpu.memory_space<vmem>>, vector<16xi32>,
    %slice3A_1828 = vector.extract_strided_slice %get3A_1827 {offsets = [0], sizes = [1], strides = [1]} : vector<16xi32> to vector<1xi32>
    %squeeze3A_1829 = vector.extract %slice3A_1828[0] : i32 from vector<1xi32>
    %ge3A_1830 = arith.constant 9 : i32
    %ge3A_1831 = arith.cmpi sge, %squeeze3A_1829, %ge3A_1830 : i32
    %select_n3A_1832 = arith.select %ge3A_1831, %shift_right_arithmetic3A_1825, %select_n3A_1819 : i32
    %add3A_1833 = arith.constant 1 : i32
    %add3A_1834 = arith.addi %shift_right_arithmetic3A_1825, %add3A_1833 : i32
    %select_n3A_1835 = arith.select %ge3A_1831, %select_n3A_1822, %add3A_1834 : i32
    %add3A_1836 = arith.addi %select_n3A_1835, %select_n3A_1832 : i32
    %shift_right_arithmetic3A_1837 = arith.constant 1 : i32
    %shift_right_arithmetic3A_1838 = arith.shrsi %add3A_1836, %shift_right_arithmetic3A_1837 : i32
    %get3A_1839 = arith.index_cast %shift_right_arithmetic3A_1838 : i32 to index
    %get3A_1840 = tpu.vector_load %arg10[%get3A_1839] {strides = array<i32>} : memref<10016xi32, #tpu.memory_space<vmem>>, vector<16xi32>,
    %slice3A_1841 = vector.extract_strided_slice %get3A_1840 {offsets = [0], sizes = [1], strides = [1]} : vector<16xi32> to vector<1xi32>
    %squeeze3A_1842 = vector.extract %slice3A_1841[0] : i32 from vector<1xi32>
    %ge3A_1843 = arith.constant 9 : i32
    %ge3A_1844 = arith.cmpi sge, %squeeze3A_1842, %ge3A_1843 : i32
    %select_n3A_1845 = arith.select %ge3A_1844, %shift_right_arithmetic3A_1838, %select_n3A_1832 : i32
    %add3A_1846 = arith.constant 1 : i32
    %add3A_1847 = arith.addi %shift_right_arithmetic3A_1838, %add3A_1846 : i32
    %select_n3A_1848 = arith.select %ge3A_1844, %select_n3A_1835, %add3A_1847 : i32
    %add3A_1849 = arith.addi %select_n3A_1848, %select_n3A_1845 : i32
    %shift_right_arithmetic3A_1850 = arith.constant 1 : i32
    %shift_right_arithmetic3A_1851 = arith.shrsi %add3A_1849, %shift_right_arithmetic3A_1850 : i32
    %get3A_1852 = arith.index_cast %shift_right_arithmetic3A_1851 : i32 to index
    %get3A_1853 = tpu.vector_load %arg10[%get3A_1852] {strides = array<i32>} : memref<10016xi32, #tpu.memory_space<vmem>>, vector<16xi32>,
    %slice3A_1854 = vector.extract_strided_slice %get3A_1853 {offsets = [0], sizes = [1], strides = [1]} : vector<16xi32> to vector<1xi32>
    %squeeze3A_1855 = vector.extract %slice3A_1854[0] : i32 from vector<1xi32>
    %ge3A_1856 = arith.constant 9 : i32
    %ge3A_1857 = arith.cmpi sge, %squeeze3A_1855, %ge3A_1856 : i32
    %select_n3A_1858 = arith.select %ge3A_1857, %shift_right_arithmetic3A_1851, %select_n3A_1845 : i32
    %add3A_1859 = arith.constant 1 : i32
    %add3A_1860 = arith.addi %shift_right_arithmetic3A_1851, %add3A_1859 : i32
    %select_n3A_1861 = arith.select %ge3A_1857, %select_n3A_1848, %add3A_1860 : i32
    %add3A_1862 = arith.addi %select_n3A_1861, %select_n3A_1858 : i32
    %shift_right_arithmetic3A_1863 = arith.constant 1 : i32
    %shift_right_arithmetic3A_1864 = arith.shrsi %add3A_1862, %shift_right_arithmetic3A_1863 : i32
    %get3A_1865 = arith.index_cast %shift_right_arithmetic3A_1864 : i32 to index
    %get3A_1866 = tpu.vector_load %arg10[%get3A_1865] {strides = array<i32>} : memref<10016xi32, #tpu.memory_space<vmem>>, vector<16xi32>,
    %slice3A_1867 = vector.extract_strided_slice %get3A_1866 {offsets = [0], sizes = [1], strides = [1]} : vector<16xi32> to vector<1xi32>
    %squeeze3A_1868 = vector.extract %slice3A_1867[0] : i32 from vector<1xi32>
    %ge3A_1869 = arith.constant 9 : i32
    %ge3A_1870 = arith.cmpi sge, %squeeze3A_1868, %ge3A_1869 : i32
    %select_n3A_1871 = arith.select %ge3A_1870, %shift_right_arithmetic3A_1864, %select_n3A_1858 : i32
    %add3A_1872 = arith.constant 1 : i32
    %add3A_1873 = arith.addi %shift_right_arithmetic3A_1864, %add3A_1872 : i32
    %select_n3A_1874 = arith.select %ge3A_1870, %select_n3A_1861, %add3A_1873 : i32
    %add3A_1875 = arith.addi %select_n3A_1874, %select_n3A_1871 : i32
    %shift_right_arithmetic3A_1876 = arith.constant 1 : i32
    %shift_right_arithmetic3A_1877 = arith.shrsi %add3A_1875, %shift_right_arithmetic3A_1876 : i32
    %get3A_1878 = arith.index_cast %shift_right_arithmetic3A_1877 : i32 to index
    %get3A_1879 = tpu.vector_load %arg10[%get3A_1878] {strides = array<i32>} : memref<10016xi32, #tpu.memory_space<vmem>>, vector<16xi32>,
    %slice3A_1880 = vector.extract_strided_slice %get3A_1879 {offsets = [0], sizes = [1], strides = [1]} : vector<16xi32> to vector<1xi32>
    %squeeze3A_1881 = vector.extract %slice3A_1880[0] : i32 from vector<1xi32>
    %ge3A_1882 = arith.constant 9 : i32
    %ge3A_1883 = arith.cmpi sge, %squeeze3A_1881, %ge3A_1882 : i32
    %select_n3A_1884 = arith.select %ge3A_1883, %shift_right_arithmetic3A_1877, %select_n3A_1871 : i32
    %add3A_1885 = arith.constant 1 : i32
    %add3A_1886 = arith.addi %shift_right_arithmetic3A_1877, %add3A_1885 : i32
    %select_n3A_1887 = arith.select %ge3A_1883, %select_n3A_1874, %add3A_1886 : i32
    %add3A_1888 = arith.addi %select_n3A_1887, %select_n3A_1884 : i32
    %shift_right_arithmetic3A_1889 = arith.constant 1 : i32
    %shift_right_arithmetic3A_1890 = arith.shrsi %add3A_1888, %shift_right_arithmetic3A_1889 : i32
    %get3A_1891 = arith.index_cast %shift_right_arithmetic3A_1890 : i32 to index
    %get3A_1892 = tpu.vector_load %arg10[%get3A_1891] {strides = array<i32>} : memref<10016xi32, #tpu.memory_space<vmem>>, vector<16xi32>,
    %slice3A_1893 = vector.extract_strided_slice %get3A_1892 {offsets = [0], sizes = [1], strides = [1]} : vector<16xi32> to vector<1xi32>
    %squeeze3A_1894 = vector.extract %slice3A_1893[0] : i32 from vector<1xi32>
    %ge3A_1895 = arith.constant 9 : i32
    %ge3A_1896 = arith.cmpi sge, %squeeze3A_1894, %ge3A_1895 : i32
    %select_n3A_1897 = arith.select %ge3A_1896, %shift_right_arithmetic3A_1890, %select_n3A_1884 : i32
    %add3A_1898 = arith.constant 1 : i32
    %add3A_1899 = arith.addi %shift_right_arithmetic3A_1890, %add3A_1898 : i32
    %select_n3A_1900 = arith.select %ge3A_1896, %select_n3A_1887, %add3A_1899 : i32
    %swap3A_1901 = arith.constant 8 : i32
    %swap3A_1902 = arith.index_cast %swap3A_1901 : i32 to index
    %swap3A_1903 = memref.load %arg11[%swap3A_1902] : memref<16xi32, #tpu.memory_space<smem>>
    memref.store %select_n3A_1705, %arg11[%swap3A_1902] : memref<16xi32, #tpu.memory_space<smem>>
    %swap3A_1904 = arith.constant 8 : i32
    %swap3A_1905 = arith.index_cast %swap3A_1904 : i32 to index
    %swap3A_1906 = memref.load %arg12[%swap3A_1905] : memref<16xi32, #tpu.memory_space<smem>>
    memref.store %select_n3A_1897, %arg12[%swap3A_1905] : memref<16xi32, #tpu.memory_space<smem>>
    %add3A_1907 = arith.constant 0 : i32
    %add3A_1908 = arith.constant 10000 : i32
    %add3A_1909 = arith.addi %add3A_1907, %add3A_1908 : i32
    %shift_right_arithmetic3A_1910 = arith.constant 1 : i32
    %shift_right_arithmetic3A_1911 = arith.shrsi %add3A_1909, %shift_right_arithmetic3A_1910 : i32
    %get3A_1912 = arith.index_cast %shift_right_arithmetic3A_1911 : i32 to index
    %get3A_1913 = tpu.vector_load %arg10[%get3A_1912] {strides = array<i32>} : memref<10016xi32, #tpu.memory_space<vmem>>, vector<16xi32>,
    %slice3A_1914 = vector.extract_strided_slice %get3A_1913 {offsets = [0], sizes = [1], strides = [1]} : vector<16xi32> to vector<1xi32>
    %squeeze3A_1915 = vector.extract %slice3A_1914[0] : i32 from vector<1xi32>
    %ge3A_1916 = arith.constant 10 : i32
    %ge3A_1917 = arith.cmpi sge, %squeeze3A_1915, %ge3A_1916 : i32
    %jit3A_1918 = arith.constant 10000 : i32
    %select_n3A_1919 = arith.select %ge3A_1917, %shift_right_arithmetic3A_1911, %jit3A_1918 : i32
    %add3A_1920 = arith.constant 1 : i32
    %add3A_1921 = arith.addi %shift_right_arithmetic3A_1911, %add3A_1920 : i32
    %jit3A_1922 = arith.constant 0 : i32
    %select_n3A_1923 = arith.select %ge3A_1917, %jit3A_1922, %add3A_1921 : i32
    %add3A_1924 = arith.addi %select_n3A_1923, %select_n3A_1919 : i32
    %shift_right_arithmetic3A_1925 = arith.constant 1 : i32
    %shift_right_arithmetic3A_1926 = arith.shrsi %add3A_1924, %shift_right_arithmetic3A_1925 : i32
    %get3A_1927 = arith.index_cast %shift_right_arithmetic3A_1926 : i32 to index
    %get3A_1928 = tpu.vector_load %arg10[%get3A_1927] {strides = array<i32>} : memref<10016xi32, #tpu.memory_space<vmem>>, vector<16xi32>,
    %slice3A_1929 = vector.extract_strided_slice %get3A_1928 {offsets = [0], sizes = [1], strides = [1]} : vector<16xi32> to vector<1xi32>
    %squeeze3A_1930 = vector.extract %slice3A_1929[0] : i32 from vector<1xi32>
    %ge3A_1931 = arith.constant 10 : i32
    %ge3A_1932 = arith.cmpi sge, %squeeze3A_1930, %ge3A_1931 : i32
    %select_n3A_1933 = arith.select %ge3A_1932, %shift_right_arithmetic3A_1926, %select_n3A_1919 : i32
    %add3A_1934 = arith.constant 1 : i32
    %add3A_1935 = arith.addi %shift_right_arithmetic3A_1926, %add3A_1934 : i32
    %select_n3A_1936 = arith.select %ge3A_1932, %select_n3A_1923, %add3A_1935 : i32
    %add3A_1937 = arith.addi %select_n3A_1936, %select_n3A_1933 : i32
    %shift_right_arithmetic3A_1938 = arith.constant 1 : i32
    %shift_right_arithmetic3A_1939 = arith.shrsi %add3A_1937, %shift_right_arithmetic3A_1938 : i32
    %get3A_1940 = arith.index_cast %shift_right_arithmetic3A_1939 : i32 to index
    %get3A_1941 = tpu.vector_load %arg10[%get3A_1940] {strides = array<i32>} : memref<10016xi32, #tpu.memory_space<vmem>>, vector<16xi32>,
    %slice3A_1942 = vector.extract_strided_slice %get3A_1941 {offsets = [0], sizes = [1], strides = [1]} : vector<16xi32> to vector<1xi32>
    %squeeze3A_1943 = vector.extract %slice3A_1942[0] : i32 from vector<1xi32>
    %ge3A_1944 = arith.constant 10 : i32
    %ge3A_1945 = arith.cmpi sge, %squeeze3A_1943, %ge3A_1944 : i32
    %select_n3A_1946 = arith.select %ge3A_1945, %shift_right_arithmetic3A_1939, %select_n3A_1933 : i32
    %add3A_1947 = arith.constant 1 : i32
    %add3A_1948 = arith.addi %shift_right_arithmetic3A_1939, %add3A_1947 : i32
    %select_n3A_1949 = arith.select %ge3A_1945, %select_n3A_1936, %add3A_1948 : i32
    %add3A_1950 = arith.addi %select_n3A_1949, %select_n3A_1946 : i32
    %shift_right_arithmetic3A_1951 = arith.constant 1 : i32
    %shift_right_arithmetic3A_1952 = arith.shrsi %add3A_1950, %shift_right_arithmetic3A_1951 : i32
    %get3A_1953 = arith.index_cast %shift_right_arithmetic3A_1952 : i32 to index
    %get3A_1954 = tpu.vector_load %arg10[%get3A_1953] {strides = array<i32>} : memref<10016xi32, #tpu.memory_space<vmem>>, vector<16xi32>,
    %slice3A_1955 = vector.extract_strided_slice %get3A_1954 {offsets = [0], sizes = [1], strides = [1]} : vector<16xi32> to vector<1xi32>
    %squeeze3A_1956 = vector.extract %slice3A_1955[0] : i32 from vector<1xi32>
    %ge3A_1957 = arith.constant 10 : i32
    %ge3A_1958 = arith.cmpi sge, %squeeze3A_1956, %ge3A_1957 : i32
    %select_n3A_1959 = arith.select %ge3A_1958, %shift_right_arithmetic3A_1952, %select_n3A_1946 : i32
    %add3A_1960 = arith.constant 1 : i32
    %add3A_1961 = arith.addi %shift_right_arithmetic3A_1952, %add3A_1960 : i32
    %select_n3A_1962 = arith.select %ge3A_1958, %select_n3A_1949, %add3A_1961 : i32
    %add3A_1963 = arith.addi %select_n3A_1962, %select_n3A_1959 : i32
    %shift_right_arithmetic3A_1964 = arith.constant 1 : i32
    %shift_right_arithmetic3A_1965 = arith.shrsi %add3A_1963, %shift_right_arithmetic3A_1964 : i32
    %get3A_1966 = arith.index_cast %shift_right_arithmetic3A_1965 : i32 to index
    %get3A_1967 = tpu.vector_load %arg10[%get3A_1966] {strides = array<i32>} : memref<10016xi32, #tpu.memory_space<vmem>>, vector<16xi32>,
    %slice3A_1968 = vector.extract_strided_slice %get3A_1967 {offsets = [0], sizes = [1], strides = [1]} : vector<16xi32> to vector<1xi32>
    %squeeze3A_1969 = vector.extract %slice3A_1968[0] : i32 from vector<1xi32>
    %ge3A_1970 = arith.constant 10 : i32
    %ge3A_1971 = arith.cmpi sge, %squeeze3A_1969, %ge3A_1970 : i32
    %select_n3A_1972 = arith.select %ge3A_1971, %shift_right_arithmetic3A_1965, %select_n3A_1959 : i32
    %add3A_1973 = arith.constant 1 : i32
    %add3A_1974 = arith.addi %shift_right_arithmetic3A_1965, %add3A_1973 : i32
    %select_n3A_1975 = arith.select %ge3A_1971, %select_n3A_1962, %add3A_1974 : i32
    %add3A_1976 = arith.addi %select_n3A_1975, %select_n3A_1972 : i32
    %shift_right_arithmetic3A_1977 = arith.constant 1 : i32
    %shift_right_arithmetic3A_1978 = arith.shrsi %add3A_1976, %shift_right_arithmetic3A_1977 : i32
    %get3A_1979 = arith.index_cast %shift_right_arithmetic3A_1978 : i32 to index
    %get3A_1980 = tpu.vector_load %arg10[%get3A_1979] {strides = array<i32>} : memref<10016xi32, #tpu.memory_space<vmem>>, vector<16xi32>,
    %slice3A_1981 = vector.extract_strided_slice %get3A_1980 {offsets = [0], sizes = [1], strides = [1]} : vector<16xi32> to vector<1xi32>
    %squeeze3A_1982 = vector.extract %slice3A_1981[0] : i32 from vector<1xi32>
    %ge3A_1983 = arith.constant 10 : i32
    %ge3A_1984 = arith.cmpi sge, %squeeze3A_1982, %ge3A_1983 : i32
    %select_n3A_1985 = arith.select %ge3A_1984, %shift_right_arithmetic3A_1978, %select_n3A_1972 : i32
    %add3A_1986 = arith.constant 1 : i32
    %add3A_1987 = arith.addi %shift_right_arithmetic3A_1978, %add3A_1986 : i32
    %select_n3A_1988 = arith.select %ge3A_1984, %select_n3A_1975, %add3A_1987 : i32
    %add3A_1989 = arith.addi %select_n3A_1988, %select_n3A_1985 : i32
    %shift_right_arithmetic3A_1990 = arith.constant 1 : i32
    %shift_right_arithmetic3A_1991 = arith.shrsi %add3A_1989, %shift_right_arithmetic3A_1990 : i32
    %get3A_1992 = arith.index_cast %shift_right_arithmetic3A_1991 : i32 to index
    %get3A_1993 = tpu.vector_load %arg10[%get3A_1992] {strides = array<i32>} : memref<10016xi32, #tpu.memory_space<vmem>>, vector<16xi32>,
    %slice3A_1994 = vector.extract_strided_slice %get3A_1993 {offsets = [0], sizes = [1], strides = [1]} : vector<16xi32> to vector<1xi32>
    %squeeze3A_1995 = vector.extract %slice3A_1994[0] : i32 from vector<1xi32>
    %ge3A_1996 = arith.constant 10 : i32
    %ge3A_1997 = arith.cmpi sge, %squeeze3A_1995, %ge3A_1996 : i32
    %select_n3A_1998 = arith.select %ge3A_1997, %shift_right_arithmetic3A_1991, %select_n3A_1985 : i32
    %add3A_1999 = arith.constant 1 : i32
    %add3A_2000 = arith.addi %shift_right_arithmetic3A_1991, %add3A_1999 : i32
    %select_n3A_2001 = arith.select %ge3A_1997, %select_n3A_1988, %add3A_2000 : i32
    %add3A_2002 = arith.addi %select_n3A_2001, %select_n3A_1998 : i32
    %shift_right_arithmetic3A_2003 = arith.constant 1 : i32
    %shift_right_arithmetic3A_2004 = arith.shrsi %add3A_2002, %shift_right_arithmetic3A_2003 : i32
    %get3A_2005 = arith.index_cast %shift_right_arithmetic3A_2004 : i32 to index
    %get3A_2006 = tpu.vector_load %arg10[%get3A_2005] {strides = array<i32>} : memref<10016xi32, #tpu.memory_space<vmem>>, vector<16xi32>,
    %slice3A_2007 = vector.extract_strided_slice %get3A_2006 {offsets = [0], sizes = [1], strides = [1]} : vector<16xi32> to vector<1xi32>
    %squeeze3A_2008 = vector.extract %slice3A_2007[0] : i32 from vector<1xi32>
    %ge3A_2009 = arith.constant 10 : i32
    %ge3A_2010 = arith.cmpi sge, %squeeze3A_2008, %ge3A_2009 : i32
    %select_n3A_2011 = arith.select %ge3A_2010, %shift_right_arithmetic3A_2004, %select_n3A_1998 : i32
    %add3A_2012 = arith.constant 1 : i32
    %add3A_2013 = arith.addi %shift_right_arithmetic3A_2004, %add3A_2012 : i32
    %select_n3A_2014 = arith.select %ge3A_2010, %select_n3A_2001, %add3A_2013 : i32
    %add3A_2015 = arith.addi %select_n3A_2014, %select_n3A_2011 : i32
    %shift_right_arithmetic3A_2016 = arith.constant 1 : i32
    %shift_right_arithmetic3A_2017 = arith.shrsi %add3A_2015, %shift_right_arithmetic3A_2016 : i32
    %get3A_2018 = arith.index_cast %shift_right_arithmetic3A_2017 : i32 to index
    %get3A_2019 = tpu.vector_load %arg10[%get3A_2018] {strides = array<i32>} : memref<10016xi32, #tpu.memory_space<vmem>>, vector<16xi32>,
    %slice3A_2020 = vector.extract_strided_slice %get3A_2019 {offsets = [0], sizes = [1], strides = [1]} : vector<16xi32> to vector<1xi32>
    %squeeze3A_2021 = vector.extract %slice3A_2020[0] : i32 from vector<1xi32>
    %ge3A_2022 = arith.constant 10 : i32
    %ge3A_2023 = arith.cmpi sge, %squeeze3A_2021, %ge3A_2022 : i32
    %select_n3A_2024 = arith.select %ge3A_2023, %shift_right_arithmetic3A_2017, %select_n3A_2011 : i32
    %add3A_2025 = arith.constant 1 : i32
    %add3A_2026 = arith.addi %shift_right_arithmetic3A_2017, %add3A_2025 : i32
    %select_n3A_2027 = arith.select %ge3A_2023, %select_n3A_2014, %add3A_2026 : i32
    %add3A_2028 = arith.addi %select_n3A_2027, %select_n3A_2024 : i32
    %shift_right_arithmetic3A_2029 = arith.constant 1 : i32
    %shift_right_arithmetic3A_2030 = arith.shrsi %add3A_2028, %shift_right_arithmetic3A_2029 : i32
    %get3A_2031 = arith.index_cast %shift_right_arithmetic3A_2030 : i32 to index
    %get3A_2032 = tpu.vector_load %arg10[%get3A_2031] {strides = array<i32>} : memref<10016xi32, #tpu.memory_space<vmem>>, vector<16xi32>,
    %slice3A_2033 = vector.extract_strided_slice %get3A_2032 {offsets = [0], sizes = [1], strides = [1]} : vector<16xi32> to vector<1xi32>
    %squeeze3A_2034 = vector.extract %slice3A_2033[0] : i32 from vector<1xi32>
    %ge3A_2035 = arith.constant 10 : i32
    %ge3A_2036 = arith.cmpi sge, %squeeze3A_2034, %ge3A_2035 : i32
    %select_n3A_2037 = arith.select %ge3A_2036, %shift_right_arithmetic3A_2030, %select_n3A_2024 : i32
    %add3A_2038 = arith.constant 1 : i32
    %add3A_2039 = arith.addi %shift_right_arithmetic3A_2030, %add3A_2038 : i32
    %select_n3A_2040 = arith.select %ge3A_2036, %select_n3A_2027, %add3A_2039 : i32
    %add3A_2041 = arith.addi %select_n3A_2040, %select_n3A_2037 : i32
    %shift_right_arithmetic3A_2042 = arith.constant 1 : i32
    %shift_right_arithmetic3A_2043 = arith.shrsi %add3A_2041, %shift_right_arithmetic3A_2042 : i32
    %get3A_2044 = arith.index_cast %shift_right_arithmetic3A_2043 : i32 to index
    %get3A_2045 = tpu.vector_load %arg10[%get3A_2044] {strides = array<i32>} : memref<10016xi32, #tpu.memory_space<vmem>>, vector<16xi32>,
    %slice3A_2046 = vector.extract_strided_slice %get3A_2045 {offsets = [0], sizes = [1], strides = [1]} : vector<16xi32> to vector<1xi32>
    %squeeze3A_2047 = vector.extract %slice3A_2046[0] : i32 from vector<1xi32>
    %ge3A_2048 = arith.constant 10 : i32
    %ge3A_2049 = arith.cmpi sge, %squeeze3A_2047, %ge3A_2048 : i32
    %select_n3A_2050 = arith.select %ge3A_2049, %shift_right_arithmetic3A_2043, %select_n3A_2037 : i32
    %add3A_2051 = arith.constant 1 : i32
    %add3A_2052 = arith.addi %shift_right_arithmetic3A_2043, %add3A_2051 : i32
    %select_n3A_2053 = arith.select %ge3A_2049, %select_n3A_2040, %add3A_2052 : i32
    %add3A_2054 = arith.addi %select_n3A_2053, %select_n3A_2050 : i32
    %shift_right_arithmetic3A_2055 = arith.constant 1 : i32
    %shift_right_arithmetic3A_2056 = arith.shrsi %add3A_2054, %shift_right_arithmetic3A_2055 : i32
    %get3A_2057 = arith.index_cast %shift_right_arithmetic3A_2056 : i32 to index
    %get3A_2058 = tpu.vector_load %arg10[%get3A_2057] {strides = array<i32>} : memref<10016xi32, #tpu.memory_space<vmem>>, vector<16xi32>,
    %slice3A_2059 = vector.extract_strided_slice %get3A_2058 {offsets = [0], sizes = [1], strides = [1]} : vector<16xi32> to vector<1xi32>
    %squeeze3A_2060 = vector.extract %slice3A_2059[0] : i32 from vector<1xi32>
    %ge3A_2061 = arith.constant 10 : i32
    %ge3A_2062 = arith.cmpi sge, %squeeze3A_2060, %ge3A_2061 : i32
    %select_n3A_2063 = arith.select %ge3A_2062, %shift_right_arithmetic3A_2056, %select_n3A_2050 : i32
    %add3A_2064 = arith.constant 1 : i32
    %add3A_2065 = arith.addi %shift_right_arithmetic3A_2056, %add3A_2064 : i32
    %select_n3A_2066 = arith.select %ge3A_2062, %select_n3A_2053, %add3A_2065 : i32
    %add3A_2067 = arith.addi %select_n3A_2066, %select_n3A_2063 : i32
    %shift_right_arithmetic3A_2068 = arith.constant 1 : i32
    %shift_right_arithmetic3A_2069 = arith.shrsi %add3A_2067, %shift_right_arithmetic3A_2068 : i32
    %get3A_2070 = arith.index_cast %shift_right_arithmetic3A_2069 : i32 to index
    %get3A_2071 = tpu.vector_load %arg10[%get3A_2070] {strides = array<i32>} : memref<10016xi32, #tpu.memory_space<vmem>>, vector<16xi32>,
    %slice3A_2072 = vector.extract_strided_slice %get3A_2071 {offsets = [0], sizes = [1], strides = [1]} : vector<16xi32> to vector<1xi32>
    %squeeze3A_2073 = vector.extract %slice3A_2072[0] : i32 from vector<1xi32>
    %ge3A_2074 = arith.constant 10 : i32
    %ge3A_2075 = arith.cmpi sge, %squeeze3A_2073, %ge3A_2074 : i32
    %select_n3A_2076 = arith.select %ge3A_2075, %shift_right_arithmetic3A_2069, %select_n3A_2063 : i32
    %add3A_2077 = arith.constant 1 : i32
    %add3A_2078 = arith.addi %shift_right_arithmetic3A_2069, %add3A_2077 : i32
    %select_n3A_2079 = arith.select %ge3A_2075, %select_n3A_2066, %add3A_2078 : i32
    %add3A_2080 = arith.addi %select_n3A_2079, %select_n3A_2076 : i32
    %shift_right_arithmetic3A_2081 = arith.constant 1 : i32
    %shift_right_arithmetic3A_2082 = arith.shrsi %add3A_2080, %shift_right_arithmetic3A_2081 : i32
    %get3A_2083 = arith.index_cast %shift_right_arithmetic3A_2082 : i32 to index
    %get3A_2084 = tpu.vector_load %arg10[%get3A_2083] {strides = array<i32>} : memref<10016xi32, #tpu.memory_space<vmem>>, vector<16xi32>,
    %slice3A_2085 = vector.extract_strided_slice %get3A_2084 {offsets = [0], sizes = [1], strides = [1]} : vector<16xi32> to vector<1xi32>
    %squeeze3A_2086 = vector.extract %slice3A_2085[0] : i32 from vector<1xi32>
    %ge3A_2087 = arith.constant 10 : i32
    %ge3A_2088 = arith.cmpi sge, %squeeze3A_2086, %ge3A_2087 : i32
    %select_n3A_2089 = arith.select %ge3A_2088, %shift_right_arithmetic3A_2082, %select_n3A_2076 : i32
    %add3A_2090 = arith.constant 1 : i32
    %add3A_2091 = arith.addi %shift_right_arithmetic3A_2082, %add3A_2090 : i32
    %select_n3A_2092 = arith.select %ge3A_2088, %select_n3A_2079, %add3A_2091 : i32
    %swap3A_2093 = arith.constant 9 : i32
    %swap3A_2094 = arith.index_cast %swap3A_2093 : i32 to index
    %swap3A_2095 = memref.load %arg11[%swap3A_2094] : memref<16xi32, #tpu.memory_space<smem>>
    memref.store %select_n3A_1897, %arg11[%swap3A_2094] : memref<16xi32, #tpu.memory_space<smem>>
    %swap3A_2096 = arith.constant 9 : i32
    %swap3A_2097 = arith.index_cast %swap3A_2096 : i32 to index
    %swap3A_2098 = memref.load %arg12[%swap3A_2097] : memref<16xi32, #tpu.memory_space<smem>>
    memref.store %select_n3A_2089, %arg12[%swap3A_2097] : memref<16xi32, #tpu.memory_space<smem>>
    %add3A_2099 = arith.constant 0 : i32
    %add3A_2100 = arith.constant 10000 : i32
    %add3A_2101 = arith.addi %add3A_2099, %add3A_2100 : i32
    %shift_right_arithmetic3A_2102 = arith.constant 1 : i32
    %shift_right_arithmetic3A_2103 = arith.shrsi %add3A_2101, %shift_right_arithmetic3A_2102 : i32
    %get3A_2104 = arith.index_cast %shift_right_arithmetic3A_2103 : i32 to index
    %get3A_2105 = tpu.vector_load %arg10[%get3A_2104] {strides = array<i32>} : memref<10016xi32, #tpu.memory_space<vmem>>, vector<16xi32>,
    %slice3A_2106 = vector.extract_strided_slice %get3A_2105 {offsets = [0], sizes = [1], strides = [1]} : vector<16xi32> to vector<1xi32>
    %squeeze3A_2107 = vector.extract %slice3A_2106[0] : i32 from vector<1xi32>
    %ge3A_2108 = arith.constant 11 : i32
    %ge3A_2109 = arith.cmpi sge, %squeeze3A_2107, %ge3A_2108 : i32
    %jit3A_2110 = arith.constant 10000 : i32
    %select_n3A_2111 = arith.select %ge3A_2109, %shift_right_arithmetic3A_2103, %jit3A_2110 : i32
    %add3A_2112 = arith.constant 1 : i32
    %add3A_2113 = arith.addi %shift_right_arithmetic3A_2103, %add3A_2112 : i32
    %jit3A_2114 = arith.constant 0 : i32
    %select_n3A_2115 = arith.select %ge3A_2109, %jit3A_2114, %add3A_2113 : i32
    %add3A_2116 = arith.addi %select_n3A_2115, %select_n3A_2111 : i32
    %shift_right_arithmetic3A_2117 = arith.constant 1 : i32
    %shift_right_arithmetic3A_2118 = arith.shrsi %add3A_2116, %shift_right_arithmetic3A_2117 : i32
    %get3A_2119 = arith.index_cast %shift_right_arithmetic3A_2118 : i32 to index
    %get3A_2120 = tpu.vector_load %arg10[%get3A_2119] {strides = array<i32>} : memref<10016xi32, #tpu.memory_space<vmem>>, vector<16xi32>,
    %slice3A_2121 = vector.extract_strided_slice %get3A_2120 {offsets = [0], sizes = [1], strides = [1]} : vector<16xi32> to vector<1xi32>
    %squeeze3A_2122 = vector.extract %slice3A_2121[0] : i32 from vector<1xi32>
    %ge3A_2123 = arith.constant 11 : i32
    %ge3A_2124 = arith.cmpi sge, %squeeze3A_2122, %ge3A_2123 : i32
    %select_n3A_2125 = arith.select %ge3A_2124, %shift_right_arithmetic3A_2118, %select_n3A_2111 : i32
    %add3A_2126 = arith.constant 1 : i32
    %add3A_2127 = arith.addi %shift_right_arithmetic3A_2118, %add3A_2126 : i32
    %select_n3A_2128 = arith.select %ge3A_2124, %select_n3A_2115, %add3A_2127 : i32
    %add3A_2129 = arith.addi %select_n3A_2128, %select_n3A_2125 : i32
    %shift_right_arithmetic3A_2130 = arith.constant 1 : i32
    %shift_right_arithmetic3A_2131 = arith.shrsi %add3A_2129, %shift_right_arithmetic3A_2130 : i32
    %get3A_2132 = arith.index_cast %shift_right_arithmetic3A_2131 : i32 to index
    %get3A_2133 = tpu.vector_load %arg10[%get3A_2132] {strides = array<i32>} : memref<10016xi32, #tpu.memory_space<vmem>>, vector<16xi32>,
    %slice3A_2134 = vector.extract_strided_slice %get3A_2133 {offsets = [0], sizes = [1], strides = [1]} : vector<16xi32> to vector<1xi32>
    %squeeze3A_2135 = vector.extract %slice3A_2134[0] : i32 from vector<1xi32>
    %ge3A_2136 = arith.constant 11 : i32
    %ge3A_2137 = arith.cmpi sge, %squeeze3A_2135, %ge3A_2136 : i32
    %select_n3A_2138 = arith.select %ge3A_2137, %shift_right_arithmetic3A_2131, %select_n3A_2125 : i32
    %add3A_2139 = arith.constant 1 : i32
    %add3A_2140 = arith.addi %shift_right_arithmetic3A_2131, %add3A_2139 : i32
    %select_n3A_2141 = arith.select %ge3A_2137, %select_n3A_2128, %add3A_2140 : i32
    %add3A_2142 = arith.addi %select_n3A_2141, %select_n3A_2138 : i32
    %shift_right_arithmetic3A_2143 = arith.constant 1 : i32
    %shift_right_arithmetic3A_2144 = arith.shrsi %add3A_2142, %shift_right_arithmetic3A_2143 : i32
    %get3A_2145 = arith.index_cast %shift_right_arithmetic3A_2144 : i32 to index
    %get3A_2146 = tpu.vector_load %arg10[%get3A_2145] {strides = array<i32>} : memref<10016xi32, #tpu.memory_space<vmem>>, vector<16xi32>,
    %slice3A_2147 = vector.extract_strided_slice %get3A_2146 {offsets = [0], sizes = [1], strides = [1]} : vector<16xi32> to vector<1xi32>
    %squeeze3A_2148 = vector.extract %slice3A_2147[0] : i32 from vector<1xi32>
    %ge3A_2149 = arith.constant 11 : i32
    %ge3A_2150 = arith.cmpi sge, %squeeze3A_2148, %ge3A_2149 : i32
    %select_n3A_2151 = arith.select %ge3A_2150, %shift_right_arithmetic3A_2144, %select_n3A_2138 : i32
    %add3A_2152 = arith.constant 1 : i32
    %add3A_2153 = arith.addi %shift_right_arithmetic3A_2144, %add3A_2152 : i32
    %select_n3A_2154 = arith.select %ge3A_2150, %select_n3A_2141, %add3A_2153 : i32
    %add3A_2155 = arith.addi %select_n3A_2154, %select_n3A_2151 : i32
    %shift_right_arithmetic3A_2156 = arith.constant 1 : i32
    %shift_right_arithmetic3A_2157 = arith.shrsi %add3A_2155, %shift_right_arithmetic3A_2156 : i32
    %get3A_2158 = arith.index_cast %shift_right_arithmetic3A_2157 : i32 to index
    %get3A_2159 = tpu.vector_load %arg10[%get3A_2158] {strides = array<i32>} : memref<10016xi32, #tpu.memory_space<vmem>>, vector<16xi32>,
    %slice3A_2160 = vector.extract_strided_slice %get3A_2159 {offsets = [0], sizes = [1], strides = [1]} : vector<16xi32> to vector<1xi32>
    %squeeze3A_2161 = vector.extract %slice3A_2160[0] : i32 from vector<1xi32>
    %ge3A_2162 = arith.constant 11 : i32
    %ge3A_2163 = arith.cmpi sge, %squeeze3A_2161, %ge3A_2162 : i32
    %select_n3A_2164 = arith.select %ge3A_2163, %shift_right_arithmetic3A_2157, %select_n3A_2151 : i32
    %add3A_2165 = arith.constant 1 : i32
    %add3A_2166 = arith.addi %shift_right_arithmetic3A_2157, %add3A_2165 : i32
    %select_n3A_2167 = arith.select %ge3A_2163, %select_n3A_2154, %add3A_2166 : i32
    %add3A_2168 = arith.addi %select_n3A_2167, %select_n3A_2164 : i32
    %shift_right_arithmetic3A_2169 = arith.constant 1 : i32
    %shift_right_arithmetic3A_2170 = arith.shrsi %add3A_2168, %shift_right_arithmetic3A_2169 : i32
    %get3A_2171 = arith.index_cast %shift_right_arithmetic3A_2170 : i32 to index
    %get3A_2172 = tpu.vector_load %arg10[%get3A_2171] {strides = array<i32>} : memref<10016xi32, #tpu.memory_space<vmem>>, vector<16xi32>,
    %slice3A_2173 = vector.extract_strided_slice %get3A_2172 {offsets = [0], sizes = [1], strides = [1]} : vector<16xi32> to vector<1xi32>
    %squeeze3A_2174 = vector.extract %slice3A_2173[0] : i32 from vector<1xi32>
    %ge3A_2175 = arith.constant 11 : i32
    %ge3A_2176 = arith.cmpi sge, %squeeze3A_2174, %ge3A_2175 : i32
    %select_n3A_2177 = arith.select %ge3A_2176, %shift_right_arithmetic3A_2170, %select_n3A_2164 : i32
    %add3A_2178 = arith.constant 1 : i32
    %add3A_2179 = arith.addi %shift_right_arithmetic3A_2170, %add3A_2178 : i32
    %select_n3A_2180 = arith.select %ge3A_2176, %select_n3A_2167, %add3A_2179 : i32
    %add3A_2181 = arith.addi %select_n3A_2180, %select_n3A_2177 : i32
    %shift_right_arithmetic3A_2182 = arith.constant 1 : i32
    %shift_right_arithmetic3A_2183 = arith.shrsi %add3A_2181, %shift_right_arithmetic3A_2182 : i32
    %get3A_2184 = arith.index_cast %shift_right_arithmetic3A_2183 : i32 to index
    %get3A_2185 = tpu.vector_load %arg10[%get3A_2184] {strides = array<i32>} : memref<10016xi32, #tpu.memory_space<vmem>>, vector<16xi32>,
    %slice3A_2186 = vector.extract_strided_slice %get3A_2185 {offsets = [0], sizes = [1], strides = [1]} : vector<16xi32> to vector<1xi32>
    %squeeze3A_2187 = vector.extract %slice3A_2186[0] : i32 from vector<1xi32>
    %ge3A_2188 = arith.constant 11 : i32
    %ge3A_2189 = arith.cmpi sge, %squeeze3A_2187, %ge3A_2188 : i32
    %select_n3A_2190 = arith.select %ge3A_2189, %shift_right_arithmetic3A_2183, %select_n3A_2177 : i32
    %add3A_2191 = arith.constant 1 : i32
    %add3A_2192 = arith.addi %shift_right_arithmetic3A_2183, %add3A_2191 : i32
    %select_n3A_2193 = arith.select %ge3A_2189, %select_n3A_2180, %add3A_2192 : i32
    %add3A_2194 = arith.addi %select_n3A_2193, %select_n3A_2190 : i32
    %shift_right_arithmetic3A_2195 = arith.constant 1 : i32
    %shift_right_arithmetic3A_2196 = arith.shrsi %add3A_2194, %shift_right_arithmetic3A_2195 : i32
    %get3A_2197 = arith.index_cast %shift_right_arithmetic3A_2196 : i32 to index
    %get3A_2198 = tpu.vector_load %arg10[%get3A_2197] {strides = array<i32>} : memref<10016xi32, #tpu.memory_space<vmem>>, vector<16xi32>,
    %slice3A_2199 = vector.extract_strided_slice %get3A_2198 {offsets = [0], sizes = [1], strides = [1]} : vector<16xi32> to vector<1xi32>
    %squeeze3A_2200 = vector.extract %slice3A_2199[0] : i32 from vector<1xi32>
    %ge3A_2201 = arith.constant 11 : i32
    %ge3A_2202 = arith.cmpi sge, %squeeze3A_2200, %ge3A_2201 : i32
    %select_n3A_2203 = arith.select %ge3A_2202, %shift_right_arithmetic3A_2196, %select_n3A_2190 : i32
    %add3A_2204 = arith.constant 1 : i32
    %add3A_2205 = arith.addi %shift_right_arithmetic3A_2196, %add3A_2204 : i32
    %select_n3A_2206 = arith.select %ge3A_2202, %select_n3A_2193, %add3A_2205 : i32
    %add3A_2207 = arith.addi %select_n3A_2206, %select_n3A_2203 : i32
    %shift_right_arithmetic3A_2208 = arith.constant 1 : i32
    %shift_right_arithmetic3A_2209 = arith.shrsi %add3A_2207, %shift_right_arithmetic3A_2208 : i32
    %get3A_2210 = arith.index_cast %shift_right_arithmetic3A_2209 : i32 to index
    %get3A_2211 = tpu.vector_load %arg10[%get3A_2210] {strides = array<i32>} : memref<10016xi32, #tpu.memory_space<vmem>>, vector<16xi32>,
    %slice3A_2212 = vector.extract_strided_slice %get3A_2211 {offsets = [0], sizes = [1], strides = [1]} : vector<16xi32> to vector<1xi32>
    %squeeze3A_2213 = vector.extract %slice3A_2212[0] : i32 from vector<1xi32>
    %ge3A_2214 = arith.constant 11 : i32
    %ge3A_2215 = arith.cmpi sge, %squeeze3A_2213, %ge3A_2214 : i32
    %select_n3A_2216 = arith.select %ge3A_2215, %shift_right_arithmetic3A_2209, %select_n3A_2203 : i32
    %add3A_2217 = arith.constant 1 : i32
    %add3A_2218 = arith.addi %shift_right_arithmetic3A_2209, %add3A_2217 : i32
    %select_n3A_2219 = arith.select %ge3A_2215, %select_n3A_2206, %add3A_2218 : i32
    %add3A_2220 = arith.addi %select_n3A_2219, %select_n3A_2216 : i32
    %shift_right_arithmetic3A_2221 = arith.constant 1 : i32
    %shift_right_arithmetic3A_2222 = arith.shrsi %add3A_2220, %shift_right_arithmetic3A_2221 : i32
    %get3A_2223 = arith.index_cast %shift_right_arithmetic3A_2222 : i32 to index
    %get3A_2224 = tpu.vector_load %arg10[%get3A_2223] {strides = array<i32>} : memref<10016xi32, #tpu.memory_space<vmem>>, vector<16xi32>,
    %slice3A_2225 = vector.extract_strided_slice %get3A_2224 {offsets = [0], sizes = [1], strides = [1]} : vector<16xi32> to vector<1xi32>
    %squeeze3A_2226 = vector.extract %slice3A_2225[0] : i32 from vector<1xi32>
    %ge3A_2227 = arith.constant 11 : i32
    %ge3A_2228 = arith.cmpi sge, %squeeze3A_2226, %ge3A_2227 : i32
    %select_n3A_2229 = arith.select %ge3A_2228, %shift_right_arithmetic3A_2222, %select_n3A_2216 : i32
    %add3A_2230 = arith.constant 1 : i32
    %add3A_2231 = arith.addi %shift_right_arithmetic3A_2222, %add3A_2230 : i32
    %select_n3A_2232 = arith.select %ge3A_2228, %select_n3A_2219, %add3A_2231 : i32
    %add3A_2233 = arith.addi %select_n3A_2232, %select_n3A_2229 : i32
    %shift_right_arithmetic3A_2234 = arith.constant 1 : i32
    %shift_right_arithmetic3A_2235 = arith.shrsi %add3A_2233, %shift_right_arithmetic3A_2234 : i32
    %get3A_2236 = arith.index_cast %shift_right_arithmetic3A_2235 : i32 to index
    %get3A_2237 = tpu.vector_load %arg10[%get3A_2236] {strides = array<i32>} : memref<10016xi32, #tpu.memory_space<vmem>>, vector<16xi32>,
    %slice3A_2238 = vector.extract_strided_slice %get3A_2237 {offsets = [0], sizes = [1], strides = [1]} : vector<16xi32> to vector<1xi32>
    %squeeze3A_2239 = vector.extract %slice3A_2238[0] : i32 from vector<1xi32>
    %ge3A_2240 = arith.constant 11 : i32
    %ge3A_2241 = arith.cmpi sge, %squeeze3A_2239, %ge3A_2240 : i32
    %select_n3A_2242 = arith.select %ge3A_2241, %shift_right_arithmetic3A_2235, %select_n3A_2229 : i32
    %add3A_2243 = arith.constant 1 : i32
    %add3A_2244 = arith.addi %shift_right_arithmetic3A_2235, %add3A_2243 : i32
    %select_n3A_2245 = arith.select %ge3A_2241, %select_n3A_2232, %add3A_2244 : i32
    %add3A_2246 = arith.addi %select_n3A_2245, %select_n3A_2242 : i32
    %shift_right_arithmetic3A_2247 = arith.constant 1 : i32
    %shift_right_arithmetic3A_2248 = arith.shrsi %add3A_2246, %shift_right_arithmetic3A_2247 : i32
    %get3A_2249 = arith.index_cast %shift_right_arithmetic3A_2248 : i32 to index
    %get3A_2250 = tpu.vector_load %arg10[%get3A_2249] {strides = array<i32>} : memref<10016xi32, #tpu.memory_space<vmem>>, vector<16xi32>,
    %slice3A_2251 = vector.extract_strided_slice %get3A_2250 {offsets = [0], sizes = [1], strides = [1]} : vector<16xi32> to vector<1xi32>
    %squeeze3A_2252 = vector.extract %slice3A_2251[0] : i32 from vector<1xi32>
    %ge3A_2253 = arith.constant 11 : i32
    %ge3A_2254 = arith.cmpi sge, %squeeze3A_2252, %ge3A_2253 : i32
    %select_n3A_2255 = arith.select %ge3A_2254, %shift_right_arithmetic3A_2248, %select_n3A_2242 : i32
    %add3A_2256 = arith.constant 1 : i32
    %add3A_2257 = arith.addi %shift_right_arithmetic3A_2248, %add3A_2256 : i32
    %select_n3A_2258 = arith.select %ge3A_2254, %select_n3A_2245, %add3A_2257 : i32
    %add3A_2259 = arith.addi %select_n3A_2258, %select_n3A_2255 : i32
    %shift_right_arithmetic3A_2260 = arith.constant 1 : i32
    %shift_right_arithmetic3A_2261 = arith.shrsi %add3A_2259, %shift_right_arithmetic3A_2260 : i32
    %get3A_2262 = arith.index_cast %shift_right_arithmetic3A_2261 : i32 to index
    %get3A_2263 = tpu.vector_load %arg10[%get3A_2262] {strides = array<i32>} : memref<10016xi32, #tpu.memory_space<vmem>>, vector<16xi32>,
    %slice3A_2264 = vector.extract_strided_slice %get3A_2263 {offsets = [0], sizes = [1], strides = [1]} : vector<16xi32> to vector<1xi32>
    %squeeze3A_2265 = vector.extract %slice3A_2264[0] : i32 from vector<1xi32>
    %ge3A_2266 = arith.constant 11 : i32
    %ge3A_2267 = arith.cmpi sge, %squeeze3A_2265, %ge3A_2266 : i32
    %select_n3A_2268 = arith.select %ge3A_2267, %shift_right_arithmetic3A_2261, %select_n3A_2255 : i32
    %add3A_2269 = arith.constant 1 : i32
    %add3A_2270 = arith.addi %shift_right_arithmetic3A_2261, %add3A_2269 : i32
    %select_n3A_2271 = arith.select %ge3A_2267, %select_n3A_2258, %add3A_2270 : i32
    %add3A_2272 = arith.addi %select_n3A_2271, %select_n3A_2268 : i32
    %shift_right_arithmetic3A_2273 = arith.constant 1 : i32
    %shift_right_arithmetic3A_2274 = arith.shrsi %add3A_2272, %shift_right_arithmetic3A_2273 : i32
    %get3A_2275 = arith.index_cast %shift_right_arithmetic3A_2274 : i32 to index
    %get3A_2276 = tpu.vector_load %arg10[%get3A_2275] {strides = array<i32>} : memref<10016xi32, #tpu.memory_space<vmem>>, vector<16xi32>,
    %slice3A_2277 = vector.extract_strided_slice %get3A_2276 {offsets = [0], sizes = [1], strides = [1]} : vector<16xi32> to vector<1xi32>
    %squeeze3A_2278 = vector.extract %slice3A_2277[0] : i32 from vector<1xi32>
    %ge3A_2279 = arith.constant 11 : i32
    %ge3A_2280 = arith.cmpi sge, %squeeze3A_2278, %ge3A_2279 : i32
    %select_n3A_2281 = arith.select %ge3A_2280, %shift_right_arithmetic3A_2274, %select_n3A_2268 : i32
    %add3A_2282 = arith.constant 1 : i32
    %add3A_2283 = arith.addi %shift_right_arithmetic3A_2274, %add3A_2282 : i32
    %select_n3A_2284 = arith.select %ge3A_2280, %select_n3A_2271, %add3A_2283 : i32
    %swap3A_2285 = arith.constant 10 : i32
    %swap3A_2286 = arith.index_cast %swap3A_2285 : i32 to index
    %swap3A_2287 = memref.load %arg11[%swap3A_2286] : memref<16xi32, #tpu.memory_space<smem>>
    memref.store %select_n3A_2089, %arg11[%swap3A_2286] : memref<16xi32, #tpu.memory_space<smem>>
    %swap3A_2288 = arith.constant 10 : i32
    %swap3A_2289 = arith.index_cast %swap3A_2288 : i32 to index
    %swap3A_2290 = memref.load %arg12[%swap3A_2289] : memref<16xi32, #tpu.memory_space<smem>>
    memref.store %select_n3A_2281, %arg12[%swap3A_2289] : memref<16xi32, #tpu.memory_space<smem>>
    %add3A_2291 = arith.constant 0 : i32
    %add3A_2292 = arith.constant 10000 : i32
    %add3A_2293 = arith.addi %add3A_2291, %add3A_2292 : i32
    %shift_right_arithmetic3A_2294 = arith.constant 1 : i32
    %shift_right_arithmetic3A_2295 = arith.shrsi %add3A_2293, %shift_right_arithmetic3A_2294 : i32
    %get3A_2296 = arith.index_cast %shift_right_arithmetic3A_2295 : i32 to index
    %get3A_2297 = tpu.vector_load %arg10[%get3A_2296] {strides = array<i32>} : memref<10016xi32, #tpu.memory_space<vmem>>, vector<16xi32>,
    %slice3A_2298 = vector.extract_strided_slice %get3A_2297 {offsets = [0], sizes = [1], strides = [1]} : vector<16xi32> to vector<1xi32>
    %squeeze3A_2299 = vector.extract %slice3A_2298[0] : i32 from vector<1xi32>
    %ge3A_2300 = arith.constant 12 : i32
    %ge3A_2301 = arith.cmpi sge, %squeeze3A_2299, %ge3A_2300 : i32
    %jit3A_2302 = arith.constant 10000 : i32
    %select_n3A_2303 = arith.select %ge3A_2301, %shift_right_arithmetic3A_2295, %jit3A_2302 : i32
    %add3A_2304 = arith.constant 1 : i32
    %add3A_2305 = arith.addi %shift_right_arithmetic3A_2295, %add3A_2304 : i32
    %jit3A_2306 = arith.constant 0 : i32
    %select_n3A_2307 = arith.select %ge3A_2301, %jit3A_2306, %add3A_2305 : i32
    %add3A_2308 = arith.addi %select_n3A_2307, %select_n3A_2303 : i32
    %shift_right_arithmetic3A_2309 = arith.constant 1 : i32
    %shift_right_arithmetic3A_2310 = arith.shrsi %add3A_2308, %shift_right_arithmetic3A_2309 : i32
    %get3A_2311 = arith.index_cast %shift_right_arithmetic3A_2310 : i32 to index
    %get3A_2312 = tpu.vector_load %arg10[%get3A_2311] {strides = array<i32>} : memref<10016xi32, #tpu.memory_space<vmem>>, vector<16xi32>,
    %slice3A_2313 = vector.extract_strided_slice %get3A_2312 {offsets = [0], sizes = [1], strides = [1]} : vector<16xi32> to vector<1xi32>
    %squeeze3A_2314 = vector.extract %slice3A_2313[0] : i32 from vector<1xi32>
    %ge3A_2315 = arith.constant 12 : i32
    %ge3A_2316 = arith.cmpi sge, %squeeze3A_2314, %ge3A_2315 : i32
    %select_n3A_2317 = arith.select %ge3A_2316, %shift_right_arithmetic3A_2310, %select_n3A_2303 : i32
    %add3A_2318 = arith.constant 1 : i32
    %add3A_2319 = arith.addi %shift_right_arithmetic3A_2310, %add3A_2318 : i32
    %select_n3A_2320 = arith.select %ge3A_2316, %select_n3A_2307, %add3A_2319 : i32
    %add3A_2321 = arith.addi %select_n3A_2320, %select_n3A_2317 : i32
    %shift_right_arithmetic3A_2322 = arith.constant 1 : i32
    %shift_right_arithmetic3A_2323 = arith.shrsi %add3A_2321, %shift_right_arithmetic3A_2322 : i32
    %get3A_2324 = arith.index_cast %shift_right_arithmetic3A_2323 : i32 to index
    %get3A_2325 = tpu.vector_load %arg10[%get3A_2324] {strides = array<i32>} : memref<10016xi32, #tpu.memory_space<vmem>>, vector<16xi32>,
    %slice3A_2326 = vector.extract_strided_slice %get3A_2325 {offsets = [0], sizes = [1], strides = [1]} : vector<16xi32> to vector<1xi32>
    %squeeze3A_2327 = vector.extract %slice3A_2326[0] : i32 from vector<1xi32>
    %ge3A_2328 = arith.constant 12 : i32
    %ge3A_2329 = arith.cmpi sge, %squeeze3A_2327, %ge3A_2328 : i32
    %select_n3A_2330 = arith.select %ge3A_2329, %shift_right_arithmetic3A_2323, %select_n3A_2317 : i32
    %add3A_2331 = arith.constant 1 : i32
    %add3A_2332 = arith.addi %shift_right_arithmetic3A_2323, %add3A_2331 : i32
    %select_n3A_2333 = arith.select %ge3A_2329, %select_n3A_2320, %add3A_2332 : i32
    %add3A_2334 = arith.addi %select_n3A_2333, %select_n3A_2330 : i32
    %shift_right_arithmetic3A_2335 = arith.constant 1 : i32
    %shift_right_arithmetic3A_2336 = arith.shrsi %add3A_2334, %shift_right_arithmetic3A_2335 : i32
    %get3A_2337 = arith.index_cast %shift_right_arithmetic3A_2336 : i32 to index
    %get3A_2338 = tpu.vector_load %arg10[%get3A_2337] {strides = array<i32>} : memref<10016xi32, #tpu.memory_space<vmem>>, vector<16xi32>,
    %slice3A_2339 = vector.extract_strided_slice %get3A_2338 {offsets = [0], sizes = [1], strides = [1]} : vector<16xi32> to vector<1xi32>
    %squeeze3A_2340 = vector.extract %slice3A_2339[0] : i32 from vector<1xi32>
    %ge3A_2341 = arith.constant 12 : i32
    %ge3A_2342 = arith.cmpi sge, %squeeze3A_2340, %ge3A_2341 : i32
    %select_n3A_2343 = arith.select %ge3A_2342, %shift_right_arithmetic3A_2336, %select_n3A_2330 : i32
    %add3A_2344 = arith.constant 1 : i32
    %add3A_2345 = arith.addi %shift_right_arithmetic3A_2336, %add3A_2344 : i32
    %select_n3A_2346 = arith.select %ge3A_2342, %select_n3A_2333, %add3A_2345 : i32
    %add3A_2347 = arith.addi %select_n3A_2346, %select_n3A_2343 : i32
    %shift_right_arithmetic3A_2348 = arith.constant 1 : i32
    %shift_right_arithmetic3A_2349 = arith.shrsi %add3A_2347, %shift_right_arithmetic3A_2348 : i32
    %get3A_2350 = arith.index_cast %shift_right_arithmetic3A_2349 : i32 to index
    %get3A_2351 = tpu.vector_load %arg10[%get3A_2350] {strides = array<i32>} : memref<10016xi32, #tpu.memory_space<vmem>>, vector<16xi32>,
    %slice3A_2352 = vector.extract_strided_slice %get3A_2351 {offsets = [0], sizes = [1], strides = [1]} : vector<16xi32> to vector<1xi32>
    %squeeze3A_2353 = vector.extract %slice3A_2352[0] : i32 from vector<1xi32>
    %ge3A_2354 = arith.constant 12 : i32
    %ge3A_2355 = arith.cmpi sge, %squeeze3A_2353, %ge3A_2354 : i32
    %select_n3A_2356 = arith.select %ge3A_2355, %shift_right_arithmetic3A_2349, %select_n3A_2343 : i32
    %add3A_2357 = arith.constant 1 : i32
    %add3A_2358 = arith.addi %shift_right_arithmetic3A_2349, %add3A_2357 : i32
    %select_n3A_2359 = arith.select %ge3A_2355, %select_n3A_2346, %add3A_2358 : i32
    %add3A_2360 = arith.addi %select_n3A_2359, %select_n3A_2356 : i32
    %shift_right_arithmetic3A_2361 = arith.constant 1 : i32
    %shift_right_arithmetic3A_2362 = arith.shrsi %add3A_2360, %shift_right_arithmetic3A_2361 : i32
    %get3A_2363 = arith.index_cast %shift_right_arithmetic3A_2362 : i32 to index
    %get3A_2364 = tpu.vector_load %arg10[%get3A_2363] {strides = array<i32>} : memref<10016xi32, #tpu.memory_space<vmem>>, vector<16xi32>,
    %slice3A_2365 = vector.extract_strided_slice %get3A_2364 {offsets = [0], sizes = [1], strides = [1]} : vector<16xi32> to vector<1xi32>
    %squeeze3A_2366 = vector.extract %slice3A_2365[0] : i32 from vector<1xi32>
    %ge3A_2367 = arith.constant 12 : i32
    %ge3A_2368 = arith.cmpi sge, %squeeze3A_2366, %ge3A_2367 : i32
    %select_n3A_2369 = arith.select %ge3A_2368, %shift_right_arithmetic3A_2362, %select_n3A_2356 : i32
    %add3A_2370 = arith.constant 1 : i32
    %add3A_2371 = arith.addi %shift_right_arithmetic3A_2362, %add3A_2370 : i32
    %select_n3A_2372 = arith.select %ge3A_2368, %select_n3A_2359, %add3A_2371 : i32
    %add3A_2373 = arith.addi %select_n3A_2372, %select_n3A_2369 : i32
    %shift_right_arithmetic3A_2374 = arith.constant 1 : i32
    %shift_right_arithmetic3A_2375 = arith.shrsi %add3A_2373, %shift_right_arithmetic3A_2374 : i32
    %get3A_2376 = arith.index_cast %shift_right_arithmetic3A_2375 : i32 to index
    %get3A_2377 = tpu.vector_load %arg10[%get3A_2376] {strides = array<i32>} : memref<10016xi32, #tpu.memory_space<vmem>>, vector<16xi32>,
    %slice3A_2378 = vector.extract_strided_slice %get3A_2377 {offsets = [0], sizes = [1], strides = [1]} : vector<16xi32> to vector<1xi32>
    %squeeze3A_2379 = vector.extract %slice3A_2378[0] : i32 from vector<1xi32>
    %ge3A_2380 = arith.constant 12 : i32
    %ge3A_2381 = arith.cmpi sge, %squeeze3A_2379, %ge3A_2380 : i32
    %select_n3A_2382 = arith.select %ge3A_2381, %shift_right_arithmetic3A_2375, %select_n3A_2369 : i32
    %add3A_2383 = arith.constant 1 : i32
    %add3A_2384 = arith.addi %shift_right_arithmetic3A_2375, %add3A_2383 : i32
    %select_n3A_2385 = arith.select %ge3A_2381, %select_n3A_2372, %add3A_2384 : i32
    %add3A_2386 = arith.addi %select_n3A_2385, %select_n3A_2382 : i32
    %shift_right_arithmetic3A_2387 = arith.constant 1 : i32
    %shift_right_arithmetic3A_2388 = arith.shrsi %add3A_2386, %shift_right_arithmetic3A_2387 : i32
    %get3A_2389 = arith.index_cast %shift_right_arithmetic3A_2388 : i32 to index
    %get3A_2390 = tpu.vector_load %arg10[%get3A_2389] {strides = array<i32>} : memref<10016xi32, #tpu.memory_space<vmem>>, vector<16xi32>,
    %slice3A_2391 = vector.extract_strided_slice %get3A_2390 {offsets = [0], sizes = [1], strides = [1]} : vector<16xi32> to vector<1xi32>
    %squeeze3A_2392 = vector.extract %slice3A_2391[0] : i32 from vector<1xi32>
    %ge3A_2393 = arith.constant 12 : i32
    %ge3A_2394 = arith.cmpi sge, %squeeze3A_2392, %ge3A_2393 : i32
    %select_n3A_2395 = arith.select %ge3A_2394, %shift_right_arithmetic3A_2388, %select_n3A_2382 : i32
    %add3A_2396 = arith.constant 1 : i32
    %add3A_2397 = arith.addi %shift_right_arithmetic3A_2388, %add3A_2396 : i32
    %select_n3A_2398 = arith.select %ge3A_2394, %select_n3A_2385, %add3A_2397 : i32
    %add3A_2399 = arith.addi %select_n3A_2398, %select_n3A_2395 : i32
    %shift_right_arithmetic3A_2400 = arith.constant 1 : i32
    %shift_right_arithmetic3A_2401 = arith.shrsi %add3A_2399, %shift_right_arithmetic3A_2400 : i32
    %get3A_2402 = arith.index_cast %shift_right_arithmetic3A_2401 : i32 to index
    %get3A_2403 = tpu.vector_load %arg10[%get3A_2402] {strides = array<i32>} : memref<10016xi32, #tpu.memory_space<vmem>>, vector<16xi32>,
    %slice3A_2404 = vector.extract_strided_slice %get3A_2403 {offsets = [0], sizes = [1], strides = [1]} : vector<16xi32> to vector<1xi32>
    %squeeze3A_2405 = vector.extract %slice3A_2404[0] : i32 from vector<1xi32>
    %ge3A_2406 = arith.constant 12 : i32
    %ge3A_2407 = arith.cmpi sge, %squeeze3A_2405, %ge3A_2406 : i32
    %select_n3A_2408 = arith.select %ge3A_2407, %shift_right_arithmetic3A_2401, %select_n3A_2395 : i32
    %add3A_2409 = arith.constant 1 : i32
    %add3A_2410 = arith.addi %shift_right_arithmetic3A_2401, %add3A_2409 : i32
    %select_n3A_2411 = arith.select %ge3A_2407, %select_n3A_2398, %add3A_2410 : i32
    %add3A_2412 = arith.addi %select_n3A_2411, %select_n3A_2408 : i32
    %shift_right_arithmetic3A_2413 = arith.constant 1 : i32
    %shift_right_arithmetic3A_2414 = arith.shrsi %add3A_2412, %shift_right_arithmetic3A_2413 : i32
    %get3A_2415 = arith.index_cast %shift_right_arithmetic3A_2414 : i32 to index
    %get3A_2416 = tpu.vector_load %arg10[%get3A_2415] {strides = array<i32>} : memref<10016xi32, #tpu.memory_space<vmem>>, vector<16xi32>,
    %slice3A_2417 = vector.extract_strided_slice %get3A_2416 {offsets = [0], sizes = [1], strides = [1]} : vector<16xi32> to vector<1xi32>
    %squeeze3A_2418 = vector.extract %slice3A_2417[0] : i32 from vector<1xi32>
    %ge3A_2419 = arith.constant 12 : i32
    %ge3A_2420 = arith.cmpi sge, %squeeze3A_2418, %ge3A_2419 : i32
    %select_n3A_2421 = arith.select %ge3A_2420, %shift_right_arithmetic3A_2414, %select_n3A_2408 : i32
    %add3A_2422 = arith.constant 1 : i32
    %add3A_2423 = arith.addi %shift_right_arithmetic3A_2414, %add3A_2422 : i32
    %select_n3A_2424 = arith.select %ge3A_2420, %select_n3A_2411, %add3A_2423 : i32
    %add3A_2425 = arith.addi %select_n3A_2424, %select_n3A_2421 : i32
    %shift_right_arithmetic3A_2426 = arith.constant 1 : i32
    %shift_right_arithmetic3A_2427 = arith.shrsi %add3A_2425, %shift_right_arithmetic3A_2426 : i32
    %get3A_2428 = arith.index_cast %shift_right_arithmetic3A_2427 : i32 to index
    %get3A_2429 = tpu.vector_load %arg10[%get3A_2428] {strides = array<i32>} : memref<10016xi32, #tpu.memory_space<vmem>>, vector<16xi32>,
    %slice3A_2430 = vector.extract_strided_slice %get3A_2429 {offsets = [0], sizes = [1], strides = [1]} : vector<16xi32> to vector<1xi32>
    %squeeze3A_2431 = vector.extract %slice3A_2430[0] : i32 from vector<1xi32>
    %ge3A_2432 = arith.constant 12 : i32
    %ge3A_2433 = arith.cmpi sge, %squeeze3A_2431, %ge3A_2432 : i32
    %select_n3A_2434 = arith.select %ge3A_2433, %shift_right_arithmetic3A_2427, %select_n3A_2421 : i32
    %add3A_2435 = arith.constant 1 : i32
    %add3A_2436 = arith.addi %shift_right_arithmetic3A_2427, %add3A_2435 : i32
    %select_n3A_2437 = arith.select %ge3A_2433, %select_n3A_2424, %add3A_2436 : i32
    %add3A_2438 = arith.addi %select_n3A_2437, %select_n3A_2434 : i32
    %shift_right_arithmetic3A_2439 = arith.constant 1 : i32
    %shift_right_arithmetic3A_2440 = arith.shrsi %add3A_2438, %shift_right_arithmetic3A_2439 : i32
    %get3A_2441 = arith.index_cast %shift_right_arithmetic3A_2440 : i32 to index
    %get3A_2442 = tpu.vector_load %arg10[%get3A_2441] {strides = array<i32>} : memref<10016xi32, #tpu.memory_space<vmem>>, vector<16xi32>,
    %slice3A_2443 = vector.extract_strided_slice %get3A_2442 {offsets = [0], sizes = [1], strides = [1]} : vector<16xi32> to vector<1xi32>
    %squeeze3A_2444 = vector.extract %slice3A_2443[0] : i32 from vector<1xi32>
    %ge3A_2445 = arith.constant 12 : i32
    %ge3A_2446 = arith.cmpi sge, %squeeze3A_2444, %ge3A_2445 : i32
    %select_n3A_2447 = arith.select %ge3A_2446, %shift_right_arithmetic3A_2440, %select_n3A_2434 : i32
    %add3A_2448 = arith.constant 1 : i32
    %add3A_2449 = arith.addi %shift_right_arithmetic3A_2440, %add3A_2448 : i32
    %select_n3A_2450 = arith.select %ge3A_2446, %select_n3A_2437, %add3A_2449 : i32
    %add3A_2451 = arith.addi %select_n3A_2450, %select_n3A_2447 : i32
    %shift_right_arithmetic3A_2452 = arith.constant 1 : i32
    %shift_right_arithmetic3A_2453 = arith.shrsi %add3A_2451, %shift_right_arithmetic3A_2452 : i32
    %get3A_2454 = arith.index_cast %shift_right_arithmetic3A_2453 : i32 to index
    %get3A_2455 = tpu.vector_load %arg10[%get3A_2454] {strides = array<i32>} : memref<10016xi32, #tpu.memory_space<vmem>>, vector<16xi32>,
    %slice3A_2456 = vector.extract_strided_slice %get3A_2455 {offsets = [0], sizes = [1], strides = [1]} : vector<16xi32> to vector<1xi32>
    %squeeze3A_2457 = vector.extract %slice3A_2456[0] : i32 from vector<1xi32>
    %ge3A_2458 = arith.constant 12 : i32
    %ge3A_2459 = arith.cmpi sge, %squeeze3A_2457, %ge3A_2458 : i32
    %select_n3A_2460 = arith.select %ge3A_2459, %shift_right_arithmetic3A_2453, %select_n3A_2447 : i32
    %add3A_2461 = arith.constant 1 : i32
    %add3A_2462 = arith.addi %shift_right_arithmetic3A_2453, %add3A_2461 : i32
    %select_n3A_2463 = arith.select %ge3A_2459, %select_n3A_2450, %add3A_2462 : i32
    %add3A_2464 = arith.addi %select_n3A_2463, %select_n3A_2460 : i32
    %shift_right_arithmetic3A_2465 = arith.constant 1 : i32
    %shift_right_arithmetic3A_2466 = arith.shrsi %add3A_2464, %shift_right_arithmetic3A_2465 : i32
    %get3A_2467 = arith.index_cast %shift_right_arithmetic3A_2466 : i32 to index
    %get3A_2468 = tpu.vector_load %arg10[%get3A_2467] {strides = array<i32>} : memref<10016xi32, #tpu.memory_space<vmem>>, vector<16xi32>,
    %slice3A_2469 = vector.extract_strided_slice %get3A_2468 {offsets = [0], sizes = [1], strides = [1]} : vector<16xi32> to vector<1xi32>
    %squeeze3A_2470 = vector.extract %slice3A_2469[0] : i32 from vector<1xi32>
    %ge3A_2471 = arith.constant 12 : i32
    %ge3A_2472 = arith.cmpi sge, %squeeze3A_2470, %ge3A_2471 : i32
    %select_n3A_2473 = arith.select %ge3A_2472, %shift_right_arithmetic3A_2466, %select_n3A_2460 : i32
    %add3A_2474 = arith.constant 1 : i32
    %add3A_2475 = arith.addi %shift_right_arithmetic3A_2466, %add3A_2474 : i32
    %select_n3A_2476 = arith.select %ge3A_2472, %select_n3A_2463, %add3A_2475 : i32
    %swap3A_2477 = arith.constant 11 : i32
    %swap3A_2478 = arith.index_cast %swap3A_2477 : i32 to index
    %swap3A_2479 = memref.load %arg11[%swap3A_2478] : memref<16xi32, #tpu.memory_space<smem>>
    memref.store %select_n3A_2281, %arg11[%swap3A_2478] : memref<16xi32, #tpu.memory_space<smem>>
    %swap3A_2480 = arith.constant 11 : i32
    %swap3A_2481 = arith.index_cast %swap3A_2480 : i32 to index
    %swap3A_2482 = memref.load %arg12[%swap3A_2481] : memref<16xi32, #tpu.memory_space<smem>>
    memref.store %select_n3A_2473, %arg12[%swap3A_2481] : memref<16xi32, #tpu.memory_space<smem>>
    %add3A_2483 = arith.constant 0 : i32
    %add3A_2484 = arith.constant 10000 : i32
    %add3A_2485 = arith.addi %add3A_2483, %add3A_2484 : i32
    %shift_right_arithmetic3A_2486 = arith.constant 1 : i32
    %shift_right_arithmetic3A_2487 = arith.shrsi %add3A_2485, %shift_right_arithmetic3A_2486 : i32
    %get3A_2488 = arith.index_cast %shift_right_arithmetic3A_2487 : i32 to index
    %get3A_2489 = tpu.vector_load %arg10[%get3A_2488] {strides = array<i32>} : memref<10016xi32, #tpu.memory_space<vmem>>, vector<16xi32>,
    %slice3A_2490 = vector.extract_strided_slice %get3A_2489 {offsets = [0], sizes = [1], strides = [1]} : vector<16xi32> to vector<1xi32>
    %squeeze3A_2491 = vector.extract %slice3A_2490[0] : i32 from vector<1xi32>
    %ge3A_2492 = arith.constant 13 : i32
    %ge3A_2493 = arith.cmpi sge, %squeeze3A_2491, %ge3A_2492 : i32
    %jit3A_2494 = arith.constant 10000 : i32
    %select_n3A_2495 = arith.select %ge3A_2493, %shift_right_arithmetic3A_2487, %jit3A_2494 : i32
    %add3A_2496 = arith.constant 1 : i32
    %add3A_2497 = arith.addi %shift_right_arithmetic3A_2487, %add3A_2496 : i32
    %jit3A_2498 = arith.constant 0 : i32
    %select_n3A_2499 = arith.select %ge3A_2493, %jit3A_2498, %add3A_2497 : i32
    %add3A_2500 = arith.addi %select_n3A_2499, %select_n3A_2495 : i32
    %shift_right_arithmetic3A_2501 = arith.constant 1 : i32
    %shift_right_arithmetic3A_2502 = arith.shrsi %add3A_2500, %shift_right_arithmetic3A_2501 : i32
    %get3A_2503 = arith.index_cast %shift_right_arithmetic3A_2502 : i32 to index
    %get3A_2504 = tpu.vector_load %arg10[%get3A_2503] {strides = array<i32>} : memref<10016xi32, #tpu.memory_space<vmem>>, vector<16xi32>,
    %slice3A_2505 = vector.extract_strided_slice %get3A_2504 {offsets = [0], sizes = [1], strides = [1]} : vector<16xi32> to vector<1xi32>
    %squeeze3A_2506 = vector.extract %slice3A_2505[0] : i32 from vector<1xi32>
    %ge3A_2507 = arith.constant 13 : i32
    %ge3A_2508 = arith.cmpi sge, %squeeze3A_2506, %ge3A_2507 : i32
    %select_n3A_2509 = arith.select %ge3A_2508, %shift_right_arithmetic3A_2502, %select_n3A_2495 : i32
    %add3A_2510 = arith.constant 1 : i32
    %add3A_2511 = arith.addi %shift_right_arithmetic3A_2502, %add3A_2510 : i32
    %select_n3A_2512 = arith.select %ge3A_2508, %select_n3A_2499, %add3A_2511 : i32
    %add3A_2513 = arith.addi %select_n3A_2512, %select_n3A_2509 : i32
    %shift_right_arithmetic3A_2514 = arith.constant 1 : i32
    %shift_right_arithmetic3A_2515 = arith.shrsi %add3A_2513, %shift_right_arithmetic3A_2514 : i32
    %get3A_2516 = arith.index_cast %shift_right_arithmetic3A_2515 : i32 to index
    %get3A_2517 = tpu.vector_load %arg10[%get3A_2516] {strides = array<i32>} : memref<10016xi32, #tpu.memory_space<vmem>>, vector<16xi32>,
    %slice3A_2518 = vector.extract_strided_slice %get3A_2517 {offsets = [0], sizes = [1], strides = [1]} : vector<16xi32> to vector<1xi32>
    %squeeze3A_2519 = vector.extract %slice3A_2518[0] : i32 from vector<1xi32>
    %ge3A_2520 = arith.constant 13 : i32
    %ge3A_2521 = arith.cmpi sge, %squeeze3A_2519, %ge3A_2520 : i32
    %select_n3A_2522 = arith.select %ge3A_2521, %shift_right_arithmetic3A_2515, %select_n3A_2509 : i32
    %add3A_2523 = arith.constant 1 : i32
    %add3A_2524 = arith.addi %shift_right_arithmetic3A_2515, %add3A_2523 : i32
    %select_n3A_2525 = arith.select %ge3A_2521, %select_n3A_2512, %add3A_2524 : i32
    %add3A_2526 = arith.addi %select_n3A_2525, %select_n3A_2522 : i32
    %shift_right_arithmetic3A_2527 = arith.constant 1 : i32
    %shift_right_arithmetic3A_2528 = arith.shrsi %add3A_2526, %shift_right_arithmetic3A_2527 : i32
    %get3A_2529 = arith.index_cast %shift_right_arithmetic3A_2528 : i32 to index
    %get3A_2530 = tpu.vector_load %arg10[%get3A_2529] {strides = array<i32>} : memref<10016xi32, #tpu.memory_space<vmem>>, vector<16xi32>,
    %slice3A_2531 = vector.extract_strided_slice %get3A_2530 {offsets = [0], sizes = [1], strides = [1]} : vector<16xi32> to vector<1xi32>
    %squeeze3A_2532 = vector.extract %slice3A_2531[0] : i32 from vector<1xi32>
    %ge3A_2533 = arith.constant 13 : i32
    %ge3A_2534 = arith.cmpi sge, %squeeze3A_2532, %ge3A_2533 : i32
    %select_n3A_2535 = arith.select %ge3A_2534, %shift_right_arithmetic3A_2528, %select_n3A_2522 : i32
    %add3A_2536 = arith.constant 1 : i32
    %add3A_2537 = arith.addi %shift_right_arithmetic3A_2528, %add3A_2536 : i32
    %select_n3A_2538 = arith.select %ge3A_2534, %select_n3A_2525, %add3A_2537 : i32
    %add3A_2539 = arith.addi %select_n3A_2538, %select_n3A_2535 : i32
    %shift_right_arithmetic3A_2540 = arith.constant 1 : i32
    %shift_right_arithmetic3A_2541 = arith.shrsi %add3A_2539, %shift_right_arithmetic3A_2540 : i32
    %get3A_2542 = arith.index_cast %shift_right_arithmetic3A_2541 : i32 to index
    %get3A_2543 = tpu.vector_load %arg10[%get3A_2542] {strides = array<i32>} : memref<10016xi32, #tpu.memory_space<vmem>>, vector<16xi32>,
    %slice3A_2544 = vector.extract_strided_slice %get3A_2543 {offsets = [0], sizes = [1], strides = [1]} : vector<16xi32> to vector<1xi32>
    %squeeze3A_2545 = vector.extract %slice3A_2544[0] : i32 from vector<1xi32>
    %ge3A_2546 = arith.constant 13 : i32
    %ge3A_2547 = arith.cmpi sge, %squeeze3A_2545, %ge3A_2546 : i32
    %select_n3A_2548 = arith.select %ge3A_2547, %shift_right_arithmetic3A_2541, %select_n3A_2535 : i32
    %add3A_2549 = arith.constant 1 : i32
    %add3A_2550 = arith.addi %shift_right_arithmetic3A_2541, %add3A_2549 : i32
    %select_n3A_2551 = arith.select %ge3A_2547, %select_n3A_2538, %add3A_2550 : i32
    %add3A_2552 = arith.addi %select_n3A_2551, %select_n3A_2548 : i32
    %shift_right_arithmetic3A_2553 = arith.constant 1 : i32
    %shift_right_arithmetic3A_2554 = arith.shrsi %add3A_2552, %shift_right_arithmetic3A_2553 : i32
    %get3A_2555 = arith.index_cast %shift_right_arithmetic3A_2554 : i32 to index
    %get3A_2556 = tpu.vector_load %arg10[%get3A_2555] {strides = array<i32>} : memref<10016xi32, #tpu.memory_space<vmem>>, vector<16xi32>,
    %slice3A_2557 = vector.extract_strided_slice %get3A_2556 {offsets = [0], sizes = [1], strides = [1]} : vector<16xi32> to vector<1xi32>
    %squeeze3A_2558 = vector.extract %slice3A_2557[0] : i32 from vector<1xi32>
    %ge3A_2559 = arith.constant 13 : i32
    %ge3A_2560 = arith.cmpi sge, %squeeze3A_2558, %ge3A_2559 : i32
    %select_n3A_2561 = arith.select %ge3A_2560, %shift_right_arithmetic3A_2554, %select_n3A_2548 : i32
    %add3A_2562 = arith.constant 1 : i32
    %add3A_2563 = arith.addi %shift_right_arithmetic3A_2554, %add3A_2562 : i32
    %select_n3A_2564 = arith.select %ge3A_2560, %select_n3A_2551, %add3A_2563 : i32
    %add3A_2565 = arith.addi %select_n3A_2564, %select_n3A_2561 : i32
    %shift_right_arithmetic3A_2566 = arith.constant 1 : i32
    %shift_right_arithmetic3A_2567 = arith.shrsi %add3A_2565, %shift_right_arithmetic3A_2566 : i32
    %get3A_2568 = arith.index_cast %shift_right_arithmetic3A_2567 : i32 to index
    %get3A_2569 = tpu.vector_load %arg10[%get3A_2568] {strides = array<i32>} : memref<10016xi32, #tpu.memory_space<vmem>>, vector<16xi32>,
    %slice3A_2570 = vector.extract_strided_slice %get3A_2569 {offsets = [0], sizes = [1], strides = [1]} : vector<16xi32> to vector<1xi32>
    %squeeze3A_2571 = vector.extract %slice3A_2570[0] : i32 from vector<1xi32>
    %ge3A_2572 = arith.constant 13 : i32
    %ge3A_2573 = arith.cmpi sge, %squeeze3A_2571, %ge3A_2572 : i32
    %select_n3A_2574 = arith.select %ge3A_2573, %shift_right_arithmetic3A_2567, %select_n3A_2561 : i32
    %add3A_2575 = arith.constant 1 : i32
    %add3A_2576 = arith.addi %shift_right_arithmetic3A_2567, %add3A_2575 : i32
    %select_n3A_2577 = arith.select %ge3A_2573, %select_n3A_2564, %add3A_2576 : i32
    %add3A_2578 = arith.addi %select_n3A_2577, %select_n3A_2574 : i32
    %shift_right_arithmetic3A_2579 = arith.constant 1 : i32
    %shift_right_arithmetic3A_2580 = arith.shrsi %add3A_2578, %shift_right_arithmetic3A_2579 : i32
    %get3A_2581 = arith.index_cast %shift_right_arithmetic3A_2580 : i32 to index
    %get3A_2582 = tpu.vector_load %arg10[%get3A_2581] {strides = array<i32>} : memref<10016xi32, #tpu.memory_space<vmem>>, vector<16xi32>,
    %slice3A_2583 = vector.extract_strided_slice %get3A_2582 {offsets = [0], sizes = [1], strides = [1]} : vector<16xi32> to vector<1xi32>
    %squeeze3A_2584 = vector.extract %slice3A_2583[0] : i32 from vector<1xi32>
    %ge3A_2585 = arith.constant 13 : i32
    %ge3A_2586 = arith.cmpi sge, %squeeze3A_2584, %ge3A_2585 : i32
    %select_n3A_2587 = arith.select %ge3A_2586, %shift_right_arithmetic3A_2580, %select_n3A_2574 : i32
    %add3A_2588 = arith.constant 1 : i32
    %add3A_2589 = arith.addi %shift_right_arithmetic3A_2580, %add3A_2588 : i32
    %select_n3A_2590 = arith.select %ge3A_2586, %select_n3A_2577, %add3A_2589 : i32
    %add3A_2591 = arith.addi %select_n3A_2590, %select_n3A_2587 : i32
    %shift_right_arithmetic3A_2592 = arith.constant 1 : i32
    %shift_right_arithmetic3A_2593 = arith.shrsi %add3A_2591, %shift_right_arithmetic3A_2592 : i32
    %get3A_2594 = arith.index_cast %shift_right_arithmetic3A_2593 : i32 to index
    %get3A_2595 = tpu.vector_load %arg10[%get3A_2594] {strides = array<i32>} : memref<10016xi32, #tpu.memory_space<vmem>>, vector<16xi32>,
    %slice3A_2596 = vector.extract_strided_slice %get3A_2595 {offsets = [0], sizes = [1], strides = [1]} : vector<16xi32> to vector<1xi32>
    %squeeze3A_2597 = vector.extract %slice3A_2596[0] : i32 from vector<1xi32>
    %ge3A_2598 = arith.constant 13 : i32
    %ge3A_2599 = arith.cmpi sge, %squeeze3A_2597, %ge3A_2598 : i32
    %select_n3A_2600 = arith.select %ge3A_2599, %shift_right_arithmetic3A_2593, %select_n3A_2587 : i32
    %add3A_2601 = arith.constant 1 : i32
    %add3A_2602 = arith.addi %shift_right_arithmetic3A_2593, %add3A_2601 : i32
    %select_n3A_2603 = arith.select %ge3A_2599, %select_n3A_2590, %add3A_2602 : i32
    %add3A_2604 = arith.addi %select_n3A_2603, %select_n3A_2600 : i32
    %shift_right_arithmetic3A_2605 = arith.constant 1 : i32
    %shift_right_arithmetic3A_2606 = arith.shrsi %add3A_2604, %shift_right_arithmetic3A_2605 : i32
    %get3A_2607 = arith.index_cast %shift_right_arithmetic3A_2606 : i32 to index
    %get3A_2608 = tpu.vector_load %arg10[%get3A_2607] {strides = array<i32>} : memref<10016xi32, #tpu.memory_space<vmem>>, vector<16xi32>,
    %slice3A_2609 = vector.extract_strided_slice %get3A_2608 {offsets = [0], sizes = [1], strides = [1]} : vector<16xi32> to vector<1xi32>
    %squeeze3A_2610 = vector.extract %slice3A_2609[0] : i32 from vector<1xi32>
    %ge3A_2611 = arith.constant 13 : i32
    %ge3A_2612 = arith.cmpi sge, %squeeze3A_2610, %ge3A_2611 : i32
    %select_n3A_2613 = arith.select %ge3A_2612, %shift_right_arithmetic3A_2606, %select_n3A_2600 : i32
    %add3A_2614 = arith.constant 1 : i32
    %add3A_2615 = arith.addi %shift_right_arithmetic3A_2606, %add3A_2614 : i32
    %select_n3A_2616 = arith.select %ge3A_2612, %select_n3A_2603, %add3A_2615 : i32
    %add3A_2617 = arith.addi %select_n3A_2616, %select_n3A_2613 : i32
    %shift_right_arithmetic3A_2618 = arith.constant 1 : i32
    %shift_right_arithmetic3A_2619 = arith.shrsi %add3A_2617, %shift_right_arithmetic3A_2618 : i32
    %get3A_2620 = arith.index_cast %shift_right_arithmetic3A_2619 : i32 to index
    %get3A_2621 = tpu.vector_load %arg10[%get3A_2620] {strides = array<i32>} : memref<10016xi32, #tpu.memory_space<vmem>>, vector<16xi32>,
    %slice3A_2622 = vector.extract_strided_slice %get3A_2621 {offsets = [0], sizes = [1], strides = [1]} : vector<16xi32> to vector<1xi32>
    %squeeze3A_2623 = vector.extract %slice3A_2622[0] : i32 from vector<1xi32>
    %ge3A_2624 = arith.constant 13 : i32
    %ge3A_2625 = arith.cmpi sge, %squeeze3A_2623, %ge3A_2624 : i32
    %select_n3A_2626 = arith.select %ge3A_2625, %shift_right_arithmetic3A_2619, %select_n3A_2613 : i32
    %add3A_2627 = arith.constant 1 : i32
    %add3A_2628 = arith.addi %shift_right_arithmetic3A_2619, %add3A_2627 : i32
    %select_n3A_2629 = arith.select %ge3A_2625, %select_n3A_2616, %add3A_2628 : i32
    %add3A_2630 = arith.addi %select_n3A_2629, %select_n3A_2626 : i32
    %shift_right_arithmetic3A_2631 = arith.constant 1 : i32
    %shift_right_arithmetic3A_2632 = arith.shrsi %add3A_2630, %shift_right_arithmetic3A_2631 : i32
    %get3A_2633 = arith.index_cast %shift_right_arithmetic3A_2632 : i32 to index
    %get3A_2634 = tpu.vector_load %arg10[%get3A_2633] {strides = array<i32>} : memref<10016xi32, #tpu.memory_space<vmem>>, vector<16xi32>,
    %slice3A_2635 = vector.extract_strided_slice %get3A_2634 {offsets = [0], sizes = [1], strides = [1]} : vector<16xi32> to vector<1xi32>
    %squeeze3A_2636 = vector.extract %slice3A_2635[0] : i32 from vector<1xi32>
    %ge3A_2637 = arith.constant 13 : i32
    %ge3A_2638 = arith.cmpi sge, %squeeze3A_2636, %ge3A_2637 : i32
    %select_n3A_2639 = arith.select %ge3A_2638, %shift_right_arithmetic3A_2632, %select_n3A_2626 : i32
    %add3A_2640 = arith.constant 1 : i32
    %add3A_2641 = arith.addi %shift_right_arithmetic3A_2632, %add3A_2640 : i32
    %select_n3A_2642 = arith.select %ge3A_2638, %select_n3A_2629, %add3A_2641 : i32
    %add3A_2643 = arith.addi %select_n3A_2642, %select_n3A_2639 : i32
    %shift_right_arithmetic3A_2644 = arith.constant 1 : i32
    %shift_right_arithmetic3A_2645 = arith.shrsi %add3A_2643, %shift_right_arithmetic3A_2644 : i32
    %get3A_2646 = arith.index_cast %shift_right_arithmetic3A_2645 : i32 to index
    %get3A_2647 = tpu.vector_load %arg10[%get3A_2646] {strides = array<i32>} : memref<10016xi32, #tpu.memory_space<vmem>>, vector<16xi32>,
    %slice3A_2648 = vector.extract_strided_slice %get3A_2647 {offsets = [0], sizes = [1], strides = [1]} : vector<16xi32> to vector<1xi32>
    %squeeze3A_2649 = vector.extract %slice3A_2648[0] : i32 from vector<1xi32>
    %ge3A_2650 = arith.constant 13 : i32
    %ge3A_2651 = arith.cmpi sge, %squeeze3A_2649, %ge3A_2650 : i32
    %select_n3A_2652 = arith.select %ge3A_2651, %shift_right_arithmetic3A_2645, %select_n3A_2639 : i32
    %add3A_2653 = arith.constant 1 : i32
    %add3A_2654 = arith.addi %shift_right_arithmetic3A_2645, %add3A_2653 : i32
    %select_n3A_2655 = arith.select %ge3A_2651, %select_n3A_2642, %add3A_2654 : i32
    %add3A_2656 = arith.addi %select_n3A_2655, %select_n3A_2652 : i32
    %shift_right_arithmetic3A_2657 = arith.constant 1 : i32
    %shift_right_arithmetic3A_2658 = arith.shrsi %add3A_2656, %shift_right_arithmetic3A_2657 : i32
    %get3A_2659 = arith.index_cast %shift_right_arithmetic3A_2658 : i32 to index
    %get3A_2660 = tpu.vector_load %arg10[%get3A_2659] {strides = array<i32>} : memref<10016xi32, #tpu.memory_space<vmem>>, vector<16xi32>,
    %slice3A_2661 = vector.extract_strided_slice %get3A_2660 {offsets = [0], sizes = [1], strides = [1]} : vector<16xi32> to vector<1xi32>
    %squeeze3A_2662 = vector.extract %slice3A_2661[0] : i32 from vector<1xi32>
    %ge3A_2663 = arith.constant 13 : i32
    %ge3A_2664 = arith.cmpi sge, %squeeze3A_2662, %ge3A_2663 : i32
    %select_n3A_2665 = arith.select %ge3A_2664, %shift_right_arithmetic3A_2658, %select_n3A_2652 : i32
    %add3A_2666 = arith.constant 1 : i32
    %add3A_2667 = arith.addi %shift_right_arithmetic3A_2658, %add3A_2666 : i32
    %select_n3A_2668 = arith.select %ge3A_2664, %select_n3A_2655, %add3A_2667 : i32
    %swap3A_2669 = arith.constant 12 : i32
    %swap3A_2670 = arith.index_cast %swap3A_2669 : i32 to index
    %swap3A_2671 = memref.load %arg11[%swap3A_2670] : memref<16xi32, #tpu.memory_space<smem>>
    memref.store %select_n3A_2473, %arg11[%swap3A_2670] : memref<16xi32, #tpu.memory_space<smem>>
    %swap3A_2672 = arith.constant 12 : i32
    %swap3A_2673 = arith.index_cast %swap3A_2672 : i32 to index
    %swap3A_2674 = memref.load %arg12[%swap3A_2673] : memref<16xi32, #tpu.memory_space<smem>>
    memref.store %select_n3A_2665, %arg12[%swap3A_2673] : memref<16xi32, #tpu.memory_space<smem>>
    %add3A_2675 = arith.constant 0 : i32
    %add3A_2676 = arith.constant 10000 : i32
    %add3A_2677 = arith.addi %add3A_2675, %add3A_2676 : i32
    %shift_right_arithmetic3A_2678 = arith.constant 1 : i32
    %shift_right_arithmetic3A_2679 = arith.shrsi %add3A_2677, %shift_right_arithmetic3A_2678 : i32
    %get3A_2680 = arith.index_cast %shift_right_arithmetic3A_2679 : i32 to index
    %get3A_2681 = tpu.vector_load %arg10[%get3A_2680] {strides = array<i32>} : memref<10016xi32, #tpu.memory_space<vmem>>, vector<16xi32>,
    %slice3A_2682 = vector.extract_strided_slice %get3A_2681 {offsets = [0], sizes = [1], strides = [1]} : vector<16xi32> to vector<1xi32>
    %squeeze3A_2683 = vector.extract %slice3A_2682[0] : i32 from vector<1xi32>
    %ge3A_2684 = arith.constant 14 : i32
    %ge3A_2685 = arith.cmpi sge, %squeeze3A_2683, %ge3A_2684 : i32
    %jit3A_2686 = arith.constant 10000 : i32
    %select_n3A_2687 = arith.select %ge3A_2685, %shift_right_arithmetic3A_2679, %jit3A_2686 : i32
    %add3A_2688 = arith.constant 1 : i32
    %add3A_2689 = arith.addi %shift_right_arithmetic3A_2679, %add3A_2688 : i32
    %jit3A_2690 = arith.constant 0 : i32
    %select_n3A_2691 = arith.select %ge3A_2685, %jit3A_2690, %add3A_2689 : i32
    %add3A_2692 = arith.addi %select_n3A_2691, %select_n3A_2687 : i32
    %shift_right_arithmetic3A_2693 = arith.constant 1 : i32
    %shift_right_arithmetic3A_2694 = arith.shrsi %add3A_2692, %shift_right_arithmetic3A_2693 : i32
    %get3A_2695 = arith.index_cast %shift_right_arithmetic3A_2694 : i32 to index
    %get3A_2696 = tpu.vector_load %arg10[%get3A_2695] {strides = array<i32>} : memref<10016xi32, #tpu.memory_space<vmem>>, vector<16xi32>,
    %slice3A_2697 = vector.extract_strided_slice %get3A_2696 {offsets = [0], sizes = [1], strides = [1]} : vector<16xi32> to vector<1xi32>
    %squeeze3A_2698 = vector.extract %slice3A_2697[0] : i32 from vector<1xi32>
    %ge3A_2699 = arith.constant 14 : i32
    %ge3A_2700 = arith.cmpi sge, %squeeze3A_2698, %ge3A_2699 : i32
    %select_n3A_2701 = arith.select %ge3A_2700, %shift_right_arithmetic3A_2694, %select_n3A_2687 : i32
    %add3A_2702 = arith.constant 1 : i32
    %add3A_2703 = arith.addi %shift_right_arithmetic3A_2694, %add3A_2702 : i32
    %select_n3A_2704 = arith.select %ge3A_2700, %select_n3A_2691, %add3A_2703 : i32
    %add3A_2705 = arith.addi %select_n3A_2704, %select_n3A_2701 : i32
    %shift_right_arithmetic3A_2706 = arith.constant 1 : i32
    %shift_right_arithmetic3A_2707 = arith.shrsi %add3A_2705, %shift_right_arithmetic3A_2706 : i32
    %get3A_2708 = arith.index_cast %shift_right_arithmetic3A_2707 : i32 to index
    %get3A_2709 = tpu.vector_load %arg10[%get3A_2708] {strides = array<i32>} : memref<10016xi32, #tpu.memory_space<vmem>>, vector<16xi32>,
    %slice3A_2710 = vector.extract_strided_slice %get3A_2709 {offsets = [0], sizes = [1], strides = [1]} : vector<16xi32> to vector<1xi32>
    %squeeze3A_2711 = vector.extract %slice3A_2710[0] : i32 from vector<1xi32>
    %ge3A_2712 = arith.constant 14 : i32
    %ge3A_2713 = arith.cmpi sge, %squeeze3A_2711, %ge3A_2712 : i32
    %select_n3A_2714 = arith.select %ge3A_2713, %shift_right_arithmetic3A_2707, %select_n3A_2701 : i32
    %add3A_2715 = arith.constant 1 : i32
    %add3A_2716 = arith.addi %shift_right_arithmetic3A_2707, %add3A_2715 : i32
    %select_n3A_2717 = arith.select %ge3A_2713, %select_n3A_2704, %add3A_2716 : i32
    %add3A_2718 = arith.addi %select_n3A_2717, %select_n3A_2714 : i32
    %shift_right_arithmetic3A_2719 = arith.constant 1 : i32
    %shift_right_arithmetic3A_2720 = arith.shrsi %add3A_2718, %shift_right_arithmetic3A_2719 : i32
    %get3A_2721 = arith.index_cast %shift_right_arithmetic3A_2720 : i32 to index
    %get3A_2722 = tpu.vector_load %arg10[%get3A_2721] {strides = array<i32>} : memref<10016xi32, #tpu.memory_space<vmem>>, vector<16xi32>,
    %slice3A_2723 = vector.extract_strided_slice %get3A_2722 {offsets = [0], sizes = [1], strides = [1]} : vector<16xi32> to vector<1xi32>
    %squeeze3A_2724 = vector.extract %slice3A_2723[0] : i32 from vector<1xi32>
    %ge3A_2725 = arith.constant 14 : i32
    %ge3A_2726 = arith.cmpi sge, %squeeze3A_2724, %ge3A_2725 : i32
    %select_n3A_2727 = arith.select %ge3A_2726, %shift_right_arithmetic3A_2720, %select_n3A_2714 : i32
    %add3A_2728 = arith.constant 1 : i32
    %add3A_2729 = arith.addi %shift_right_arithmetic3A_2720, %add3A_2728 : i32
    %select_n3A_2730 = arith.select %ge3A_2726, %select_n3A_2717, %add3A_2729 : i32
    %add3A_2731 = arith.addi %select_n3A_2730, %select_n3A_2727 : i32
    %shift_right_arithmetic3A_2732 = arith.constant 1 : i32
    %shift_right_arithmetic3A_2733 = arith.shrsi %add3A_2731, %shift_right_arithmetic3A_2732 : i32
    %get3A_2734 = arith.index_cast %shift_right_arithmetic3A_2733 : i32 to index
    %get3A_2735 = tpu.vector_load %arg10[%get3A_2734] {strides = array<i32>} : memref<10016xi32, #tpu.memory_space<vmem>>, vector<16xi32>,
    %slice3A_2736 = vector.extract_strided_slice %get3A_2735 {offsets = [0], sizes = [1], strides = [1]} : vector<16xi32> to vector<1xi32>
    %squeeze3A_2737 = vector.extract %slice3A_2736[0] : i32 from vector<1xi32>
    %ge3A_2738 = arith.constant 14 : i32
    %ge3A_2739 = arith.cmpi sge, %squeeze3A_2737, %ge3A_2738 : i32
    %select_n3A_2740 = arith.select %ge3A_2739, %shift_right_arithmetic3A_2733, %select_n3A_2727 : i32
    %add3A_2741 = arith.constant 1 : i32
    %add3A_2742 = arith.addi %shift_right_arithmetic3A_2733, %add3A_2741 : i32
    %select_n3A_2743 = arith.select %ge3A_2739, %select_n3A_2730, %add3A_2742 : i32
    %add3A_2744 = arith.addi %select_n3A_2743, %select_n3A_2740 : i32
    %shift_right_arithmetic3A_2745 = arith.constant 1 : i32
    %shift_right_arithmetic3A_2746 = arith.shrsi %add3A_2744, %shift_right_arithmetic3A_2745 : i32
    %get3A_2747 = arith.index_cast %shift_right_arithmetic3A_2746 : i32 to index
    %get3A_2748 = tpu.vector_load %arg10[%get3A_2747] {strides = array<i32>} : memref<10016xi32, #tpu.memory_space<vmem>>, vector<16xi32>,
    %slice3A_2749 = vector.extract_strided_slice %get3A_2748 {offsets = [0], sizes = [1], strides = [1]} : vector<16xi32> to vector<1xi32>
    %squeeze3A_2750 = vector.extract %slice3A_2749[0] : i32 from vector<1xi32>
    %ge3A_2751 = arith.constant 14 : i32
    %ge3A_2752 = arith.cmpi sge, %squeeze3A_2750, %ge3A_2751 : i32
    %select_n3A_2753 = arith.select %ge3A_2752, %shift_right_arithmetic3A_2746, %select_n3A_2740 : i32
    %add3A_2754 = arith.constant 1 : i32
    %add3A_2755 = arith.addi %shift_right_arithmetic3A_2746, %add3A_2754 : i32
    %select_n3A_2756 = arith.select %ge3A_2752, %select_n3A_2743, %add3A_2755 : i32
    %add3A_2757 = arith.addi %select_n3A_2756, %select_n3A_2753 : i32
    %shift_right_arithmetic3A_2758 = arith.constant 1 : i32
    %shift_right_arithmetic3A_2759 = arith.shrsi %add3A_2757, %shift_right_arithmetic3A_2758 : i32
    %get3A_2760 = arith.index_cast %shift_right_arithmetic3A_2759 : i32 to index
    %get3A_2761 = tpu.vector_load %arg10[%get3A_2760] {strides = array<i32>} : memref<10016xi32, #tpu.memory_space<vmem>>, vector<16xi32>,
    %slice3A_2762 = vector.extract_strided_slice %get3A_2761 {offsets = [0], sizes = [1], strides = [1]} : vector<16xi32> to vector<1xi32>
    %squeeze3A_2763 = vector.extract %slice3A_2762[0] : i32 from vector<1xi32>
    %ge3A_2764 = arith.constant 14 : i32
    %ge3A_2765 = arith.cmpi sge, %squeeze3A_2763, %ge3A_2764 : i32
    %select_n3A_2766 = arith.select %ge3A_2765, %shift_right_arithmetic3A_2759, %select_n3A_2753 : i32
    %add3A_2767 = arith.constant 1 : i32
    %add3A_2768 = arith.addi %shift_right_arithmetic3A_2759, %add3A_2767 : i32
    %select_n3A_2769 = arith.select %ge3A_2765, %select_n3A_2756, %add3A_2768 : i32
    %add3A_2770 = arith.addi %select_n3A_2769, %select_n3A_2766 : i32
    %shift_right_arithmetic3A_2771 = arith.constant 1 : i32
    %shift_right_arithmetic3A_2772 = arith.shrsi %add3A_2770, %shift_right_arithmetic3A_2771 : i32
    %get3A_2773 = arith.index_cast %shift_right_arithmetic3A_2772 : i32 to index
    %get3A_2774 = tpu.vector_load %arg10[%get3A_2773] {strides = array<i32>} : memref<10016xi32, #tpu.memory_space<vmem>>, vector<16xi32>,
    %slice3A_2775 = vector.extract_strided_slice %get3A_2774 {offsets = [0], sizes = [1], strides = [1]} : vector<16xi32> to vector<1xi32>
    %squeeze3A_2776 = vector.extract %slice3A_2775[0] : i32 from vector<1xi32>
    %ge3A_2777 = arith.constant 14 : i32
    %ge3A_2778 = arith.cmpi sge, %squeeze3A_2776, %ge3A_2777 : i32
    %select_n3A_2779 = arith.select %ge3A_2778, %shift_right_arithmetic3A_2772, %select_n3A_2766 : i32
    %add3A_2780 = arith.constant 1 : i32
    %add3A_2781 = arith.addi %shift_right_arithmetic3A_2772, %add3A_2780 : i32
    %select_n3A_2782 = arith.select %ge3A_2778, %select_n3A_2769, %add3A_2781 : i32
    %add3A_2783 = arith.addi %select_n3A_2782, %select_n3A_2779 : i32
    %shift_right_arithmetic3A_2784 = arith.constant 1 : i32
    %shift_right_arithmetic3A_2785 = arith.shrsi %add3A_2783, %shift_right_arithmetic3A_2784 : i32
    %get3A_2786 = arith.index_cast %shift_right_arithmetic3A_2785 : i32 to index
    %get3A_2787 = tpu.vector_load %arg10[%get3A_2786] {strides = array<i32>} : memref<10016xi32, #tpu.memory_space<vmem>>, vector<16xi32>,
    %slice3A_2788 = vector.extract_strided_slice %get3A_2787 {offsets = [0], sizes = [1], strides = [1]} : vector<16xi32> to vector<1xi32>
    %squeeze3A_2789 = vector.extract %slice3A_2788[0] : i32 from vector<1xi32>
    %ge3A_2790 = arith.constant 14 : i32
    %ge3A_2791 = arith.cmpi sge, %squeeze3A_2789, %ge3A_2790 : i32
    %select_n3A_2792 = arith.select %ge3A_2791, %shift_right_arithmetic3A_2785, %select_n3A_2779 : i32
    %add3A_2793 = arith.constant 1 : i32
    %add3A_2794 = arith.addi %shift_right_arithmetic3A_2785, %add3A_2793 : i32
    %select_n3A_2795 = arith.select %ge3A_2791, %select_n3A_2782, %add3A_2794 : i32
    %add3A_2796 = arith.addi %select_n3A_2795, %select_n3A_2792 : i32
    %shift_right_arithmetic3A_2797 = arith.constant 1 : i32
    %shift_right_arithmetic3A_2798 = arith.shrsi %add3A_2796, %shift_right_arithmetic3A_2797 : i32
    %get3A_2799 = arith.index_cast %shift_right_arithmetic3A_2798 : i32 to index
    %get3A_2800 = tpu.vector_load %arg10[%get3A_2799] {strides = array<i32>} : memref<10016xi32, #tpu.memory_space<vmem>>, vector<16xi32>,
    %slice3A_2801 = vector.extract_strided_slice %get3A_2800 {offsets = [0], sizes = [1], strides = [1]} : vector<16xi32> to vector<1xi32>
    %squeeze3A_2802 = vector.extract %slice3A_2801[0] : i32 from vector<1xi32>
    %ge3A_2803 = arith.constant 14 : i32
    %ge3A_2804 = arith.cmpi sge, %squeeze3A_2802, %ge3A_2803 : i32
    %select_n3A_2805 = arith.select %ge3A_2804, %shift_right_arithmetic3A_2798, %select_n3A_2792 : i32
    %add3A_2806 = arith.constant 1 : i32
    %add3A_2807 = arith.addi %shift_right_arithmetic3A_2798, %add3A_2806 : i32
    %select_n3A_2808 = arith.select %ge3A_2804, %select_n3A_2795, %add3A_2807 : i32
    %add3A_2809 = arith.addi %select_n3A_2808, %select_n3A_2805 : i32
    %shift_right_arithmetic3A_2810 = arith.constant 1 : i32
    %shift_right_arithmetic3A_2811 = arith.shrsi %add3A_2809, %shift_right_arithmetic3A_2810 : i32
    %get3A_2812 = arith.index_cast %shift_right_arithmetic3A_2811 : i32 to index
    %get3A_2813 = tpu.vector_load %arg10[%get3A_2812] {strides = array<i32>} : memref<10016xi32, #tpu.memory_space<vmem>>, vector<16xi32>,
    %slice3A_2814 = vector.extract_strided_slice %get3A_2813 {offsets = [0], sizes = [1], strides = [1]} : vector<16xi32> to vector<1xi32>
    %squeeze3A_2815 = vector.extract %slice3A_2814[0] : i32 from vector<1xi32>
    %ge3A_2816 = arith.constant 14 : i32
    %ge3A_2817 = arith.cmpi sge, %squeeze3A_2815, %ge3A_2816 : i32
    %select_n3A_2818 = arith.select %ge3A_2817, %shift_right_arithmetic3A_2811, %select_n3A_2805 : i32
    %add3A_2819 = arith.constant 1 : i32
    %add3A_2820 = arith.addi %shift_right_arithmetic3A_2811, %add3A_2819 : i32
    %select_n3A_2821 = arith.select %ge3A_2817, %select_n3A_2808, %add3A_2820 : i32
    %add3A_2822 = arith.addi %select_n3A_2821, %select_n3A_2818 : i32
    %shift_right_arithmetic3A_2823 = arith.constant 1 : i32
    %shift_right_arithmetic3A_2824 = arith.shrsi %add3A_2822, %shift_right_arithmetic3A_2823 : i32
    %get3A_2825 = arith.index_cast %shift_right_arithmetic3A_2824 : i32 to index
    %get3A_2826 = tpu.vector_load %arg10[%get3A_2825] {strides = array<i32>} : memref<10016xi32, #tpu.memory_space<vmem>>, vector<16xi32>,
    %slice3A_2827 = vector.extract_strided_slice %get3A_2826 {offsets = [0], sizes = [1], strides = [1]} : vector<16xi32> to vector<1xi32>
    %squeeze3A_2828 = vector.extract %slice3A_2827[0] : i32 from vector<1xi32>
    %ge3A_2829 = arith.constant 14 : i32
    %ge3A_2830 = arith.cmpi sge, %squeeze3A_2828, %ge3A_2829 : i32
    %select_n3A_2831 = arith.select %ge3A_2830, %shift_right_arithmetic3A_2824, %select_n3A_2818 : i32
    %add3A_2832 = arith.constant 1 : i32
    %add3A_2833 = arith.addi %shift_right_arithmetic3A_2824, %add3A_2832 : i32
    %select_n3A_2834 = arith.select %ge3A_2830, %select_n3A_2821, %add3A_2833 : i32
    %add3A_2835 = arith.addi %select_n3A_2834, %select_n3A_2831 : i32
    %shift_right_arithmetic3A_2836 = arith.constant 1 : i32
    %shift_right_arithmetic3A_2837 = arith.shrsi %add3A_2835, %shift_right_arithmetic3A_2836 : i32
    %get3A_2838 = arith.index_cast %shift_right_arithmetic3A_2837 : i32 to index
    %get3A_2839 = tpu.vector_load %arg10[%get3A_2838] {strides = array<i32>} : memref<10016xi32, #tpu.memory_space<vmem>>, vector<16xi32>,
    %slice3A_2840 = vector.extract_strided_slice %get3A_2839 {offsets = [0], sizes = [1], strides = [1]} : vector<16xi32> to vector<1xi32>
    %squeeze3A_2841 = vector.extract %slice3A_2840[0] : i32 from vector<1xi32>
    %ge3A_2842 = arith.constant 14 : i32
    %ge3A_2843 = arith.cmpi sge, %squeeze3A_2841, %ge3A_2842 : i32
    %select_n3A_2844 = arith.select %ge3A_2843, %shift_right_arithmetic3A_2837, %select_n3A_2831 : i32
    %add3A_2845 = arith.constant 1 : i32
    %add3A_2846 = arith.addi %shift_right_arithmetic3A_2837, %add3A_2845 : i32
    %select_n3A_2847 = arith.select %ge3A_2843, %select_n3A_2834, %add3A_2846 : i32
    %add3A_2848 = arith.addi %select_n3A_2847, %select_n3A_2844 : i32
    %shift_right_arithmetic3A_2849 = arith.constant 1 : i32
    %shift_right_arithmetic3A_2850 = arith.shrsi %add3A_2848, %shift_right_arithmetic3A_2849 : i32
    %get3A_2851 = arith.index_cast %shift_right_arithmetic3A_2850 : i32 to index
    %get3A_2852 = tpu.vector_load %arg10[%get3A_2851] {strides = array<i32>} : memref<10016xi32, #tpu.memory_space<vmem>>, vector<16xi32>,
    %slice3A_2853 = vector.extract_strided_slice %get3A_2852 {offsets = [0], sizes = [1], strides = [1]} : vector<16xi32> to vector<1xi32>
    %squeeze3A_2854 = vector.extract %slice3A_2853[0] : i32 from vector<1xi32>
    %ge3A_2855 = arith.constant 14 : i32
    %ge3A_2856 = arith.cmpi sge, %squeeze3A_2854, %ge3A_2855 : i32
    %select_n3A_2857 = arith.select %ge3A_2856, %shift_right_arithmetic3A_2850, %select_n3A_2844 : i32
    %add3A_2858 = arith.constant 1 : i32
    %add3A_2859 = arith.addi %shift_right_arithmetic3A_2850, %add3A_2858 : i32
    %select_n3A_2860 = arith.select %ge3A_2856, %select_n3A_2847, %add3A_2859 : i32
    %swap3A_2861 = arith.constant 13 : i32
    %swap3A_2862 = arith.index_cast %swap3A_2861 : i32 to index
    %swap3A_2863 = memref.load %arg11[%swap3A_2862] : memref<16xi32, #tpu.memory_space<smem>>
    memref.store %select_n3A_2665, %arg11[%swap3A_2862] : memref<16xi32, #tpu.memory_space<smem>>
    %swap3A_2864 = arith.constant 13 : i32
    %swap3A_2865 = arith.index_cast %swap3A_2864 : i32 to index
    %swap3A_2866 = memref.load %arg12[%swap3A_2865] : memref<16xi32, #tpu.memory_space<smem>>
    memref.store %select_n3A_2857, %arg12[%swap3A_2865] : memref<16xi32, #tpu.memory_space<smem>>
    %add3A_2867 = arith.constant 0 : i32
    %add3A_2868 = arith.constant 10000 : i32
    %add3A_2869 = arith.addi %add3A_2867, %add3A_2868 : i32
    %shift_right_arithmetic3A_2870 = arith.constant 1 : i32
    %shift_right_arithmetic3A_2871 = arith.shrsi %add3A_2869, %shift_right_arithmetic3A_2870 : i32
    %get3A_2872 = arith.index_cast %shift_right_arithmetic3A_2871 : i32 to index
    %get3A_2873 = tpu.vector_load %arg10[%get3A_2872] {strides = array<i32>} : memref<10016xi32, #tpu.memory_space<vmem>>, vector<16xi32>,
    %slice3A_2874 = vector.extract_strided_slice %get3A_2873 {offsets = [0], sizes = [1], strides = [1]} : vector<16xi32> to vector<1xi32>
    %squeeze3A_2875 = vector.extract %slice3A_2874[0] : i32 from vector<1xi32>
    %ge3A_2876 = arith.constant 15 : i32
    %ge3A_2877 = arith.cmpi sge, %squeeze3A_2875, %ge3A_2876 : i32
    %jit3A_2878 = arith.constant 10000 : i32
    %select_n3A_2879 = arith.select %ge3A_2877, %shift_right_arithmetic3A_2871, %jit3A_2878 : i32
    %add3A_2880 = arith.constant 1 : i32
    %add3A_2881 = arith.addi %shift_right_arithmetic3A_2871, %add3A_2880 : i32
    %jit3A_2882 = arith.constant 0 : i32
    %select_n3A_2883 = arith.select %ge3A_2877, %jit3A_2882, %add3A_2881 : i32
    %add3A_2884 = arith.addi %select_n3A_2883, %select_n3A_2879 : i32
    %shift_right_arithmetic3A_2885 = arith.constant 1 : i32
    %shift_right_arithmetic3A_2886 = arith.shrsi %add3A_2884, %shift_right_arithmetic3A_2885 : i32
    %get3A_2887 = arith.index_cast %shift_right_arithmetic3A_2886 : i32 to index
    %get3A_2888 = tpu.vector_load %arg10[%get3A_2887] {strides = array<i32>} : memref<10016xi32, #tpu.memory_space<vmem>>, vector<16xi32>,
    %slice3A_2889 = vector.extract_strided_slice %get3A_2888 {offsets = [0], sizes = [1], strides = [1]} : vector<16xi32> to vector<1xi32>
    %squeeze3A_2890 = vector.extract %slice3A_2889[0] : i32 from vector<1xi32>
    %ge3A_2891 = arith.constant 15 : i32
    %ge3A_2892 = arith.cmpi sge, %squeeze3A_2890, %ge3A_2891 : i32
    %select_n3A_2893 = arith.select %ge3A_2892, %shift_right_arithmetic3A_2886, %select_n3A_2879 : i32
    %add3A_2894 = arith.constant 1 : i32
    %add3A_2895 = arith.addi %shift_right_arithmetic3A_2886, %add3A_2894 : i32
    %select_n3A_2896 = arith.select %ge3A_2892, %select_n3A_2883, %add3A_2895 : i32
    %add3A_2897 = arith.addi %select_n3A_2896, %select_n3A_2893 : i32
    %shift_right_arithmetic3A_2898 = arith.constant 1 : i32
    %shift_right_arithmetic3A_2899 = arith.shrsi %add3A_2897, %shift_right_arithmetic3A_2898 : i32
    %get3A_2900 = arith.index_cast %shift_right_arithmetic3A_2899 : i32 to index
    %get3A_2901 = tpu.vector_load %arg10[%get3A_2900] {strides = array<i32>} : memref<10016xi32, #tpu.memory_space<vmem>>, vector<16xi32>,
    %slice3A_2902 = vector.extract_strided_slice %get3A_2901 {offsets = [0], sizes = [1], strides = [1]} : vector<16xi32> to vector<1xi32>
    %squeeze3A_2903 = vector.extract %slice3A_2902[0] : i32 from vector<1xi32>
    %ge3A_2904 = arith.constant 15 : i32
    %ge3A_2905 = arith.cmpi sge, %squeeze3A_2903, %ge3A_2904 : i32
    %select_n3A_2906 = arith.select %ge3A_2905, %shift_right_arithmetic3A_2899, %select_n3A_2893 : i32
    %add3A_2907 = arith.constant 1 : i32
    %add3A_2908 = arith.addi %shift_right_arithmetic3A_2899, %add3A_2907 : i32
    %select_n3A_2909 = arith.select %ge3A_2905, %select_n3A_2896, %add3A_2908 : i32
    %add3A_2910 = arith.addi %select_n3A_2909, %select_n3A_2906 : i32
    %shift_right_arithmetic3A_2911 = arith.constant 1 : i32
    %shift_right_arithmetic3A_2912 = arith.shrsi %add3A_2910, %shift_right_arithmetic3A_2911 : i32
    %get3A_2913 = arith.index_cast %shift_right_arithmetic3A_2912 : i32 to index
    %get3A_2914 = tpu.vector_load %arg10[%get3A_2913] {strides = array<i32>} : memref<10016xi32, #tpu.memory_space<vmem>>, vector<16xi32>,
    %slice3A_2915 = vector.extract_strided_slice %get3A_2914 {offsets = [0], sizes = [1], strides = [1]} : vector<16xi32> to vector<1xi32>
    %squeeze3A_2916 = vector.extract %slice3A_2915[0] : i32 from vector<1xi32>
    %ge3A_2917 = arith.constant 15 : i32
    %ge3A_2918 = arith.cmpi sge, %squeeze3A_2916, %ge3A_2917 : i32
    %select_n3A_2919 = arith.select %ge3A_2918, %shift_right_arithmetic3A_2912, %select_n3A_2906 : i32
    %add3A_2920 = arith.constant 1 : i32
    %add3A_2921 = arith.addi %shift_right_arithmetic3A_2912, %add3A_2920 : i32
    %select_n3A_2922 = arith.select %ge3A_2918, %select_n3A_2909, %add3A_2921 : i32
    %add3A_2923 = arith.addi %select_n3A_2922, %select_n3A_2919 : i32
    %shift_right_arithmetic3A_2924 = arith.constant 1 : i32
    %shift_right_arithmetic3A_2925 = arith.shrsi %add3A_2923, %shift_right_arithmetic3A_2924 : i32
    %get3A_2926 = arith.index_cast %shift_right_arithmetic3A_2925 : i32 to index
    %get3A_2927 = tpu.vector_load %arg10[%get3A_2926] {strides = array<i32>} : memref<10016xi32, #tpu.memory_space<vmem>>, vector<16xi32>,
    %slice3A_2928 = vector.extract_strided_slice %get3A_2927 {offsets = [0], sizes = [1], strides = [1]} : vector<16xi32> to vector<1xi32>
    %squeeze3A_2929 = vector.extract %slice3A_2928[0] : i32 from vector<1xi32>
    %ge3A_2930 = arith.constant 15 : i32
    %ge3A_2931 = arith.cmpi sge, %squeeze3A_2929, %ge3A_2930 : i32
    %select_n3A_2932 = arith.select %ge3A_2931, %shift_right_arithmetic3A_2925, %select_n3A_2919 : i32
    %add3A_2933 = arith.constant 1 : i32
    %add3A_2934 = arith.addi %shift_right_arithmetic3A_2925, %add3A_2933 : i32
    %select_n3A_2935 = arith.select %ge3A_2931, %select_n3A_2922, %add3A_2934 : i32
    %add3A_2936 = arith.addi %select_n3A_2935, %select_n3A_2932 : i32
    %shift_right_arithmetic3A_2937 = arith.constant 1 : i32
    %shift_right_arithmetic3A_2938 = arith.shrsi %add3A_2936, %shift_right_arithmetic3A_2937 : i32
    %get3A_2939 = arith.index_cast %shift_right_arithmetic3A_2938 : i32 to index
    %get3A_2940 = tpu.vector_load %arg10[%get3A_2939] {strides = array<i32>} : memref<10016xi32, #tpu.memory_space<vmem>>, vector<16xi32>,
    %slice3A_2941 = vector.extract_strided_slice %get3A_2940 {offsets = [0], sizes = [1], strides = [1]} : vector<16xi32> to vector<1xi32>
    %squeeze3A_2942 = vector.extract %slice3A_2941[0] : i32 from vector<1xi32>
    %ge3A_2943 = arith.constant 15 : i32
    %ge3A_2944 = arith.cmpi sge, %squeeze3A_2942, %ge3A_2943 : i32
    %select_n3A_2945 = arith.select %ge3A_2944, %shift_right_arithmetic3A_2938, %select_n3A_2932 : i32
    %add3A_2946 = arith.constant 1 : i32
    %add3A_2947 = arith.addi %shift_right_arithmetic3A_2938, %add3A_2946 : i32
    %select_n3A_2948 = arith.select %ge3A_2944, %select_n3A_2935, %add3A_2947 : i32
    %add3A_2949 = arith.addi %select_n3A_2948, %select_n3A_2945 : i32
    %shift_right_arithmetic3A_2950 = arith.constant 1 : i32
    %shift_right_arithmetic3A_2951 = arith.shrsi %add3A_2949, %shift_right_arithmetic3A_2950 : i32
    %get3A_2952 = arith.index_cast %shift_right_arithmetic3A_2951 : i32 to index
    %get3A_2953 = tpu.vector_load %arg10[%get3A_2952] {strides = array<i32>} : memref<10016xi32, #tpu.memory_space<vmem>>, vector<16xi32>,
    %slice3A_2954 = vector.extract_strided_slice %get3A_2953 {offsets = [0], sizes = [1], strides = [1]} : vector<16xi32> to vector<1xi32>
    %squeeze3A_2955 = vector.extract %slice3A_2954[0] : i32 from vector<1xi32>
    %ge3A_2956 = arith.constant 15 : i32
    %ge3A_2957 = arith.cmpi sge, %squeeze3A_2955, %ge3A_2956 : i32
    %select_n3A_2958 = arith.select %ge3A_2957, %shift_right_arithmetic3A_2951, %select_n3A_2945 : i32
    %add3A_2959 = arith.constant 1 : i32
    %add3A_2960 = arith.addi %shift_right_arithmetic3A_2951, %add3A_2959 : i32
    %select_n3A_2961 = arith.select %ge3A_2957, %select_n3A_2948, %add3A_2960 : i32
    %add3A_2962 = arith.addi %select_n3A_2961, %select_n3A_2958 : i32
    %shift_right_arithmetic3A_2963 = arith.constant 1 : i32
    %shift_right_arithmetic3A_2964 = arith.shrsi %add3A_2962, %shift_right_arithmetic3A_2963 : i32
    %get3A_2965 = arith.index_cast %shift_right_arithmetic3A_2964 : i32 to index
    %get3A_2966 = tpu.vector_load %arg10[%get3A_2965] {strides = array<i32>} : memref<10016xi32, #tpu.memory_space<vmem>>, vector<16xi32>,
    %slice3A_2967 = vector.extract_strided_slice %get3A_2966 {offsets = [0], sizes = [1], strides = [1]} : vector<16xi32> to vector<1xi32>
    %squeeze3A_2968 = vector.extract %slice3A_2967[0] : i32 from vector<1xi32>
    %ge3A_2969 = arith.constant 15 : i32
    %ge3A_2970 = arith.cmpi sge, %squeeze3A_2968, %ge3A_2969 : i32
    %select_n3A_2971 = arith.select %ge3A_2970, %shift_right_arithmetic3A_2964, %select_n3A_2958 : i32
    %add3A_2972 = arith.constant 1 : i32
    %add3A_2973 = arith.addi %shift_right_arithmetic3A_2964, %add3A_2972 : i32
    %select_n3A_2974 = arith.select %ge3A_2970, %select_n3A_2961, %add3A_2973 : i32
    %add3A_2975 = arith.addi %select_n3A_2974, %select_n3A_2971 : i32
    %shift_right_arithmetic3A_2976 = arith.constant 1 : i32
    %shift_right_arithmetic3A_2977 = arith.shrsi %add3A_2975, %shift_right_arithmetic3A_2976 : i32
    %get3A_2978 = arith.index_cast %shift_right_arithmetic3A_2977 : i32 to index
    %get3A_2979 = tpu.vector_load %arg10[%get3A_2978] {strides = array<i32>} : memref<10016xi32, #tpu.memory_space<vmem>>, vector<16xi32>,
    %slice3A_2980 = vector.extract_strided_slice %get3A_2979 {offsets = [0], sizes = [1], strides = [1]} : vector<16xi32> to vector<1xi32>
    %squeeze3A_2981 = vector.extract %slice3A_2980[0] : i32 from vector<1xi32>
    %ge3A_2982 = arith.constant 15 : i32
    %ge3A_2983 = arith.cmpi sge, %squeeze3A_2981, %ge3A_2982 : i32
    %select_n3A_2984 = arith.select %ge3A_2983, %shift_right_arithmetic3A_2977, %select_n3A_2971 : i32
    %add3A_2985 = arith.constant 1 : i32
    %add3A_2986 = arith.addi %shift_right_arithmetic3A_2977, %add3A_2985 : i32
    %select_n3A_2987 = arith.select %ge3A_2983, %select_n3A_2974, %add3A_2986 : i32
    %add3A_2988 = arith.addi %select_n3A_2987, %select_n3A_2984 : i32
    %shift_right_arithmetic3A_2989 = arith.constant 1 : i32
    %shift_right_arithmetic3A_2990 = arith.shrsi %add3A_2988, %shift_right_arithmetic3A_2989 : i32
    %get3A_2991 = arith.index_cast %shift_right_arithmetic3A_2990 : i32 to index
    %get3A_2992 = tpu.vector_load %arg10[%get3A_2991] {strides = array<i32>} : memref<10016xi32, #tpu.memory_space<vmem>>, vector<16xi32>,
    %slice3A_2993 = vector.extract_strided_slice %get3A_2992 {offsets = [0], sizes = [1], strides = [1]} : vector<16xi32> to vector<1xi32>
    %squeeze3A_2994 = vector.extract %slice3A_2993[0] : i32 from vector<1xi32>
    %ge3A_2995 = arith.constant 15 : i32
    %ge3A_2996 = arith.cmpi sge, %squeeze3A_2994, %ge3A_2995 : i32
    %select_n3A_2997 = arith.select %ge3A_2996, %shift_right_arithmetic3A_2990, %select_n3A_2984 : i32
    %add3A_2998 = arith.constant 1 : i32
    %add3A_2999 = arith.addi %shift_right_arithmetic3A_2990, %add3A_2998 : i32
    %select_n3A_3000 = arith.select %ge3A_2996, %select_n3A_2987, %add3A_2999 : i32
    %add3A_3001 = arith.addi %select_n3A_3000, %select_n3A_2997 : i32
    %shift_right_arithmetic3A_3002 = arith.constant 1 : i32
    %shift_right_arithmetic3A_3003 = arith.shrsi %add3A_3001, %shift_right_arithmetic3A_3002 : i32
    %get3A_3004 = arith.index_cast %shift_right_arithmetic3A_3003 : i32 to index
    %get3A_3005 = tpu.vector_load %arg10[%get3A_3004] {strides = array<i32>} : memref<10016xi32, #tpu.memory_space<vmem>>, vector<16xi32>,
    %slice3A_3006 = vector.extract_strided_slice %get3A_3005 {offsets = [0], sizes = [1], strides = [1]} : vector<16xi32> to vector<1xi32>
    %squeeze3A_3007 = vector.extract %slice3A_3006[0] : i32 from vector<1xi32>
    %ge3A_3008 = arith.constant 15 : i32
    %ge3A_3009 = arith.cmpi sge, %squeeze3A_3007, %ge3A_3008 : i32
    %select_n3A_3010 = arith.select %ge3A_3009, %shift_right_arithmetic3A_3003, %select_n3A_2997 : i32
    %add3A_3011 = arith.constant 1 : i32
    %add3A_3012 = arith.addi %shift_right_arithmetic3A_3003, %add3A_3011 : i32
    %select_n3A_3013 = arith.select %ge3A_3009, %select_n3A_3000, %add3A_3012 : i32
    %add3A_3014 = arith.addi %select_n3A_3013, %select_n3A_3010 : i32
    %shift_right_arithmetic3A_3015 = arith.constant 1 : i32
    %shift_right_arithmetic3A_3016 = arith.shrsi %add3A_3014, %shift_right_arithmetic3A_3015 : i32
    %get3A_3017 = arith.index_cast %shift_right_arithmetic3A_3016 : i32 to index
    %get3A_3018 = tpu.vector_load %arg10[%get3A_3017] {strides = array<i32>} : memref<10016xi32, #tpu.memory_space<vmem>>, vector<16xi32>,
    %slice3A_3019 = vector.extract_strided_slice %get3A_3018 {offsets = [0], sizes = [1], strides = [1]} : vector<16xi32> to vector<1xi32>
    %squeeze3A_3020 = vector.extract %slice3A_3019[0] : i32 from vector<1xi32>
    %ge3A_3021 = arith.constant 15 : i32
    %ge3A_3022 = arith.cmpi sge, %squeeze3A_3020, %ge3A_3021 : i32
    %select_n3A_3023 = arith.select %ge3A_3022, %shift_right_arithmetic3A_3016, %select_n3A_3010 : i32
    %add3A_3024 = arith.constant 1 : i32
    %add3A_3025 = arith.addi %shift_right_arithmetic3A_3016, %add3A_3024 : i32
    %select_n3A_3026 = arith.select %ge3A_3022, %select_n3A_3013, %add3A_3025 : i32
    %add3A_3027 = arith.addi %select_n3A_3026, %select_n3A_3023 : i32
    %shift_right_arithmetic3A_3028 = arith.constant 1 : i32
    %shift_right_arithmetic3A_3029 = arith.shrsi %add3A_3027, %shift_right_arithmetic3A_3028 : i32
    %get3A_3030 = arith.index_cast %shift_right_arithmetic3A_3029 : i32 to index
    %get3A_3031 = tpu.vector_load %arg10[%get3A_3030] {strides = array<i32>} : memref<10016xi32, #tpu.memory_space<vmem>>, vector<16xi32>,
    %slice3A_3032 = vector.extract_strided_slice %get3A_3031 {offsets = [0], sizes = [1], strides = [1]} : vector<16xi32> to vector<1xi32>
    %squeeze3A_3033 = vector.extract %slice3A_3032[0] : i32 from vector<1xi32>
    %ge3A_3034 = arith.constant 15 : i32
    %ge3A_3035 = arith.cmpi sge, %squeeze3A_3033, %ge3A_3034 : i32
    %select_n3A_3036 = arith.select %ge3A_3035, %shift_right_arithmetic3A_3029, %select_n3A_3023 : i32
    %add3A_3037 = arith.constant 1 : i32
    %add3A_3038 = arith.addi %shift_right_arithmetic3A_3029, %add3A_3037 : i32
    %select_n3A_3039 = arith.select %ge3A_3035, %select_n3A_3026, %add3A_3038 : i32
    %add3A_3040 = arith.addi %select_n3A_3039, %select_n3A_3036 : i32
    %shift_right_arithmetic3A_3041 = arith.constant 1 : i32
    %shift_right_arithmetic3A_3042 = arith.shrsi %add3A_3040, %shift_right_arithmetic3A_3041 : i32
    %get3A_3043 = arith.index_cast %shift_right_arithmetic3A_3042 : i32 to index
    %get3A_3044 = tpu.vector_load %arg10[%get3A_3043] {strides = array<i32>} : memref<10016xi32, #tpu.memory_space<vmem>>, vector<16xi32>,
    %slice3A_3045 = vector.extract_strided_slice %get3A_3044 {offsets = [0], sizes = [1], strides = [1]} : vector<16xi32> to vector<1xi32>
    %squeeze3A_3046 = vector.extract %slice3A_3045[0] : i32 from vector<1xi32>
    %ge3A_3047 = arith.constant 15 : i32
    %ge3A_3048 = arith.cmpi sge, %squeeze3A_3046, %ge3A_3047 : i32
    %select_n3A_3049 = arith.select %ge3A_3048, %shift_right_arithmetic3A_3042, %select_n3A_3036 : i32
    %add3A_3050 = arith.constant 1 : i32
    %add3A_3051 = arith.addi %shift_right_arithmetic3A_3042, %add3A_3050 : i32
    %select_n3A_3052 = arith.select %ge3A_3048, %select_n3A_3039, %add3A_3051 : i32
    %swap3A_3053 = arith.constant 14 : i32
    %swap3A_3054 = arith.index_cast %swap3A_3053 : i32 to index
    %swap3A_3055 = memref.load %arg11[%swap3A_3054] : memref<16xi32, #tpu.memory_space<smem>>
    memref.store %select_n3A_2857, %arg11[%swap3A_3054] : memref<16xi32, #tpu.memory_space<smem>>
    %swap3A_3056 = arith.constant 14 : i32
    %swap3A_3057 = arith.index_cast %swap3A_3056 : i32 to index
    %swap3A_3058 = memref.load %arg12[%swap3A_3057] : memref<16xi32, #tpu.memory_space<smem>>
    memref.store %select_n3A_3049, %arg12[%swap3A_3057] : memref<16xi32, #tpu.memory_space<smem>>
    %add3A_3059 = arith.constant 0 : i32
    %add3A_3060 = arith.constant 10000 : i32
    %add3A_3061 = arith.addi %add3A_3059, %add3A_3060 : i32
    %shift_right_arithmetic3A_3062 = arith.constant 1 : i32
    %shift_right_arithmetic3A_3063 = arith.shrsi %add3A_3061, %shift_right_arithmetic3A_3062 : i32
    %get3A_3064 = arith.index_cast %shift_right_arithmetic3A_3063 : i32 to index
    %get3A_3065 = tpu.vector_load %arg10[%get3A_3064] {strides = array<i32>} : memref<10016xi32, #tpu.memory_space<vmem>>, vector<16xi32>,
    %slice3A_3066 = vector.extract_strided_slice %get3A_3065 {offsets = [0], sizes = [1], strides = [1]} : vector<16xi32> to vector<1xi32>
    %squeeze3A_3067 = vector.extract %slice3A_3066[0] : i32 from vector<1xi32>
    %ge3A_3068 = arith.constant 16 : i32
    %ge3A_3069 = arith.cmpi sge, %squeeze3A_3067, %ge3A_3068 : i32
    %jit3A_3070 = arith.constant 10000 : i32
    %select_n3A_3071 = arith.select %ge3A_3069, %shift_right_arithmetic3A_3063, %jit3A_3070 : i32
    %add3A_3072 = arith.constant 1 : i32
    %add3A_3073 = arith.addi %shift_right_arithmetic3A_3063, %add3A_3072 : i32
    %jit3A_3074 = arith.constant 0 : i32
    %select_n3A_3075 = arith.select %ge3A_3069, %jit3A_3074, %add3A_3073 : i32
    %add3A_3076 = arith.addi %select_n3A_3075, %select_n3A_3071 : i32
    %shift_right_arithmetic3A_3077 = arith.constant 1 : i32
    %shift_right_arithmetic3A_3078 = arith.shrsi %add3A_3076, %shift_right_arithmetic3A_3077 : i32
    %get3A_3079 = arith.index_cast %shift_right_arithmetic3A_3078 : i32 to index
    %get3A_3080 = tpu.vector_load %arg10[%get3A_3079] {strides = array<i32>} : memref<10016xi32, #tpu.memory_space<vmem>>, vector<16xi32>,
    %slice3A_3081 = vector.extract_strided_slice %get3A_3080 {offsets = [0], sizes = [1], strides = [1]} : vector<16xi32> to vector<1xi32>
    %squeeze3A_3082 = vector.extract %slice3A_3081[0] : i32 from vector<1xi32>
    %ge3A_3083 = arith.constant 16 : i32
    %ge3A_3084 = arith.cmpi sge, %squeeze3A_3082, %ge3A_3083 : i32
    %select_n3A_3085 = arith.select %ge3A_3084, %shift_right_arithmetic3A_3078, %select_n3A_3071 : i32
    %add3A_3086 = arith.constant 1 : i32
    %add3A_3087 = arith.addi %shift_right_arithmetic3A_3078, %add3A_3086 : i32
    %select_n3A_3088 = arith.select %ge3A_3084, %select_n3A_3075, %add3A_3087 : i32
    %add3A_3089 = arith.addi %select_n3A_3088, %select_n3A_3085 : i32
    %shift_right_arithmetic3A_3090 = arith.constant 1 : i32
    %shift_right_arithmetic3A_3091 = arith.shrsi %add3A_3089, %shift_right_arithmetic3A_3090 : i32
    %get3A_3092 = arith.index_cast %shift_right_arithmetic3A_3091 : i32 to index
    %get3A_3093 = tpu.vector_load %arg10[%get3A_3092] {strides = array<i32>} : memref<10016xi32, #tpu.memory_space<vmem>>, vector<16xi32>,
    %slice3A_3094 = vector.extract_strided_slice %get3A_3093 {offsets = [0], sizes = [1], strides = [1]} : vector<16xi32> to vector<1xi32>
    %squeeze3A_3095 = vector.extract %slice3A_3094[0] : i32 from vector<1xi32>
    %ge3A_3096 = arith.constant 16 : i32
    %ge3A_3097 = arith.cmpi sge, %squeeze3A_3095, %ge3A_3096 : i32
    %select_n3A_3098 = arith.select %ge3A_3097, %shift_right_arithmetic3A_3091, %select_n3A_3085 : i32
    %add3A_3099 = arith.constant 1 : i32
    %add3A_3100 = arith.addi %shift_right_arithmetic3A_3091, %add3A_3099 : i32
    %select_n3A_3101 = arith.select %ge3A_3097, %select_n3A_3088, %add3A_3100 : i32
    %add3A_3102 = arith.addi %select_n3A_3101, %select_n3A_3098 : i32
    %shift_right_arithmetic3A_3103 = arith.constant 1 : i32
    %shift_right_arithmetic3A_3104 = arith.shrsi %add3A_3102, %shift_right_arithmetic3A_3103 : i32
    %get3A_3105 = arith.index_cast %shift_right_arithmetic3A_3104 : i32 to index
    %get3A_3106 = tpu.vector_load %arg10[%get3A_3105] {strides = array<i32>} : memref<10016xi32, #tpu.memory_space<vmem>>, vector<16xi32>,
    %slice3A_3107 = vector.extract_strided_slice %get3A_3106 {offsets = [0], sizes = [1], strides = [1]} : vector<16xi32> to vector<1xi32>
    %squeeze3A_3108 = vector.extract %slice3A_3107[0] : i32 from vector<1xi32>
    %ge3A_3109 = arith.constant 16 : i32
    %ge3A_3110 = arith.cmpi sge, %squeeze3A_3108, %ge3A_3109 : i32
    %select_n3A_3111 = arith.select %ge3A_3110, %shift_right_arithmetic3A_3104, %select_n3A_3098 : i32
    %add3A_3112 = arith.constant 1 : i32
    %add3A_3113 = arith.addi %shift_right_arithmetic3A_3104, %add3A_3112 : i32
    %select_n3A_3114 = arith.select %ge3A_3110, %select_n3A_3101, %add3A_3113 : i32
    %add3A_3115 = arith.addi %select_n3A_3114, %select_n3A_3111 : i32
    %shift_right_arithmetic3A_3116 = arith.constant 1 : i32
    %shift_right_arithmetic3A_3117 = arith.shrsi %add3A_3115, %shift_right_arithmetic3A_3116 : i32
    %get3A_3118 = arith.index_cast %shift_right_arithmetic3A_3117 : i32 to index
    %get3A_3119 = tpu.vector_load %arg10[%get3A_3118] {strides = array<i32>} : memref<10016xi32, #tpu.memory_space<vmem>>, vector<16xi32>,
    %slice3A_3120 = vector.extract_strided_slice %get3A_3119 {offsets = [0], sizes = [1], strides = [1]} : vector<16xi32> to vector<1xi32>
    %squeeze3A_3121 = vector.extract %slice3A_3120[0] : i32 from vector<1xi32>
    %ge3A_3122 = arith.constant 16 : i32
    %ge3A_3123 = arith.cmpi sge, %squeeze3A_3121, %ge3A_3122 : i32
    %select_n3A_3124 = arith.select %ge3A_3123, %shift_right_arithmetic3A_3117, %select_n3A_3111 : i32
    %add3A_3125 = arith.constant 1 : i32
    %add3A_3126 = arith.addi %shift_right_arithmetic3A_3117, %add3A_3125 : i32
    %select_n3A_3127 = arith.select %ge3A_3123, %select_n3A_3114, %add3A_3126 : i32
    %add3A_3128 = arith.addi %select_n3A_3127, %select_n3A_3124 : i32
    %shift_right_arithmetic3A_3129 = arith.constant 1 : i32
    %shift_right_arithmetic3A_3130 = arith.shrsi %add3A_3128, %shift_right_arithmetic3A_3129 : i32
    %get3A_3131 = arith.index_cast %shift_right_arithmetic3A_3130 : i32 to index
    %get3A_3132 = tpu.vector_load %arg10[%get3A_3131] {strides = array<i32>} : memref<10016xi32, #tpu.memory_space<vmem>>, vector<16xi32>,
    %slice3A_3133 = vector.extract_strided_slice %get3A_3132 {offsets = [0], sizes = [1], strides = [1]} : vector<16xi32> to vector<1xi32>
    %squeeze3A_3134 = vector.extract %slice3A_3133[0] : i32 from vector<1xi32>
    %ge3A_3135 = arith.constant 16 : i32
    %ge3A_3136 = arith.cmpi sge, %squeeze3A_3134, %ge3A_3135 : i32
    %select_n3A_3137 = arith.select %ge3A_3136, %shift_right_arithmetic3A_3130, %select_n3A_3124 : i32
    %add3A_3138 = arith.constant 1 : i32
    %add3A_3139 = arith.addi %shift_right_arithmetic3A_3130, %add3A_3138 : i32
    %select_n3A_3140 = arith.select %ge3A_3136, %select_n3A_3127, %add3A_3139 : i32
    %add3A_3141 = arith.addi %select_n3A_3140, %select_n3A_3137 : i32
    %shift_right_arithmetic3A_3142 = arith.constant 1 : i32
    %shift_right_arithmetic3A_3143 = arith.shrsi %add3A_3141, %shift_right_arithmetic3A_3142 : i32
    %get3A_3144 = arith.index_cast %shift_right_arithmetic3A_3143 : i32 to index
    %get3A_3145 = tpu.vector_load %arg10[%get3A_3144] {strides = array<i32>} : memref<10016xi32, #tpu.memory_space<vmem>>, vector<16xi32>,
    %slice3A_3146 = vector.extract_strided_slice %get3A_3145 {offsets = [0], sizes = [1], strides = [1]} : vector<16xi32> to vector<1xi32>
    %squeeze3A_3147 = vector.extract %slice3A_3146[0] : i32 from vector<1xi32>
    %ge3A_3148 = arith.constant 16 : i32
    %ge3A_3149 = arith.cmpi sge, %squeeze3A_3147, %ge3A_3148 : i32
    %select_n3A_3150 = arith.select %ge3A_3149, %shift_right_arithmetic3A_3143, %select_n3A_3137 : i32
    %add3A_3151 = arith.constant 1 : i32
    %add3A_3152 = arith.addi %shift_right_arithmetic3A_3143, %add3A_3151 : i32
    %select_n3A_3153 = arith.select %ge3A_3149, %select_n3A_3140, %add3A_3152 : i32
    %add3A_3154 = arith.addi %select_n3A_3153, %select_n3A_3150 : i32
    %shift_right_arithmetic3A_3155 = arith.constant 1 : i32
    %shift_right_arithmetic3A_3156 = arith.shrsi %add3A_3154, %shift_right_arithmetic3A_3155 : i32
    %get3A_3157 = arith.index_cast %shift_right_arithmetic3A_3156 : i32 to index
    %get3A_3158 = tpu.vector_load %arg10[%get3A_3157] {strides = array<i32>} : memref<10016xi32, #tpu.memory_space<vmem>>, vector<16xi32>,
    %slice3A_3159 = vector.extract_strided_slice %get3A_3158 {offsets = [0], sizes = [1], strides = [1]} : vector<16xi32> to vector<1xi32>
    %squeeze3A_3160 = vector.extract %slice3A_3159[0] : i32 from vector<1xi32>
    %ge3A_3161 = arith.constant 16 : i32
    %ge3A_3162 = arith.cmpi sge, %squeeze3A_3160, %ge3A_3161 : i32
    %select_n3A_3163 = arith.select %ge3A_3162, %shift_right_arithmetic3A_3156, %select_n3A_3150 : i32
    %add3A_3164 = arith.constant 1 : i32
    %add3A_3165 = arith.addi %shift_right_arithmetic3A_3156, %add3A_3164 : i32
    %select_n3A_3166 = arith.select %ge3A_3162, %select_n3A_3153, %add3A_3165 : i32
    %add3A_3167 = arith.addi %select_n3A_3166, %select_n3A_3163 : i32
    %shift_right_arithmetic3A_3168 = arith.constant 1 : i32
    %shift_right_arithmetic3A_3169 = arith.shrsi %add3A_3167, %shift_right_arithmetic3A_3168 : i32
    %get3A_3170 = arith.index_cast %shift_right_arithmetic3A_3169 : i32 to index
    %get3A_3171 = tpu.vector_load %arg10[%get3A_3170] {strides = array<i32>} : memref<10016xi32, #tpu.memory_space<vmem>>, vector<16xi32>,
    %slice3A_3172 = vector.extract_strided_slice %get3A_3171 {offsets = [0], sizes = [1], strides = [1]} : vector<16xi32> to vector<1xi32>
    %squeeze3A_3173 = vector.extract %slice3A_3172[0] : i32 from vector<1xi32>
    %ge3A_3174 = arith.constant 16 : i32
    %ge3A_3175 = arith.cmpi sge, %squeeze3A_3173, %ge3A_3174 : i32
    %select_n3A_3176 = arith.select %ge3A_3175, %shift_right_arithmetic3A_3169, %select_n3A_3163 : i32
    %add3A_3177 = arith.constant 1 : i32
    %add3A_3178 = arith.addi %shift_right_arithmetic3A_3169, %add3A_3177 : i32
    %select_n3A_3179 = arith.select %ge3A_3175, %select_n3A_3166, %add3A_3178 : i32
    %add3A_3180 = arith.addi %select_n3A_3179, %select_n3A_3176 : i32
    %shift_right_arithmetic3A_3181 = arith.constant 1 : i32
    %shift_right_arithmetic3A_3182 = arith.shrsi %add3A_3180, %shift_right_arithmetic3A_3181 : i32
    %get3A_3183 = arith.index_cast %shift_right_arithmetic3A_3182 : i32 to index
    %get3A_3184 = tpu.vector_load %arg10[%get3A_3183] {strides = array<i32>} : memref<10016xi32, #tpu.memory_space<vmem>>, vector<16xi32>,
    %slice3A_3185 = vector.extract_strided_slice %get3A_3184 {offsets = [0], sizes = [1], strides = [1]} : vector<16xi32> to vector<1xi32>
    %squeeze3A_3186 = vector.extract %slice3A_3185[0] : i32 from vector<1xi32>
    %ge3A_3187 = arith.constant 16 : i32
    %ge3A_3188 = arith.cmpi sge, %squeeze3A_3186, %ge3A_3187 : i32
    %select_n3A_3189 = arith.select %ge3A_3188, %shift_right_arithmetic3A_3182, %select_n3A_3176 : i32
    %add3A_3190 = arith.constant 1 : i32
    %add3A_3191 = arith.addi %shift_right_arithmetic3A_3182, %add3A_3190 : i32
    %select_n3A_3192 = arith.select %ge3A_3188, %select_n3A_3179, %add3A_3191 : i32
    %add3A_3193 = arith.addi %select_n3A_3192, %select_n3A_3189 : i32
    %shift_right_arithmetic3A_3194 = arith.constant 1 : i32
    %shift_right_arithmetic3A_3195 = arith.shrsi %add3A_3193, %shift_right_arithmetic3A_3194 : i32
    %get3A_3196 = arith.index_cast %shift_right_arithmetic3A_3195 : i32 to index
    %get3A_3197 = tpu.vector_load %arg10[%get3A_3196] {strides = array<i32>} : memref<10016xi32, #tpu.memory_space<vmem>>, vector<16xi32>,
    %slice3A_3198 = vector.extract_strided_slice %get3A_3197 {offsets = [0], sizes = [1], strides = [1]} : vector<16xi32> to vector<1xi32>
    %squeeze3A_3199 = vector.extract %slice3A_3198[0] : i32 from vector<1xi32>
    %ge3A_3200 = arith.constant 16 : i32
    %ge3A_3201 = arith.cmpi sge, %squeeze3A_3199, %ge3A_3200 : i32
    %select_n3A_3202 = arith.select %ge3A_3201, %shift_right_arithmetic3A_3195, %select_n3A_3189 : i32
    %add3A_3203 = arith.constant 1 : i32
    %add3A_3204 = arith.addi %shift_right_arithmetic3A_3195, %add3A_3203 : i32
    %select_n3A_3205 = arith.select %ge3A_3201, %select_n3A_3192, %add3A_3204 : i32
    %add3A_3206 = arith.addi %select_n3A_3205, %select_n3A_3202 : i32
    %shift_right_arithmetic3A_3207 = arith.constant 1 : i32
    %shift_right_arithmetic3A_3208 = arith.shrsi %add3A_3206, %shift_right_arithmetic3A_3207 : i32
    %get3A_3209 = arith.index_cast %shift_right_arithmetic3A_3208 : i32 to index
    %get3A_3210 = tpu.vector_load %arg10[%get3A_3209] {strides = array<i32>} : memref<10016xi32, #tpu.memory_space<vmem>>, vector<16xi32>,
    %slice3A_3211 = vector.extract_strided_slice %get3A_3210 {offsets = [0], sizes = [1], strides = [1]} : vector<16xi32> to vector<1xi32>
    %squeeze3A_3212 = vector.extract %slice3A_3211[0] : i32 from vector<1xi32>
    %ge3A_3213 = arith.constant 16 : i32
    %ge3A_3214 = arith.cmpi sge, %squeeze3A_3212, %ge3A_3213 : i32
    %select_n3A_3215 = arith.select %ge3A_3214, %shift_right_arithmetic3A_3208, %select_n3A_3202 : i32
    %add3A_3216 = arith.constant 1 : i32
    %add3A_3217 = arith.addi %shift_right_arithmetic3A_3208, %add3A_3216 : i32
    %select_n3A_3218 = arith.select %ge3A_3214, %select_n3A_3205, %add3A_3217 : i32
    %add3A_3219 = arith.addi %select_n3A_3218, %select_n3A_3215 : i32
    %shift_right_arithmetic3A_3220 = arith.constant 1 : i32
    %shift_right_arithmetic3A_3221 = arith.shrsi %add3A_3219, %shift_right_arithmetic3A_3220 : i32
    %get3A_3222 = arith.index_cast %shift_right_arithmetic3A_3221 : i32 to index
    %get3A_3223 = tpu.vector_load %arg10[%get3A_3222] {strides = array<i32>} : memref<10016xi32, #tpu.memory_space<vmem>>, vector<16xi32>,
    %slice3A_3224 = vector.extract_strided_slice %get3A_3223 {offsets = [0], sizes = [1], strides = [1]} : vector<16xi32> to vector<1xi32>
    %squeeze3A_3225 = vector.extract %slice3A_3224[0] : i32 from vector<1xi32>
    %ge3A_3226 = arith.constant 16 : i32
    %ge3A_3227 = arith.cmpi sge, %squeeze3A_3225, %ge3A_3226 : i32
    %select_n3A_3228 = arith.select %ge3A_3227, %shift_right_arithmetic3A_3221, %select_n3A_3215 : i32
    %add3A_3229 = arith.constant 1 : i32
    %add3A_3230 = arith.addi %shift_right_arithmetic3A_3221, %add3A_3229 : i32
    %select_n3A_3231 = arith.select %ge3A_3227, %select_n3A_3218, %add3A_3230 : i32
    %add3A_3232 = arith.addi %select_n3A_3231, %select_n3A_3228 : i32
    %shift_right_arithmetic3A_3233 = arith.constant 1 : i32
    %shift_right_arithmetic3A_3234 = arith.shrsi %add3A_3232, %shift_right_arithmetic3A_3233 : i32
    %get3A_3235 = arith.index_cast %shift_right_arithmetic3A_3234 : i32 to index
    %get3A_3236 = tpu.vector_load %arg10[%get3A_3235] {strides = array<i32>} : memref<10016xi32, #tpu.memory_space<vmem>>, vector<16xi32>,
    %slice3A_3237 = vector.extract_strided_slice %get3A_3236 {offsets = [0], sizes = [1], strides = [1]} : vector<16xi32> to vector<1xi32>
    %squeeze3A_3238 = vector.extract %slice3A_3237[0] : i32 from vector<1xi32>
    %ge3A_3239 = arith.constant 16 : i32
    %ge3A_3240 = arith.cmpi sge, %squeeze3A_3238, %ge3A_3239 : i32
    %select_n3A_3241 = arith.select %ge3A_3240, %shift_right_arithmetic3A_3234, %select_n3A_3228 : i32
    %add3A_3242 = arith.constant 1 : i32
    %add3A_3243 = arith.addi %shift_right_arithmetic3A_3234, %add3A_3242 : i32
    %select_n3A_3244 = arith.select %ge3A_3240, %select_n3A_3231, %add3A_3243 : i32
    %swap3A_3245 = arith.constant 15 : i32
    %swap3A_3246 = arith.index_cast %swap3A_3245 : i32 to index
    %swap3A_3247 = memref.load %arg11[%swap3A_3246] : memref<16xi32, #tpu.memory_space<smem>>
    memref.store %select_n3A_3049, %arg11[%swap3A_3246] : memref<16xi32, #tpu.memory_space<smem>>
    %swap3A_3248 = arith.constant 15 : i32
    %swap3A_3249 = arith.index_cast %swap3A_3248 : i32 to index
    %swap3A_3250 = memref.load %arg12[%swap3A_3249] : memref<16xi32, #tpu.memory_space<smem>>
    memref.store %select_n3A_3241, %arg12[%swap3A_3249] : memref<16xi32, #tpu.memory_space<smem>>
    %scan3A = arith.constant 0 : i32
    %scan3A_3251 = arith.constant 0 : i32
    %scan3A_3252 = arith.constant 20 : i32
    %scan3A_3253 = arith.addi %scan3A_3251, %scan3A_3252 : i32
    %scan3A_3254 = arith.constant 1 : i32
    %scan3A_3255 = scf.for %scan3A_3257 = %scan3A_3251 to %scan3A_3253 step %scan3A_3254 iter_args(%scan3A_3258 = %scan3A) -> (i32)  : i32 {
      %mul3A_3259 = arith.constant 320 : i32
      %mul3A_3260 = arith.muli %add3A, %mul3A_3259 : i32
      %add3A_3261 = arith.constant 0 : i32
      %add3A_3262 = arith.addi %add3A_3261, %mul3A_3260 : i32
      %mul3A_3263 = arith.constant 16 : i32
      %mul3A_3264 = arith.muli %scan3A_3257, %mul3A_3263 : i32
      %add3A_3265 = arith.addi %add3A_3262, %mul3A_3264 : i32
      %lt3A = arith.constant 10000 : i32
      %lt3A_3266 = arith.cmpi slt, %add3A_3265, %lt3A : i32
      %convert_element_type3A = arith.extui %lt3A_3266 : i1 to i32
      %cond3A = arith.constant 0 : i32
      %cond3A_3267 = arith.cmpi ne, %convert_element_type3A, %cond3A : i32
      scf.if %cond3A_3267 {
        %scan3A_3269 = arith.constant 0 : i32
        %scan3A_3270 = arith.constant 16 : i32
        %scan3A_3271 = arith.addi %scan3A_3269, %scan3A_3270 : i32
        %scan3A_3272 = arith.constant 1 : i32
        scf.for %scan3A_3277 = %scan3A_3269 to %scan3A_3271 step %scan3A_3272  : i32 {
          %add3A_3278 = arith.addi %add3A_3265, %scan3A_3277 : i32
          %get3A_3279 = arith.index_cast %add3A_3278 : i32 to index
          %get3A_3280 = tpu.vector_load %arg10[%get3A_3279] {strides = array<i32>} : memref<10016xi32, #tpu.memory_space<vmem>>, vector<16xi32>,
          %slice3A_3281 = vector.extract_strided_slice %get3A_3280 {offsets = [0], sizes = [1], strides = [1]} : vector<16xi32> to vector<1xi32>
          %squeeze3A_3282 = vector.extract %slice3A_3281[0] : i32 from vector<1xi32>
          %get3A_3283 = arith.index_cast %squeeze3A_3282 : i32 to index
          %get3A_3284 = memref.load %arg11[%get3A_3283] : memref<16xi32, #tpu.memory_space<smem>>
          %get3A_3285 = arith.index_cast %squeeze3A_3282 : i32 to index
          %get3A_3286 = memref.load %arg12[%get3A_3285] : memref<16xi32, #tpu.memory_space<smem>>
          %get3A_3287 = arith.index_cast %add3A_3278 : i32 to index
          %get3A_3288 = tpu.vector_load %arg7[%get3A_3287] {strides = array<i32>} : memref<10016xf32, #tpu.memory_space<vmem>>, vector<16xf32>,
          %slice3A_3289 = vector.extract_strided_slice %get3A_3288 {offsets = [0], sizes = [1], strides = [1]} : vector<16xf32> to vector<1xf32>
          %squeeze3A_3290 = vector.extract %slice3A_3289[0] : f32 from vector<1xf32>
          %get3A_3291 = arith.index_cast %add3A_3278 : i32 to index
          %get3A_3292 = tpu.vector_load %arg8[%get3A_3291] {strides = array<i32>} : memref<10016xf32, #tpu.memory_space<vmem>>, vector<16xf32>,
          %slice3A_3293 = vector.extract_strided_slice %get3A_3292 {offsets = [0], sizes = [1], strides = [1]} : vector<16xf32> to vector<1xf32>
          %squeeze3A_3294 = vector.extract %slice3A_3293[0] : f32 from vector<1xf32>
          %get3A_3295 = arith.index_cast %add3A_3278 : i32 to index
          %get3A_3296 = tpu.vector_load %arg9[%get3A_3295] {strides = array<i32>} : memref<10016xf32, #tpu.memory_space<vmem>>, vector<16xf32>,
          %slice3A_3297 = vector.extract_strided_slice %get3A_3296 {offsets = [0], sizes = [1], strides = [1]} : vector<16xf32> to vector<1xf32>
          %squeeze3A_3298 = vector.extract %slice3A_3297[0] : f32 from vector<1xf32>
          %jit3A_3299 = arith.constant 16 : i32
          %div3A = arith.divsi %get3A_3284, %jit3A_3299 : i32
          %sign3A = arith.constant 0 : i32
          %sign3A_3300 = arith.cmpi sgt, %get3A_3284, %sign3A : i32
          %sign3A_3301 = arith.extui %sign3A_3300 : i1 to i32
          %sign3A_3302 = arith.constant 0 : i32
          %sign3A_3303 = arith.cmpi slt, %get3A_3284, %sign3A_3302 : i32
          %sign3A_3304 = arith.extui %sign3A_3303 : i1 to i32
          %sign3A_3305 = arith.subi %sign3A_3301, %sign3A_3304 : i32
          %sign3A_3306 = arith.constant 0 : i32
          %sign3A_3307 = arith.cmpi sgt, %jit3A_3299, %sign3A_3306 : i32
          %sign3A_3308 = arith.extui %sign3A_3307 : i1 to i32
          %sign3A_3309 = arith.constant 0 : i32
          %sign3A_3310 = arith.cmpi slt, %jit3A_3299, %sign3A_3309 : i32
          %sign3A_3311 = arith.extui %sign3A_3310 : i1 to i32
          %sign3A_3312 = arith.subi %sign3A_3308, %sign3A_3311 : i32
          %ne3A = arith.cmpi ne, %sign3A_3305, %sign3A_3312 : i32
          %rem3A = arith.remsi %get3A_3284, %jit3A_3299 : i32
          %ne3A_3313 = arith.constant 0 : i32
          %ne3A_3314 = arith.cmpi ne, %rem3A, %ne3A_3313 : i32
          %and3A = arith.andi %ne3A, %ne3A_3314 : i1
          %sub3A_3315 = arith.constant 1 : i32
          %sub3A_3316 = arith.subi %div3A, %sub3A_3315 : i32
          %select_n3A_3317 = arith.select %and3A, %sub3A_3316, %div3A : i32
          %add3A_3318 = arith.constant 16 : i32
          %add3A_3319 = arith.addi %get3A_3286, %add3A_3318 : i32
          %sub3A_3320 = arith.constant 1 : i32
          %sub3A_3321 = arith.subi %add3A_3319, %sub3A_3320 : i32
          %jit3A_3322 = arith.constant 16 : i32
          %div3A_3323 = arith.divsi %sub3A_3321, %jit3A_3322 : i32
          %sign3A_3324 = arith.constant 0 : i32
          %sign3A_3325 = arith.cmpi sgt, %sub3A_3321, %sign3A_3324 : i32
          %sign3A_3326 = arith.extui %sign3A_3325 : i1 to i32
          %sign3A_3327 = arith.constant 0 : i32
          %sign3A_3328 = arith.cmpi slt, %sub3A_3321, %sign3A_3327 : i32
          %sign3A_3329 = arith.extui %sign3A_3328 : i1 to i32
          %sign3A_3330 = arith.subi %sign3A_3326, %sign3A_3329 : i32
          %sign3A_3331 = arith.constant 0 : i32
          %sign3A_3332 = arith.cmpi sgt, %jit3A_3322, %sign3A_3331 : i32
          %sign3A_3333 = arith.extui %sign3A_3332 : i1 to i32
          %sign3A_3334 = arith.constant 0 : i32
          %sign3A_3335 = arith.cmpi slt, %jit3A_3322, %sign3A_3334 : i32
          %sign3A_3336 = arith.extui %sign3A_3335 : i1 to i32
          %sign3A_3337 = arith.subi %sign3A_3333, %sign3A_3336 : i32
          %ne3A_3338 = arith.cmpi ne, %sign3A_3330, %sign3A_3337 : i32
          %rem3A_3339 = arith.remsi %sub3A_3321, %jit3A_3322 : i32
          %ne3A_3340 = arith.constant 0 : i32
          %ne3A_3341 = arith.cmpi ne, %rem3A_3339, %ne3A_3340 : i32
          %and3A_3342 = arith.andi %ne3A_3338, %ne3A_3341 : i1
          %sub3A_3343 = arith.constant 1 : i32
          %sub3A_3344 = arith.subi %div3A_3323, %sub3A_3343 : i32
          %select_n3A_3345 = arith.select %and3A_3342, %sub3A_3344, %div3A_3323 : i32
          %while3A = arith.constant 0 : i32
          %while3A_3346 = arith.subi %select_n3A_3345, %select_n3A_3317 : i32
          %while3A_3347 = arith.addi %select_n3A_3317, %while3A_3346 : i32
          %while3A_3348 = arith.constant 1 : i32
          %while3A_3349 = arith.divsi %while3A_3346, %while3A_3348 : i32
          %while3A_3350 = arith.muli %while3A_3349, %while3A_3348 : i32
          %while3A_3351 = arith.addi %select_n3A_3317, %while3A_3350 : i32
          %while3A_3352 = arith.constant 1 : i32
          %while3A_3353 = scf.for %while3A_3423 = %select_n3A_3317 to %while3A_3351 step %while3A_3352 iter_args(%while3A_3424 = %while3A) -> (i32)  : i32 {
            %mul3A_3425 = arith.constant 16 : i32
            %mul3A_3426 = arith.muli %while3A_3423, %mul3A_3425 : i32
            %add3A_3427 = vector.broadcast %mul3A_3426 : i32 to vector<16xi32>
            %add3A_3428 = arith.addi %add3A_3427, %iota3A : vector<16xi32>
            %get3A_3429 = arith.index_cast %mul3A_3426 : i32 to index
            %get3A_3430 = tpu.vector_load %arg7[%get3A_3429] {strides = array<i32>} : memref<10016xf32, #tpu.memory_space<vmem>>, vector<16xf32>,
            %sub3A_3431 = vector.broadcast %squeeze3A_3290 : f32 to vector<16xf32>
            %sub3A_3432 = arith.subf %get3A_3430, %sub3A_3431 : vector<16xf32>
            %get3A_3433 = arith.index_cast %mul3A_3426 : i32 to index
            %get3A_3434 = tpu.vector_load %arg8[%get3A_3433] {strides = array<i32>} : memref<10016xf32, #tpu.memory_space<vmem>>, vector<16xf32>,
            %sub3A_3435 = vector.broadcast %squeeze3A_3294 : f32 to vector<16xf32>
            %sub3A_3436 = arith.subf %get3A_3434, %sub3A_3435 : vector<16xf32>
            %get3A_3437 = arith.index_cast %mul3A_3426 : i32 to index
            %get3A_3438 = tpu.vector_load %arg9[%get3A_3437] {strides = array<i32>} : memref<10016xf32, #tpu.memory_space<vmem>>, vector<16xf32>,
            %sub3A_3439 = vector.broadcast %squeeze3A_3298 : f32 to vector<16xf32>
            %sub3A_3440 = arith.subf %get3A_3438, %sub3A_3439 : vector<16xf32>
            %mul3A_3441 = arith.mulf %sub3A_3432, %sub3A_3432 : vector<16xf32>
            %mul3A_3442 = arith.mulf %sub3A_3436, %sub3A_3436 : vector<16xf32>
            %add3A_3443 = arith.addf %mul3A_3441, %mul3A_3442 : vector<16xf32>
            %mul3A_3444 = arith.mulf %sub3A_3440, %sub3A_3440 : vector<16xf32>
            %add3A_3445 = arith.addf %add3A_3443, %mul3A_3444 : vector<16xf32>
            %le3A = arith.constant 6.400000e-01 : f32
            %le3A_3446 = vector.broadcast %le3A : f32 to vector<16xf32>
            %le3A_3447 = arith.cmpf ole, %add3A_3445, %le3A_3446 : vector<16xf32>
            %ge3A_3448 = vector.broadcast %get3A_3284 : i32 to vector<16xi32>
            %ge3A_3449 = arith.cmpi sge, %add3A_3428, %ge3A_3448 : vector<16xi32>
            %and3A_3450 = arith.andi %le3A_3447, %ge3A_3449 : vector<16xi1>
            %lt3A_3451 = vector.broadcast %get3A_3286 : i32 to vector<16xi32>
            %lt3A_3452 = arith.cmpi slt, %add3A_3428, %lt3A_3451 : vector<16xi32>
            %and3A_3453 = arith.andi %and3A_3450, %lt3A_3452 : vector<16xi1>
            %bitcast3A = vector.bitcast %add3A_3445 : vector<16xf32> to vector<16xi32>
            %swap3A_3454 = arith.index_cast %while3A_3424 : i32 to index
            %swap3A_3455 = tpu.vector_load %arg13[%swap3A_3454] masked %and3A_3453 {strides = array<i32>} : memref<10016xi32, #tpu.memory_space<vmem>>, vector<16xi32>, vector<16xi1>
            tpu.vector_store %arg13[%swap3A_3454], %bitcast3A masked %and3A_3453 {strides = array<i32>} : memref<10016xi32, #tpu.memory_space<vmem>>, vector<16xi32>, vector<16xi1>
            %swap3A_3456 = arith.index_cast %while3A_3424 : i32 to index
            %swap3A_3457 = tpu.vector_load %arg14[%swap3A_3456] masked %and3A_3453 {strides = array<i32>} : memref<10016xi32, #tpu.memory_space<vmem>>, vector<16xi32>, vector<16xi1>
            tpu.vector_store %arg14[%swap3A_3456], %add3A_3428 masked %and3A_3453 {strides = array<i32>} : memref<10016xi32, #tpu.memory_space<vmem>>, vector<16xi32>, vector<16xi1>
            %all_reduce_population_count3A = tpu.all_reduce %and3A_3453 {dim = 0 : i64, kind = #tpu.reduction_kind<sum>} : vector<16xi1> -> vector<16xi32>
            %slice3A_3458 = vector.extract_strided_slice %all_reduce_population_count3A {offsets = [0], sizes = [1], strides = [1]} : vector<16xi32> to vector<1xi32>
            %squeeze3A_3459 = vector.extract %slice3A_3458[0] : i32 from vector<1xi32>
            %add3A_3460 = arith.addi %while3A_3424, %squeeze3A_3459 : i32
            scf.yield %add3A_3460 : i32
          }
          %while3A_3354 = arith.constant 1 : i32
          %while3A_3355 = scf.for %while3A_3423 = %while3A_3351 to %while3A_3347 step %while3A_3354 iter_args(%while3A_3424 = %while3A_3353) -> (i32)  : i32 {
            %mul3A_3425 = arith.constant 16 : i32
            %mul3A_3426 = arith.muli %while3A_3423, %mul3A_3425 : i32
            %add3A_3427 = vector.broadcast %mul3A_3426 : i32 to vector<16xi32>
            %add3A_3428 = arith.addi %add3A_3427, %iota3A : vector<16xi32>
            %get3A_3429 = arith.index_cast %mul3A_3426 : i32 to index
            %get3A_3430 = tpu.vector_load %arg7[%get3A_3429] {strides = array<i32>} : memref<10016xf32, #tpu.memory_space<vmem>>, vector<16xf32>,
            %sub3A_3431 = vector.broadcast %squeeze3A_3290 : f32 to vector<16xf32>
            %sub3A_3432 = arith.subf %get3A_3430, %sub3A_3431 : vector<16xf32>
            %get3A_3433 = arith.index_cast %mul3A_3426 : i32 to index
            %get3A_3434 = tpu.vector_load %arg8[%get3A_3433] {strides = array<i32>} : memref<10016xf32, #tpu.memory_space<vmem>>, vector<16xf32>,
            %sub3A_3435 = vector.broadcast %squeeze3A_3294 : f32 to vector<16xf32>
            %sub3A_3436 = arith.subf %get3A_3434, %sub3A_3435 : vector<16xf32>
            %get3A_3437 = arith.index_cast %mul3A_3426 : i32 to index
            %get3A_3438 = tpu.vector_load %arg9[%get3A_3437] {strides = array<i32>} : memref<10016xf32, #tpu.memory_space<vmem>>, vector<16xf32>,
            %sub3A_3439 = vector.broadcast %squeeze3A_3298 : f32 to vector<16xf32>
            %sub3A_3440 = arith.subf %get3A_3438, %sub3A_3439 : vector<16xf32>
            %mul3A_3441 = arith.mulf %sub3A_3432, %sub3A_3432 : vector<16xf32>
            %mul3A_3442 = arith.mulf %sub3A_3436, %sub3A_3436 : vector<16xf32>
            %add3A_3443 = arith.addf %mul3A_3441, %mul3A_3442 : vector<16xf32>
            %mul3A_3444 = arith.mulf %sub3A_3440, %sub3A_3440 : vector<16xf32>
            %add3A_3445 = arith.addf %add3A_3443, %mul3A_3444 : vector<16xf32>
            %le3A = arith.constant 6.400000e-01 : f32
            %le3A_3446 = vector.broadcast %le3A : f32 to vector<16xf32>
            %le3A_3447 = arith.cmpf ole, %add3A_3445, %le3A_3446 : vector<16xf32>
            %ge3A_3448 = vector.broadcast %get3A_3284 : i32 to vector<16xi32>
            %ge3A_3449 = arith.cmpi sge, %add3A_3428, %ge3A_3448 : vector<16xi32>
            %and3A_3450 = arith.andi %le3A_3447, %ge3A_3449 : vector<16xi1>
            %lt3A_3451 = vector.broadcast %get3A_3286 : i32 to vector<16xi32>
            %lt3A_3452 = arith.cmpi slt, %add3A_3428, %lt3A_3451 : vector<16xi32>
            %and3A_3453 = arith.andi %and3A_3450, %lt3A_3452 : vector<16xi1>
            %bitcast3A = vector.bitcast %add3A_3445 : vector<16xf32> to vector<16xi32>
            %swap3A_3454 = arith.index_cast %while3A_3424 : i32 to index
            %swap3A_3455 = tpu.vector_load %arg13[%swap3A_3454] masked %and3A_3453 {strides = array<i32>} : memref<10016xi32, #tpu.memory_space<vmem>>, vector<16xi32>, vector<16xi1>
            tpu.vector_store %arg13[%swap3A_3454], %bitcast3A masked %and3A_3453 {strides = array<i32>} : memref<10016xi32, #tpu.memory_space<vmem>>, vector<16xi32>, vector<16xi1>
            %swap3A_3456 = arith.index_cast %while3A_3424 : i32 to index
            %swap3A_3457 = tpu.vector_load %arg14[%swap3A_3456] masked %and3A_3453 {strides = array<i32>} : memref<10016xi32, #tpu.memory_space<vmem>>, vector<16xi32>, vector<16xi1>
            tpu.vector_store %arg14[%swap3A_3456], %add3A_3428 masked %and3A_3453 {strides = array<i32>} : memref<10016xi32, #tpu.memory_space<vmem>>, vector<16xi32>, vector<16xi1>
            %all_reduce_population_count3A = tpu.all_reduce %and3A_3453 {dim = 0 : i64, kind = #tpu.reduction_kind<sum>} : vector<16xi1> -> vector<16xi32>
            %slice3A_3458 = vector.extract_strided_slice %all_reduce_population_count3A {offsets = [0], sizes = [1], strides = [1]} : vector<16xi32> to vector<1xi32>
            %squeeze3A_3459 = vector.extract %slice3A_3458[0] : i32 from vector<1xi32>
            %add3A_3460 = arith.addi %while3A_3424, %squeeze3A_3459 : i32
            scf.yield %add3A_3460 : i32
          }
          %add3A_3356 = arith.constant 16 : i32
          %add3A_3357 = arith.addi %while3A_3355, %add3A_3356 : i32
          %sub3A_3358 = arith.constant 1 : i32
          %sub3A_3359 = arith.subi %add3A_3357, %sub3A_3358 : i32
          %jit3A_3360 = arith.constant 16 : i32
          %div3A_3361 = arith.divsi %sub3A_3359, %jit3A_3360 : i32
          %sign3A_3362 = arith.constant 0 : i32
          %sign3A_3363 = arith.cmpi sgt, %sub3A_3359, %sign3A_3362 : i32
          %sign3A_3364 = arith.extui %sign3A_3363 : i1 to i32
          %sign3A_3365 = arith.constant 0 : i32
          %sign3A_3366 = arith.cmpi slt, %sub3A_3359, %sign3A_3365 : i32
          %sign3A_3367 = arith.extui %sign3A_3366 : i1 to i32
          %sign3A_3368 = arith.subi %sign3A_3364, %sign3A_3367 : i32
          %sign3A_3369 = arith.constant 0 : i32
          %sign3A_3370 = arith.cmpi sgt, %jit3A_3360, %sign3A_3369 : i32
          %sign3A_3371 = arith.extui %sign3A_3370 : i1 to i32
          %sign3A_3372 = arith.constant 0 : i32
          %sign3A_3373 = arith.cmpi slt, %jit3A_3360, %sign3A_3372 : i32
          %sign3A_3374 = arith.extui %sign3A_3373 : i1 to i32
          %sign3A_3375 = arith.subi %sign3A_3371, %sign3A_3374 : i32
          %ne3A_3376 = arith.cmpi ne, %sign3A_3368, %sign3A_3375 : i32
          %rem3A_3377 = arith.remsi %sub3A_3359, %jit3A_3360 : i32
          %ne3A_3378 = arith.constant 0 : i32
          %ne3A_3379 = arith.cmpi ne, %rem3A_3377, %ne3A_3378 : i32
          %and3A_3380 = arith.andi %ne3A_3376, %ne3A_3379 : i1
          %sub3A_3381 = arith.constant 1 : i32
          %sub3A_3382 = arith.subi %div3A_3361, %sub3A_3381 : i32
          %select_n3A_3383 = arith.select %and3A_3380, %sub3A_3382, %div3A_3361 : i32
          %gt3A = arith.constant 64 : i32
          %gt3A_3384 = arith.cmpi sgt, %while3A_3355, %gt3A : i32
          %convert_element_type3A_3385 = arith.extui %gt3A_3384 : i1 to i32
          %cond3A_3386 = arith.constant 0 : i32
          %cond3A_3387 = arith.constant 0 : i32
          %cond3A_3388 = arith.cmpi ne, %convert_element_type3A_3385, %cond3A_3387 : i32
          %cond3A_3389 = scf.if %cond3A_3388 -> (i32) {
            %scan3A_3423 = arith.constant 0 : i32
            %scan3A_3424 = arith.constant 1059313418 : i32
            %scan3A_3425 = arith.constant 0 : i32
            %scan3A_3426 = arith.constant 31 : i32
            %scan3A_3427 = arith.addi %scan3A_3425, %scan3A_3426 : i32
            %scan3A_3428 = arith.constant 1 : i32
            %scan3A_3429:2 = scf.for %scan3A_3431 = %scan3A_3425 to %scan3A_3427 step %scan3A_3428 iter_args(%scan3A_3432 = %scan3A_3423, %scan3A_3433 = %scan3A_3424) -> (i32, i32)  : i32 {
              %add3A_3434 = arith.addi %scan3A_3432, %scan3A_3433 : i32
              %shift_right_arithmetic3A_3435 = arith.constant 1 : i32
              %shift_right_arithmetic3A_3436 = arith.shrsi %add3A_3434, %shift_right_arithmetic3A_3435 : i32
              %broadcast_in_dim3A_3437 = arith.constant 0 : i32
              %broadcast_in_dim3A_3438 = vector.broadcast %broadcast_in_dim3A_3437 : i32 to vector<16xi32>
              %while3A_3439 = arith.constant 0 : i32
              %while3A_3440 = arith.subi %select_n3A_3383, %while3A_3439 : i32
              %while3A_3441 = arith.addi %while3A_3439, %while3A_3440 : i32
              %while3A_3442 = arith.constant 1 : i32
              %while3A_3443 = arith.divsi %while3A_3440, %while3A_3442 : i32
              %while3A_3444 = arith.muli %while3A_3443, %while3A_3442 : i32
              %while3A_3445 = arith.addi %while3A_3439, %while3A_3444 : i32
              %while3A_3446 = arith.constant 1 : i32
              %while3A_3447 = scf.for %while3A_3458 = %while3A_3439 to %while3A_3445 step %while3A_3446 iter_args(%while3A_3459 = %broadcast_in_dim3A_3438) -> (vector<16xi32>)  : i32 {
                %mul3A_3460 = arith.constant 16 : i32
                %mul3A_3461 = arith.muli %while3A_3458, %mul3A_3460 : i32
                %get3A_3462 = arith.index_cast %mul3A_3461 : i32 to index
                %get3A_3463 = tpu.vector_load %arg13[%get3A_3462] {strides = array<i32>} : memref<10016xi32, #tpu.memory_space<vmem>>, vector<16xi32>,
                %le3A = vector.broadcast %shift_right_arithmetic3A_3436 : i32 to vector<16xi32>
                %le3A_3464 = arith.cmpi sle, %get3A_3463, %le3A : vector<16xi32>
                %mul3A_3465 = arith.constant 16 : i32
                %mul3A_3466 = arith.muli %while3A_3458, %mul3A_3465 : i32
                %add3A_3467 = vector.broadcast %mul3A_3466 : i32 to vector<16xi32>
                %add3A_3468 = arith.addi %add3A_3467, %iota3A : vector<16xi32>
                %lt3A_3469 = vector.broadcast %while3A_3355 : i32 to vector<16xi32>
                %lt3A_3470 = arith.cmpi slt, %add3A_3468, %lt3A_3469 : vector<16xi32>
                %and3A_3471 = arith.andi %le3A_3464, %lt3A_3470 : vector<16xi1>
                %all_reduce_population_count3A = tpu.all_reduce %and3A_3471 {dim = 0 : i64, kind = #tpu.reduction_kind<sum>} : vector<16xi1> -> vector<16xi32>
                %add3A_3472 = arith.addi %while3A_3459, %all_reduce_population_count3A : vector<16xi32>
                scf.yield %add3A_3472 : vector<16xi32>
              }
              %while3A_3448 = arith.constant 1 : i32
              %while3A_3449 = scf.for %while3A_3458 = %while3A_3445 to %while3A_3441 step %while3A_3448 iter_args(%while3A_3459 = %while3A_3447) -> (vector<16xi32>)  : i32 {
                %mul3A_3460 = arith.constant 16 : i32
                %mul3A_3461 = arith.muli %while3A_3458, %mul3A_3460 : i32
                %get3A_3462 = arith.index_cast %mul3A_3461 : i32 to index
                %get3A_3463 = tpu.vector_load %arg13[%get3A_3462] {strides = array<i32>} : memref<10016xi32, #tpu.memory_space<vmem>>, vector<16xi32>,
                %le3A = vector.broadcast %shift_right_arithmetic3A_3436 : i32 to vector<16xi32>
                %le3A_3464 = arith.cmpi sle, %get3A_3463, %le3A : vector<16xi32>
                %mul3A_3465 = arith.constant 16 : i32
                %mul3A_3466 = arith.muli %while3A_3458, %mul3A_3465 : i32
                %add3A_3467 = vector.broadcast %mul3A_3466 : i32 to vector<16xi32>
                %add3A_3468 = arith.addi %add3A_3467, %iota3A : vector<16xi32>
                %lt3A_3469 = vector.broadcast %while3A_3355 : i32 to vector<16xi32>
                %lt3A_3470 = arith.cmpi slt, %add3A_3468, %lt3A_3469 : vector<16xi32>
                %and3A_3471 = arith.andi %le3A_3464, %lt3A_3470 : vector<16xi1>
                %all_reduce_population_count3A = tpu.all_reduce %and3A_3471 {dim = 0 : i64, kind = #tpu.reduction_kind<sum>} : vector<16xi1> -> vector<16xi32>
                %add3A_3472 = arith.addi %while3A_3459, %all_reduce_population_count3A : vector<16xi32>
                scf.yield %add3A_3472 : vector<16xi32>
              }
              %slice3A_3450 = vector.extract_strided_slice %while3A_3449 {offsets = [0], sizes = [1], strides = [1]} : vector<16xi32> to vector<1xi32>
              %squeeze3A_3451 = vector.extract %slice3A_3450[0] : i32 from vector<1xi32>
              %ge3A_3452 = arith.constant 64 : i32
              %ge3A_3453 = arith.cmpi sge, %squeeze3A_3451, %ge3A_3452 : i32
              %add3A_3454 = arith.constant 1 : i32
              %add3A_3455 = arith.addi %shift_right_arithmetic3A_3436, %add3A_3454 : i32
              %select_n3A_3456 = arith.select %ge3A_3453, %scan3A_3432, %add3A_3455 : i32
              %select_n3A_3457 = arith.select %ge3A_3453, %shift_right_arithmetic3A_3436, %scan3A_3433 : i32
              scf.yield %select_n3A_3456, %select_n3A_3457 : i32, i32
            }
            %scan3A_3430 = arith.constant 31 : i32
            scf.yield %scan3A_3429#1 : i32
          } else {
            %cond3A_3423 = arith.constant 1059313418 : i32
            scf.yield %cond3A_3423 : i32
          }
          %mul3A_3390 = arith.constant 64 : i32
          %mul3A_3391 = arith.muli %scan3A_3277, %mul3A_3390 : i32
          %broadcast_in_dim3A = vector.broadcast %add3A_3278 : i32 to vector<16xi32>
          %add3A_3392 = arith.constant 0 : i32
          %add3A_3393 = arith.addi %mul3A_3391, %add3A_3392 : i32
          %swap3A_3394 = arith.index_cast %add3A_3393 : i32 to index
          %swap3A_3395 = tpu.vector_load %arg15[%swap3A_3394] {strides = array<i32>} : memref<1040xi32, #tpu.memory_space<vmem>>, vector<16xi32>,
          tpu.vector_store %arg15[%swap3A_3394], %broadcast_in_dim3A {strides = array<i32>} : memref<1040xi32, #tpu.memory_space<vmem>>, vector<16xi32>,
          %broadcast_in_dim3A_3396 = vector.broadcast %add3A_3278 : i32 to vector<16xi32>
          %add3A_3397 = arith.constant 16 : i32
          %add3A_3398 = arith.addi %mul3A_3391, %add3A_3397 : i32
          %swap3A_3399 = arith.index_cast %add3A_3398 : i32 to index
          %swap3A_3400 = tpu.vector_load %arg15[%swap3A_3399] {strides = array<i32>} : memref<1040xi32, #tpu.memory_space<vmem>>, vector<16xi32>,
          tpu.vector_store %arg15[%swap3A_3399], %broadcast_in_dim3A_3396 {strides = array<i32>} : memref<1040xi32, #tpu.memory_space<vmem>>, vector<16xi32>,
          %broadcast_in_dim3A_3401 = vector.broadcast %add3A_3278 : i32 to vector<16xi32>
          %add3A_3402 = arith.constant 32 : i32
          %add3A_3403 = arith.addi %mul3A_3391, %add3A_3402 : i32
          %swap3A_3404 = arith.index_cast %add3A_3403 : i32 to index
          %swap3A_3405 = tpu.vector_load %arg15[%swap3A_3404] {strides = array<i32>} : memref<1040xi32, #tpu.memory_space<vmem>>, vector<16xi32>,
          tpu.vector_store %arg15[%swap3A_3404], %broadcast_in_dim3A_3401 {strides = array<i32>} : memref<1040xi32, #tpu.memory_space<vmem>>, vector<16xi32>,
          %broadcast_in_dim3A_3406 = vector.broadcast %add3A_3278 : i32 to vector<16xi32>
          %add3A_3407 = arith.constant 48 : i32
          %add3A_3408 = arith.addi %mul3A_3391, %add3A_3407 : i32
          %swap3A_3409 = arith.index_cast %add3A_3408 : i32 to index
          %swap3A_3410 = tpu.vector_load %arg15[%swap3A_3409] {strides = array<i32>} : memref<1040xi32, #tpu.memory_space<vmem>>, vector<16xi32>,
          tpu.vector_store %arg15[%swap3A_3409], %broadcast_in_dim3A_3406 {strides = array<i32>} : memref<1040xi32, #tpu.memory_space<vmem>>, vector<16xi32>,
          %while3A_3411 = arith.constant 0 : i32
          %while3A_3412 = arith.constant 0 : i32
          %while3A_3413 = arith.subi %select_n3A_3383, %while3A_3411 : i32
          %while3A_3414 = arith.addi %while3A_3411, %while3A_3413 : i32
          %while3A_3415 = arith.constant 1 : i32
          %while3A_3416 = arith.divsi %while3A_3413, %while3A_3415 : i32
          %while3A_3417 = arith.muli %while3A_3416, %while3A_3415 : i32
          %while3A_3418 = arith.addi %while3A_3411, %while3A_3417 : i32
          %while3A_3419 = arith.constant 1 : i32
          %while3A_3420 = scf.for %while3A_3423 = %while3A_3411 to %while3A_3418 step %while3A_3419 iter_args(%while3A_3424 = %while3A_3412) -> (i32)  : i32 {
            %mul3A_3425 = arith.constant 16 : i32
            %mul3A_3426 = arith.muli %while3A_3423, %mul3A_3425 : i32
            %get3A_3427 = arith.index_cast %mul3A_3426 : i32 to index
            %get3A_3428 = tpu.vector_load %arg13[%get3A_3427] {strides = array<i32>} : memref<10016xi32, #tpu.memory_space<vmem>>, vector<16xi32>,
            %mul3A_3429 = arith.constant 16 : i32
            %mul3A_3430 = arith.muli %while3A_3423, %mul3A_3429 : i32
            %get3A_3431 = arith.index_cast %mul3A_3430 : i32 to index
            %get3A_3432 = tpu.vector_load %arg14[%get3A_3431] {strides = array<i32>} : memref<10016xi32, #tpu.memory_space<vmem>>, vector<16xi32>,
            %le3A = vector.broadcast %cond3A_3389 : i32 to vector<16xi32>
            %le3A_3433 = arith.cmpi sle, %get3A_3428, %le3A : vector<16xi32>
            %mul3A_3434 = arith.constant 16 : i32
            %mul3A_3435 = arith.muli %while3A_3423, %mul3A_3434 : i32
            %add3A_3436 = vector.broadcast %mul3A_3435 : i32 to vector<16xi32>
            %add3A_3437 = arith.addi %add3A_3436, %iota3A : vector<16xi32>
            %lt3A_3438 = vector.broadcast %while3A_3355 : i32 to vector<16xi32>
            %lt3A_3439 = arith.cmpi slt, %add3A_3437, %lt3A_3438 : vector<16xi32>
            %and3A_3440 = arith.andi %le3A_3433, %lt3A_3439 : vector<16xi1>
            %convert_element_type3A_3441 = arith.extui %and3A_3440 : vector<16xi1> to vector<16xi32>
            %broadcast_in_dim3A_3442 = arith.constant true
            %broadcast_in_dim3A_3443 = vector.broadcast %broadcast_in_dim3A_3442 : i1 to vector<16xi1>
            %masked_cumsum3A = tpu.scan <sum>, %convert_element_type3A_3441 masked %broadcast_in_dim3A_3443 : vector<16xi32>, vector<16xi1> -> vector<16xi32>
            %add3A_3444 = vector.broadcast %while3A_3424 : i32 to vector<16xi32>
            %add3A_3445 = arith.addi %add3A_3444, %masked_cumsum3A : vector<16xi32>
            %le3A_3446 = arith.constant 64 : i32
            %le3A_3447 = vector.broadcast %le3A_3446 : i32 to vector<16xi32>
            %le3A_3448 = arith.cmpi sle, %add3A_3445, %le3A_3447 : vector<16xi32>
            %and3A_3449 = arith.andi %and3A_3440, %le3A_3448 : vector<16xi1>
            %add3A_3450 = arith.addi %mul3A_3391, %while3A_3424 : i32
            %swap3A_3451 = arith.index_cast %add3A_3450 : i32 to index
            %swap3A_3452 = tpu.vector_load %arg15[%swap3A_3451] masked %and3A_3449 {strides = array<i32>} : memref<1040xi32, #tpu.memory_space<vmem>>, vector<16xi32>, vector<16xi1>
            tpu.vector_store %arg15[%swap3A_3451], %get3A_3432 masked %and3A_3449 {strides = array<i32>} : memref<1040xi32, #tpu.memory_space<vmem>>, vector<16xi32>, vector<16xi1>
            %all_reduce_population_count3A = tpu.all_reduce %and3A_3449 {dim = 0 : i64, kind = #tpu.reduction_kind<sum>} : vector<16xi1> -> vector<16xi32>
            %slice3A_3453 = vector.extract_strided_slice %all_reduce_population_count3A {offsets = [0], sizes = [1], strides = [1]} : vector<16xi32> to vector<1xi32>
            %squeeze3A_3454 = vector.extract %slice3A_3453[0] : i32 from vector<1xi32>
            %add3A_3455 = arith.addi %while3A_3424, %squeeze3A_3454 : i32
            scf.yield %add3A_3455 : i32
          }
          %while3A_3421 = arith.constant 1 : i32
          %while3A_3422 = scf.for %while3A_3423 = %while3A_3418 to %while3A_3414 step %while3A_3421 iter_args(%while3A_3424 = %while3A_3420) -> (i32)  : i32 {
            %mul3A_3425 = arith.constant 16 : i32
            %mul3A_3426 = arith.muli %while3A_3423, %mul3A_3425 : i32
            %get3A_3427 = arith.index_cast %mul3A_3426 : i32 to index
            %get3A_3428 = tpu.vector_load %arg13[%get3A_3427] {strides = array<i32>} : memref<10016xi32, #tpu.memory_space<vmem>>, vector<16xi32>,
            %mul3A_3429 = arith.constant 16 : i32
            %mul3A_3430 = arith.muli %while3A_3423, %mul3A_3429 : i32
            %get3A_3431 = arith.index_cast %mul3A_3430 : i32 to index
            %get3A_3432 = tpu.vector_load %arg14[%get3A_3431] {strides = array<i32>} : memref<10016xi32, #tpu.memory_space<vmem>>, vector<16xi32>,
            %le3A = vector.broadcast %cond3A_3389 : i32 to vector<16xi32>
            %le3A_3433 = arith.cmpi sle, %get3A_3428, %le3A : vector<16xi32>
            %mul3A_3434 = arith.constant 16 : i32
            %mul3A_3435 = arith.muli %while3A_3423, %mul3A_3434 : i32
            %add3A_3436 = vector.broadcast %mul3A_3435 : i32 to vector<16xi32>
            %add3A_3437 = arith.addi %add3A_3436, %iota3A : vector<16xi32>
            %lt3A_3438 = vector.broadcast %while3A_3355 : i32 to vector<16xi32>
            %lt3A_3439 = arith.cmpi slt, %add3A_3437, %lt3A_3438 : vector<16xi32>
            %and3A_3440 = arith.andi %le3A_3433, %lt3A_3439 : vector<16xi1>
            %convert_element_type3A_3441 = arith.extui %and3A_3440 : vector<16xi1> to vector<16xi32>
            %broadcast_in_dim3A_3442 = arith.constant true
            %broadcast_in_dim3A_3443 = vector.broadcast %broadcast_in_dim3A_3442 : i1 to vector<16xi1>
            %masked_cumsum3A = tpu.scan <sum>, %convert_element_type3A_3441 masked %broadcast_in_dim3A_3443 : vector<16xi32>, vector<16xi1> -> vector<16xi32>
            %add3A_3444 = vector.broadcast %while3A_3424 : i32 to vector<16xi32>
            %add3A_3445 = arith.addi %add3A_3444, %masked_cumsum3A : vector<16xi32>
            %le3A_3446 = arith.constant 64 : i32
            %le3A_3447 = vector.broadcast %le3A_3446 : i32 to vector<16xi32>
            %le3A_3448 = arith.cmpi sle, %add3A_3445, %le3A_3447 : vector<16xi32>
            %and3A_3449 = arith.andi %and3A_3440, %le3A_3448 : vector<16xi1>
            %add3A_3450 = arith.addi %mul3A_3391, %while3A_3424 : i32
            %swap3A_3451 = arith.index_cast %add3A_3450 : i32 to index
            %swap3A_3452 = tpu.vector_load %arg15[%swap3A_3451] masked %and3A_3449 {strides = array<i32>} : memref<1040xi32, #tpu.memory_space<vmem>>, vector<16xi32>, vector<16xi1>
            tpu.vector_store %arg15[%swap3A_3451], %get3A_3432 masked %and3A_3449 {strides = array<i32>} : memref<1040xi32, #tpu.memory_space<vmem>>, vector<16xi32>, vector<16xi1>
            %all_reduce_population_count3A = tpu.all_reduce %and3A_3449 {dim = 0 : i64, kind = #tpu.reduction_kind<sum>} : vector<16xi1> -> vector<16xi32>
            %slice3A_3453 = vector.extract_strided_slice %all_reduce_population_count3A {offsets = [0], sizes = [1], strides = [1]} : vector<16xi32> to vector<1xi32>
            %squeeze3A_3454 = vector.extract %slice3A_3453[0] : i32 from vector<1xi32>
            %add3A_3455 = arith.addi %while3A_3424, %squeeze3A_3454 : i32
            scf.yield %add3A_3455 : i32
          }
        }
        %scan3A_3273 = arith.constant 16 : i32
        %sub3A = arith.constant 0 : i32
        %sub3A_3274 = arith.subi %add3A_3265, %sub3A : i32
        %mul3A_3275 = arith.constant 64 : i32
        %mul3A_3276 = arith.muli %sub3A_3274, %mul3A_3275 : i32
        "tpu.region"() ({
          %run_scoped3A = tpu.sem_alloc : memref<!tpu.dma_semaphore, #tpu.memory_space<semaphore_mem>>
          %dma_start3A = arith.constant 0 : i32
          %dma_start3A_3277 = tpu.memref_slice %arg15[%dma_start3A] : memref<1040xi32, #tpu.memory_space<vmem>> -> memref<1024xi32, #tpu.memory_space<vmem>>
          %dma_start3A_3278 = tpu.memref_slice %arg6[%mul3A_3276] : memref<640000xi32, #tpu.memory_space<hbm>> -> memref<1024xi32, #tpu.memory_space<hbm>>
          %dma_start3A_3279 = tpu.memref_slice %arg6[%mul3A_3276] : memref<640000xi32, #tpu.memory_space<hbm>> -> memref<1024xi32, #tpu.memory_space<hbm>>
          %dma_start3A_3280 = arith.constant 0 : i32
          %dma_start3A_3281 = tpu.memref_slice %arg15[%dma_start3A_3280] : memref<1040xi32, #tpu.memory_space<vmem>> -> memref<1024xi32, #tpu.memory_space<vmem>>
          tpu.enqueue_dma source(%dma_start3A_3281 : memref<1024xi32, #tpu.memory_space<vmem>>) target(%dma_start3A_3279 : memref<1024xi32, #tpu.memory_space<hbm>>) target_semaphore(%run_scoped3A : memref<!tpu.dma_semaphore, #tpu.memory_space<semaphore_mem>>)
          %dma_wait3A = arith.constant 0 : i32
          %dma_wait3A_3282 = tpu.memref_slice %arg15[%dma_wait3A] : memref<1040xi32, #tpu.memory_space<vmem>> -> memref<1024xi32, #tpu.memory_space<vmem>>
          %dma_wait3A_3283 = tpu.memref_slice %arg6[%mul3A_3276] : memref<640000xi32, #tpu.memory_space<hbm>> -> memref<1024xi32, #tpu.memory_space<hbm>>
          %dma_wait3A_3284 = tpu.memref_slice %arg6[%mul3A_3276] : memref<640000xi32, #tpu.memory_space<hbm>> -> memref<1024xi32, #tpu.memory_space<hbm>>
          %dma_wait3A_3285 = arith.constant 0 : i32
          %dma_wait3A_3286 = tpu.memref_slice %arg15[%dma_wait3A_3285] : memref<1040xi32, #tpu.memory_space<vmem>> -> memref<1024xi32, #tpu.memory_space<vmem>>
          tpu.wait_dma2 semaphore(%run_scoped3A : memref<!tpu.dma_semaphore, #tpu.memory_space<semaphore_mem>>) src(%dma_wait3A_3286 : memref<1024xi32, #tpu.memory_space<vmem>>) dst(%dma_wait3A_3284 : memref<1024xi32, #tpu.memory_space<hbm>>)
          tpu.yield
        }) : () -> ()
      } else {
      }
      %scan3A_3268 = arith.constant 0 : i32
      scf.yield %scan3A_3268 : i32
    }
    %scan3A_3256 = arith.constant 20 : i32
    return
  }
}

#map = affine_map<(d0, d1) -> (0, 0)>
#map1 = affine_map<(d0, d1) -> (0)>
module attributes {stable_mosaic.version = 14 : i64} {
  func.func @body(%arg0: i32, %arg1: i32, %arg2: memref<10000x128xf32, #tpu.memory_space<hbm>>, %arg3: memref<640000xi32, #tpu.memory_space<hbm>>, %arg4: memref<640000x128xf32, #tpu.memory_space<hbm>>, %arg5: memref<20000xi32, #tpu.memory_space<vmem>>, %arg6: memref<128x128xf32, #tpu.memory_space<vmem>>, %arg7: memref<128x128xf32, #tpu.memory_space<vmem>>, %arg8: memref<128x128xf32, #tpu.memory_space<vmem>>, %arg9: memref<128x128xf32, #tpu.memory_space<vmem>>, %arg10: memref<128x128xf32, #tpu.memory_space<vmem>>, %arg11: memref<128x128xf32, #tpu.memory_space<vmem>>, %arg12: memref<!tpu.dma_semaphore, #tpu.memory_space<semaphore_mem>>, %arg13: memref<!tpu.dma_semaphore, #tpu.memory_space<semaphore_mem>>, %arg14: memref<!tpu.dma_semaphore, #tpu.memory_space<semaphore_mem>>, %arg15: memref<!tpu.dma_semaphore, #tpu.memory_space<semaphore_mem>>, %arg16: memref<!tpu.dma_semaphore, #tpu.memory_space<semaphore_mem>>, %arg17: memref<!tpu.dma_semaphore, #tpu.memory_space<semaphore_mem>>, %arg18: memref<!tpu.dma_semaphore, #tpu.memory_space<semaphore_mem>>, %arg19: memref<!tpu.dma_semaphore, #tpu.memory_space<semaphore_mem>>, %arg20: memref<!tpu.dma_semaphore, #tpu.memory_space<semaphore_mem>>, %arg21: memref<!tpu.dma_semaphore, #tpu.memory_space<semaphore_mem>>, %arg22: memref<!tpu.dma_semaphore, #tpu.memory_space<semaphore_mem>>, %arg23: memref<!tpu.dma_semaphore, #tpu.memory_space<semaphore_mem>>) attributes {dimension_semantics = [#tpu.dimension_semantics<core_parallel>, #tpu.dimension_semantics<subcore_parallel>], iteration_bounds = array<i64: 2, 16>, scalar_prefetch = 0 : i64, scratch_operands = 19 : i64, tpu.core_type = #tpu.core_type<sc_vector_subcore>, window_params = [{transform_indices = #map}, {transform_indices = #map1}, {transform_indices = #map}]} {
    %mul3A = arith.constant 2 : i32
    %mul3A_0 = arith.muli %arg1, %mul3A : i32
    %add3A = arith.addi %mul3A_0, %arg0 : i32
    %mul3A_1 = arith.constant 20000 : i32
    %mul3A_2 = arith.muli %add3A, %mul3A_1 : i32
    "tpu.region"() ({
      %run_scoped3A = tpu.sem_alloc : memref<!tpu.dma_semaphore, #tpu.memory_space<semaphore_mem>>
      %dma_start3A_25 = tpu.memref_slice %arg3[%mul3A_2] : memref<640000xi32, #tpu.memory_space<hbm>> -> memref<20000xi32, #tpu.memory_space<hbm>>
      %dma_start3A_26 = tpu.memref_slice %arg3[%mul3A_2] : memref<640000xi32, #tpu.memory_space<hbm>> -> memref<20000xi32, #tpu.memory_space<hbm>>
      tpu.enqueue_dma source(%dma_start3A_26 : memref<20000xi32, #tpu.memory_space<hbm>>) target(%arg5 : memref<20000xi32, #tpu.memory_space<vmem>>) target_semaphore(%run_scoped3A : memref<!tpu.dma_semaphore, #tpu.memory_space<semaphore_mem>>)
      %dma_wait3A_27 = tpu.memref_slice %arg3[%mul3A_2] : memref<640000xi32, #tpu.memory_space<hbm>> -> memref<20000xi32, #tpu.memory_space<hbm>>
      %dma_wait3A_28 = tpu.memref_slice %arg3[%mul3A_2] : memref<640000xi32, #tpu.memory_space<hbm>> -> memref<20000xi32, #tpu.memory_space<hbm>>
      tpu.wait_dma2 semaphore(%run_scoped3A : memref<!tpu.dma_semaphore, #tpu.memory_space<semaphore_mem>>) src(%dma_wait3A_28 : memref<20000xi32, #tpu.memory_space<hbm>>) dst(%arg5 : memref<20000xi32, #tpu.memory_space<vmem>>)
      tpu.yield
    }) : () -> ()
    %scan3A = arith.constant 0 : i32
    %scan3A_3 = arith.constant 0 : i32
    %scan3A_4 = arith.constant 28 : i32
    %scan3A_5 = arith.addi %scan3A_3, %scan3A_4 : i32
    %scan3A_6 = arith.constant 1 : i32
    %scan3A_7 = scf.for %scan3A_25 = %scan3A_3 to %scan3A_5 step %scan3A_6 iter_args(%scan3A_26 = %scan3A) -> (i32)  : i32 {
      %mul3A_27 = arith.constant 6 : i32
      %mul3A_28 = arith.muli %scan3A_25, %mul3A_27 : i32
      %add3A_29 = arith.constant 0 : i32
      %add3A_30 = arith.addi %mul3A_28, %add3A_29 : i32
      %sub3A = arith.constant 6 : i32
      %sub3A_31 = arith.subi %add3A_30, %sub3A : i32
      %ge3A = arith.constant 0 : i32
      %ge3A_32 = arith.cmpi sge, %sub3A_31, %ge3A : i32
      %sub3A_33 = arith.constant 6 : i32
      %sub3A_34 = arith.subi %add3A_30, %sub3A_33 : i32
      %lt3A = arith.constant 156 : i32
      %lt3A_35 = arith.cmpi slt, %sub3A_34, %lt3A : i32
      %and3A = arith.andi %ge3A_32, %lt3A_35 : i1
      %convert_element_type3A = arith.extui %and3A : i1 to i32
      %cond3A = arith.constant 0 : i32
      %cond3A_36 = arith.cmpi ne, %convert_element_type3A, %cond3A : i32
      scf.if %cond3A_36 {
        %sub3A_210 = arith.constant 6 : i32
        %sub3A_211 = arith.subi %add3A_30, %sub3A_210 : i32
        %mul3A_212 = arith.constant 128 : i32
        %mul3A_213 = arith.muli %sub3A_211, %mul3A_212 : i32
        %add3A_214 = arith.addi %mul3A_2, %mul3A_213 : i32
        %dma_wait3A_215 = arith.constant 0 : i32
        %dma_wait3A_216 = tpu.memref_slice %arg4[%add3A_214, %dma_wait3A_215] : memref<640000x128xf32, #tpu.memory_space<hbm>> -> memref<128x128xf32, #tpu.memory_space<hbm>>
        %dma_wait3A_217 = arith.constant 0 : i32
        %dma_wait3A_218 = tpu.memref_slice %arg4[%add3A_214, %dma_wait3A_217] : memref<640000x128xf32, #tpu.memory_space<hbm>> -> memref<128x128xf32, #tpu.memory_space<hbm>>
        tpu.wait_dma2 semaphore(%arg18 : memref<!tpu.dma_semaphore, #tpu.memory_space<semaphore_mem>>) src(%arg6 : memref<128x128xf32, #tpu.memory_space<vmem>>) dst(%dma_wait3A_218 : memref<128x128xf32, #tpu.memory_space<hbm>>)
      } else {
      }
      %lt3A_37 = arith.constant 156 : i32
      %lt3A_38 = arith.cmpi slt, %add3A_30, %lt3A_37 : i32
      %convert_element_type3A_39 = arith.extui %lt3A_38 : i1 to i32
      %cond3A_40 = arith.constant 0 : i32
      %cond3A_41 = arith.cmpi ne, %convert_element_type3A_39, %cond3A_40 : i32
      scf.if %cond3A_41 {
        %mul3A_210 = arith.constant 128 : i32
        %mul3A_211 = arith.muli %add3A_30, %mul3A_210 : i32
        %dma_start3A_212 = tpu.memref_slice %arg5[%mul3A_211] : memref<20000xi32, #tpu.memory_space<vmem>> -> memref<128xi32, #tpu.memory_space<vmem>>
        %dma_start3A_213 = arith.constant 0 : i32
        %dma_start3A_214 = arith.constant 0 : i32
        %dma_start3A_215 = tpu.memref_slice %arg2[%dma_start3A_213, %dma_start3A_214] : memref<10000x128xf32, #tpu.memory_space<hbm>> -> memref<10000x128xf32, #tpu.memory_space<hbm>>
        tpu.enqueue_indirect_dma source(%dma_start3A_215 : memref<10000x128xf32, #tpu.memory_space<hbm>>) target(%arg6 : memref<128x128xf32, #tpu.memory_space<vmem>>) offsets(%dma_start3A_212 : memref<128xi32, #tpu.memory_space<vmem>>) semaphore(%arg12 : memref<!tpu.dma_semaphore, #tpu.memory_space<semaphore_mem>>)
      } else {
      }
      %sub3A_42 = arith.constant 4 : i32
      %sub3A_43 = arith.subi %add3A_30, %sub3A_42 : i32
      %ge3A_44 = arith.constant 0 : i32
      %ge3A_45 = arith.cmpi sge, %sub3A_43, %ge3A_44 : i32
      %sub3A_46 = arith.constant 4 : i32
      %sub3A_47 = arith.subi %add3A_30, %sub3A_46 : i32
      %lt3A_48 = arith.constant 156 : i32
      %lt3A_49 = arith.cmpi slt, %sub3A_47, %lt3A_48 : i32
      %and3A_50 = arith.andi %ge3A_45, %lt3A_49 : i1
      %convert_element_type3A_51 = arith.extui %and3A_50 : i1 to i32
      %cond3A_52 = arith.constant 0 : i32
      %cond3A_53 = arith.cmpi ne, %convert_element_type3A_51, %cond3A_52 : i32
      scf.if %cond3A_53 {
        %sub3A_210 = arith.constant 4 : i32
        %sub3A_211 = arith.subi %add3A_30, %sub3A_210 : i32
        %mul3A_212 = arith.constant 128 : i32
        %mul3A_213 = arith.muli %sub3A_211, %mul3A_212 : i32
        %dma_wait3A_214 = tpu.memref_slice %arg5[%mul3A_213] : memref<20000xi32, #tpu.memory_space<vmem>> -> memref<128xi32, #tpu.memory_space<vmem>>
        %dma_wait3A_215 = arith.constant 0 : i32
        %dma_wait3A_216 = arith.constant 0 : i32
        %dma_wait3A_217 = tpu.memref_slice %arg2[%dma_wait3A_215, %dma_wait3A_216] : memref<10000x128xf32, #tpu.memory_space<hbm>> -> memref<10000x128xf32, #tpu.memory_space<hbm>>
        tpu.wait_indirect_dma semaphore(%arg14 : memref<!tpu.dma_semaphore, #tpu.memory_space<semaphore_mem>>) src(%dma_wait3A_217 : memref<10000x128xf32, #tpu.memory_space<hbm>>) dst(%arg8 : memref<128x128xf32, #tpu.memory_space<vmem>>)
        %sub3A_218 = arith.constant 4 : i32
        %sub3A_219 = arith.subi %add3A_30, %sub3A_218 : i32
        %mul3A_220 = arith.constant 128 : i32
        %mul3A_221 = arith.muli %sub3A_219, %mul3A_220 : i32
        %add3A_222 = arith.addi %mul3A_2, %mul3A_221 : i32
        %dma_start3A_223 = arith.constant 0 : i32
        %dma_start3A_224 = tpu.memref_slice %arg4[%add3A_222, %dma_start3A_223] : memref<640000x128xf32, #tpu.memory_space<hbm>> -> memref<128x128xf32, #tpu.memory_space<hbm>>
        %dma_start3A_225 = arith.constant 0 : i32
        %dma_start3A_226 = tpu.memref_slice %arg4[%add3A_222, %dma_start3A_225] : memref<640000x128xf32, #tpu.memory_space<hbm>> -> memref<128x128xf32, #tpu.memory_space<hbm>>
        tpu.enqueue_dma source(%arg8 : memref<128x128xf32, #tpu.memory_space<vmem>>) target(%dma_start3A_226 : memref<128x128xf32, #tpu.memory_space<hbm>>) target_semaphore(%arg20 : memref<!tpu.dma_semaphore, #tpu.memory_space<semaphore_mem>>)
      } else {
      }
      %add3A_54 = arith.constant 1 : i32
      %add3A_55 = arith.addi %mul3A_28, %add3A_54 : i32
      %sub3A_56 = arith.constant 6 : i32
      %sub3A_57 = arith.subi %add3A_55, %sub3A_56 : i32
      %ge3A_58 = arith.constant 0 : i32
      %ge3A_59 = arith.cmpi sge, %sub3A_57, %ge3A_58 : i32
      %sub3A_60 = arith.constant 6 : i32
      %sub3A_61 = arith.subi %add3A_55, %sub3A_60 : i32
      %lt3A_62 = arith.constant 156 : i32
      %lt3A_63 = arith.cmpi slt, %sub3A_61, %lt3A_62 : i32
      %and3A_64 = arith.andi %ge3A_59, %lt3A_63 : i1
      %convert_element_type3A_65 = arith.extui %and3A_64 : i1 to i32
      %cond3A_66 = arith.constant 0 : i32
      %cond3A_67 = arith.cmpi ne, %convert_element_type3A_65, %cond3A_66 : i32
      scf.if %cond3A_67 {
        %sub3A_210 = arith.constant 6 : i32
        %sub3A_211 = arith.subi %add3A_55, %sub3A_210 : i32
        %mul3A_212 = arith.constant 128 : i32
        %mul3A_213 = arith.muli %sub3A_211, %mul3A_212 : i32
        %add3A_214 = arith.addi %mul3A_2, %mul3A_213 : i32
        %dma_wait3A_215 = arith.constant 0 : i32
        %dma_wait3A_216 = tpu.memref_slice %arg4[%add3A_214, %dma_wait3A_215] : memref<640000x128xf32, #tpu.memory_space<hbm>> -> memref<128x128xf32, #tpu.memory_space<hbm>>
        %dma_wait3A_217 = arith.constant 0 : i32
        %dma_wait3A_218 = tpu.memref_slice %arg4[%add3A_214, %dma_wait3A_217] : memref<640000x128xf32, #tpu.memory_space<hbm>> -> memref<128x128xf32, #tpu.memory_space<hbm>>
        tpu.wait_dma2 semaphore(%arg19 : memref<!tpu.dma_semaphore, #tpu.memory_space<semaphore_mem>>) src(%arg7 : memref<128x128xf32, #tpu.memory_space<vmem>>) dst(%dma_wait3A_218 : memref<128x128xf32, #tpu.memory_space<hbm>>)
      } else {
      }
      %lt3A_68 = arith.constant 156 : i32
      %lt3A_69 = arith.cmpi slt, %add3A_55, %lt3A_68 : i32
      %convert_element_type3A_70 = arith.extui %lt3A_69 : i1 to i32
      %cond3A_71 = arith.constant 0 : i32
      %cond3A_72 = arith.cmpi ne, %convert_element_type3A_70, %cond3A_71 : i32
      scf.if %cond3A_72 {
        %mul3A_210 = arith.constant 128 : i32
        %mul3A_211 = arith.muli %add3A_55, %mul3A_210 : i32
        %dma_start3A_212 = tpu.memref_slice %arg5[%mul3A_211] : memref<20000xi32, #tpu.memory_space<vmem>> -> memref<128xi32, #tpu.memory_space<vmem>>
        %dma_start3A_213 = arith.constant 0 : i32
        %dma_start3A_214 = arith.constant 0 : i32
        %dma_start3A_215 = tpu.memref_slice %arg2[%dma_start3A_213, %dma_start3A_214] : memref<10000x128xf32, #tpu.memory_space<hbm>> -> memref<10000x128xf32, #tpu.memory_space<hbm>>
        tpu.enqueue_indirect_dma source(%dma_start3A_215 : memref<10000x128xf32, #tpu.memory_space<hbm>>) target(%arg7 : memref<128x128xf32, #tpu.memory_space<vmem>>) offsets(%dma_start3A_212 : memref<128xi32, #tpu.memory_space<vmem>>) semaphore(%arg13 : memref<!tpu.dma_semaphore, #tpu.memory_space<semaphore_mem>>)
      } else {
      }
      %sub3A_73 = arith.constant 4 : i32
      %sub3A_74 = arith.subi %add3A_55, %sub3A_73 : i32
      %ge3A_75 = arith.constant 0 : i32
      %ge3A_76 = arith.cmpi sge, %sub3A_74, %ge3A_75 : i32
      %sub3A_77 = arith.constant 4 : i32
      %sub3A_78 = arith.subi %add3A_55, %sub3A_77 : i32
      %lt3A_79 = arith.constant 156 : i32
      %lt3A_80 = arith.cmpi slt, %sub3A_78, %lt3A_79 : i32
      %and3A_81 = arith.andi %ge3A_76, %lt3A_80 : i1
      %convert_element_type3A_82 = arith.extui %and3A_81 : i1 to i32
      %cond3A_83 = arith.constant 0 : i32
      %cond3A_84 = arith.cmpi ne, %convert_element_type3A_82, %cond3A_83 : i32
      scf.if %cond3A_84 {
        %sub3A_210 = arith.constant 4 : i32
        %sub3A_211 = arith.subi %add3A_55, %sub3A_210 : i32
        %mul3A_212 = arith.constant 128 : i32
        %mul3A_213 = arith.muli %sub3A_211, %mul3A_212 : i32
        %dma_wait3A_214 = tpu.memref_slice %arg5[%mul3A_213] : memref<20000xi32, #tpu.memory_space<vmem>> -> memref<128xi32, #tpu.memory_space<vmem>>
        %dma_wait3A_215 = arith.constant 0 : i32
        %dma_wait3A_216 = arith.constant 0 : i32
        %dma_wait3A_217 = tpu.memref_slice %arg2[%dma_wait3A_215, %dma_wait3A_216] : memref<10000x128xf32, #tpu.memory_space<hbm>> -> memref<10000x128xf32, #tpu.memory_space<hbm>>
        tpu.wait_indirect_dma semaphore(%arg15 : memref<!tpu.dma_semaphore, #tpu.memory_space<semaphore_mem>>) src(%dma_wait3A_217 : memref<10000x128xf32, #tpu.memory_space<hbm>>) dst(%arg9 : memref<128x128xf32, #tpu.memory_space<vmem>>)
        %sub3A_218 = arith.constant 4 : i32
        %sub3A_219 = arith.subi %add3A_55, %sub3A_218 : i32
        %mul3A_220 = arith.constant 128 : i32
        %mul3A_221 = arith.muli %sub3A_219, %mul3A_220 : i32
        %add3A_222 = arith.addi %mul3A_2, %mul3A_221 : i32
        %dma_start3A_223 = arith.constant 0 : i32
        %dma_start3A_224 = tpu.memref_slice %arg4[%add3A_222, %dma_start3A_223] : memref<640000x128xf32, #tpu.memory_space<hbm>> -> memref<128x128xf32, #tpu.memory_space<hbm>>
        %dma_start3A_225 = arith.constant 0 : i32
        %dma_start3A_226 = tpu.memref_slice %arg4[%add3A_222, %dma_start3A_225] : memref<640000x128xf32, #tpu.memory_space<hbm>> -> memref<128x128xf32, #tpu.memory_space<hbm>>
        tpu.enqueue_dma source(%arg9 : memref<128x128xf32, #tpu.memory_space<vmem>>) target(%dma_start3A_226 : memref<128x128xf32, #tpu.memory_space<hbm>>) target_semaphore(%arg21 : memref<!tpu.dma_semaphore, #tpu.memory_space<semaphore_mem>>)
      } else {
      }
      %add3A_85 = arith.constant 2 : i32
      %add3A_86 = arith.addi %mul3A_28, %add3A_85 : i32
      %sub3A_87 = arith.constant 6 : i32
      %sub3A_88 = arith.subi %add3A_86, %sub3A_87 : i32
      %ge3A_89 = arith.constant 0 : i32
      %ge3A_90 = arith.cmpi sge, %sub3A_88, %ge3A_89 : i32
      %sub3A_91 = arith.constant 6 : i32
      %sub3A_92 = arith.subi %add3A_86, %sub3A_91 : i32
      %lt3A_93 = arith.constant 156 : i32
      %lt3A_94 = arith.cmpi slt, %sub3A_92, %lt3A_93 : i32
      %and3A_95 = arith.andi %ge3A_90, %lt3A_94 : i1
      %convert_element_type3A_96 = arith.extui %and3A_95 : i1 to i32
      %cond3A_97 = arith.constant 0 : i32
      %cond3A_98 = arith.cmpi ne, %convert_element_type3A_96, %cond3A_97 : i32
      scf.if %cond3A_98 {
        %sub3A_210 = arith.constant 6 : i32
        %sub3A_211 = arith.subi %add3A_86, %sub3A_210 : i32
        %mul3A_212 = arith.constant 128 : i32
        %mul3A_213 = arith.muli %sub3A_211, %mul3A_212 : i32
        %add3A_214 = arith.addi %mul3A_2, %mul3A_213 : i32
        %dma_wait3A_215 = arith.constant 0 : i32
        %dma_wait3A_216 = tpu.memref_slice %arg4[%add3A_214, %dma_wait3A_215] : memref<640000x128xf32, #tpu.memory_space<hbm>> -> memref<128x128xf32, #tpu.memory_space<hbm>>
        %dma_wait3A_217 = arith.constant 0 : i32
        %dma_wait3A_218 = tpu.memref_slice %arg4[%add3A_214, %dma_wait3A_217] : memref<640000x128xf32, #tpu.memory_space<hbm>> -> memref<128x128xf32, #tpu.memory_space<hbm>>
        tpu.wait_dma2 semaphore(%arg20 : memref<!tpu.dma_semaphore, #tpu.memory_space<semaphore_mem>>) src(%arg8 : memref<128x128xf32, #tpu.memory_space<vmem>>) dst(%dma_wait3A_218 : memref<128x128xf32, #tpu.memory_space<hbm>>)
      } else {
      }
      %lt3A_99 = arith.constant 156 : i32
      %lt3A_100 = arith.cmpi slt, %add3A_86, %lt3A_99 : i32
      %convert_element_type3A_101 = arith.extui %lt3A_100 : i1 to i32
      %cond3A_102 = arith.constant 0 : i32
      %cond3A_103 = arith.cmpi ne, %convert_element_type3A_101, %cond3A_102 : i32
      scf.if %cond3A_103 {
        %mul3A_210 = arith.constant 128 : i32
        %mul3A_211 = arith.muli %add3A_86, %mul3A_210 : i32
        %dma_start3A_212 = tpu.memref_slice %arg5[%mul3A_211] : memref<20000xi32, #tpu.memory_space<vmem>> -> memref<128xi32, #tpu.memory_space<vmem>>
        %dma_start3A_213 = arith.constant 0 : i32
        %dma_start3A_214 = arith.constant 0 : i32
        %dma_start3A_215 = tpu.memref_slice %arg2[%dma_start3A_213, %dma_start3A_214] : memref<10000x128xf32, #tpu.memory_space<hbm>> -> memref<10000x128xf32, #tpu.memory_space<hbm>>
        tpu.enqueue_indirect_dma source(%dma_start3A_215 : memref<10000x128xf32, #tpu.memory_space<hbm>>) target(%arg8 : memref<128x128xf32, #tpu.memory_space<vmem>>) offsets(%dma_start3A_212 : memref<128xi32, #tpu.memory_space<vmem>>) semaphore(%arg14 : memref<!tpu.dma_semaphore, #tpu.memory_space<semaphore_mem>>)
      } else {
      }
      %sub3A_104 = arith.constant 4 : i32
      %sub3A_105 = arith.subi %add3A_86, %sub3A_104 : i32
      %ge3A_106 = arith.constant 0 : i32
      %ge3A_107 = arith.cmpi sge, %sub3A_105, %ge3A_106 : i32
      %sub3A_108 = arith.constant 4 : i32
      %sub3A_109 = arith.subi %add3A_86, %sub3A_108 : i32
      %lt3A_110 = arith.constant 156 : i32
      %lt3A_111 = arith.cmpi slt, %sub3A_109, %lt3A_110 : i32
      %and3A_112 = arith.andi %ge3A_107, %lt3A_111 : i1
      %convert_element_type3A_113 = arith.extui %and3A_112 : i1 to i32
      %cond3A_114 = arith.constant 0 : i32
      %cond3A_115 = arith.cmpi ne, %convert_element_type3A_113, %cond3A_114 : i32
      scf.if %cond3A_115 {
        %sub3A_210 = arith.constant 4 : i32
        %sub3A_211 = arith.subi %add3A_86, %sub3A_210 : i32
        %mul3A_212 = arith.constant 128 : i32
        %mul3A_213 = arith.muli %sub3A_211, %mul3A_212 : i32
        %dma_wait3A_214 = tpu.memref_slice %arg5[%mul3A_213] : memref<20000xi32, #tpu.memory_space<vmem>> -> memref<128xi32, #tpu.memory_space<vmem>>
        %dma_wait3A_215 = arith.constant 0 : i32
        %dma_wait3A_216 = arith.constant 0 : i32
        %dma_wait3A_217 = tpu.memref_slice %arg2[%dma_wait3A_215, %dma_wait3A_216] : memref<10000x128xf32, #tpu.memory_space<hbm>> -> memref<10000x128xf32, #tpu.memory_space<hbm>>
        tpu.wait_indirect_dma semaphore(%arg16 : memref<!tpu.dma_semaphore, #tpu.memory_space<semaphore_mem>>) src(%dma_wait3A_217 : memref<10000x128xf32, #tpu.memory_space<hbm>>) dst(%arg10 : memref<128x128xf32, #tpu.memory_space<vmem>>)
        %sub3A_218 = arith.constant 4 : i32
        %sub3A_219 = arith.subi %add3A_86, %sub3A_218 : i32
        %mul3A_220 = arith.constant 128 : i32
        %mul3A_221 = arith.muli %sub3A_219, %mul3A_220 : i32
        %add3A_222 = arith.addi %mul3A_2, %mul3A_221 : i32
        %dma_start3A_223 = arith.constant 0 : i32
        %dma_start3A_224 = tpu.memref_slice %arg4[%add3A_222, %dma_start3A_223] : memref<640000x128xf32, #tpu.memory_space<hbm>> -> memref<128x128xf32, #tpu.memory_space<hbm>>
        %dma_start3A_225 = arith.constant 0 : i32
        %dma_start3A_226 = tpu.memref_slice %arg4[%add3A_222, %dma_start3A_225] : memref<640000x128xf32, #tpu.memory_space<hbm>> -> memref<128x128xf32, #tpu.memory_space<hbm>>
        tpu.enqueue_dma source(%arg10 : memref<128x128xf32, #tpu.memory_space<vmem>>) target(%dma_start3A_226 : memref<128x128xf32, #tpu.memory_space<hbm>>) target_semaphore(%arg22 : memref<!tpu.dma_semaphore, #tpu.memory_space<semaphore_mem>>)
      } else {
      }
      %add3A_116 = arith.constant 3 : i32
      %add3A_117 = arith.addi %mul3A_28, %add3A_116 : i32
      %sub3A_118 = arith.constant 6 : i32
      %sub3A_119 = arith.subi %add3A_117, %sub3A_118 : i32
      %ge3A_120 = arith.constant 0 : i32
      %ge3A_121 = arith.cmpi sge, %sub3A_119, %ge3A_120 : i32
      %sub3A_122 = arith.constant 6 : i32
      %sub3A_123 = arith.subi %add3A_117, %sub3A_122 : i32
      %lt3A_124 = arith.constant 156 : i32
      %lt3A_125 = arith.cmpi slt, %sub3A_123, %lt3A_124 : i32
      %and3A_126 = arith.andi %ge3A_121, %lt3A_125 : i1
      %convert_element_type3A_127 = arith.extui %and3A_126 : i1 to i32
      %cond3A_128 = arith.constant 0 : i32
      %cond3A_129 = arith.cmpi ne, %convert_element_type3A_127, %cond3A_128 : i32
      scf.if %cond3A_129 {
        %sub3A_210 = arith.constant 6 : i32
        %sub3A_211 = arith.subi %add3A_117, %sub3A_210 : i32
        %mul3A_212 = arith.constant 128 : i32
        %mul3A_213 = arith.muli %sub3A_211, %mul3A_212 : i32
        %add3A_214 = arith.addi %mul3A_2, %mul3A_213 : i32
        %dma_wait3A_215 = arith.constant 0 : i32
        %dma_wait3A_216 = tpu.memref_slice %arg4[%add3A_214, %dma_wait3A_215] : memref<640000x128xf32, #tpu.memory_space<hbm>> -> memref<128x128xf32, #tpu.memory_space<hbm>>
        %dma_wait3A_217 = arith.constant 0 : i32
        %dma_wait3A_218 = tpu.memref_slice %arg4[%add3A_214, %dma_wait3A_217] : memref<640000x128xf32, #tpu.memory_space<hbm>> -> memref<128x128xf32, #tpu.memory_space<hbm>>
        tpu.wait_dma2 semaphore(%arg21 : memref<!tpu.dma_semaphore, #tpu.memory_space<semaphore_mem>>) src(%arg9 : memref<128x128xf32, #tpu.memory_space<vmem>>) dst(%dma_wait3A_218 : memref<128x128xf32, #tpu.memory_space<hbm>>)
      } else {
      }
      %lt3A_130 = arith.constant 156 : i32
      %lt3A_131 = arith.cmpi slt, %add3A_117, %lt3A_130 : i32
      %convert_element_type3A_132 = arith.extui %lt3A_131 : i1 to i32
      %cond3A_133 = arith.constant 0 : i32
      %cond3A_134 = arith.cmpi ne, %convert_element_type3A_132, %cond3A_133 : i32
      scf.if %cond3A_134 {
        %mul3A_210 = arith.constant 128 : i32
        %mul3A_211 = arith.muli %add3A_117, %mul3A_210 : i32
        %dma_start3A_212 = tpu.memref_slice %arg5[%mul3A_211] : memref<20000xi32, #tpu.memory_space<vmem>> -> memref<128xi32, #tpu.memory_space<vmem>>
        %dma_start3A_213 = arith.constant 0 : i32
        %dma_start3A_214 = arith.constant 0 : i32
        %dma_start3A_215 = tpu.memref_slice %arg2[%dma_start3A_213, %dma_start3A_214] : memref<10000x128xf32, #tpu.memory_space<hbm>> -> memref<10000x128xf32, #tpu.memory_space<hbm>>
        tpu.enqueue_indirect_dma source(%dma_start3A_215 : memref<10000x128xf32, #tpu.memory_space<hbm>>) target(%arg9 : memref<128x128xf32, #tpu.memory_space<vmem>>) offsets(%dma_start3A_212 : memref<128xi32, #tpu.memory_space<vmem>>) semaphore(%arg15 : memref<!tpu.dma_semaphore, #tpu.memory_space<semaphore_mem>>)
      } else {
      }
      %sub3A_135 = arith.constant 4 : i32
      %sub3A_136 = arith.subi %add3A_117, %sub3A_135 : i32
      %ge3A_137 = arith.constant 0 : i32
      %ge3A_138 = arith.cmpi sge, %sub3A_136, %ge3A_137 : i32
      %sub3A_139 = arith.constant 4 : i32
      %sub3A_140 = arith.subi %add3A_117, %sub3A_139 : i32
      %lt3A_141 = arith.constant 156 : i32
      %lt3A_142 = arith.cmpi slt, %sub3A_140, %lt3A_141 : i32
      %and3A_143 = arith.andi %ge3A_138, %lt3A_142 : i1
      %convert_element_type3A_144 = arith.extui %and3A_143 : i1 to i32
      %cond3A_145 = arith.constant 0 : i32
      %cond3A_146 = arith.cmpi ne, %convert_element_type3A_144, %cond3A_145 : i32
      scf.if %cond3A_146 {
        %sub3A_210 = arith.constant 4 : i32
        %sub3A_211 = arith.subi %add3A_117, %sub3A_210 : i32
        %mul3A_212 = arith.constant 128 : i32
        %mul3A_213 = arith.muli %sub3A_211, %mul3A_212 : i32
        %dma_wait3A_214 = tpu.memref_slice %arg5[%mul3A_213] : memref<20000xi32, #tpu.memory_space<vmem>> -> memref<128xi32, #tpu.memory_space<vmem>>
        %dma_wait3A_215 = arith.constant 0 : i32
        %dma_wait3A_216 = arith.constant 0 : i32
        %dma_wait3A_217 = tpu.memref_slice %arg2[%dma_wait3A_215, %dma_wait3A_216] : memref<10000x128xf32, #tpu.memory_space<hbm>> -> memref<10000x128xf32, #tpu.memory_space<hbm>>
        tpu.wait_indirect_dma semaphore(%arg17 : memref<!tpu.dma_semaphore, #tpu.memory_space<semaphore_mem>>) src(%dma_wait3A_217 : memref<10000x128xf32, #tpu.memory_space<hbm>>) dst(%arg11 : memref<128x128xf32, #tpu.memory_space<vmem>>)
        %sub3A_218 = arith.constant 4 : i32
        %sub3A_219 = arith.subi %add3A_117, %sub3A_218 : i32
        %mul3A_220 = arith.constant 128 : i32
        %mul3A_221 = arith.muli %sub3A_219, %mul3A_220 : i32
        %add3A_222 = arith.addi %mul3A_2, %mul3A_221 : i32
        %dma_start3A_223 = arith.constant 0 : i32
        %dma_start3A_224 = tpu.memref_slice %arg4[%add3A_222, %dma_start3A_223] : memref<640000x128xf32, #tpu.memory_space<hbm>> -> memref<128x128xf32, #tpu.memory_space<hbm>>
        %dma_start3A_225 = arith.constant 0 : i32
        %dma_start3A_226 = tpu.memref_slice %arg4[%add3A_222, %dma_start3A_225] : memref<640000x128xf32, #tpu.memory_space<hbm>> -> memref<128x128xf32, #tpu.memory_space<hbm>>
        tpu.enqueue_dma source(%arg11 : memref<128x128xf32, #tpu.memory_space<vmem>>) target(%dma_start3A_226 : memref<128x128xf32, #tpu.memory_space<hbm>>) target_semaphore(%arg23 : memref<!tpu.dma_semaphore, #tpu.memory_space<semaphore_mem>>)
      } else {
      }
      %add3A_147 = arith.constant 4 : i32
      %add3A_148 = arith.addi %mul3A_28, %add3A_147 : i32
      %sub3A_149 = arith.constant 6 : i32
      %sub3A_150 = arith.subi %add3A_148, %sub3A_149 : i32
      %ge3A_151 = arith.constant 0 : i32
      %ge3A_152 = arith.cmpi sge, %sub3A_150, %ge3A_151 : i32
      %sub3A_153 = arith.constant 6 : i32
      %sub3A_154 = arith.subi %add3A_148, %sub3A_153 : i32
      %lt3A_155 = arith.constant 156 : i32
      %lt3A_156 = arith.cmpi slt, %sub3A_154, %lt3A_155 : i32
      %and3A_157 = arith.andi %ge3A_152, %lt3A_156 : i1
      %convert_element_type3A_158 = arith.extui %and3A_157 : i1 to i32
      %cond3A_159 = arith.constant 0 : i32
      %cond3A_160 = arith.cmpi ne, %convert_element_type3A_158, %cond3A_159 : i32
      scf.if %cond3A_160 {
        %sub3A_210 = arith.constant 6 : i32
        %sub3A_211 = arith.subi %add3A_148, %sub3A_210 : i32
        %mul3A_212 = arith.constant 128 : i32
        %mul3A_213 = arith.muli %sub3A_211, %mul3A_212 : i32
        %add3A_214 = arith.addi %mul3A_2, %mul3A_213 : i32
        %dma_wait3A_215 = arith.constant 0 : i32
        %dma_wait3A_216 = tpu.memref_slice %arg4[%add3A_214, %dma_wait3A_215] : memref<640000x128xf32, #tpu.memory_space<hbm>> -> memref<128x128xf32, #tpu.memory_space<hbm>>
        %dma_wait3A_217 = arith.constant 0 : i32
        %dma_wait3A_218 = tpu.memref_slice %arg4[%add3A_214, %dma_wait3A_217] : memref<640000x128xf32, #tpu.memory_space<hbm>> -> memref<128x128xf32, #tpu.memory_space<hbm>>
        tpu.wait_dma2 semaphore(%arg22 : memref<!tpu.dma_semaphore, #tpu.memory_space<semaphore_mem>>) src(%arg10 : memref<128x128xf32, #tpu.memory_space<vmem>>) dst(%dma_wait3A_218 : memref<128x128xf32, #tpu.memory_space<hbm>>)
      } else {
      }
      %lt3A_161 = arith.constant 156 : i32
      %lt3A_162 = arith.cmpi slt, %add3A_148, %lt3A_161 : i32
      %convert_element_type3A_163 = arith.extui %lt3A_162 : i1 to i32
      %cond3A_164 = arith.constant 0 : i32
      %cond3A_165 = arith.cmpi ne, %convert_element_type3A_163, %cond3A_164 : i32
      scf.if %cond3A_165 {
        %mul3A_210 = arith.constant 128 : i32
        %mul3A_211 = arith.muli %add3A_148, %mul3A_210 : i32
        %dma_start3A_212 = tpu.memref_slice %arg5[%mul3A_211] : memref<20000xi32, #tpu.memory_space<vmem>> -> memref<128xi32, #tpu.memory_space<vmem>>
        %dma_start3A_213 = arith.constant 0 : i32
        %dma_start3A_214 = arith.constant 0 : i32
        %dma_start3A_215 = tpu.memref_slice %arg2[%dma_start3A_213, %dma_start3A_214] : memref<10000x128xf32, #tpu.memory_space<hbm>> -> memref<10000x128xf32, #tpu.memory_space<hbm>>
        tpu.enqueue_indirect_dma source(%dma_start3A_215 : memref<10000x128xf32, #tpu.memory_space<hbm>>) target(%arg10 : memref<128x128xf32, #tpu.memory_space<vmem>>) offsets(%dma_start3A_212 : memref<128xi32, #tpu.memory_space<vmem>>) semaphore(%arg16 : memref<!tpu.dma_semaphore, #tpu.memory_space<semaphore_mem>>)
      } else {
      }
      %sub3A_166 = arith.constant 4 : i32
      %sub3A_167 = arith.subi %add3A_148, %sub3A_166 : i32
      %ge3A_168 = arith.constant 0 : i32
      %ge3A_169 = arith.cmpi sge, %sub3A_167, %ge3A_168 : i32
      %sub3A_170 = arith.constant 4 : i32
      %sub3A_171 = arith.subi %add3A_148, %sub3A_170 : i32
      %lt3A_172 = arith.constant 156 : i32
      %lt3A_173 = arith.cmpi slt, %sub3A_171, %lt3A_172 : i32
      %and3A_174 = arith.andi %ge3A_169, %lt3A_173 : i1
      %convert_element_type3A_175 = arith.extui %and3A_174 : i1 to i32
      %cond3A_176 = arith.constant 0 : i32
      %cond3A_177 = arith.cmpi ne, %convert_element_type3A_175, %cond3A_176 : i32
      scf.if %cond3A_177 {
        %sub3A_210 = arith.constant 4 : i32
        %sub3A_211 = arith.subi %add3A_148, %sub3A_210 : i32
        %mul3A_212 = arith.constant 128 : i32
        %mul3A_213 = arith.muli %sub3A_211, %mul3A_212 : i32
        %dma_wait3A_214 = tpu.memref_slice %arg5[%mul3A_213] : memref<20000xi32, #tpu.memory_space<vmem>> -> memref<128xi32, #tpu.memory_space<vmem>>
        %dma_wait3A_215 = arith.constant 0 : i32
        %dma_wait3A_216 = arith.constant 0 : i32
        %dma_wait3A_217 = tpu.memref_slice %arg2[%dma_wait3A_215, %dma_wait3A_216] : memref<10000x128xf32, #tpu.memory_space<hbm>> -> memref<10000x128xf32, #tpu.memory_space<hbm>>
        tpu.wait_indirect_dma semaphore(%arg12 : memref<!tpu.dma_semaphore, #tpu.memory_space<semaphore_mem>>) src(%dma_wait3A_217 : memref<10000x128xf32, #tpu.memory_space<hbm>>) dst(%arg6 : memref<128x128xf32, #tpu.memory_space<vmem>>)
        %sub3A_218 = arith.constant 4 : i32
        %sub3A_219 = arith.subi %add3A_148, %sub3A_218 : i32
        %mul3A_220 = arith.constant 128 : i32
        %mul3A_221 = arith.muli %sub3A_219, %mul3A_220 : i32
        %add3A_222 = arith.addi %mul3A_2, %mul3A_221 : i32
        %dma_start3A_223 = arith.constant 0 : i32
        %dma_start3A_224 = tpu.memref_slice %arg4[%add3A_222, %dma_start3A_223] : memref<640000x128xf32, #tpu.memory_space<hbm>> -> memref<128x128xf32, #tpu.memory_space<hbm>>
        %dma_start3A_225 = arith.constant 0 : i32
        %dma_start3A_226 = tpu.memref_slice %arg4[%add3A_222, %dma_start3A_225] : memref<640000x128xf32, #tpu.memory_space<hbm>> -> memref<128x128xf32, #tpu.memory_space<hbm>>
        tpu.enqueue_dma source(%arg6 : memref<128x128xf32, #tpu.memory_space<vmem>>) target(%dma_start3A_226 : memref<128x128xf32, #tpu.memory_space<hbm>>) target_semaphore(%arg18 : memref<!tpu.dma_semaphore, #tpu.memory_space<semaphore_mem>>)
      } else {
      }
      %add3A_178 = arith.constant 5 : i32
      %add3A_179 = arith.addi %mul3A_28, %add3A_178 : i32
      %sub3A_180 = arith.constant 6 : i32
      %sub3A_181 = arith.subi %add3A_179, %sub3A_180 : i32
      %ge3A_182 = arith.constant 0 : i32
      %ge3A_183 = arith.cmpi sge, %sub3A_181, %ge3A_182 : i32
      %sub3A_184 = arith.constant 6 : i32
      %sub3A_185 = arith.subi %add3A_179, %sub3A_184 : i32
      %lt3A_186 = arith.constant 156 : i32
      %lt3A_187 = arith.cmpi slt, %sub3A_185, %lt3A_186 : i32
      %and3A_188 = arith.andi %ge3A_183, %lt3A_187 : i1
      %convert_element_type3A_189 = arith.extui %and3A_188 : i1 to i32
      %cond3A_190 = arith.constant 0 : i32
      %cond3A_191 = arith.cmpi ne, %convert_element_type3A_189, %cond3A_190 : i32
      scf.if %cond3A_191 {
        %sub3A_210 = arith.constant 6 : i32
        %sub3A_211 = arith.subi %add3A_179, %sub3A_210 : i32
        %mul3A_212 = arith.constant 128 : i32
        %mul3A_213 = arith.muli %sub3A_211, %mul3A_212 : i32
        %add3A_214 = arith.addi %mul3A_2, %mul3A_213 : i32
        %dma_wait3A_215 = arith.constant 0 : i32
        %dma_wait3A_216 = tpu.memref_slice %arg4[%add3A_214, %dma_wait3A_215] : memref<640000x128xf32, #tpu.memory_space<hbm>> -> memref<128x128xf32, #tpu.memory_space<hbm>>
        %dma_wait3A_217 = arith.constant 0 : i32
        %dma_wait3A_218 = tpu.memref_slice %arg4[%add3A_214, %dma_wait3A_217] : memref<640000x128xf32, #tpu.memory_space<hbm>> -> memref<128x128xf32, #tpu.memory_space<hbm>>
        tpu.wait_dma2 semaphore(%arg23 : memref<!tpu.dma_semaphore, #tpu.memory_space<semaphore_mem>>) src(%arg11 : memref<128x128xf32, #tpu.memory_space<vmem>>) dst(%dma_wait3A_218 : memref<128x128xf32, #tpu.memory_space<hbm>>)
      } else {
      }
      %lt3A_192 = arith.constant 156 : i32
      %lt3A_193 = arith.cmpi slt, %add3A_179, %lt3A_192 : i32
      %convert_element_type3A_194 = arith.extui %lt3A_193 : i1 to i32
      %cond3A_195 = arith.constant 0 : i32
      %cond3A_196 = arith.cmpi ne, %convert_element_type3A_194, %cond3A_195 : i32
      scf.if %cond3A_196 {
        %mul3A_210 = arith.constant 128 : i32
        %mul3A_211 = arith.muli %add3A_179, %mul3A_210 : i32
        %dma_start3A_212 = tpu.memref_slice %arg5[%mul3A_211] : memref<20000xi32, #tpu.memory_space<vmem>> -> memref<128xi32, #tpu.memory_space<vmem>>
        %dma_start3A_213 = arith.constant 0 : i32
        %dma_start3A_214 = arith.constant 0 : i32
        %dma_start3A_215 = tpu.memref_slice %arg2[%dma_start3A_213, %dma_start3A_214] : memref<10000x128xf32, #tpu.memory_space<hbm>> -> memref<10000x128xf32, #tpu.memory_space<hbm>>
        tpu.enqueue_indirect_dma source(%dma_start3A_215 : memref<10000x128xf32, #tpu.memory_space<hbm>>) target(%arg11 : memref<128x128xf32, #tpu.memory_space<vmem>>) offsets(%dma_start3A_212 : memref<128xi32, #tpu.memory_space<vmem>>) semaphore(%arg17 : memref<!tpu.dma_semaphore, #tpu.memory_space<semaphore_mem>>)
      } else {
      }
      %sub3A_197 = arith.constant 4 : i32
      %sub3A_198 = arith.subi %add3A_179, %sub3A_197 : i32
      %ge3A_199 = arith.constant 0 : i32
      %ge3A_200 = arith.cmpi sge, %sub3A_198, %ge3A_199 : i32
      %sub3A_201 = arith.constant 4 : i32
      %sub3A_202 = arith.subi %add3A_179, %sub3A_201 : i32
      %lt3A_203 = arith.constant 156 : i32
      %lt3A_204 = arith.cmpi slt, %sub3A_202, %lt3A_203 : i32
      %and3A_205 = arith.andi %ge3A_200, %lt3A_204 : i1
      %convert_element_type3A_206 = arith.extui %and3A_205 : i1 to i32
      %cond3A_207 = arith.constant 0 : i32
      %cond3A_208 = arith.cmpi ne, %convert_element_type3A_206, %cond3A_207 : i32
      scf.if %cond3A_208 {
        %sub3A_210 = arith.constant 4 : i32
        %sub3A_211 = arith.subi %add3A_179, %sub3A_210 : i32
        %mul3A_212 = arith.constant 128 : i32
        %mul3A_213 = arith.muli %sub3A_211, %mul3A_212 : i32
        %dma_wait3A_214 = tpu.memref_slice %arg5[%mul3A_213] : memref<20000xi32, #tpu.memory_space<vmem>> -> memref<128xi32, #tpu.memory_space<vmem>>
        %dma_wait3A_215 = arith.constant 0 : i32
        %dma_wait3A_216 = arith.constant 0 : i32
        %dma_wait3A_217 = tpu.memref_slice %arg2[%dma_wait3A_215, %dma_wait3A_216] : memref<10000x128xf32, #tpu.memory_space<hbm>> -> memref<10000x128xf32, #tpu.memory_space<hbm>>
        tpu.wait_indirect_dma semaphore(%arg13 : memref<!tpu.dma_semaphore, #tpu.memory_space<semaphore_mem>>) src(%dma_wait3A_217 : memref<10000x128xf32, #tpu.memory_space<hbm>>) dst(%arg7 : memref<128x128xf32, #tpu.memory_space<vmem>>)
        %sub3A_218 = arith.constant 4 : i32
        %sub3A_219 = arith.subi %add3A_179, %sub3A_218 : i32
        %mul3A_220 = arith.constant 128 : i32
        %mul3A_221 = arith.muli %sub3A_219, %mul3A_220 : i32
        %add3A_222 = arith.addi %mul3A_2, %mul3A_221 : i32
        %dma_start3A_223 = arith.constant 0 : i32
        %dma_start3A_224 = tpu.memref_slice %arg4[%add3A_222, %dma_start3A_223] : memref<640000x128xf32, #tpu.memory_space<hbm>> -> memref<128x128xf32, #tpu.memory_space<hbm>>
        %dma_start3A_225 = arith.constant 0 : i32
        %dma_start3A_226 = tpu.memref_slice %arg4[%add3A_222, %dma_start3A_225] : memref<640000x128xf32, #tpu.memory_space<hbm>> -> memref<128x128xf32, #tpu.memory_space<hbm>>
        tpu.enqueue_dma source(%arg7 : memref<128x128xf32, #tpu.memory_space<vmem>>) target(%dma_start3A_226 : memref<128x128xf32, #tpu.memory_space<hbm>>) target_semaphore(%arg19 : memref<!tpu.dma_semaphore, #tpu.memory_space<semaphore_mem>>)
      } else {
      }
      %scan3A_209 = arith.constant 0 : i32
      scf.yield %scan3A_209 : i32
    }
    %scan3A_8 = arith.constant 28 : i32
    %dma_start3A = arith.constant 0 : i32
    %dma_start3A_9 = arith.constant 0 : i32
    %dma_start3A_10 = tpu.memref_slice %arg6[%dma_start3A, %dma_start3A_9] : memref<128x128xf32, #tpu.memory_space<vmem>> -> memref<32x128xf32, #tpu.memory_space<vmem>>
    %dma_start3A_11 = arith.constant 19968 : i32
    %dma_start3A_12 = tpu.memref_slice %arg5[%dma_start3A_11] : memref<20000xi32, #tpu.memory_space<vmem>> -> memref<32xi32, #tpu.memory_space<vmem>>
    %dma_start3A_13 = arith.constant 0 : i32
    %dma_start3A_14 = arith.constant 0 : i32
    %dma_start3A_15 = tpu.memref_slice %arg2[%dma_start3A_13, %dma_start3A_14] : memref<10000x128xf32, #tpu.memory_space<hbm>> -> memref<10000x128xf32, #tpu.memory_space<hbm>>
    tpu.enqueue_indirect_dma source(%dma_start3A_15 : memref<10000x128xf32, #tpu.memory_space<hbm>>) target(%dma_start3A_10 : memref<32x128xf32, #tpu.memory_space<vmem>>) offsets(%dma_start3A_12 : memref<32xi32, #tpu.memory_space<vmem>>) semaphore(%arg12 : memref<!tpu.dma_semaphore, #tpu.memory_space<semaphore_mem>>)
    %dma_wait3A = arith.constant 0 : i32
    %dma_wait3A_16 = arith.constant 0 : i32
    %dma_wait3A_17 = tpu.memref_slice %arg6[%dma_wait3A, %dma_wait3A_16] : memref<128x128xf32, #tpu.memory_space<vmem>> -> memref<32x128xf32, #tpu.memory_space<vmem>>
    %dma_wait3A_18 = arith.constant 19968 : i32
    %dma_wait3A_19 = tpu.memref_slice %arg5[%dma_wait3A_18] : memref<20000xi32, #tpu.memory_space<vmem>> -> memref<32xi32, #tpu.memory_space<vmem>>
    %dma_wait3A_20 = arith.constant 0 : i32
    %dma_wait3A_21 = arith.constant 0 : i32
    %dma_wait3A_22 = tpu.memref_slice %arg2[%dma_wait3A_20, %dma_wait3A_21] : memref<10000x128xf32, #tpu.memory_space<hbm>> -> memref<10000x128xf32, #tpu.memory_space<hbm>>
    tpu.wait_indirect_dma semaphore(%arg12 : memref<!tpu.dma_semaphore, #tpu.memory_space<semaphore_mem>>) src(%dma_wait3A_22 : memref<10000x128xf32, #tpu.memory_space<hbm>>) dst(%dma_wait3A_17 : memref<32x128xf32, #tpu.memory_space<vmem>>)
    %add3A_23 = arith.constant 19968 : i32
    %add3A_24 = arith.addi %mul3A_2, %add3A_23 : i32
    "tpu.region"() ({
      %run_scoped3A = tpu.sem_alloc : memref<!tpu.dma_semaphore, #tpu.memory_space<semaphore_mem>>
      %dma_start3A_25 = arith.constant 0 : i32
      %dma_start3A_26 = arith.constant 0 : i32
      %dma_start3A_27 = tpu.memref_slice %arg6[%dma_start3A_25, %dma_start3A_26] : memref<128x128xf32, #tpu.memory_space<vmem>> -> memref<32x128xf32, #tpu.memory_space<vmem>>
      %dma_start3A_28 = arith.constant 0 : i32
      %dma_start3A_29 = tpu.memref_slice %arg4[%add3A_24, %dma_start3A_28] : memref<640000x128xf32, #tpu.memory_space<hbm>> -> memref<32x128xf32, #tpu.memory_space<hbm>>
      %dma_start3A_30 = arith.constant 0 : i32
      %dma_start3A_31 = tpu.memref_slice %arg4[%add3A_24, %dma_start3A_30] : memref<640000x128xf32, #tpu.memory_space<hbm>> -> memref<32x128xf32, #tpu.memory_space<hbm>>
      %dma_start3A_32 = arith.constant 0 : i32
      %dma_start3A_33 = arith.constant 0 : i32
      %dma_start3A_34 = tpu.memref_slice %arg6[%dma_start3A_32, %dma_start3A_33] : memref<128x128xf32, #tpu.memory_space<vmem>> -> memref<32x128xf32, #tpu.memory_space<vmem>>
      tpu.enqueue_dma source(%dma_start3A_34 : memref<32x128xf32, #tpu.memory_space<vmem>>) target(%dma_start3A_31 : memref<32x128xf32, #tpu.memory_space<hbm>>) target_semaphore(%run_scoped3A : memref<!tpu.dma_semaphore, #tpu.memory_space<semaphore_mem>>)
      %dma_wait3A_35 = arith.constant 0 : i32
      %dma_wait3A_36 = arith.constant 0 : i32
      %dma_wait3A_37 = tpu.memref_slice %arg6[%dma_wait3A_35, %dma_wait3A_36] : memref<128x128xf32, #tpu.memory_space<vmem>> -> memref<32x128xf32, #tpu.memory_space<vmem>>
      %dma_wait3A_38 = arith.constant 0 : i32
      %dma_wait3A_39 = tpu.memref_slice %arg4[%add3A_24, %dma_wait3A_38] : memref<640000x128xf32, #tpu.memory_space<hbm>> -> memref<32x128xf32, #tpu.memory_space<hbm>>
      %dma_wait3A_40 = arith.constant 0 : i32
      %dma_wait3A_41 = tpu.memref_slice %arg4[%add3A_24, %dma_wait3A_40] : memref<640000x128xf32, #tpu.memory_space<hbm>> -> memref<32x128xf32, #tpu.memory_space<hbm>>
      %dma_wait3A_42 = arith.constant 0 : i32
      %dma_wait3A_43 = arith.constant 0 : i32
      %dma_wait3A_44 = tpu.memref_slice %arg6[%dma_wait3A_42, %dma_wait3A_43] : memref<128x128xf32, #tpu.memory_space<vmem>> -> memref<32x128xf32, #tpu.memory_space<vmem>>
      tpu.wait_dma2 semaphore(%run_scoped3A : memref<!tpu.dma_semaphore, #tpu.memory_space<semaphore_mem>>) src(%dma_wait3A_44 : memref<32x128xf32, #tpu.memory_space<vmem>>) dst(%dma_wait3A_41 : memref<32x128xf32, #tpu.memory_space<hbm>>)
      tpu.yield
    }) : () -> ()
    return
  }
}

module attributes {stable_mosaic.version = 14 : i64} {
  func.func @_a_body(%arg0: i32, %arg1: memref<1000x128xf32, #tpu.memory_space<vmem>>, %arg2: memref<1000x8xf32, #tpu.memory_space<vmem>>, %arg3: memref<128x128xf32, #tpu.memory_space<vmem>>, %arg4: memref<8x128xf32, #tpu.memory_space<vmem>>, %arg5: memref<1x128xf32, #tpu.memory_space<vmem>>, %arg6: memref<1000x128xf32, #tpu.memory_space<vmem>>, %arg7: memref<1000x128xf32, #tpu.memory_space<vmem>>) attributes {dimension_semantics = [#tpu.dimension_semantics<arbitrary>], iteration_bounds = array<i64: 10>, scalar_prefetch = 0 : i64, scratch_operands = 0 : i64, tpu.core_type = #tpu.core_type<tc>, window_params = [{transform_indices = @transform_0, window_bounds = array<i64: 1000, 128>}, {transform_indices = @transform_1, window_bounds = array<i64: 1000, 8>}, {pipeline_mode = #tpu.pipeline_mode<synchronous>, transform_indices = @transform_2, window_bounds = array<i64: 128, 128>}, {pipeline_mode = #tpu.pipeline_mode<synchronous>, transform_indices = @transform_3, window_bounds = array<i64: 8, 128>}, {pipeline_mode = #tpu.pipeline_mode<synchronous>, transform_indices = @transform_4, window_bounds = array<i64: 1, 128>}, {transform_indices = @transform_5, window_bounds = array<i64: 1000, 128>}, {transform_indices = @transform_6, window_bounds = array<i64: 1000, 128>}]} {
    %get3A = arith.constant 0 : index
    %get3A_0 = arith.constant 0 : index
    %get3A_1 = vector.load %arg2[%get3A, %get3A_0] : memref<1000x8xf32, #tpu.memory_space<vmem>>, vector<1000x8xf32>
    %get3A_2 = arith.constant 0 : index
    %get3A_3 = arith.constant 0 : index
    %get3A_4 = vector.load %arg4[%get3A_2, %get3A_3] : memref<8x128xf32, #tpu.memory_space<vmem>>, vector<8x128xf32>
    %dot_general3A = arith.constant dense<0.000000e+00> : vector<1000x128xf32>
    %dot_general3A_5 = tpu.matmul %get3A_1, %get3A_4, %dot_general3A {dimension_numbers = #tpu.dot_dimension_numbers<[1], [0], [0], [1], [0, 0, 1, 1], [], []>, transpose_lhs_hint = false} : vector<1000x8xf32>, vector<8x128xf32>, vector<1000x128xf32> -> vector<1000x128xf32>
    %get3A_6 = arith.constant 0 : index
    %get3A_7 = arith.constant 0 : index
    %get3A_8 = vector.load %arg1[%get3A_6, %get3A_7] : memref<1000x128xf32, #tpu.memory_space<vmem>>, vector<1000x128xf32>
    %get3A_9 = arith.constant 0 : index
    %get3A_10 = arith.constant 0 : index
    %get3A_11 = vector.load %arg3[%get3A_9, %get3A_10] : memref<128x128xf32, #tpu.memory_space<vmem>>, vector<128x128xf32>
    %dot_general3A_12 = arith.constant dense<0.000000e+00> : vector<1000x128xf32>
    %dot_general3A_13 = tpu.matmul %get3A_8, %get3A_11, %dot_general3A_12 {dimension_numbers = #tpu.dot_dimension_numbers<[1], [0], [0], [1], [0, 0, 1, 1], [], []>, transpose_lhs_hint = false} : vector<1000x128xf32>, vector<128x128xf32>, vector<1000x128xf32> -> vector<1000x128xf32>
    %add3A = arith.addf %dot_general3A_13, %dot_general3A_5 : vector<1000x128xf32>
    %get3A_14 = arith.constant 0 : index
    %get3A_15 = arith.constant 0 : index
    %get3A_16 = vector.load %arg5[%get3A_14, %get3A_15] : memref<1x128xf32, #tpu.memory_space<vmem>>, vector<1x128xf32>
    %add3A_17 = vector.broadcast %get3A_16 : vector<1x128xf32> to vector<1000x128xf32>
    %add3A_18 = arith.addf %add3A, %add3A_17 : vector<1000x128xf32>
    %swap3A = arith.constant 0 : index
    %swap3A_19 = arith.constant 0 : index
    %swap3A_20 = vector.load %arg6[%swap3A, %swap3A_19] : memref<1000x128xf32, #tpu.memory_space<vmem>>, vector<1000x128xf32>
    tpu.vector_store %arg6[%swap3A, %swap3A_19], %add3A_18 {strides = array<i32>} : memref<1000x128xf32, #tpu.memory_space<vmem>>, vector<1000x128xf32>,
    %swap3A_21 = arith.constant 0 : index
    %swap3A_22 = arith.constant 0 : index
    %swap3A_23 = vector.load %arg7[%swap3A_21, %swap3A_22] : memref<1000x128xf32, #tpu.memory_space<vmem>>, vector<1000x128xf32>
    tpu.vector_store %arg7[%swap3A_21, %swap3A_22], %dot_general3A_5 {strides = array<i32>} : memref<1000x128xf32, #tpu.memory_space<vmem>>, vector<1000x128xf32>,
    return
  }
  func.func @transform_0(%arg0: i32) -> (i32, i32) {
    %c0_i32 = arith.constant 0 : i32
    %c0_i32_0 = arith.constant 0 : i32
    return %arg0, %c0_i32 : i32, i32
  }
  func.func @transform_1(%arg0: i32) -> (i32, i32) {
    %c0_i32 = arith.constant 0 : i32
    %c0_i32_0 = arith.constant 0 : i32
    return %arg0, %c0_i32 : i32, i32
  }
  func.func @transform_2(%arg0: i32) -> (i32, i32) {
    %c0_i32 = arith.constant 0 : i32
    %c0_i32_0 = arith.constant 0 : i32
    %c0_i32_1 = arith.constant 0 : i32
    return %c0_i32, %c0_i32_0 : i32, i32
  }
  func.func @transform_3(%arg0: i32) -> (i32, i32) {
    %c0_i32 = arith.constant 0 : i32
    %c0_i32_0 = arith.constant 0 : i32
    %c0_i32_1 = arith.constant 0 : i32
    return %c0_i32, %c0_i32_0 : i32, i32
  }
  func.func @transform_4(%arg0: i32) -> (i32, i32) {
    %c0_i32 = arith.constant 0 : i32
    %c0_i32_0 = arith.constant 0 : i32
    %c0_i32_1 = arith.constant 0 : i32
    return %c0_i32, %c0_i32_0 : i32, i32
  }
  func.func @transform_5(%arg0: i32) -> (i32, i32) {
    %c0_i32 = arith.constant 0 : i32
    %c0_i32_0 = arith.constant 0 : i32
    return %arg0, %c0_i32 : i32, i32
  }
  func.func @transform_6(%arg0: i32) -> (i32, i32) {
    %c0_i32 = arith.constant 0 : i32
    %c0_i32_0 = arith.constant 0 : i32
    return %arg0, %c0_i32 : i32, i32
  }
}

module attributes {stable_mosaic.version = 14 : i64} {
  func.func @_c_body(%arg0: i32, %arg1: memref<200x64x128xf32, #tpu.memory_space<vmem>>, %arg2: memref<200x128xf32, #tpu.memory_space<vmem>>, %arg3: memref<128x128xf32, #tpu.memory_space<vmem>>, %arg4: memref<1x128xf32, #tpu.memory_space<vmem>>, %arg5: memref<200x128xf32, #tpu.memory_space<vmem>>) attributes {dimension_semantics = [#tpu.dimension_semantics<arbitrary>], iteration_bounds = array<i64: 50>, scalar_prefetch = 0 : i64, scratch_operands = 0 : i64, tpu.core_type = #tpu.core_type<tc>, window_params = [{transform_indices = @transform_0, window_bounds = array<i64: 200, 64, 128>}, {transform_indices = @transform_1, window_bounds = array<i64: 200, 128>}, {pipeline_mode = #tpu.pipeline_mode<synchronous>, transform_indices = @transform_2, window_bounds = array<i64: 128, 128>}, {pipeline_mode = #tpu.pipeline_mode<synchronous>, transform_indices = @transform_3, window_bounds = array<i64: 1, 128>}, {transform_indices = @transform_4, window_bounds = array<i64: 200, 128>}]} {
    %get3A = arith.constant 0 : index
    %get3A_0 = arith.constant 0 : index
    %get3A_1 = arith.constant 0 : index
    %get3A_2 = vector.load %arg1[%get3A, %get3A_0, %get3A_1] : memref<200x64x128xf32, #tpu.memory_space<vmem>>, vector<200x64x128xf32>
    %get3A_3 = arith.constant 0 : index
    %get3A_4 = arith.constant 0 : index
    %get3A_5 = vector.load %arg2[%get3A_3, %get3A_4] : memref<200x128xf32, #tpu.memory_space<vmem>>, vector<200x128xf32>
    %broadcast_in_dim3A = vector.shape_cast %get3A_5 : vector<200x128xf32> to vector<200x1x128xf32>
    %sub3A = vector.broadcast %broadcast_in_dim3A : vector<200x1x128xf32> to vector<200x64x128xf32>
    %sub3A_6 = arith.subf %get3A_2, %sub3A : vector<200x64x128xf32>
    %max3A = arith.constant 0.000000e+00 : f32
    %max3A_7 = vector.broadcast %max3A : f32 to vector<200x64x128xf32>
    %max3A_8 = arith.maximumf %sub3A_6, %max3A_7 : vector<200x64x128xf32>
    %reshape3A = vector.shape_cast %max3A_8 : vector<200x64x128xf32> to vector<12800x128xf32>
    %get3A_9 = arith.constant 0 : index
    %get3A_10 = arith.constant 0 : index
    %get3A_11 = vector.load %arg3[%get3A_9, %get3A_10] : memref<128x128xf32, #tpu.memory_space<vmem>>, vector<128x128xf32>
    %dot_general3A = arith.constant dense<0.000000e+00> : vector<12800x128xf32>
    %dot_general3A_12 = tpu.matmul %reshape3A, %get3A_11, %dot_general3A {dimension_numbers = #tpu.dot_dimension_numbers<[1], [0], [0], [1], [0, 0, 1, 1], [], []>, transpose_lhs_hint = false} : vector<12800x128xf32>, vector<128x128xf32>, vector<12800x128xf32> -> vector<12800x128xf32>
    %get3A_13 = arith.constant 0 : index
    %get3A_14 = arith.constant 0 : index
    %get3A_15 = vector.load %arg4[%get3A_13, %get3A_14] : memref<1x128xf32, #tpu.memory_space<vmem>>, vector<1x128xf32>
    %add3A = vector.broadcast %get3A_15 : vector<1x128xf32> to vector<12800x128xf32>
    %add3A_16 = arith.addf %dot_general3A_12, %add3A : vector<12800x128xf32>
    %max3A_17 = arith.constant 0.000000e+00 : f32
    %max3A_18 = vector.broadcast %max3A_17 : f32 to vector<12800x128xf32>
    %max3A_19 = arith.maximumf %add3A_16, %max3A_18 : vector<12800x128xf32>
    %reshape3A_20 = vector.shape_cast %max3A_19 : vector<12800x128xf32> to vector<200x64x128xf32>
    %reduce_max3A = arith.constant dense<0xFF800000> : vector<200x128xf32>
    %reduce_max3A_21 = vector.multi_reduction <maximumf>, %reshape3A_20, %reduce_max3A [1] : vector<200x64x128xf32> to vector<200x128xf32>
    %swap3A = arith.constant 0 : index
    %swap3A_22 = arith.constant 0 : index
    %swap3A_23 = vector.load %arg5[%swap3A, %swap3A_22] : memref<200x128xf32, #tpu.memory_space<vmem>>, vector<200x128xf32>
    tpu.vector_store %arg5[%swap3A, %swap3A_22], %reduce_max3A_21 {strides = array<i32>} : memref<200x128xf32, #tpu.memory_space<vmem>>, vector<200x128xf32>,
    return
  }
  func.func @transform_0(%arg0: i32) -> (i32, i32, i32) {
    %c0_i32 = arith.constant 0 : i32
    %c0_i32_0 = arith.constant 0 : i32
    %c0_i32_1 = arith.constant 0 : i32
    return %arg0, %c0_i32, %c0_i32_0 : i32, i32, i32
  }
  func.func @transform_1(%arg0: i32) -> (i32, i32) {
    %c0_i32 = arith.constant 0 : i32
    %c0_i32_0 = arith.constant 0 : i32
    return %arg0, %c0_i32 : i32, i32
  }
  func.func @transform_2(%arg0: i32) -> (i32, i32) {
    %c0_i32 = arith.constant 0 : i32
    %c0_i32_0 = arith.constant 0 : i32
    %c0_i32_1 = arith.constant 0 : i32
    return %c0_i32, %c0_i32_0 : i32, i32
  }
  func.func @transform_3(%arg0: i32) -> (i32, i32) {
    %c0_i32 = arith.constant 0 : i32
    %c0_i32_0 = arith.constant 0 : i32
    %c0_i32_1 = arith.constant 0 : i32
    return %c0_i32, %c0_i32_0 : i32, i32
  }
  func.func @transform_4(%arg0: i32) -> (i32, i32) {
    %c0_i32 = arith.constant 0 : i32
    %c0_i32_0 = arith.constant 0 : i32
    return %arg0, %c0_i32 : i32, i32
  }
}

</mosaic_0001>

<sc_bundles>
// kernel: kernel.6.cloned.1.call-start
scs
__scs_entry_jumppad:
0x0: {  	(pc) =	sbr.rel $0x88, $3  }
0x1: {  	(tag) =	ssettag $0x0;
	lr =	simm.s32 $0x1  }
0x2: {  	[smem:$0x3F9A] =	sst lr;
	_ =	strace $0xD0000000  }
0x3: {  	_ = 	snop  }
0x4: {  	_ = 	snop  }
0x5: {  	_ = 	snop  }
0x6: {  	_ = 	snop  }
0x7: {  	_ = 	snop  }
__scs_overlays_trampoline_lowered:
0x8: {  	[smem:$0x3FA9] =	sst s0  }
0x9: {  	[smem:$0x3FAA] =	sst s1  }
0xa: {  	[smem:$0x3FAB] =	sst s2  }
0xb: {  	[smem:$0x3FAC] =	sst s3  }
0xc: {  	[smem:$0x3FAD] =	sst s4  }
0xd: {  	[smem:$0x3FAE] =	sst s5  }
0xe: {  	[smem:$0x3FAF] =	sst s6  }
0xf: {  	[smem:$0x3FB0] =	sst s7  }
0x10: {  	[smem:$0x3FB1] =	sst s8  }
0x11: {  	[smem:$0x3FB2] =	sst s9;
	s0 =	simm.s32 @!p0 $0x0  }
0x12: {  	s1 =	sld [smem:$0x3F98];
	s0 =	simm.s32 @p0 $0x1  }
0x13: {  	[smem:$0x3FB3] =	sst s0;
	s0 =	simm.s32 @!p1 $0x0  }
0x14: {  	s2 =	sld [smem:$0x3F97];
	s0 =	simm.s32 @p1 $0x1  }
0x15: {  	[smem:$0x3FB4] =	sst s0;
	s0 =	simm.s32 @!p2 $0x0  }
0x16: {  	s3 =	sld [smem:$0x3FDB];
	s0 =	simm.s32 @p2 $0x1  }
0x17: {  	s4 =	simm.s32 $0x1BF5;
	[smem:$0x3FB6] =	sst s0  }
0x18: {  	s0 =	sld [smem:$0x3F99];
	_ =	swait.ge [sflag:s4], $0x0  }
0x19: {  	s7 =	sld [smem:$0x3F9A]  }
0x1a: {  	s8 =	sadd.s32 $0xFFFFE003, lr  }
0x1b: {  	s9 =	sadd.s32 $0xFFFFFEF7, lr;
	s5 =	simm.s32 $0xFFFFFFFF;
	p2 =	slt.u32 s8, $0xFFFFF086  }
0x1c: {  	p1 =	slt.u32 s9, $0xF7A;
	s5 =	simm.s32 @!p2 $0x0  }
0x1d: {  	s5 =	simm.s32 @p1 $0x1;
	p0 =	seq.s32 s7, s2  }
0x1e: {  	s7 =	smul.u32 @!p0 $0xF7A, s2;
	p2 =	seq.s32 @!p0 s5, $0x0  }
0x1f: {  	s9 =	smul.u32 $0xF7A, s1;
	s8 =	simm.s32 @!p0 $0x1BF5;
	p2 =	por !p2, p0  }
0x20: {  	[sflag:s8] =	ssyncset.s32 @!p0 $0xFFFFF086;
	s6 =	sadd.s32 @!p0 s3, s7;
	s7 =	simm.s32 @!p0 $0x108  }
0x21: {  	s3 =	sadd.s32 s3, s9;
	s6 =	sadd.s32 @!p0 $0x88, s6;
	s7 =	simm.s32 @p2 $0x1082  }
0x22: {  	[simem:s7], [sflag:s8] =	dma.local @!p0 [hbm:s6], $0xF7A  }
0x23: {  	s9 =	sor.u32 $0xD0000000, s2;
	s6 =	simm.s32 $0x108;
	_ =	swait.ge @!p0 [sflag:s8], $0x0  }
0x24: {  	s3 =	sadd.s32 $0x88, s3;
	s6 =	simm.s32 @!p1 $0x1082;
	[sflag:s4] =	ssyncset.s32 $0xFFFFF086  }
0x25: {  	[simem:s6], [sflag:s4] =	dma.local [hbm:s3], $0xF7A  }
0x26: {  	[smem:$0x3F9A] =	sst s1;
	(tag) =	ssettag s2;
	_ =	strace s9  }
0x27: {  	s1 =	sld [smem:$0x3FAA]  }
0x28: {  	s2 =	sld [smem:$0x3FAB]  }
0x29: {  	s4 =	sld [smem:$0x3FAD]  }
0x2a: {  	p0 =	seq.s32 s5, $0x0;
	s5 =	sld [smem:$0x3FAE]  }
0x2b: {  	s6 =	sld [smem:$0x3FAF]  }
0x2c: {  	s7 =	sld [smem:$0x3FB0]  }
0x2d: {  	s3 =	simm.s32 $0x108;
	s8 =	sld [smem:$0x3FB1]  }
0x2e: {  	s3 =	simm.s32 @!p0 $0x1082;
	s9 =	sld [smem:$0x3FB2]  }
0x2f: {  	lr =	sadd.s32 s0, s3;
	s0 =	sld [smem:$0x3FA9]  }
0x30: {  	s3 =	sld [smem:$0x3FAC]  }
0x31: {  	[smem:$0x3FB5] =	sst s10  }
0x32: {  	s10 =	sld [smem:$0x3FB3];
	_ =	sdelay $0x3  }
0x33: {  	p0 =	seq.s32 s10, $0x1;
	s10 =	sld [smem:$0x3FB5];
	_ =	sdelay $0x3  }
0x34: {  	[smem:$0x3FB5] =	sst s10  }
0x35: {  	s10 =	sld [smem:$0x3FB4];
	_ =	sdelay $0x3  }
0x36: {  	p1 =	seq.s32 s10, $0x1;
	s10 =	sld [smem:$0x3FB5];
	_ =	sdelay $0x3  }
0x37: {  	[smem:$0x3FB5] =	sst s10  }
0x38: {  	s10 =	sld [smem:$0x3FB6]  }
0x39: {  	_ = 	snop;
	(pc) =	sbr.ind lr, $3  }
0x3a: {  	_ = 	snop  }
0x3b: {  	_ = 	snop  }
0x3c: {  	p2 =	seq.s32 s10, $0x1;
	s10 =	sld [smem:$0x3FB5]  }
0x3d: {  	_ =	shalt  }
0x3e: {  	_ =	shalt  }
0x3f: {  	_ =	shalt  }
0x40: {  	_ =	shalt  }
0x41: {  	_ =	shalt  }
0x42: {  	_ =	shalt  }
0x43: {  	_ =	shalt  }
0x44: {  	_ =	shalt  }
0x45: {  	_ =	shalt  }
0x46: {  	_ =	shalt  }
0x47: {  	_ =	shalt  }
0x48: {  	_ =	shalt  }
0x49: {  	_ =	shalt  }
0x4a: {  	_ =	shalt  }
0x4b: {  	_ =	shalt  }
0x4c: {  	_ =	shalt  }
0x4d: {  	_ =	shalt  }
0x4e: {  	_ =	shalt  }
0x4f: {  	_ =	shalt  }
0x50: {  	_ =	shalt  }
0x51: {  	_ =	shalt  }
0x52: {  	_ =	shalt  }
0x53: {  	_ =	shalt  }
0x54: {  	_ =	shalt  }
0x55: {  	_ =	shalt  }
0x56: {  	_ =	shalt  }
0x57: {  	_ =	shalt  }
0x58: {  	_ =	shalt  }
0x59: {  	_ =	shalt  }
0x5a: {  	_ =	shalt  }
0x5b: {  	_ =	shalt  }
0x5c: {  	_ =	shalt  }
0x5d: {  	_ =	shalt  }
0x5e: {  	_ =	shalt  }
0x5f: {  	_ =	shalt  }
0x60: {  	_ =	shalt  }
0x61: {  	_ =	shalt  }
0x62: {  	_ =	shalt  }
0x63: {  	_ =	shalt  }
0x64: {  	_ =	shalt  }
0x65: {  	_ =	shalt  }
0x66: {  	_ =	shalt  }
0x67: {  	_ =	shalt  }
0x68: {  	_ =	shalt  }
0x69: {  	_ =	shalt  }
0x6a: {  	_ =	shalt  }
0x6b: {  	_ =	shalt  }
0x6c: {  	_ =	shalt  }
0x6d: {  	_ =	shalt  }
0x6e: {  	_ =	shalt  }
0x6f: {  	_ =	shalt  }
0x70: {  	_ =	shalt  }
0x71: {  	_ =	shalt  }
0x72: {  	_ =	shalt  }
0x73: {  	_ =	shalt  }
0x74: {  	_ =	shalt  }
0x75: {  	_ =	shalt  }
0x76: {  	_ =	shalt  }
0x77: {  	_ =	shalt  }
0x78: {  	_ =	shalt  }
0x79: {  	_ =	shalt  }
0x7a: {  	_ =	shalt  }
0x7b: {  	_ =	shalt  }
0x7c: {  	_ =	shalt  }
0x7d: {  	_ =	shalt  }
0x7e: {  	_ =	shalt  }
0x7f: {  	_ =	shalt  }
0x80: {  	_ =	shalt  }
0x81: {  	_ =	shalt  }
0x82: {  	_ =	shalt  }
0x83: {  	_ =	shalt  }
0x84: {  	_ =	shalt  }
0x85: {  	_ =	shalt  }
0x86: {  	_ =	shalt  }
0x87: {  	_ =	shalt  }
.Lfunc_end0:
.L_simem_size_0:
called_computation_lowered:
.L_overlay_start_0:
0x88: {  	s2 =	sld [smem:$0x3FD9]  }
0x89: {  	s3 =	sld [smem:$0x3FFE];
	_ =	sdelay $0x1  }
0x8a: {  	s1 =	srdreg.scid  }
0x8b: {  	s0 =	sand.u32 $0x1, s1  }
0x8c: {  	s14 =	sshll.u32 s0, $0xA;
	s2 =	sadd.s32 s3, s2  }
0x8d: {  	s2 =	sadd.s32 s2, s14  }
0x8e: {  	[smem:$0x3FC1] =	sst s2  }
0x8f: {  	_ = 	snop  }
0x90: {  	s2 =	sld [smem:$0x3FD0];
	_ =	sdelay $0x2  }
0x91: {  	s4 =	simm.s32 $0xA;
	s5 =	simm.s32 $0x10;
	s15 =	sld [smem:$0x3FC7]  }
0x92: {  	[smem:s5], [sflag:s4] =	dma.local [hbm:s2], $0x1  }
0x93: {  	_ =	swait.eq [sflag:s4], $0x1  }
0x94: {  	[sflag:s4] =	ssyncset.done $0x0  }
0x95: {  	s16 =	sld [smem:$0x11];
	[sflag:s4] =	ssyncadd.s32 $0xFFFFFFFF  }
0x96: {  	s17 =	sld [smem:$0x12];
	(tm) =	ssettm $0x1  }
0x97: {  	s18 =	sld [smem:$0x3FFB];
	_ =	sdelay $0x3  }
0x98: {  	_ =	strace s18  }
0x99: {  	s5 =	sld [smem:$0x3FFC];
	_ =	sdelay $0x3  }
0x9a: {  	_ =	strace s5  }
0x9b: {  	s5 =	sld [smem:$0x3FFD];
	_ =	sdelay $0x3  }
0x9c: {  	_ =	strace s5  }
0x9d: {  	_ =	strace $0x8FFFFFFF  }
0x9e: {  	s19 =	sld [smem:$0x3FDB];
	_ =	sdelay $0x1  }
0x9f: {  	s6 =	simm.s32 $_scs_section_size  }
0xa0: {  	s7 =	simm.s32 $_size__tile_overlayer_lowered;
	s8 =	simm.s32 $_tile_overlayer_lowered  }
0xa1: {  	s22 =	simm.s32 $0x1BFF;
	s21 =	sshll.u32 s8, $0x1;
	s5 =	sadd.s32 s6, s19  }
0xa2: {  	s9 =	simm.s32 $0x0;
	s20 =	sshll.u32 s7, $0x1;
	s7 =	sadd.s32 s21, s5  }
0xa3: {  	[timem:s9], [sflag:s22] =	dma.local [hbm:s7], s20  }
0xa4: {  	_ =	swait.ge [sflag:s22], s20  }
0xa5: {  	s6 =	ssub.s32 $0x0, s20;
	[sflag:s22] =	ssyncset.done $0x0  }
0xa6: {  	[sflag:s22] =	ssyncadd.s32 s6;
	_ =	sdelay $0x1  }
0xa7: {  	s23 =	simm.s32 $0x1B8B  }
0xa8: {  	_ =	swait.ge [sflag:s23], $0x1  }
0xa9: {  	[sflag:s23] =	ssyncset.done $0x0  }
0xaa: {  	s25 =	simm.s32 $0x1B8E;
	s24 =	sld [smem:$0x3FFE];
	[sflag:s23] =	ssyncadd.s32 $0xFFFFFFFF  }
0xab: {  	s26 =	simm.s32 $execute0_lowered;
	[smem:$0x3FD2] =	sst s25  }
0xac: {  	s7 =	sshll.u32 s26, $0x1;
	_ =	strace $0x80000046;
	[dreg:$0x1] =	wrdreg $0xFFFFFFFF  }
0xad: {  	s28 =	simm.s32 $_size_execute0_lowered;
	s5 =	sadd.s32 s5, s7;
	[dreg:$0x0] =	wrdreg $0x0  }
0xae: {  	s7 =	sshll.u32 s28, $0x1;
	[dreg:$0x2] =	wrdreg s5  }
0xaf: {  	[dreg:$0x3] =	wrdreg s7  }
0xb0: {  	[dreg:$0x4] =	wrdreg $0xC0  }
0xb1: {  	_ =	task [dreg:s9], $0x5FFFF  }
0xb2: {  	[dreg:$0x1] =	wrdreg $0xFFFFFFFF  }
0xb3: {  	[dreg:$0x0] =	wrdreg $0x60  }
0xb4: {  	[dreg:$0x2] =	wrdreg s24  }
0xb5: {  	[dreg:$0x3] =	wrdreg s16  }
0xb6: {  	[dreg:$0x4] =	wrdreg s17  }
0xb7: {  	[dreg:$0x5] =	wrdreg s15  }
0xb8: {  	[dreg:$0x6] =	wrdreg $0x9  }
0xb9: {  	_ =	task.clear_ibuf [dreg:s9], $0x7FFFF;
	_ =	strace $0x90000046  }
0xba: {  	s29 =	simm.s32 $0x9;
	_ =	strace $0x80000048  }
0xbb: {  	_ =	swait.ge [sflag:s29], $0x1  }
0xbc: {  	[sflag:s29] =	ssyncadd.s32 $0xFFFFFFFF  }
0xbd: {  	_ =	strace $0x90000048  }
0xbe: {  	_ =	sfence  }
0xbf: {  	s30 =	sld [smem:$0x0];
	_ =	sdelay $0x2  }
0xc0: {  	s31 =	sshll.u32 s1, $0xD;
	s1 =	sshrl.u32 s1, $0x2  }
0xc1: {  	s3 =	sand.u32 $0x4000, s31;
	s1 =	sadd.s32 s1, s30  }
0xc2: {  	s0 =	sor.u32 s3, s0;
	s1 =	sshll.u32 s1, $0x11  }
0xc3: {  	s0 =	sor.u32 s1, s0  }
0xc4: {  	s0 =	sadd.s32 $0x8F2B, s0  }
0xc5: {  	[sflag:s0] =	ssyncadd.remote.s32 $0x1  }
0xc6: {  	_ =	sfence.sel $0xFFFF  }
0xc7: {  	[dreg:$0x0] =	wrdreg $0xFFFFFFFF;
	(pc) =	sbr.abs _section_cstart, $3  }
0xc8: {  	[dreg:$0x1] =	wrdreg $0xFFFFFFFF  }
0xc9: {  	_ =	task.clear_ibuf [dreg:s9], $0x2FFFF;
	_ =	strace $0x9FFFFFFF  }
0xca: {  	(tm) =	ssettm $0x7FFFFFFF  }
0xcb: {  	_ =	shalt  }
tec
execute0_lowered:
.L_overlay_start_1:
0x0: {  	(tag) =	ssettag $0x1  }
0x1: {  	s0 =	rddreg [dreg:$0x0];
	s1 =	srdreg.scid;
	s16 =	simm.s32 $0x0  }
0x2: {  	s4 =	stileid.u32;
	s10 =	simm.s32 $0x1;
	s1 =	sand.u32 $0x1, s1  }
.Ltmp0:
0x3: {  	[smem:$0x7FF] =	sst s16;
	s2 =	ssub.s32 $0x2, s1;
	(pc) =	sbr.rel .LBB2_1-.Ltmp0, $4  }
0x4: {  	s4 =	sshll.u32 s4, $0x1;
	s5 =	sadd.s32 $0x1C00, s0;
	s3 =	sshrl.u32 s2, $0x1  }
0x5: {  	s7 =	sadd.s32 $0x2200, s0;
	_ =	strace $0x80000047;
	s2 =	ssub.s32 s2, s3  }
0x6: {  	[dreg:$0x5] =	wrdreg s5;
	s1 =	sor.u32 s1, s4;
	s31 =	smax.u32 s2, $0x1  }
0x7: {  	v0 =	vlaneseq.u32;
	v1 =	vimm.s32 $0x0;
	s8 =	smul.u32 $0x140, s1;
	s1 =	simm.s32 $0x0;
	[dreg:$0x6] =	wrdreg s31  }
.LBB2_27:
0x8: {  	s1 =	rddreg [dreg:$0x7]  }
0x9: {  	s0 =	rddreg [dreg:$0x6];
	s1 =	sadd.s32 $0x1, s1  }
0xa: {  	p0 =	sne.s32 s1, s0  }
.Ltmp1:
0xb: {  	_ = 	snop;
	(pc) =	sbr.rel @!p0 .LBB2_28-.Ltmp1, $1  }
0xc: {  	_ =	sdelay $0x3  }
.LBB2_1:
0xd: {  	[dreg:$0x7] =	wrdreg s1  }
0xe: {  	s0 =	rddreg [dreg:$0x5]  }
0xf: {  	[tilespmem:s16], [sflag:$0x1] =	stream.linear.gather [hbm4b:s0+s16], $0x2710, $0x38;
	[tilespmem:$0xF180] =	vst v63  }
0x10: {  	_ =	swait.ge [sflag:s10], $0x2710  }
0x11: {  	[sflag:s10] =	ssyncset.done $0x0  }
0x12: {  	[sflag:s10] =	ssyncadd.s32 $0xFFFFD8F0  }
0x13: {  	s31 =	simm.s32 $0x2780;
	s30 =	rddreg [dreg:$0x1]  }
0x14: {  	[tilespmem:s31], [sflag:$0x1] =	stream.linear.gather [hbm4b:s30+s16], $0x2710, $0x38;
	[tilespmem:$0xF180] =	vst v63  }
0x15: {  	_ =	swait.ge [sflag:s10], $0x2710  }
0x16: {  	[sflag:s10] =	ssyncset.done $0x0  }
0x17: {  	[sflag:s10] =	ssyncadd.s32 $0xFFFFD8F0  }
0x18: {  	s2 =	simm.s32 $0x4F00;
	s1 =	rddreg [dreg:$0x2]  }
0x19: {  	[tilespmem:s2], [sflag:$0x1] =	stream.linear.gather [hbm4b:s1+s16], $0x2710, $0x38;
	[tilespmem:$0xF180] =	vst v63  }
0x1a: {  	_ =	swait.ge [sflag:s10], $0x2710  }
0x1b: {  	[sflag:s10] =	ssyncset.done $0x0  }
0x1c: {  	[sflag:s10] =	ssyncadd.s32 $0xFFFFD8F0  }
0x1d: {  	s4 =	simm.s32 $0x7680;
	s3 =	rddreg [dreg:$0x3]  }
0x1e: {  	[tilespmem:s4], [sflag:$0x1] =	stream.linear.gather [hbm4b:s3+s16], $0x2710, $0x38;
	[tilespmem:$0xF180] =	vst v63  }
0x1f: {  	_ =	swait.ge [sflag:s10], $0x2710  }
0x20: {  	[sflag:s10] =	ssyncset.done $0x0  }
0x21: {  	[sflag:s10] =	ssyncadd.s32 $0xFFFFD8F0  }
0x22: {  	v2 =	vld [tilespmem:$0x8A08];
	_ =	sdelay $0x4  }
0x23: {  	(v2sf) =	vpush v2, $0x0;
	_ =	sdelay $0xe  }
0x24: {  	s16 =	spop (v2sf)  }
0x25: {  	s1 =	simm.s32 $0x9C4;
	p0 =	sgt.s32 s16, $0xFFFFFFFF  }
0x26: {  	s1 =	simm.s32 @!p0 $0x1D4C  }
0x27: {  	v2 =	vld [tilespmem:s1+$0x7680];
	_ =	sdelay $0x4  }
0x28: {  	(v2sf) =	vpush v2, $0x0;
	_ =	sdelay $0xd  }
0x29: {  	s0 =	simm.s32 $0x1388  }
0x2a: {  	s2 =	simm.s32 $0x0;
	s0 =	simm.s32 @!p0 $0x2710;
	s3 =	spop (v2sf)  }
0x2b: {  	s2 =	simm.s32 @!p0 $0x1389;
	p0 =	sgt.s32 s3, $0xFFFFFFFF;
	s3 =	sor.u32 $0x1, s1  }
0x2c: {  	s0 =	smov.u32 @p0 s1;
	s3 =	smov.u32 @p0 s2  }
0x2d: {  	s1 =	sadd.s32 s3, s0  }
0x2e: {  	s1 =	sshrl.u32 s1, $0x1  }
0x2f: {  	v2 =	vld [tilespmem:s1+$0x7680];
	_ =	sdelay $0x4  }
0x30: {  	(v2sf) =	vpush v2, $0x0;
	_ =	sdelay $0xe  }
0x31: {  	s5 =	spop (v2sf)  }
0x32: {  	s2 =	sor.u32 $0x1, s1;
	p0 =	sgt.s32 s5, $0xFFFFFFFF  }
0x33: {  	s0 =	smov.u32 @p0 s1;
	s2 =	smov.u32 @p0 s3  }
0x34: {  	s1 =	sadd.s32 s0, s2  }
0x35: {  	s1 =	sshrl.u32 s1, $0x1  }
0x36: {  	v2 =	vld [tilespmem:s1+$0x7680];
	_ =	sdelay $0x4  }
0x37: {  	(v2sf) =	vpush v2, $0x0;
	_ =	sdelay $0xe  }
0x38: {  	s6 =	spop (v2sf)  }
0x39: {  	s3 =	sadd.s32 $0x1, s1;
	p0 =	sgt.s32 s6, $0xFFFFFFFF  }
0x3a: {  	s0 =	smov.u32 @p0 s1;
	s3 =	smov.u32 @p0 s2  }
0x3b: {  	s1 =	sxor.u32 s0, s3  }
0x3c: {  	s2 =	sand.u32 s0, s3;
	s1 =	sshrl.u32 s1, $0x1  }
0x3d: {  	s1 =	sadd.s32 s1, s2  }
0x3e: {  	v2 =	vld [tilespmem:s1+$0x7680];
	_ =	sdelay $0x4  }
0x3f: {  	(v2sf) =	vpush v2, $0x0;
	_ =	sdelay $0xe  }
0x40: {  	s9 =	spop (v2sf)  }
0x41: {  	s2 =	sadd.s32 $0x1, s1;
	p0 =	sgt.s32 s9, $0xFFFFFFFF  }
0x42: {  	s0 =	smov.u32 @p0 s1;
	s2 =	smov.u32 @p0 s3  }
0x43: {  	s1 =	sadd.s32 s0, s2  }
0x44: {  	s1 =	sshrl.u32 s1, $0x1  }
0x45: {  	v2 =	vld [tilespmem:s1+$0x7680];
	_ =	sdelay $0x4  }
0x46: {  	(v2sf) =	vpush v2, $0x0;
	_ =	sdelay $0xe  }
0x47: {  	s11 =	spop (v2sf)  }
0x48: {  	s3 =	sadd.s32 $0x1, s1;
	p0 =	sgt.s32 s11, $0xFFFFFFFF  }
0x49: {  	s0 =	smov.u32 @p0 s1;
	s3 =	smov.u32 @p0 s2  }
0x4a: {  	s1 =	sadd.s32 s0, s3  }
0x4b: {  	s1 =	sshrl.u32 s1, $0x1  }
0x4c: {  	v2 =	vld [tilespmem:s1+$0x7680];
	_ =	sdelay $0x4  }
0x4d: {  	(v2sf) =	vpush v2, $0x0;
	_ =	sdelay $0xe  }
0x4e: {  	s12 =	spop (v2sf)  }
0x4f: {  	s2 =	sadd.s32 $0x1, s1;
	p0 =	sgt.s32 s12, $0xFFFFFFFF  }
0x50: {  	s0 =	smov.u32 @p0 s1;
	s2 =	smov.u32 @p0 s3  }
0x51: {  	s1 =	sadd.s32 s0, s2  }
0x52: {  	s1 =	sshrl.u32 s1, $0x1  }
0x53: {  	v2 =	vld [tilespmem:s1+$0x7680];
	_ =	sdelay $0x4  }
0x54: {  	(v2sf) =	vpush v2, $0x0;
	_ =	sdelay $0xe  }
0x55: {  	s13 =	spop (v2sf)  }
0x56: {  	s3 =	sadd.s32 $0x1, s1;
	p0 =	sgt.s32 s13, $0xFFFFFFFF  }
0x57: {  	s0 =	smov.u32 @p0 s1;
	s3 =	smov.u32 @p0 s2  }
0x58: {  	s1 =	sadd.s32 s0, s3  }
0x59: {  	s1 =	sshrl.u32 s1, $0x1  }
0x5a: {  	v2 =	vld [tilespmem:s1+$0x7680];
	_ =	sdelay $0x4  }
0x5b: {  	(v2sf) =	vpush v2, $0x0;
	_ =	sdelay $0xe  }
0x5c: {  	s14 =	spop (v2sf)  }
0x5d: {  	s2 =	sadd.s32 $0x1, s1;
	p0 =	sgt.s32 s14, $0xFFFFFFFF  }
0x5e: {  	s0 =	smov.u32 @p0 s1;
	s2 =	smov.u32 @p0 s3  }
0x5f: {  	s1 =	sadd.s32 s0, s2  }
0x60: {  	s1 =	sshrl.u32 s1, $0x1  }
0x61: {  	v2 =	vld [tilespmem:s1+$0x7680];
	_ =	sdelay $0x4  }
0x62: {  	(v2sf) =	vpush v2, $0x0;
	_ =	sdelay $0xe  }
0x63: {  	s15 =	spop (v2sf)  }
0x64: {  	s3 =	sadd.s32 $0x1, s1;
	p0 =	sgt.s32 s15, $0xFFFFFFFF  }
0x65: {  	s0 =	smov.u32 @p0 s1;
	s3 =	smov.u32 @p0 s2  }
0x66: {  	s1 =	sadd.s32 s0, s3  }
0x67: {  	s1 =	sshrl.u32 s1, $0x1  }
0x68: {  	v2 =	vld [tilespmem:s1+$0x7680];
	_ =	sdelay $0x4  }
0x69: {  	(v2sf) =	vpush v2, $0x0;
	_ =	sdelay $0xe  }
0x6a: {  	s17 =	spop (v2sf)  }
0x6b: {  	s2 =	sadd.s32 $0x1, s1;
	p0 =	sgt.s32 s17, $0xFFFFFFFF  }
0x6c: {  	s0 =	smov.u32 @p0 s1;
	s2 =	smov.u32 @p0 s3  }
0x6d: {  	s1 =	sadd.s32 s0, s2  }
0x6e: {  	s1 =	sshrl.u32 s1, $0x1  }
0x6f: {  	v2 =	vld [tilespmem:s1+$0x7680];
	_ =	sdelay $0x4  }
0x70: {  	(v2sf) =	vpush v2, $0x0;
	_ =	sdelay $0xe  }
0x71: {  	s18 =	spop (v2sf)  }
0x72: {  	s3 =	sadd.s32 $0x1, s1;
	p0 =	sgt.s32 s18, $0xFFFFFFFF  }
0x73: {  	s0 =	smov.u32 @p0 s1;
	s3 =	smov.u32 @p0 s2  }
0x74: {  	s1 =	sadd.s32 s0, s3  }
0x75: {  	s1 =	sshrl.u32 s1, $0x1  }
0x76: {  	v2 =	vld [tilespmem:s1+$0x7680];
	_ =	sdelay $0x4  }
0x77: {  	(v2sf) =	vpush v2, $0x0;
	_ =	sdelay $0xe  }
0x78: {  	s19 =	spop (v2sf)  }
0x79: {  	s2 =	sadd.s32 $0x1, s1;
	p0 =	sgt.s32 s19, $0xFFFFFFFF  }
0x7a: {  	s0 =	smov.u32 @p0 s1;
	s2 =	smov.u32 @p0 s3  }
0x7b: {  	s1 =	sadd.s32 s0, s2  }
0x7c: {  	p0 =	sgt.s32 s16, $0x0;
	s2 =	sshrl.u32 s1, $0x1;
	s1 =	simm.s32 $0x9C4  }
0x7d: {  	v2 =	vld [tilespmem:s2+$0x7680];
	s1 =	simm.s32 @!p0 $0x1D4C  }
0x7e: {  	v3 =	vld [tilespmem:s1+$0x7680];
	_ =	sdelay $0x3  }
0x7f: {  	(v2sf) =	vpush v2, $0x0  }
0x80: {  	(v2sf) =	vpush v3, $0x0;
	_ =	sdelay $0xd  }
0x81: {  	s3 =	simm.s32 $0x1388;
	s4 =	spop (v2sf)  }
0x82: {  	s6 =	simm.s32 $0x0;
	s3 =	simm.s32 @!p0 $0x2710;
	s9 =	spop (v2sf)  }
0x83: {  	s6 =	simm.s32 @!p0 $0x1389;
	p0 =	sgt.s32 s9, $0x0;
	s9 =	sor.u32 $0x1, s1  }
0x84: {  	s3 =	smov.u32 @p0 s1;
	s9 =	smov.u32 @p0 s6  }
0x85: {  	s1 =	sadd.s32 s9, s3  }
0x86: {  	s1 =	sshrl.u32 s1, $0x1  }
0x87: {  	v2 =	vld [tilespmem:s1+$0x7680];
	_ =	sdelay $0x4  }
0x88: {  	(v2sf) =	vpush v2, $0x0;
	_ =	sdelay $0xe  }
0x89: {  	s20 =	spop (v2sf)  }
0x8a: {  	s6 =	sor.u32 $0x1, s1;
	p0 =	sgt.s32 s20, $0x0  }
0x8b: {  	s3 =	smov.u32 @p0 s1;
	s6 =	smov.u32 @p0 s9  }
0x8c: {  	s1 =	sadd.s32 s3, s6  }
0x8d: {  	s1 =	sshrl.u32 s1, $0x1  }
0x8e: {  	v2 =	vld [tilespmem:s1+$0x7680];
	_ =	sdelay $0x4  }
0x8f: {  	(v2sf) =	vpush v2, $0x0;
	_ =	sdelay $0xe  }
0x90: {  	s21 =	spop (v2sf)  }
0x91: {  	s9 =	sadd.s32 $0x1, s1;
	p0 =	sgt.s32 s21, $0x0  }
0x92: {  	s3 =	smov.u32 @p0 s1;
	s9 =	smov.u32 @p0 s6  }
0x93: {  	s1 =	sxor.u32 s3, s9  }
0x94: {  	s6 =	sand.u32 s3, s9;
	s1 =	sshrl.u32 s1, $0x1  }
0x95: {  	s1 =	sadd.s32 s1, s6  }
0x96: {  	v2 =	vld [tilespmem:s1+$0x7680];
	_ =	sdelay $0x4  }
0x97: {  	(v2sf) =	vpush v2, $0x0;
	_ =	sdelay $0xe  }
0x98: {  	s22 =	spop (v2sf)  }
0x99: {  	s6 =	sadd.s32 $0x1, s1;
	p0 =	sgt.s32 s22, $0x0  }
0x9a: {  	s3 =	smov.u32 @p0 s1;
	s6 =	smov.u32 @p0 s9  }
0x9b: {  	s1 =	sadd.s32 s3, s6  }
0x9c: {  	s1 =	sshrl.u32 s1, $0x1  }
0x9d: {  	v2 =	vld [tilespmem:s1+$0x7680];
	_ =	sdelay $0x4  }
0x9e: {  	(v2sf) =	vpush v2, $0x0;
	_ =	sdelay $0xe  }
0x9f: {  	s23 =	spop (v2sf)  }
0xa0: {  	s9 =	sadd.s32 $0x1, s1;
	p0 =	sgt.s32 s23, $0x0  }
0xa1: {  	s3 =	smov.u32 @p0 s1;
	s9 =	smov.u32 @p0 s6  }
0xa2: {  	s1 =	sadd.s32 s3, s9  }
0xa3: {  	s1 =	sshrl.u32 s1, $0x1  }
0xa4: {  	v2 =	vld [tilespmem:s1+$0x7680];
	_ =	sdelay $0x4  }
0xa5: {  	(v2sf) =	vpush v2, $0x0;
	_ =	sdelay $0xe  }
0xa6: {  	s24 =	spop (v2sf)  }
0xa7: {  	s6 =	sadd.s32 $0x1, s1;
	p0 =	sgt.s32 s24, $0x0  }
0xa8: {  	s3 =	smov.u32 @p0 s1;
	s6 =	smov.u32 @p0 s9  }
0xa9: {  	s1 =	sadd.s32 s3, s6  }
0xaa: {  	s1 =	sshrl.u32 s1, $0x1  }
0xab: {  	v2 =	vld [tilespmem:s1+$0x7680];
	_ =	sdelay $0x4  }
0xac: {  	(v2sf) =	vpush v2, $0x0;
	_ =	sdelay $0xe  }
0xad: {  	s25 =	spop (v2sf)  }
0xae: {  	s9 =	sadd.s32 $0x1, s1;
	p0 =	sgt.s32 s25, $0x0  }
0xaf: {  	s3 =	smov.u32 @p0 s1;
	s9 =	smov.u32 @p0 s6  }
0xb0: {  	s1 =	sadd.s32 s3, s9  }
0xb1: {  	s1 =	sshrl.u32 s1, $0x1  }
0xb2: {  	v2 =	vld [tilespmem:s1+$0x7680];
	_ =	sdelay $0x4  }
0xb3: {  	(v2sf) =	vpush v2, $0x0;
	_ =	sdelay $0xe  }
0xb4: {  	s26 =	spop (v2sf)  }
0xb5: {  	s6 =	sadd.s32 $0x1, s1;
	p0 =	sgt.s32 s26, $0x0  }
0xb6: {  	s3 =	smov.u32 @p0 s1;
	s6 =	smov.u32 @p0 s9  }
0xb7: {  	s1 =	sadd.s32 s3, s6  }
0xb8: {  	s1 =	sshrl.u32 s1, $0x1  }
0xb9: {  	v2 =	vld [tilespmem:s1+$0x7680];
	_ =	sdelay $0x4  }
0xba: {  	(v2sf) =	vpush v2, $0x0;
	_ =	sdelay $0xe  }
0xbb: {  	s28 =	spop (v2sf)  }
0xbc: {  	s9 =	sadd.s32 $0x1, s1;
	p0 =	sgt.s32 s28, $0x0  }
0xbd: {  	s3 =	smov.u32 @p0 s1;
	s9 =	smov.u32 @p0 s6  }
0xbe: {  	s1 =	sadd.s32 s3, s9  }
0xbf: {  	s1 =	sshrl.u32 s1, $0x1  }
0xc0: {  	v2 =	vld [tilespmem:s1+$0x7680];
	_ =	sdelay $0x4  }
0xc1: {  	(v2sf) =	vpush v2, $0x0;
	_ =	sdelay $0xe  }
0xc2: {  	s29 =	spop (v2sf)  }
0xc3: {  	s6 =	sadd.s32 $0x1, s1;
	p0 =	sgt.s32 s29, $0x0  }
0xc4: {  	s3 =	smov.u32 @p0 s1;
	s6 =	smov.u32 @p0 s9  }
0xc5: {  	s1 =	sadd.s32 s3, s6  }
0xc6: {  	s1 =	sshrl.u32 s1, $0x1  }
0xc7: {  	v2 =	vld [tilespmem:s1+$0x7680];
	_ =	sdelay $0x4  }
0xc8: {  	(v2sf) =	vpush v2, $0x0;
	_ =	sdelay $0xe  }
0xc9: {  	s30 =	spop (v2sf)  }
0xca: {  	s9 =	sadd.s32 $0x1, s1;
	p0 =	sgt.s32 s30, $0x0  }
0xcb: {  	s3 =	smov.u32 @p0 s1;
	s9 =	smov.u32 @p0 s6  }
0xcc: {  	s1 =	sadd.s32 s3, s9  }
0xcd: {  	s1 =	sshrl.u32 s1, $0x1  }
0xce: {  	v2 =	vld [tilespmem:s1+$0x7680];
	_ =	sdelay $0x4  }
0xcf: {  	(v2sf) =	vpush v2, $0x0;
	_ =	sdelay $0xe  }
0xd0: {  	s31 =	spop (v2sf)  }
0xd1: {  	s6 =	sadd.s32 $0x1, s1;
	p0 =	sgt.s32 s31, $0x0  }
0xd2: {  	s3 =	smov.u32 @p0 s1;
	s6 =	smov.u32 @p0 s9  }
0xd3: {  	s1 =	sadd.s32 s3, s6  }
0xd4: {  	s11 =	simm.s32 $0x9C4;
	p0 =	sgt.s32 s16, $0x1;
	s6 =	sshrl.u32 s1, $0x1  }
0xd5: {  	s11 =	simm.s32 @!p0 $0x1D4C;
	v2 =	vld [tilespmem:s6+$0x7680]  }
0xd6: {  	v3 =	vld [tilespmem:s11+$0x7680];
	_ =	sdelay $0x3  }
0xd7: {  	(v2sf) =	vpush v2, $0x0  }
0xd8: {  	(v2sf) =	vpush v3, $0x0;
	_ =	sdelay $0xd  }
0xd9: {  	s12 =	simm.s32 $0x0;
	s9 =	spop (v2sf)  }
0xda: {  	s12 =	simm.s32 @!p0 $0x1389;
	s1 =	simm.s32 $0x1388;
	s13 =	spop (v2sf)  }
0xdb: {  	s1 =	simm.s32 @!p0 $0x2710;
	p0 =	sgt.s32 s13, $0x1;
	s13 =	sor.u32 $0x1, s11  }
0xdc: {  	s1 =	smov.u32 @p0 s11;
	s13 =	smov.u32 @p0 s12  }
0xdd: {  	s11 =	sadd.s32 s13, s1  }
0xde: {  	s11 =	sshrl.u32 s11, $0x1  }
0xdf: {  	v2 =	vld [tilespmem:s11+$0x7680];
	_ =	sdelay $0x4  }
0xe0: {  	(v2sf) =	vpush v2, $0x0;
	_ =	sdelay $0xe  }
0xe1: {  	s5 =	spop (v2sf)  }
0xe2: {  	s12 =	sor.u32 $0x1, s11;
	p0 =	sgt.s32 s5, $0x1  }
0xe3: {  	s1 =	smov.u32 @p0 s11;
	s12 =	smov.u32 @p0 s13  }
0xe4: {  	s11 =	sadd.s32 s1, s12  }
0xe5: {  	s11 =	sshrl.u32 s11, $0x1  }
0xe6: {  	v2 =	vld [tilespmem:s11+$0x7680];
	_ =	sdelay $0x4  }
0xe7: {  	(v2sf) =	vpush v2, $0x0;
	_ =	sdelay $0xe  }
0xe8: {  	s14 =	spop (v2sf)  }
0xe9: {  	s13 =	sadd.s32 $0x1, s11;
	p0 =	sgt.s32 s14, $0x1  }
0xea: {  	s1 =	smov.u32 @p0 s11;
	s13 =	smov.u32 @p0 s12  }
0xeb: {  	s11 =	sxor.u32 s1, s13  }
0xec: {  	s12 =	sand.u32 s1, s13;
	s11 =	sshrl.u32 s11, $0x1  }
0xed: {  	s11 =	sadd.s32 s11, s12  }
0xee: {  	v2 =	vld [tilespmem:s11+$0x7680];
	_ =	sdelay $0x4  }
0xef: {  	(v2sf) =	vpush v2, $0x0;
	_ =	sdelay $0xe  }
0xf0: {  	s15 =	spop (v2sf)  }
0xf1: {  	s12 =	sadd.s32 $0x1, s11;
	p0 =	sgt.s32 s15, $0x1  }
0xf2: {  	s1 =	smov.u32 @p0 s11;
	s12 =	smov.u32 @p0 s13  }
0xf3: {  	s11 =	sadd.s32 s1, s12  }
0xf4: {  	s11 =	sshrl.u32 s11, $0x1  }
0xf5: {  	v2 =	vld [tilespmem:s11+$0x7680];
	_ =	sdelay $0x4  }
0xf6: {  	(v2sf) =	vpush v2, $0x0;
	_ =	sdelay $0xe  }
0xf7: {  	s17 =	spop (v2sf)  }
0xf8: {  	s13 =	sadd.s32 $0x1, s11;
	p0 =	sgt.s32 s17, $0x1  }
0xf9: {  	s1 =	smov.u32 @p0 s11;
	s13 =	smov.u32 @p0 s12  }
0xfa: {  	s11 =	sadd.s32 s1, s13  }
0xfb: {  	s11 =	sshrl.u32 s11, $0x1  }
0xfc: {  	v2 =	vld [tilespmem:s11+$0x7680];
	_ =	sdelay $0x4  }
0xfd: {  	(v2sf) =	vpush v2, $0x0;
	_ =	sdelay $0xe  }
0xfe: {  	s18 =	spop (v2sf)  }
0xff: {  	s12 =	sadd.s32 $0x1, s11;
	p0 =	sgt.s32 s18, $0x1  }
0x100: {  	s1 =	smov.u32 @p0 s11;
	s12 =	smov.u32 @p0 s13  }
0x101: {  	s11 =	sadd.s32 s1, s12  }
0x102: {  	s11 =	sshrl.u32 s11, $0x1  }
0x103: {  	v2 =	vld [tilespmem:s11+$0x7680];
	_ =	sdelay $0x4  }
0x104: {  	(v2sf) =	vpush v2, $0x0;
	_ =	sdelay $0xe  }
0x105: {  	s19 =	spop (v2sf)  }
0x106: {  	s13 =	sadd.s32 $0x1, s11;
	p0 =	sgt.s32 s19, $0x1  }
0x107: {  	s1 =	smov.u32 @p0 s11;
	s13 =	smov.u32 @p0 s12  }
0x108: {  	s11 =	sadd.s32 s1, s13  }
0x109: {  	s11 =	sshrl.u32 s11, $0x1  }
0x10a: {  	v2 =	vld [tilespmem:s11+$0x7680];
	_ =	sdelay $0x4  }
0x10b: {  	(v2sf) =	vpush v2, $0x0;
	_ =	sdelay $0xe  }
0x10c: {  	s20 =	spop (v2sf)  }
0x10d: {  	s12 =	sadd.s32 $0x1, s11;
	p0 =	sgt.s32 s20, $0x1  }
0x10e: {  	s1 =	smov.u32 @p0 s11;
	s12 =	smov.u32 @p0 s13  }
0x10f: {  	s11 =	sadd.s32 s1, s12  }
0x110: {  	s11 =	sshrl.u32 s11, $0x1  }
0x111: {  	v2 =	vld [tilespmem:s11+$0x7680];
	_ =	sdelay $0x4  }
0x112: {  	(v2sf) =	vpush v2, $0x0;
	_ =	sdelay $0xe  }
0x113: {  	s21 =	spop (v2sf)  }
0x114: {  	s13 =	sadd.s32 $0x1, s11;
	p0 =	sgt.s32 s21, $0x1  }
0x115: {  	s1 =	smov.u32 @p0 s11;
	s13 =	smov.u32 @p0 s12  }
0x116: {  	s11 =	sadd.s32 s1, s13  }
0x117: {  	s11 =	sshrl.u32 s11, $0x1  }
0x118: {  	v2 =	vld [tilespmem:s11+$0x7680];
	_ =	sdelay $0x4  }
0x119: {  	(v2sf) =	vpush v2, $0x0;
	_ =	sdelay $0xe  }
0x11a: {  	s22 =	spop (v2sf)  }
0x11b: {  	s12 =	sadd.s32 $0x1, s11;
	p0 =	sgt.s32 s22, $0x1  }
0x11c: {  	s1 =	smov.u32 @p0 s11;
	s12 =	smov.u32 @p0 s13  }
0x11d: {  	s11 =	sadd.s32 s1, s12  }
0x11e: {  	s11 =	sshrl.u32 s11, $0x1  }
0x11f: {  	v2 =	vld [tilespmem:s11+$0x7680];
	_ =	sdelay $0x4  }
0x120: {  	(v2sf) =	vpush v2, $0x0;
	_ =	sdelay $0xe  }
0x121: {  	s23 =	spop (v2sf)  }
0x122: {  	s13 =	sadd.s32 $0x1, s11;
	p0 =	sgt.s32 s23, $0x1  }
0x123: {  	s1 =	smov.u32 @p0 s11;
	s13 =	smov.u32 @p0 s12  }
0x124: {  	s11 =	sadd.s32 s1, s13  }
0x125: {  	s11 =	sshrl.u32 s11, $0x1  }
0x126: {  	v2 =	vld [tilespmem:s11+$0x7680];
	_ =	sdelay $0x4  }
0x127: {  	(v2sf) =	vpush v2, $0x0;
	_ =	sdelay $0xe  }
0x128: {  	s24 =	spop (v2sf)  }
0x129: {  	s12 =	sadd.s32 $0x1, s11;
	p0 =	sgt.s32 s24, $0x1  }
0x12a: {  	s1 =	smov.u32 @p0 s11;
	s12 =	smov.u32 @p0 s13  }
0x12b: {  	s11 =	sadd.s32 s1, s12  }
0x12c: {  	p0 =	sgt.s32 s16, $0x2;
	s13 =	simm.s32 $0x9C4;
	s11 =	sshrl.u32 s11, $0x1  }
0x12d: {  	s13 =	simm.s32 @!p0 $0x1D4C;
	v2 =	vld [tilespmem:s11+$0x7680]  }
0x12e: {  	v3 =	vld [tilespmem:s13+$0x7680];
	_ =	sdelay $0x3  }
0x12f: {  	(v2sf) =	vpush v2, $0x0  }
0x130: {  	(v2sf) =	vpush v3, $0x0;
	_ =	sdelay $0xd  }
0x131: {  	s17 =	simm.s32 $0x1388;
	s12 =	spop (v2sf)  }
0x132: {  	s14 =	simm.s32 $0x0;
	s17 =	simm.s32 @!p0 $0x2710;
	s15 =	spop (v2sf)  }
0x133: {  	s14 =	simm.s32 @!p0 $0x1389;
	p0 =	sgt.s32 s15, $0x2;
	s15 =	sor.u32 $0x1, s13  }
0x134: {  	s17 =	smov.u32 @p0 s13;
	s15 =	smov.u32 @p0 s14  }
0x135: {  	s13 =	sadd.s32 s15, s17  }
0x136: {  	s13 =	sshrl.u32 s13, $0x1  }
0x137: {  	v2 =	vld [tilespmem:s13+$0x7680];
	_ =	sdelay $0x4  }
0x138: {  	(v2sf) =	vpush v2, $0x0;
	_ =	sdelay $0xe  }
0x139: {  	s25 =	spop (v2sf)  }
0x13a: {  	s14 =	sor.u32 $0x1, s13;
	p0 =	sgt.s32 s25, $0x2  }
0x13b: {  	s17 =	smov.u32 @p0 s13;
	s14 =	smov.u32 @p0 s15  }
0x13c: {  	s13 =	sadd.s32 s17, s14  }
0x13d: {  	s13 =	sshrl.u32 s13, $0x1  }
0x13e: {  	v2 =	vld [tilespmem:s13+$0x7680];
	_ =	sdelay $0x4  }
0x13f: {  	(v2sf) =	vpush v2, $0x0;
	_ =	sdelay $0xe  }
0x140: {  	s26 =	spop (v2sf)  }
0x141: {  	s15 =	sadd.s32 $0x1, s13;
	p0 =	sgt.s32 s26, $0x2  }
0x142: {  	s17 =	smov.u32 @p0 s13;
	s15 =	smov.u32 @p0 s14  }
0x143: {  	s13 =	sxor.u32 s17, s15  }
0x144: {  	s14 =	sand.u32 s17, s15;
	s13 =	sshrl.u32 s13, $0x1  }
0x145: {  	s13 =	sadd.s32 s13, s14  }
0x146: {  	v2 =	vld [tilespmem:s13+$0x7680];
	_ =	sdelay $0x4  }
0x147: {  	(v2sf) =	vpush v2, $0x0;
	_ =	sdelay $0xe  }
0x148: {  	s28 =	spop (v2sf)  }
0x149: {  	s14 =	sadd.s32 $0x1, s13;
	p0 =	sgt.s32 s28, $0x2  }
0x14a: {  	s17 =	smov.u32 @p0 s13;
	s14 =	smov.u32 @p0 s15  }
0x14b: {  	s13 =	sadd.s32 s17, s14  }
0x14c: {  	s13 =	sshrl.u32 s13, $0x1  }
0x14d: {  	v2 =	vld [tilespmem:s13+$0x7680];
	_ =	sdelay $0x4  }
0x14e: {  	(v2sf) =	vpush v2, $0x0;
	_ =	sdelay $0xe  }
0x14f: {  	s29 =	spop (v2sf)  }
0x150: {  	s15 =	sadd.s32 $0x1, s13;
	p0 =	sgt.s32 s29, $0x2  }
0x151: {  	s17 =	smov.u32 @p0 s13;
	s15 =	smov.u32 @p0 s14  }
0x152: {  	s13 =	sadd.s32 s17, s15  }
0x153: {  	s13 =	sshrl.u32 s13, $0x1  }
0x154: {  	v2 =	vld [tilespmem:s13+$0x7680];
	_ =	sdelay $0x4  }
0x155: {  	(v2sf) =	vpush v2, $0x0;
	_ =	sdelay $0xe  }
0x156: {  	s30 =	spop (v2sf)  }
0x157: {  	s14 =	sadd.s32 $0x1, s13;
	p0 =	sgt.s32 s30, $0x2  }
0x158: {  	s17 =	smov.u32 @p0 s13;
	s14 =	smov.u32 @p0 s15  }
0x159: {  	s13 =	sadd.s32 s17, s14  }
0x15a: {  	s13 =	sshrl.u32 s13, $0x1  }
0x15b: {  	v2 =	vld [tilespmem:s13+$0x7680];
	_ =	sdelay $0x4  }
0x15c: {  	(v2sf) =	vpush v2, $0x0;
	_ =	sdelay $0xe  }
0x15d: {  	s31 =	spop (v2sf)  }
0x15e: {  	s15 =	sadd.s32 $0x1, s13;
	p0 =	sgt.s32 s31, $0x2  }
0x15f: {  	s17 =	smov.u32 @p0 s13;
	s15 =	smov.u32 @p0 s14  }
0x160: {  	s13 =	sadd.s32 s17, s15  }
0x161: {  	s13 =	sshrl.u32 s13, $0x1  }
0x162: {  	v2 =	vld [tilespmem:s13+$0x7680];
	_ =	sdelay $0x4  }
0x163: {  	(v2sf) =	vpush v2, $0x0;
	_ =	sdelay $0xe  }
0x164: {  	s5 =	spop (v2sf)  }
0x165: {  	s14 =	sadd.s32 $0x1, s13;
	p0 =	sgt.s32 s5, $0x2  }
0x166: {  	s17 =	smov.u32 @p0 s13;
	s14 =	smov.u32 @p0 s15  }
0x167: {  	s13 =	sadd.s32 s17, s14  }
0x168: {  	s13 =	sshrl.u32 s13, $0x1  }
0x169: {  	v2 =	vld [tilespmem:s13+$0x7680];
	_ =	sdelay $0x4  }
0x16a: {  	(v2sf) =	vpush v2, $0x0;
	_ =	sdelay $0xe  }
0x16b: {  	s18 =	spop (v2sf)  }
0x16c: {  	s15 =	sadd.s32 $0x1, s13;
	p0 =	sgt.s32 s18, $0x2  }
0x16d: {  	s17 =	smov.u32 @p0 s13;
	s15 =	smov.u32 @p0 s14  }
0x16e: {  	s13 =	sadd.s32 s17, s15  }
0x16f: {  	s13 =	sshrl.u32 s13, $0x1  }
0x170: {  	v2 =	vld [tilespmem:s13+$0x7680];
	_ =	sdelay $0x4  }
0x171: {  	(v2sf) =	vpush v2, $0x0;
	_ =	sdelay $0xe  }
0x172: {  	s19 =	spop (v2sf)  }
0x173: {  	s14 =	sadd.s32 $0x1, s13;
	p0 =	sgt.s32 s19, $0x2  }
0x174: {  	s17 =	smov.u32 @p0 s13;
	s14 =	smov.u32 @p0 s15  }
0x175: {  	s13 =	sadd.s32 s17, s14  }
0x176: {  	s13 =	sshrl.u32 s13, $0x1  }
0x177: {  	v2 =	vld [tilespmem:s13+$0x7680];
	_ =	sdelay $0x4  }
0x178: {  	(v2sf) =	vpush v2, $0x0;
	_ =	sdelay $0xe  }
0x179: {  	s20 =	spop (v2sf)  }
0x17a: {  	s15 =	sadd.s32 $0x1, s13;
	p0 =	sgt.s32 s20, $0x2  }
0x17b: {  	s17 =	smov.u32 @p0 s13;
	s15 =	smov.u32 @p0 s14  }
0x17c: {  	s13 =	sadd.s32 s17, s15  }
0x17d: {  	s13 =	sshrl.u32 s13, $0x1  }
0x17e: {  	v2 =	vld [tilespmem:s13+$0x7680];
	_ =	sdelay $0x4  }
0x17f: {  	(v2sf) =	vpush v2, $0x0;
	_ =	sdelay $0xe  }
0x180: {  	s21 =	spop (v2sf)  }
0x181: {  	s14 =	sadd.s32 $0x1, s13;
	p0 =	sgt.s32 s21, $0x2  }
0x182: {  	s17 =	smov.u32 @p0 s13;
	s14 =	smov.u32 @p0 s15  }
0x183: {  	s13 =	sadd.s32 s17, s14  }
0x184: {  	p0 =	sgt.s32 s16, $0x3;
	s15 =	simm.s32 $0x9C4;
	s13 =	sshrl.u32 s13, $0x1  }
0x185: {  	s15 =	simm.s32 @!p0 $0x1D4C;
	v2 =	vld [tilespmem:s13+$0x7680]  }
0x186: {  	v3 =	vld [tilespmem:s15+$0x7680];
	_ =	sdelay $0x3  }
0x187: {  	(v2sf) =	vpush v2, $0x0  }
0x188: {  	(v2sf) =	vpush v3, $0x0;
	_ =	sdelay $0xd  }
0x189: {  	s18 =	simm.s32 $0x1388;
	s22 =	spop (v2sf)  }
0x18a: {  	s19 =	simm.s32 $0x0;
	s18 =	simm.s32 @!p0 $0x2710;
	s20 =	spop (v2sf)  }
0x18b: {  	s19 =	simm.s32 @!p0 $0x1389;
	p0 =	sgt.s32 s20, $0x3;
	s20 =	sor.u32 $0x1, s15  }
0x18c: {  	s18 =	smov.u32 @p0 s15;
	s20 =	smov.u32 @p0 s19  }
0x18d: {  	s15 =	sadd.s32 s20, s18  }
0x18e: {  	s15 =	sshrl.u32 s15, $0x1  }
0x18f: {  	v2 =	vld [tilespmem:s15+$0x7680];
	_ =	sdelay $0x4  }
0x190: {  	(v2sf) =	vpush v2, $0x0;
	_ =	sdelay $0xe  }
0x191: {  	s23 =	spop (v2sf)  }
0x192: {  	s19 =	sor.u32 $0x1, s15;
	p0 =	sgt.s32 s23, $0x3  }
0x193: {  	s18 =	smov.u32 @p0 s15;
	s19 =	smov.u32 @p0 s20  }
0x194: {  	s15 =	sadd.s32 s18, s19  }
0x195: {  	s15 =	sshrl.u32 s15, $0x1  }
0x196: {  	v2 =	vld [tilespmem:s15+$0x7680];
	_ =	sdelay $0x4  }
0x197: {  	(v2sf) =	vpush v2, $0x0;
	_ =	sdelay $0xe  }
0x198: {  	s24 =	spop (v2sf)  }
0x199: {  	s20 =	sadd.s32 $0x1, s15;
	p0 =	sgt.s32 s24, $0x3  }
0x19a: {  	s18 =	smov.u32 @p0 s15;
	s20 =	smov.u32 @p0 s19  }
0x19b: {  	s15 =	sxor.u32 s18, s20  }
0x19c: {  	s19 =	sand.u32 s18, s20;
	s15 =	sshrl.u32 s15, $0x1  }
0x19d: {  	s15 =	sadd.s32 s15, s19  }
0x19e: {  	v2 =	vld [tilespmem:s15+$0x7680];
	_ =	sdelay $0x4  }
0x19f: {  	(v2sf) =	vpush v2, $0x0;
	_ =	sdelay $0xe  }
0x1a0: {  	s25 =	spop (v2sf)  }
0x1a1: {  	s19 =	sadd.s32 $0x1, s15;
	p0 =	sgt.s32 s25, $0x3  }
0x1a2: {  	s18 =	smov.u32 @p0 s15;
	s19 =	smov.u32 @p0 s20  }
0x1a3: {  	s15 =	sadd.s32 s18, s19  }
0x1a4: {  	s15 =	sshrl.u32 s15, $0x1  }
0x1a5: {  	v2 =	vld [tilespmem:s15+$0x7680];
	_ =	sdelay $0x4  }
0x1a6: {  	(v2sf) =	vpush v2, $0x0;
	_ =	sdelay $0xe  }
0x1a7: {  	s26 =	spop (v2sf)  }
0x1a8: {  	s20 =	sadd.s32 $0x1, s15;
	p0 =	sgt.s32 s26, $0x3  }
0x1a9: {  	s18 =	smov.u32 @p0 s15;
	s20 =	smov.u32 @p0 s19  }
0x1aa: {  	s15 =	sadd.s32 s18, s20  }
0x1ab: {  	s15 =	sshrl.u32 s15, $0x1  }
0x1ac: {  	v2 =	vld [tilespmem:s15+$0x7680];
	_ =	sdelay $0x4  }
0x1ad: {  	(v2sf) =	vpush v2, $0x0;
	_ =	sdelay $0xe  }
0x1ae: {  	s28 =	spop (v2sf)  }
0x1af: {  	s19 =	sadd.s32 $0x1, s15;
	p0 =	sgt.s32 s28, $0x3  }
0x1b0: {  	s18 =	smov.u32 @p0 s15;
	s19 =	smov.u32 @p0 s20  }
0x1b1: {  	s15 =	sadd.s32 s18, s19  }
0x1b2: {  	s15 =	sshrl.u32 s15, $0x1  }
0x1b3: {  	v2 =	vld [tilespmem:s15+$0x7680];
	_ =	sdelay $0x4  }
0x1b4: {  	(v2sf) =	vpush v2, $0x0;
	_ =	sdelay $0xe  }
0x1b5: {  	s29 =	spop (v2sf)  }
0x1b6: {  	s20 =	sadd.s32 $0x1, s15;
	p0 =	sgt.s32 s29, $0x3  }
0x1b7: {  	s18 =	smov.u32 @p0 s15;
	s20 =	smov.u32 @p0 s19  }
0x1b8: {  	s15 =	sadd.s32 s18, s20  }
0x1b9: {  	s15 =	sshrl.u32 s15, $0x1  }
0x1ba: {  	v2 =	vld [tilespmem:s15+$0x7680];
	_ =	sdelay $0x4  }
0x1bb: {  	(v2sf) =	vpush v2, $0x0;
	_ =	sdelay $0xe  }
0x1bc: {  	s30 =	spop (v2sf)  }
0x1bd: {  	s19 =	sadd.s32 $0x1, s15;
	p0 =	sgt.s32 s30, $0x3  }
0x1be: {  	s18 =	smov.u32 @p0 s15;
	s19 =	smov.u32 @p0 s20  }
0x1bf: {  	s15 =	sadd.s32 s18, s19  }
0x1c0: {  	s15 =	sshrl.u32 s15, $0x1  }
0x1c1: {  	v2 =	vld [tilespmem:s15+$0x7680];
	_ =	sdelay $0x4  }
0x1c2: {  	(v2sf) =	vpush v2, $0x0;
	_ =	sdelay $0xe  }
0x1c3: {  	s31 =	spop (v2sf)  }
0x1c4: {  	s20 =	sadd.s32 $0x1, s15;
	p0 =	sgt.s32 s31, $0x3  }
0x1c5: {  	s18 =	smov.u32 @p0 s15;
	s20 =	smov.u32 @p0 s19  }
0x1c6: {  	s15 =	sadd.s32 s18, s20  }
0x1c7: {  	s15 =	sshrl.u32 s15, $0x1  }
0x1c8: {  	v2 =	vld [tilespmem:s15+$0x7680];
	_ =	sdelay $0x4  }
0x1c9: {  	(v2sf) =	vpush v2, $0x0;
	_ =	sdelay $0xe  }
0x1ca: {  	s5 =	spop (v2sf)  }
0x1cb: {  	s19 =	sadd.s32 $0x1, s15;
	p0 =	sgt.s32 s5, $0x3  }
0x1cc: {  	s18 =	smov.u32 @p0 s15;
	s19 =	smov.u32 @p0 s20  }
0x1cd: {  	s15 =	sadd.s32 s18, s19  }
0x1ce: {  	s15 =	sshrl.u32 s15, $0x1  }
0x1cf: {  	v2 =	vld [tilespmem:s15+$0x7680];
	_ =	sdelay $0x4  }
0x1d0: {  	(v2sf) =	vpush v2, $0x0;
	_ =	sdelay $0xb  }
0x1d1: {  	p0 =	slt.s32 s4, $0x0  }
0x1d2: {  	s2 =	smov.u32 @p0 s0;
	p0 =	sgt.s32 s9, $0x0  }
0x1d3: {  	s3 =	smov.u32 @p0 s6;
	[smem:$0x0] =	sst s2  }
0x1d4: {  	p0 =	sgt.s32 s12, $0x1;
	[smem:$0x80] =	sst s3;
	s12 =	spop (v2sf)  }
0x1d5: {  	s1 =	smov.u32 @p0 s11;
	s0 =	sadd.s32 $0x1, s15;
	p0 =	sgt.s32 s12, $0x3  }
0x1d6: {  	[smem:$0x1] =	sst s3;
	s18 =	smov.u32 @p0 s15;
	s0 =	smov.u32 @p0 s19  }
0x1d7: {  	[smem:$0x81] =	sst s1;
	s19 =	sadd.s32 s18, s0  }
0x1d8: {  	[smem:$0x2] =	sst s1;
	s1 =	sshrl.u32 s19, $0x1  }
0x1d9: {  	v2 =	vld [tilespmem:s1+$0x7680];
	_ =	sdelay $0x4  }
0x1da: {  	(v2sf) =	vpush v2, $0x0;
	_ =	sdelay $0xe  }
0x1db: {  	s20 =	spop (v2sf)  }
0x1dc: {  	s2 =	sadd.s32 $0x1, s1;
	p0 =	sgt.s32 s20, $0x3  }
0x1dd: {  	s18 =	smov.u32 @p0 s1;
	s2 =	smov.u32 @p0 s0  }
0x1de: {  	s0 =	sadd.s32 s18, s2  }
0x1df: {  	p0 =	sgt.s32 s16, $0x4;
	s21 =	sshrl.u32 s0, $0x1;
	s0 =	simm.s32 $0x9C4  }
0x1e0: {  	v2 =	vld [tilespmem:s21+$0x7680];
	s0 =	simm.s32 @!p0 $0x1D4C  }
0x1e1: {  	v3 =	vld [tilespmem:s0+$0x7680];
	_ =	sdelay $0x3  }
0x1e2: {  	(v2sf) =	vpush v2, $0x0  }
0x1e3: {  	(v2sf) =	vpush v3, $0x0;
	_ =	sdelay $0xd  }
0x1e4: {  	p1 =	sgt.s32 s22, $0x2;
	s19 =	simm.s32 $0x1388;
	s22 =	spop (v2sf)  }
0x1e5: {  	s1 =	simm.s32 $0x0;
	s19 =	simm.s32 @!p0 $0x2710;
	s23 =	spop (v2sf)  }
0x1e6: {  	s1 =	simm.s32 @!p0 $0x1389;
	s2 =	sor.u32 $0x1, s0;
	p0 =	sgt.s32 s23, $0x4  }
0x1e7: {  	s19 =	smov.u32 @p0 s0;
	s2 =	smov.u32 @p0 s1  }
0x1e8: {  	s0 =	sadd.s32 s2, s19  }
0x1e9: {  	s0 =	sshrl.u32 s0, $0x1  }
0x1ea: {  	v2 =	vld [tilespmem:s0+$0x7680];
	_ =	sdelay $0x4  }
0x1eb: {  	(v2sf) =	vpush v2, $0x0;
	_ =	sdelay $0xe  }
0x1ec: {  	s24 =	spop (v2sf)  }
0x1ed: {  	s1 =	sor.u32 $0x1, s0;
	p0 =	sgt.s32 s24, $0x4  }
0x1ee: {  	s19 =	smov.u32 @p0 s0;
	s1 =	smov.u32 @p0 s2  }
0x1ef: {  	s0 =	sadd.s32 s19, s1  }
0x1f0: {  	s0 =	sshrl.u32 s0, $0x1  }
0x1f1: {  	v2 =	vld [tilespmem:s0+$0x7680];
	_ =	sdelay $0x4  }
0x1f2: {  	(v2sf) =	vpush v2, $0x0;
	_ =	sdelay $0xe  }
0x1f3: {  	s25 =	spop (v2sf)  }
0x1f4: {  	s2 =	sadd.s32 $0x1, s0;
	p0 =	sgt.s32 s25, $0x4  }
0x1f5: {  	s19 =	smov.u32 @p0 s0;
	s2 =	smov.u32 @p0 s1  }
0x1f6: {  	s0 =	sxor.u32 s19, s2  }
0x1f7: {  	s1 =	sand.u32 s19, s2;
	s0 =	sshrl.u32 s0, $0x1  }
0x1f8: {  	s0 =	sadd.s32 s0, s1  }
0x1f9: {  	v2 =	vld [tilespmem:s0+$0x7680];
	_ =	sdelay $0x4  }
0x1fa: {  	(v2sf) =	vpush v2, $0x0;
	_ =	sdelay $0xe  }
0x1fb: {  	s26 =	spop (v2sf)  }
0x1fc: {  	s1 =	sadd.s32 $0x1, s0;
	p0 =	sgt.s32 s26, $0x4  }
0x1fd: {  	s19 =	smov.u32 @p0 s0;
	s1 =	smov.u32 @p0 s2  }
0x1fe: {  	s0 =	sadd.s32 s19, s1  }
0x1ff: {  	s0 =	sshrl.u32 s0, $0x1  }
0x200: {  	v2 =	vld [tilespmem:s0+$0x7680];
	_ =	sdelay $0x4  }
0x201: {  	(v2sf) =	vpush v2, $0x0;
	_ =	sdelay $0xe  }
0x202: {  	s28 =	spop (v2sf)  }
0x203: {  	s2 =	sadd.s32 $0x1, s0;
	p0 =	sgt.s32 s28, $0x4  }
0x204: {  	s19 =	smov.u32 @p0 s0;
	s2 =	smov.u32 @p0 s1  }
0x205: {  	s0 =	sadd.s32 s19, s2  }
0x206: {  	s0 =	sshrl.u32 s0, $0x1  }
0x207: {  	v2 =	vld [tilespmem:s0+$0x7680];
	_ =	sdelay $0x4  }
0x208: {  	(v2sf) =	vpush v2, $0x0;
	_ =	sdelay $0xe  }
0x209: {  	s29 =	spop (v2sf)  }
0x20a: {  	s1 =	sadd.s32 $0x1, s0;
	p0 =	sgt.s32 s29, $0x4  }
0x20b: {  	s19 =	smov.u32 @p0 s0;
	s1 =	smov.u32 @p0 s2  }
0x20c: {  	s0 =	sadd.s32 s19, s1  }
0x20d: {  	s0 =	sshrl.u32 s0, $0x1  }
0x20e: {  	v2 =	vld [tilespmem:s0+$0x7680];
	_ =	sdelay $0x4  }
0x20f: {  	(v2sf) =	vpush v2, $0x0;
	_ =	sdelay $0xa  }
0x210: {  	s17 =	smov.u32 @p1 s13  }
0x211: {  	[smem:$0x82] =	sst s17  }
0x212: {  	[dreg:$0x8] =	wrdreg s21  }
0x213: {  	[dreg:$0x9] =	wrdreg s22  }
0x214: {  	s30 =	spop (v2sf)  }
0x215: {  	s2 =	sadd.s32 $0x1, s0;
	p0 =	sgt.s32 s30, $0x4  }
0x216: {  	s19 =	smov.u32 @p0 s0;
	s2 =	smov.u32 @p0 s1  }
0x217: {  	s0 =	sadd.s32 s19, s2  }
0x218: {  	s0 =	sshrl.u32 s0, $0x1  }
0x219: {  	v2 =	vld [tilespmem:s0+$0x7680];
	_ =	sdelay $0x4  }
0x21a: {  	(v2sf) =	vpush v2, $0x0;
	_ =	sdelay $0xe  }
0x21b: {  	s31 =	spop (v2sf)  }
0x21c: {  	s1 =	sadd.s32 $0x1, s0;
	p0 =	sgt.s32 s31, $0x4  }
0x21d: {  	s19 =	smov.u32 @p0 s0;
	s1 =	smov.u32 @p0 s2  }
0x21e: {  	s0 =	sadd.s32 s19, s1  }
0x21f: {  	s0 =	sshrl.u32 s0, $0x1  }
0x220: {  	v2 =	vld [tilespmem:s0+$0x7680];
	_ =	sdelay $0x4  }
0x221: {  	(v2sf) =	vpush v2, $0x0;
	_ =	sdelay $0xe  }
0x222: {  	s3 =	spop (v2sf)  }
0x223: {  	s2 =	sadd.s32 $0x1, s0;
	p0 =	sgt.s32 s3, $0x4  }
0x224: {  	s19 =	smov.u32 @p0 s0;
	s2 =	smov.u32 @p0 s1  }
0x225: {  	s0 =	sadd.s32 s19, s2  }
0x226: {  	s0 =	sshrl.u32 s0, $0x1  }
0x227: {  	v2 =	vld [tilespmem:s0+$0x7680];
	_ =	sdelay $0x4  }
0x228: {  	(v2sf) =	vpush v2, $0x0;
	_ =	sdelay $0xe  }
0x229: {  	s4 =	spop (v2sf)  }
0x22a: {  	s1 =	sadd.s32 $0x1, s0;
	p0 =	sgt.s32 s4, $0x4  }
0x22b: {  	s19 =	smov.u32 @p0 s0;
	s1 =	smov.u32 @p0 s2  }
0x22c: {  	s0 =	sadd.s32 s19, s1  }
0x22d: {  	s0 =	sshrl.u32 s0, $0x1  }
0x22e: {  	v2 =	vld [tilespmem:s0+$0x7680];
	_ =	sdelay $0x4  }
0x22f: {  	(v2sf) =	vpush v2, $0x0;
	_ =	sdelay $0xe  }
0x230: {  	s5 =	spop (v2sf)  }
0x231: {  	s2 =	sadd.s32 $0x1, s0;
	p0 =	sgt.s32 s5, $0x4  }
0x232: {  	s19 =	smov.u32 @p0 s0;
	s2 =	smov.u32 @p0 s1  }
0x233: {  	s0 =	sadd.s32 s19, s2  }
0x234: {  	s0 =	sshrl.u32 s0, $0x1  }
0x235: {  	v2 =	vld [tilespmem:s0+$0x7680];
	_ =	sdelay $0x4  }
0x236: {  	(v2sf) =	vpush v2, $0x0;
	_ =	sdelay $0xe  }
0x237: {  	s6 =	spop (v2sf)  }
0x238: {  	s1 =	sadd.s32 $0x1, s0;
	p0 =	sgt.s32 s6, $0x4  }
0x239: {  	s19 =	smov.u32 @p0 s0;
	s1 =	smov.u32 @p0 s2  }
0x23a: {  	s0 =	sadd.s32 s19, s1  }
0x23b: {  	p0 =	sgt.s32 s16, $0x5;
	s1 =	sshrl.u32 s0, $0x1;
	s0 =	simm.s32 $0x9C4  }
0x23c: {  	v2 =	vld [tilespmem:s1+$0x7680];
	s0 =	simm.s32 @!p0 $0x1D4C  }
0x23d: {  	v3 =	vld [tilespmem:s0+$0x7680];
	_ =	sdelay $0x3  }
0x23e: {  	(v2sf) =	vpush v2, $0x0  }
0x23f: {  	(v2sf) =	vpush v3, $0x0;
	_ =	sdelay $0xc  }
0x240: {  	s22 =	simm.s32 $0x1388  }
0x241: {  	s22 =	simm.s32 @!p0 $0x2710;
	s9 =	spop (v2sf)  }
0x242: {  	[dreg:$0xa] =	wrdreg s1;
	s1 =	simm.s32 $0x0;
	s11 =	spop (v2sf)  }
0x243: {  	s1 =	simm.s32 @!p0 $0x1389;
	s2 =	sor.u32 $0x1, s0;
	p0 =	sgt.s32 s11, $0x5  }
0x244: {  	s22 =	smov.u32 @p0 s0;
	s2 =	smov.u32 @p0 s1  }
0x245: {  	s0 =	sadd.s32 s2, s22  }
0x246: {  	s0 =	sshrl.u32 s0, $0x1  }
0x247: {  	v2 =	vld [tilespmem:s0+$0x7680];
	_ =	sdelay $0x4  }
0x248: {  	(v2sf) =	vpush v2, $0x0;
	_ =	sdelay $0xe  }
0x249: {  	s12 =	spop (v2sf)  }
0x24a: {  	s1 =	sor.u32 $0x1, s0;
	p0 =	sgt.s32 s12, $0x5  }
0x24b: {  	s22 =	smov.u32 @p0 s0;
	s1 =	smov.u32 @p0 s2  }
0x24c: {  	s0 =	sadd.s32 s22, s1  }
0x24d: {  	s0 =	sshrl.u32 s0, $0x1  }
0x24e: {  	v2 =	vld [tilespmem:s0+$0x7680];
	_ =	sdelay $0x4  }
0x24f: {  	(v2sf) =	vpush v2, $0x0;
	_ =	sdelay $0xe  }
0x250: {  	s13 =	spop (v2sf)  }
0x251: {  	s2 =	sadd.s32 $0x1, s0;
	p0 =	sgt.s32 s13, $0x5  }
0x252: {  	s22 =	smov.u32 @p0 s0;
	s2 =	smov.u32 @p0 s1  }
0x253: {  	s0 =	sxor.u32 s22, s2  }
0x254: {  	s1 =	sand.u32 s22, s2;
	s0 =	sshrl.u32 s0, $0x1  }
0x255: {  	s0 =	sadd.s32 s0, s1  }
0x256: {  	v2 =	vld [tilespmem:s0+$0x7680];
	_ =	sdelay $0x4  }
0x257: {  	(v2sf) =	vpush v2, $0x0;
	_ =	sdelay $0xe  }
0x258: {  	s14 =	spop (v2sf)  }
0x259: {  	s1 =	sadd.s32 $0x1, s0;
	p0 =	sgt.s32 s14, $0x5  }
0x25a: {  	s22 =	smov.u32 @p0 s0;
	s1 =	smov.u32 @p0 s2  }
0x25b: {  	s0 =	sadd.s32 s22, s1  }
0x25c: {  	s0 =	sshrl.u32 s0, $0x1  }
0x25d: {  	v2 =	vld [tilespmem:s0+$0x7680];
	_ =	sdelay $0x4  }
0x25e: {  	(v2sf) =	vpush v2, $0x0;
	_ =	sdelay $0xe  }
0x25f: {  	s15 =	spop (v2sf)  }
0x260: {  	s2 =	sadd.s32 $0x1, s0;
	p0 =	sgt.s32 s15, $0x5  }
0x261: {  	s22 =	smov.u32 @p0 s0;
	s2 =	smov.u32 @p0 s1  }
0x262: {  	s0 =	sadd.s32 s22, s2  }
0x263: {  	s0 =	sshrl.u32 s0, $0x1  }
0x264: {  	v2 =	vld [tilespmem:s0+$0x7680];
	_ =	sdelay $0x4  }
0x265: {  	(v2sf) =	vpush v2, $0x0;
	_ =	sdelay $0xe  }
0x266: {  	s20 =	spop (v2sf)  }
0x267: {  	s1 =	sadd.s32 $0x1, s0;
	p0 =	sgt.s32 s20, $0x5  }
0x268: {  	s22 =	smov.u32 @p0 s0;
	s1 =	smov.u32 @p0 s2  }
0x269: {  	s0 =	sadd.s32 s22, s1  }
0x26a: {  	s0 =	sshrl.u32 s0, $0x1  }
0x26b: {  	v2 =	vld [tilespmem:s0+$0x7680];
	_ =	sdelay $0x4  }
0x26c: {  	(v2sf) =	vpush v2, $0x0;
	_ =	sdelay $0xe  }
0x26d: {  	s21 =	spop (v2sf)  }
0x26e: {  	s2 =	sadd.s32 $0x1, s0;
	p0 =	sgt.s32 s21, $0x5  }
0x26f: {  	s22 =	smov.u32 @p0 s0;
	s2 =	smov.u32 @p0 s1  }
0x270: {  	s0 =	sadd.s32 s22, s2  }
0x271: {  	s0 =	sshrl.u32 s0, $0x1  }
0x272: {  	v2 =	vld [tilespmem:s0+$0x7680];
	_ =	sdelay $0x4  }
0x273: {  	(v2sf) =	vpush v2, $0x0;
	_ =	sdelay $0xe  }
0x274: {  	s23 =	spop (v2sf)  }
0x275: {  	s1 =	sadd.s32 $0x1, s0;
	p0 =	sgt.s32 s23, $0x5  }
0x276: {  	s22 =	smov.u32 @p0 s0;
	s1 =	smov.u32 @p0 s2  }
0x277: {  	s0 =	sadd.s32 s22, s1  }
0x278: {  	s0 =	sshrl.u32 s0, $0x1  }
0x279: {  	v2 =	vld [tilespmem:s0+$0x7680];
	_ =	sdelay $0x4  }
0x27a: {  	(v2sf) =	vpush v2, $0x0;
	_ =	sdelay $0xe  }
0x27b: {  	s24 =	spop (v2sf)  }
0x27c: {  	s2 =	sadd.s32 $0x1, s0;
	p0 =	sgt.s32 s24, $0x5  }
0x27d: {  	s22 =	smov.u32 @p0 s0;
	s2 =	smov.u32 @p0 s1  }
0x27e: {  	s0 =	sadd.s32 s22, s2  }
0x27f: {  	s0 =	sshrl.u32 s0, $0x1  }
0x280: {  	v2 =	vld [tilespmem:s0+$0x7680];
	_ =	sdelay $0x4  }
0x281: {  	(v2sf) =	vpush v2, $0x0;
	_ =	sdelay $0xe  }
0x282: {  	s25 =	spop (v2sf)  }
0x283: {  	s1 =	sadd.s32 $0x1, s0;
	p0 =	sgt.s32 s25, $0x5  }
0x284: {  	s22 =	smov.u32 @p0 s0;
	s1 =	smov.u32 @p0 s2  }
0x285: {  	s0 =	sadd.s32 s22, s1  }
0x286: {  	s0 =	sshrl.u32 s0, $0x1  }
0x287: {  	v2 =	vld [tilespmem:s0+$0x7680];
	_ =	sdelay $0x4  }
0x288: {  	(v2sf) =	vpush v2, $0x0;
	_ =	sdelay $0xe  }
0x289: {  	s26 =	spop (v2sf)  }
0x28a: {  	s2 =	sadd.s32 $0x1, s0;
	p0 =	sgt.s32 s26, $0x5  }
0x28b: {  	s22 =	smov.u32 @p0 s0;
	s2 =	smov.u32 @p0 s1  }
0x28c: {  	s0 =	sadd.s32 s22, s2  }
0x28d: {  	s0 =	sshrl.u32 s0, $0x1  }
0x28e: {  	v2 =	vld [tilespmem:s0+$0x7680];
	_ =	sdelay $0x4  }
0x28f: {  	(v2sf) =	vpush v2, $0x0;
	_ =	sdelay $0xe  }
0x290: {  	s28 =	spop (v2sf)  }
0x291: {  	s1 =	sadd.s32 $0x1, s0;
	p0 =	sgt.s32 s28, $0x5  }
0x292: {  	s22 =	smov.u32 @p0 s0;
	s1 =	smov.u32 @p0 s2  }
0x293: {  	s0 =	sadd.s32 s22, s1  }
0x294: {  	p0 =	sgt.s32 s16, $0x6;
	s1 =	sshrl.u32 s0, $0x1;
	s0 =	simm.s32 $0x9C4  }
0x295: {  	v2 =	vld [tilespmem:s1+$0x7680];
	s0 =	simm.s32 @!p0 $0x1D4C  }
0x296: {  	v3 =	vld [tilespmem:s0+$0x7680];
	_ =	sdelay $0x3  }
0x297: {  	(v2sf) =	vpush v2, $0x0  }
0x298: {  	(v2sf) =	vpush v3, $0x0;
	_ =	sdelay $0xc  }
0x299: {  	s25 =	simm.s32 $0x1388  }
0x29a: {  	s25 =	simm.s32 @!p0 $0x2710;
	s29 =	spop (v2sf)  }
0x29b: {  	[dreg:$0xc] =	wrdreg s1;
	s1 =	simm.s32 $0x0;
	s30 =	spop (v2sf)  }
0x29c: {  	s1 =	simm.s32 @!p0 $0x1389;
	s2 =	sor.u32 $0x1, s0;
	p0 =	sgt.s32 s30, $0x6  }
0x29d: {  	s25 =	smov.u32 @p0 s0;
	s2 =	smov.u32 @p0 s1  }
0x29e: {  	s0 =	sadd.s32 s2, s25  }
0x29f: {  	s0 =	sshrl.u32 s0, $0x1  }
0x2a0: {  	v2 =	vld [tilespmem:s0+$0x7680];
	_ =	sdelay $0x4  }
0x2a1: {  	(v2sf) =	vpush v2, $0x0;
	_ =	sdelay $0xe  }
0x2a2: {  	s31 =	spop (v2sf)  }
0x2a3: {  	s1 =	sor.u32 $0x1, s0;
	p0 =	sgt.s32 s31, $0x6  }
0x2a4: {  	s25 =	smov.u32 @p0 s0;
	s1 =	smov.u32 @p0 s2  }
0x2a5: {  	s0 =	sadd.s32 s25, s1  }
0x2a6: {  	s0 =	sshrl.u32 s0, $0x1  }
0x2a7: {  	v2 =	vld [tilespmem:s0+$0x7680];
	_ =	sdelay $0x4  }
0x2a8: {  	(v2sf) =	vpush v2, $0x0;
	_ =	sdelay $0xe  }
0x2a9: {  	s3 =	spop (v2sf)  }
0x2aa: {  	s2 =	sadd.s32 $0x1, s0;
	p0 =	sgt.s32 s3, $0x6  }
0x2ab: {  	s25 =	smov.u32 @p0 s0;
	s2 =	smov.u32 @p0 s1  }
0x2ac: {  	s0 =	sxor.u32 s25, s2  }
0x2ad: {  	s1 =	sand.u32 s25, s2;
	s0 =	sshrl.u32 s0, $0x1  }
0x2ae: {  	s0 =	sadd.s32 s0, s1  }
0x2af: {  	v2 =	vld [tilespmem:s0+$0x7680];
	_ =	sdelay $0x4  }
0x2b0: {  	(v2sf) =	vpush v2, $0x0;
	_ =	sdelay $0xe  }
0x2b1: {  	s4 =	spop (v2sf)  }
0x2b2: {  	s1 =	sadd.s32 $0x1, s0;
	p0 =	sgt.s32 s4, $0x6  }
0x2b3: {  	s25 =	smov.u32 @p0 s0;
	s1 =	smov.u32 @p0 s2  }
0x2b4: {  	s0 =	sadd.s32 s25, s1  }
0x2b5: {  	s0 =	sshrl.u32 s0, $0x1  }
0x2b6: {  	v2 =	vld [tilespmem:s0+$0x7680];
	_ =	sdelay $0x4  }
0x2b7: {  	(v2sf) =	vpush v2, $0x0;
	_ =	sdelay $0xe  }
0x2b8: {  	s5 =	spop (v2sf)  }
0x2b9: {  	s2 =	sadd.s32 $0x1, s0;
	p0 =	sgt.s32 s5, $0x6  }
0x2ba: {  	s25 =	smov.u32 @p0 s0;
	s2 =	smov.u32 @p0 s1  }
0x2bb: {  	s0 =	sadd.s32 s25, s2  }
0x2bc: {  	s0 =	sshrl.u32 s0, $0x1  }
0x2bd: {  	v2 =	vld [tilespmem:s0+$0x7680];
	_ =	sdelay $0x4  }
0x2be: {  	(v2sf) =	vpush v2, $0x0;
	_ =	sdelay $0xe  }
0x2bf: {  	s6 =	spop (v2sf)  }
0x2c0: {  	s1 =	sadd.s32 $0x1, s0;
	p0 =	sgt.s32 s6, $0x6  }
0x2c1: {  	s25 =	smov.u32 @p0 s0;
	s1 =	smov.u32 @p0 s2  }
0x2c2: {  	s0 =	sadd.s32 s25, s1  }
0x2c3: {  	s0 =	sshrl.u32 s0, $0x1  }
0x2c4: {  	v2 =	vld [tilespmem:s0+$0x7680];
	_ =	sdelay $0x4  }
0x2c5: {  	(v2sf) =	vpush v2, $0x0;
	_ =	sdelay $0xe  }
0x2c6: {  	[dreg:$0xb] =	wrdreg s9;
	s9 =	spop (v2sf)  }
0x2c7: {  	s2 =	sadd.s32 $0x1, s0;
	p0 =	sgt.s32 s9, $0x6  }
0x2c8: {  	s25 =	smov.u32 @p0 s0;
	s2 =	smov.u32 @p0 s1  }
0x2c9: {  	s0 =	sadd.s32 s25, s2  }
0x2ca: {  	s0 =	sshrl.u32 s0, $0x1  }
0x2cb: {  	v2 =	vld [tilespmem:s0+$0x7680];
	_ =	sdelay $0x4  }
0x2cc: {  	(v2sf) =	vpush v2, $0x0;
	_ =	sdelay $0xe  }
0x2cd: {  	s11 =	spop (v2sf)  }
0x2ce: {  	s1 =	sadd.s32 $0x1, s0;
	p0 =	sgt.s32 s11, $0x6  }
0x2cf: {  	s25 =	smov.u32 @p0 s0;
	s1 =	smov.u32 @p0 s2  }
0x2d0: {  	s0 =	sadd.s32 s25, s1  }
0x2d1: {  	s0 =	sshrl.u32 s0, $0x1  }
0x2d2: {  	v2 =	vld [tilespmem:s0+$0x7680];
	_ =	sdelay $0x4  }
0x2d3: {  	(v2sf) =	vpush v2, $0x0;
	_ =	sdelay $0xe  }
0x2d4: {  	s12 =	spop (v2sf)  }
0x2d5: {  	s2 =	sadd.s32 $0x1, s0;
	p0 =	sgt.s32 s12, $0x6  }
0x2d6: {  	s25 =	smov.u32 @p0 s0;
	s2 =	smov.u32 @p0 s1  }
0x2d7: {  	s0 =	sadd.s32 s25, s2  }
0x2d8: {  	s0 =	sshrl.u32 s0, $0x1  }
0x2d9: {  	v2 =	vld [tilespmem:s0+$0x7680];
	_ =	sdelay $0x4  }
0x2da: {  	(v2sf) =	vpush v2, $0x0;
	_ =	sdelay $0xe  }
0x2db: {  	s13 =	spop (v2sf)  }
0x2dc: {  	s1 =	sadd.s32 $0x1, s0;
	p0 =	sgt.s32 s13, $0x6  }
0x2dd: {  	s25 =	smov.u32 @p0 s0;
	s1 =	smov.u32 @p0 s2  }
0x2de: {  	s0 =	sadd.s32 s25, s1  }
0x2df: {  	s0 =	sshrl.u32 s0, $0x1  }
0x2e0: {  	v2 =	vld [tilespmem:s0+$0x7680];
	_ =	sdelay $0x4  }
0x2e1: {  	(v2sf) =	vpush v2, $0x0;
	_ =	sdelay $0xe  }
0x2e2: {  	s14 =	spop (v2sf)  }
0x2e3: {  	s2 =	sadd.s32 $0x1, s0;
	p0 =	sgt.s32 s14, $0x6  }
0x2e4: {  	s25 =	smov.u32 @p0 s0;
	s2 =	smov.u32 @p0 s1  }
0x2e5: {  	s0 =	sadd.s32 s25, s2  }
0x2e6: {  	s0 =	sshrl.u32 s0, $0x1  }
0x2e7: {  	v2 =	vld [tilespmem:s0+$0x7680];
	_ =	sdelay $0x4  }
0x2e8: {  	(v2sf) =	vpush v2, $0x0;
	_ =	sdelay $0xe  }
0x2e9: {  	s15 =	spop (v2sf)  }
0x2ea: {  	s1 =	sadd.s32 $0x1, s0;
	p0 =	sgt.s32 s15, $0x6  }
0x2eb: {  	s25 =	smov.u32 @p0 s0;
	s1 =	smov.u32 @p0 s2  }
0x2ec: {  	s0 =	sadd.s32 s25, s1  }
0x2ed: {  	p0 =	sgt.s32 s16, $0x7;
	s1 =	sshrl.u32 s0, $0x1;
	s0 =	simm.s32 $0x9C4  }
0x2ee: {  	v2 =	vld [tilespmem:s1+$0x7680];
	s0 =	simm.s32 @!p0 $0x1D4C  }
0x2ef: {  	v3 =	vld [tilespmem:s0+$0x7680];
	_ =	sdelay $0x3  }
0x2f0: {  	(v2sf) =	vpush v2, $0x0  }
0x2f1: {  	(v2sf) =	vpush v3, $0x0;
	_ =	sdelay $0xc  }
0x2f2: {  	[dreg:$0xd] =	wrdreg s29;
	s29 =	simm.s32 $0x1388  }
0x2f3: {  	s29 =	simm.s32 @!p0 $0x2710;
	s20 =	spop (v2sf)  }
0x2f4: {  	[dreg:$0xe] =	wrdreg s1;
	s1 =	simm.s32 $0x0;
	s21 =	spop (v2sf)  }
0x2f5: {  	s1 =	simm.s32 @!p0 $0x1389;
	s2 =	sor.u32 $0x1, s0;
	p0 =	sgt.s32 s21, $0x7  }
0x2f6: {  	s29 =	smov.u32 @p0 s0;
	s2 =	smov.u32 @p0 s1  }
0x2f7: {  	s0 =	sadd.s32 s2, s29  }
0x2f8: {  	s0 =	sshrl.u32 s0, $0x1  }
0x2f9: {  	v2 =	vld [tilespmem:s0+$0x7680];
	_ =	sdelay $0x4  }
0x2fa: {  	(v2sf) =	vpush v2, $0x0;
	_ =	sdelay $0xe  }
0x2fb: {  	s23 =	spop (v2sf)  }
0x2fc: {  	s1 =	sor.u32 $0x1, s0;
	p0 =	sgt.s32 s23, $0x7  }
0x2fd: {  	s29 =	smov.u32 @p0 s0;
	s1 =	smov.u32 @p0 s2  }
0x2fe: {  	s0 =	sadd.s32 s29, s1  }
0x2ff: {  	s0 =	sshrl.u32 s0, $0x1  }
0x300: {  	v2 =	vld [tilespmem:s0+$0x7680];
	_ =	sdelay $0x4  }
0x301: {  	(v2sf) =	vpush v2, $0x0;
	_ =	sdelay $0xe  }
0x302: {  	s24 =	spop (v2sf)  }
0x303: {  	s2 =	sadd.s32 $0x1, s0;
	p0 =	sgt.s32 s24, $0x7  }
0x304: {  	s29 =	smov.u32 @p0 s0;
	s2 =	smov.u32 @p0 s1  }
0x305: {  	s0 =	sxor.u32 s29, s2  }
0x306: {  	s1 =	sand.u32 s29, s2;
	s0 =	sshrl.u32 s0, $0x1  }
0x307: {  	s0 =	sadd.s32 s0, s1  }
0x308: {  	v2 =	vld [tilespmem:s0+$0x7680];
	_ =	sdelay $0x4  }
0x309: {  	(v2sf) =	vpush v2, $0x0;
	_ =	sdelay $0xe  }
0x30a: {  	s26 =	spop (v2sf)  }
0x30b: {  	s1 =	sadd.s32 $0x1, s0;
	p0 =	sgt.s32 s26, $0x7  }
0x30c: {  	s29 =	smov.u32 @p0 s0;
	s1 =	smov.u32 @p0 s2  }
0x30d: {  	s0 =	sadd.s32 s29, s1  }
0x30e: {  	s0 =	sshrl.u32 s0, $0x1  }
0x30f: {  	v2 =	vld [tilespmem:s0+$0x7680];
	_ =	sdelay $0x4  }
0x310: {  	(v2sf) =	vpush v2, $0x0;
	_ =	sdelay $0xe  }
0x311: {  	s28 =	spop (v2sf)  }
0x312: {  	s2 =	sadd.s32 $0x1, s0;
	p0 =	sgt.s32 s28, $0x7  }
0x313: {  	s29 =	smov.u32 @p0 s0;
	s2 =	smov.u32 @p0 s1  }
0x314: {  	s0 =	sadd.s32 s29, s2  }
0x315: {  	s0 =	sshrl.u32 s0, $0x1  }
0x316: {  	v2 =	vld [tilespmem:s0+$0x7680];
	_ =	sdelay $0x4  }
0x317: {  	(v2sf) =	vpush v2, $0x0;
	_ =	sdelay $0xe  }
0x318: {  	s30 =	spop (v2sf)  }
0x319: {  	s1 =	sadd.s32 $0x1, s0;
	p0 =	sgt.s32 s30, $0x7  }
0x31a: {  	s29 =	smov.u32 @p0 s0;
	s1 =	smov.u32 @p0 s2  }
0x31b: {  	s0 =	sadd.s32 s29, s1  }
0x31c: {  	s0 =	sshrl.u32 s0, $0x1  }
0x31d: {  	v2 =	vld [tilespmem:s0+$0x7680];
	_ =	sdelay $0x4  }
0x31e: {  	(v2sf) =	vpush v2, $0x0;
	_ =	sdelay $0xe  }
0x31f: {  	s31 =	spop (v2sf)  }
0x320: {  	s2 =	sadd.s32 $0x1, s0;
	p0 =	sgt.s32 s31, $0x7  }
0x321: {  	s29 =	smov.u32 @p0 s0;
	s2 =	smov.u32 @p0 s1  }
0x322: {  	s0 =	sadd.s32 s29, s2  }
0x323: {  	s0 =	sshrl.u32 s0, $0x1  }
0x324: {  	v2 =	vld [tilespmem:s0+$0x7680];
	_ =	sdelay $0x4  }
0x325: {  	(v2sf) =	vpush v2, $0x0;
	_ =	sdelay $0xe  }
0x326: {  	s3 =	spop (v2sf)  }
0x327: {  	s1 =	sadd.s32 $0x1, s0;
	p0 =	sgt.s32 s3, $0x7  }
0x328: {  	s29 =	smov.u32 @p0 s0;
	s1 =	smov.u32 @p0 s2  }
0x329: {  	s0 =	sadd.s32 s29, s1  }
0x32a: {  	s0 =	sshrl.u32 s0, $0x1  }
0x32b: {  	v2 =	vld [tilespmem:s0+$0x7680];
	_ =	sdelay $0x4  }
0x32c: {  	(v2sf) =	vpush v2, $0x0;
	_ =	sdelay $0xe  }
0x32d: {  	s4 =	spop (v2sf)  }
0x32e: {  	s2 =	sadd.s32 $0x1, s0;
	p0 =	sgt.s32 s4, $0x7  }
0x32f: {  	s29 =	smov.u32 @p0 s0;
	s2 =	smov.u32 @p0 s1  }
0x330: {  	s0 =	sadd.s32 s29, s2  }
0x331: {  	s0 =	sshrl.u32 s0, $0x1  }
0x332: {  	v2 =	vld [tilespmem:s0+$0x7680];
	_ =	sdelay $0x4  }
0x333: {  	(v2sf) =	vpush v2, $0x0;
	_ =	sdelay $0xe  }
0x334: {  	s5 =	spop (v2sf)  }
0x335: {  	s1 =	sadd.s32 $0x1, s0;
	p0 =	sgt.s32 s5, $0x7  }
0x336: {  	s29 =	smov.u32 @p0 s0;
	s1 =	smov.u32 @p0 s2  }
0x337: {  	s0 =	sadd.s32 s29, s1  }
0x338: {  	s0 =	sshrl.u32 s0, $0x1  }
0x339: {  	v2 =	vld [tilespmem:s0+$0x7680];
	_ =	sdelay $0x4  }
0x33a: {  	(v2sf) =	vpush v2, $0x0;
	_ =	sdelay $0xe  }
0x33b: {  	s6 =	spop (v2sf)  }
0x33c: {  	s2 =	sadd.s32 $0x1, s0;
	p0 =	sgt.s32 s6, $0x7  }
0x33d: {  	s29 =	smov.u32 @p0 s0;
	s2 =	smov.u32 @p0 s1  }
0x33e: {  	s0 =	sadd.s32 s29, s2  }
0x33f: {  	s0 =	sshrl.u32 s0, $0x1  }
0x340: {  	v2 =	vld [tilespmem:s0+$0x7680];
	_ =	sdelay $0x4  }
0x341: {  	(v2sf) =	vpush v2, $0x0;
	_ =	sdelay $0xe  }
0x342: {  	s9 =	spop (v2sf)  }
0x343: {  	s1 =	sadd.s32 $0x1, s0;
	p0 =	sgt.s32 s9, $0x7  }
0x344: {  	s29 =	smov.u32 @p0 s0;
	s1 =	smov.u32 @p0 s2  }
0x345: {  	s0 =	sadd.s32 s29, s1  }
0x346: {  	p0 =	sgt.s32 s16, $0x8;
	s1 =	sshrl.u32 s0, $0x1;
	s0 =	simm.s32 $0x9C4  }
0x347: {  	v2 =	vld [tilespmem:s1+$0x7680];
	s0 =	simm.s32 @!p0 $0x1D4C  }
0x348: {  	v3 =	vld [tilespmem:s0+$0x7680];
	_ =	sdelay $0x3  }
0x349: {  	(v2sf) =	vpush v2, $0x0  }
0x34a: {  	(v2sf) =	vpush v3, $0x0;
	_ =	sdelay $0xc  }
0x34b: {  	s4 =	simm.s32 $0x1388  }
0x34c: {  	s4 =	simm.s32 @!p0 $0x2710;
	s11 =	spop (v2sf)  }
0x34d: {  	[dreg:$0x10] =	wrdreg s1;
	s1 =	simm.s32 $0x0;
	s12 =	spop (v2sf)  }
0x34e: {  	s1 =	simm.s32 @!p0 $0x1389;
	s2 =	sor.u32 $0x1, s0;
	p0 =	sgt.s32 s12, $0x8  }
0x34f: {  	s4 =	smov.u32 @p0 s0;
	s2 =	smov.u32 @p0 s1  }
0x350: {  	s0 =	sadd.s32 s2, s4  }
0x351: {  	s0 =	sshrl.u32 s0, $0x1  }
0x352: {  	v2 =	vld [tilespmem:s0+$0x7680];
	_ =	sdelay $0x4  }
0x353: {  	(v2sf) =	vpush v2, $0x0;
	_ =	sdelay $0xe  }
0x354: {  	s13 =	spop (v2sf)  }
0x355: {  	s1 =	sor.u32 $0x1, s0;
	p0 =	sgt.s32 s13, $0x8  }
0x356: {  	s4 =	smov.u32 @p0 s0;
	s1 =	smov.u32 @p0 s2  }
0x357: {  	s0 =	sadd.s32 s4, s1  }
0x358: {  	s0 =	sshrl.u32 s0, $0x1  }
0x359: {  	v2 =	vld [tilespmem:s0+$0x7680];
	_ =	sdelay $0x4  }
0x35a: {  	(v2sf) =	vpush v2, $0x0;
	_ =	sdelay $0xe  }
0x35b: {  	s14 =	spop (v2sf)  }
0x35c: {  	s2 =	sadd.s32 $0x1, s0;
	p0 =	sgt.s32 s14, $0x8  }
0x35d: {  	s4 =	smov.u32 @p0 s0;
	s2 =	smov.u32 @p0 s1  }
0x35e: {  	s0 =	sxor.u32 s4, s2  }
0x35f: {  	s1 =	sand.u32 s4, s2;
	s0 =	sshrl.u32 s0, $0x1  }
0x360: {  	s0 =	sadd.s32 s0, s1  }
0x361: {  	v2 =	vld [tilespmem:s0+$0x7680];
	_ =	sdelay $0x4  }
0x362: {  	(v2sf) =	vpush v2, $0x0;
	_ =	sdelay $0xe  }
0x363: {  	s15 =	spop (v2sf)  }
0x364: {  	s1 =	sadd.s32 $0x1, s0;
	p0 =	sgt.s32 s15, $0x8  }
0x365: {  	s4 =	smov.u32 @p0 s0;
	s1 =	smov.u32 @p0 s2  }
0x366: {  	s0 =	sadd.s32 s4, s1  }
0x367: {  	s0 =	sshrl.u32 s0, $0x1  }
0x368: {  	v2 =	vld [tilespmem:s0+$0x7680];
	_ =	sdelay $0x4  }
0x369: {  	(v2sf) =	vpush v2, $0x0;
	_ =	sdelay $0xe  }
0x36a: {  	[dreg:$0xf] =	wrdreg s20;
	s20 =	spop (v2sf)  }
0x36b: {  	s2 =	sadd.s32 $0x1, s0;
	p0 =	sgt.s32 s20, $0x8  }
0x36c: {  	s4 =	smov.u32 @p0 s0;
	s2 =	smov.u32 @p0 s1  }
0x36d: {  	s0 =	sadd.s32 s4, s2  }
0x36e: {  	s0 =	sshrl.u32 s0, $0x1  }
0x36f: {  	v2 =	vld [tilespmem:s0+$0x7680];
	_ =	sdelay $0x4  }
0x370: {  	(v2sf) =	vpush v2, $0x0;
	_ =	sdelay $0xe  }
0x371: {  	s21 =	spop (v2sf)  }
0x372: {  	s1 =	sadd.s32 $0x1, s0;
	p0 =	sgt.s32 s21, $0x8  }
0x373: {  	s4 =	smov.u32 @p0 s0;
	s1 =	smov.u32 @p0 s2  }
0x374: {  	s0 =	sadd.s32 s4, s1  }
0x375: {  	s0 =	sshrl.u32 s0, $0x1  }
0x376: {  	v2 =	vld [tilespmem:s0+$0x7680];
	_ =	sdelay $0x4  }
0x377: {  	(v2sf) =	vpush v2, $0x0;
	_ =	sdelay $0xe  }
0x378: {  	s23 =	spop (v2sf)  }
0x379: {  	s2 =	sadd.s32 $0x1, s0;
	p0 =	sgt.s32 s23, $0x8  }
0x37a: {  	s4 =	smov.u32 @p0 s0;
	s2 =	smov.u32 @p0 s1  }
0x37b: {  	s0 =	sadd.s32 s4, s2  }
0x37c: {  	s0 =	sshrl.u32 s0, $0x1  }
0x37d: {  	v2 =	vld [tilespmem:s0+$0x7680];
	_ =	sdelay $0x4  }
0x37e: {  	(v2sf) =	vpush v2, $0x0;
	_ =	sdelay $0xe  }
0x37f: {  	s24 =	spop (v2sf)  }
0x380: {  	s1 =	sadd.s32 $0x1, s0;
	p0 =	sgt.s32 s24, $0x8  }
0x381: {  	s4 =	smov.u32 @p0 s0;
	s1 =	smov.u32 @p0 s2  }
0x382: {  	s0 =	sadd.s32 s4, s1  }
0x383: {  	s0 =	sshrl.u32 s0, $0x1  }
0x384: {  	v2 =	vld [tilespmem:s0+$0x7680];
	_ =	sdelay $0x4  }
0x385: {  	(v2sf) =	vpush v2, $0x0;
	_ =	sdelay $0xe  }
0x386: {  	s26 =	spop (v2sf)  }
0x387: {  	s2 =	sadd.s32 $0x1, s0;
	p0 =	sgt.s32 s26, $0x8  }
0x388: {  	s4 =	smov.u32 @p0 s0;
	s2 =	smov.u32 @p0 s1  }
0x389: {  	s0 =	sadd.s32 s4, s2  }
0x38a: {  	s0 =	sshrl.u32 s0, $0x1  }
0x38b: {  	v2 =	vld [tilespmem:s0+$0x7680];
	_ =	sdelay $0x4  }
0x38c: {  	(v2sf) =	vpush v2, $0x0;
	_ =	sdelay $0xe  }
0x38d: {  	s28 =	spop (v2sf)  }
0x38e: {  	s1 =	sadd.s32 $0x1, s0;
	p0 =	sgt.s32 s28, $0x8  }
0x38f: {  	s4 =	smov.u32 @p0 s0;
	s1 =	smov.u32 @p0 s2  }
0x390: {  	s0 =	sadd.s32 s4, s1  }
0x391: {  	s0 =	sshrl.u32 s0, $0x1  }
0x392: {  	v2 =	vld [tilespmem:s0+$0x7680];
	_ =	sdelay $0x4  }
0x393: {  	(v2sf) =	vpush v2, $0x0;
	_ =	sdelay $0xe  }
0x394: {  	s30 =	spop (v2sf)  }
0x395: {  	s2 =	sadd.s32 $0x1, s0;
	p0 =	sgt.s32 s30, $0x8  }
0x396: {  	s4 =	smov.u32 @p0 s0;
	s2 =	smov.u32 @p0 s1  }
0x397: {  	s0 =	sadd.s32 s4, s2  }
0x398: {  	s0 =	sshrl.u32 s0, $0x1  }
0x399: {  	v2 =	vld [tilespmem:s0+$0x7680];
	_ =	sdelay $0x4  }
0x39a: {  	(v2sf) =	vpush v2, $0x0;
	_ =	sdelay $0xe  }
0x39b: {  	s31 =	spop (v2sf)  }
0x39c: {  	s1 =	sadd.s32 $0x1, s0;
	p0 =	sgt.s32 s31, $0x8  }
0x39d: {  	s4 =	smov.u32 @p0 s0;
	s1 =	smov.u32 @p0 s2  }
0x39e: {  	s0 =	sadd.s32 s4, s1  }
0x39f: {  	p0 =	sgt.s32 s16, $0x9;
	s1 =	sshrl.u32 s0, $0x1;
	s0 =	simm.s32 $0x9C4  }
0x3a0: {  	v2 =	vld [tilespmem:s1+$0x7680];
	s0 =	simm.s32 @!p0 $0x1D4C  }
0x3a1: {  	v3 =	vld [tilespmem:s0+$0x7680];
	_ =	sdelay $0x3  }
0x3a2: {  	(v2sf) =	vpush v2, $0x0  }
0x3a3: {  	(v2sf) =	vpush v3, $0x0;
	_ =	sdelay $0xc  }
0x3a4: {  	[dreg:$0x12] =	wrdreg s1;
	s1 =	simm.s32 $0x0  }
0x3a5: {  	s1 =	simm.s32 @!p0 $0x1389;
	s3 =	spop (v2sf)  }
0x3a6: {  	[dreg:$0x13] =	wrdreg s3;
	s3 =	simm.s32 $0x1388;
	s5 =	spop (v2sf)  }
0x3a7: {  	s6 =	sor.u32 $0x1, s0;
	s3 =	simm.s32 @!p0 $0x2710;
	p0 =	sgt.s32 s5, $0x9  }
0x3a8: {  	s3 =	smov.u32 @p0 s0;
	s6 =	smov.u32 @p0 s1  }
0x3a9: {  	s0 =	sadd.s32 s6, s3  }
0x3aa: {  	s0 =	sshrl.u32 s0, $0x1  }
0x3ab: {  	v2 =	vld [tilespmem:s0+$0x7680];
	_ =	sdelay $0x4  }
0x3ac: {  	(v2sf) =	vpush v2, $0x0;
	_ =	sdelay $0xe  }
0x3ad: {  	s9 =	spop (v2sf)  }
0x3ae: {  	s1 =	sor.u32 $0x1, s0;
	p0 =	sgt.s32 s9, $0x9  }
0x3af: {  	s3 =	smov.u32 @p0 s0;
	s1 =	smov.u32 @p0 s6  }
0x3b0: {  	s0 =	sadd.s32 s3, s1  }
0x3b1: {  	s0 =	sshrl.u32 s0, $0x1  }
0x3b2: {  	v2 =	vld [tilespmem:s0+$0x7680];
	_ =	sdelay $0x4  }
0x3b3: {  	(v2sf) =	vpush v2, $0x0;
	_ =	sdelay $0xe  }
0x3b4: {  	[dreg:$0x11] =	wrdreg s11;
	s11 =	spop (v2sf)  }
0x3b5: {  	s6 =	sadd.s32 $0x1, s0;
	p0 =	sgt.s32 s11, $0x9  }
0x3b6: {  	s3 =	smov.u32 @p0 s0;
	s6 =	smov.u32 @p0 s1  }
0x3b7: {  	s0 =	sxor.u32 s3, s6  }
0x3b8: {  	s1 =	sand.u32 s3, s6;
	s0 =	sshrl.u32 s0, $0x1  }
0x3b9: {  	s0 =	sadd.s32 s0, s1  }
0x3ba: {  	v2 =	vld [tilespmem:s0+$0x7680];
	_ =	sdelay $0x4  }
0x3bb: {  	(v2sf) =	vpush v2, $0x0;
	_ =	sdelay $0xe  }
0x3bc: {  	s12 =	spop (v2sf)  }
0x3bd: {  	s1 =	sadd.s32 $0x1, s0;
	p0 =	sgt.s32 s12, $0x9  }
0x3be: {  	s3 =	smov.u32 @p0 s0;
	s1 =	smov.u32 @p0 s6  }
0x3bf: {  	s0 =	sadd.s32 s3, s1  }
0x3c0: {  	s0 =	sshrl.u32 s0, $0x1  }
0x3c1: {  	v2 =	vld [tilespmem:s0+$0x7680];
	_ =	sdelay $0x4  }
0x3c2: {  	(v2sf) =	vpush v2, $0x0;
	_ =	sdelay $0xe  }
0x3c3: {  	s13 =	spop (v2sf)  }
0x3c4: {  	s6 =	sadd.s32 $0x1, s0;
	p0 =	sgt.s32 s13, $0x9  }
0x3c5: {  	s3 =	smov.u32 @p0 s0;
	s6 =	smov.u32 @p0 s1  }
0x3c6: {  	s0 =	sadd.s32 s3, s6  }
0x3c7: {  	s0 =	sshrl.u32 s0, $0x1  }
0x3c8: {  	v2 =	vld [tilespmem:s0+$0x7680];
	_ =	sdelay $0x4  }
0x3c9: {  	(v2sf) =	vpush v2, $0x0;
	_ =	sdelay $0xe  }
0x3ca: {  	s14 =	spop (v2sf)  }
0x3cb: {  	s1 =	sadd.s32 $0x1, s0;
	p0 =	sgt.s32 s14, $0x9  }
0x3cc: {  	s3 =	smov.u32 @p0 s0;
	s1 =	smov.u32 @p0 s6  }
0x3cd: {  	s0 =	sadd.s32 s3, s1  }
0x3ce: {  	s0 =	sshrl.u32 s0, $0x1  }
0x3cf: {  	v2 =	vld [tilespmem:s0+$0x7680];
	_ =	sdelay $0x4  }
0x3d0: {  	(v2sf) =	vpush v2, $0x0;
	_ =	sdelay $0xe  }
0x3d1: {  	s15 =	spop (v2sf)  }
0x3d2: {  	s6 =	sadd.s32 $0x1, s0;
	p0 =	sgt.s32 s15, $0x9  }
0x3d3: {  	s3 =	smov.u32 @p0 s0;
	s6 =	smov.u32 @p0 s1  }
0x3d4: {  	s0 =	sadd.s32 s3, s6  }
0x3d5: {  	s0 =	sshrl.u32 s0, $0x1  }
0x3d6: {  	v2 =	vld [tilespmem:s0+$0x7680];
	_ =	sdelay $0x4  }
0x3d7: {  	(v2sf) =	vpush v2, $0x0;
	_ =	sdelay $0xe  }
0x3d8: {  	s20 =	spop (v2sf)  }
0x3d9: {  	s1 =	sadd.s32 $0x1, s0;
	p0 =	sgt.s32 s20, $0x9  }
0x3da: {  	s3 =	smov.u32 @p0 s0;
	s1 =	smov.u32 @p0 s6  }
0x3db: {  	s0 =	sadd.s32 s3, s1  }
0x3dc: {  	s0 =	sshrl.u32 s0, $0x1  }
0x3dd: {  	v2 =	vld [tilespmem:s0+$0x7680];
	_ =	sdelay $0x4  }
0x3de: {  	(v2sf) =	vpush v2, $0x0;
	_ =	sdelay $0xe  }
0x3df: {  	s21 =	spop (v2sf)  }
0x3e0: {  	s6 =	sadd.s32 $0x1, s0;
	p0 =	sgt.s32 s21, $0x9  }
0x3e1: {  	s3 =	smov.u32 @p0 s0;
	s6 =	smov.u32 @p0 s1  }
0x3e2: {  	s0 =	sadd.s32 s3, s6  }
0x3e3: {  	s0 =	sshrl.u32 s0, $0x1  }
0x3e4: {  	v2 =	vld [tilespmem:s0+$0x7680];
	_ =	sdelay $0x4  }
0x3e5: {  	(v2sf) =	vpush v2, $0x0;
	_ =	sdelay $0xe  }
0x3e6: {  	s23 =	spop (v2sf)  }
0x3e7: {  	s1 =	sadd.s32 $0x1, s0;
	p0 =	sgt.s32 s23, $0x9  }
0x3e8: {  	s3 =	smov.u32 @p0 s0;
	s1 =	smov.u32 @p0 s6  }
0x3e9: {  	s0 =	sadd.s32 s3, s1  }
0x3ea: {  	s0 =	sshrl.u32 s0, $0x1  }
0x3eb: {  	v2 =	vld [tilespmem:s0+$0x7680];
	_ =	sdelay $0x4  }
0x3ec: {  	(v2sf) =	vpush v2, $0x0;
	_ =	sdelay $0xe  }
0x3ed: {  	s24 =	spop (v2sf)  }
0x3ee: {  	s6 =	sadd.s32 $0x1, s0;
	p0 =	sgt.s32 s24, $0x9  }
0x3ef: {  	s3 =	smov.u32 @p0 s0;
	s6 =	smov.u32 @p0 s1  }
0x3f0: {  	s0 =	sadd.s32 s3, s6  }
0x3f1: {  	s0 =	sshrl.u32 s0, $0x1  }
0x3f2: {  	v2 =	vld [tilespmem:s0+$0x7680];
	_ =	sdelay $0x4  }
0x3f3: {  	(v2sf) =	vpush v2, $0x0;
	_ =	sdelay $0xe  }
0x3f4: {  	s26 =	spop (v2sf)  }
0x3f5: {  	s1 =	sadd.s32 $0x1, s0;
	p0 =	sgt.s32 s26, $0x9  }
0x3f6: {  	s3 =	smov.u32 @p0 s0;
	s1 =	smov.u32 @p0 s6  }
0x3f7: {  	s0 =	sadd.s32 s3, s1  }
0x3f8: {  	p0 =	sgt.s32 s16, $0xA;
	s12 =	sshrl.u32 s0, $0x1;
	s0 =	simm.s32 $0x9C4  }
0x3f9: {  	v2 =	vld [tilespmem:s12+$0x7680];
	s0 =	simm.s32 @!p0 $0x1D4C  }
0x3fa: {  	v3 =	vld [tilespmem:s0+$0x7680];
	_ =	sdelay $0x3  }
0x3fb: {  	(v2sf) =	vpush v2, $0x0  }
0x3fc: {  	(v2sf) =	vpush v3, $0x0;
	_ =	sdelay $0xd  }
0x3fd: {  	s13 =	simm.s32 $0x1388;
	s28 =	spop (v2sf)  }
0x3fe: {  	s1 =	simm.s32 $0x0;
	s13 =	simm.s32 @!p0 $0x2710;
	s30 =	spop (v2sf)  }
0x3ff: {  	s1 =	simm.s32 @!p0 $0x1389;
	s6 =	sor.u32 $0x1, s0;
	p1 =	sgt.s32 s30, $0xA  }
0x400: {  	s13 =	smov.u32 @p1 s0;
	s6 =	smov.u32 @p1 s1  }
0x401: {  	s0 =	sadd.s32 s6, s13  }
0x402: {  	s0 =	sshrl.u32 s0, $0x1  }
0x403: {  	v2 =	vld [tilespmem:s0+$0x7680];
	_ =	sdelay $0x4  }
0x404: {  	(v2sf) =	vpush v2, $0x0;
	_ =	sdelay $0xe  }
0x405: {  	s31 =	spop (v2sf)  }
0x406: {  	s1 =	sor.u32 $0x1, s0;
	p0 =	sgt.s32 s31, $0xA  }
0x407: {  	s13 =	smov.u32 @p0 s0;
	s1 =	smov.u32 @p0 s6  }
0x408: {  	s0 =	sadd.s32 s13, s1  }
0x409: {  	s0 =	sshrl.u32 s0, $0x1  }
0x40a: {  	v2 =	vld [tilespmem:s0+$0x7680];
	_ =	sdelay $0x4  }
0x40b: {  	(v2sf) =	vpush v2, $0x0;
	_ =	sdelay $0xe  }
0x40c: {  	s2 =	spop (v2sf)  }
0x40d: {  	s6 =	sadd.s32 $0x1, s0;
	p0 =	sgt.s32 s2, $0xA  }
0x40e: {  	s13 =	smov.u32 @p0 s0;
	s6 =	smov.u32 @p0 s1  }
0x40f: {  	s0 =	sxor.u32 s13, s6  }
0x410: {  	s1 =	sand.u32 s13, s6;
	s0 =	sshrl.u32 s0, $0x1  }
0x411: {  	s0 =	sadd.s32 s0, s1  }
0x412: {  	v2 =	vld [tilespmem:s0+$0x7680];
	_ =	sdelay $0x4  }
0x413: {  	(v2sf) =	vpush v2, $0x0;
	_ =	sdelay $0xe  }
0x414: {  	s5 =	spop (v2sf)  }
0x415: {  	s1 =	sadd.s32 $0x1, s0;
	p0 =	sgt.s32 s5, $0xA  }
0x416: {  	s13 =	smov.u32 @p0 s0;
	s1 =	smov.u32 @p0 s6  }
0x417: {  	s0 =	sadd.s32 s13, s1  }
0x418: {  	s0 =	sshrl.u32 s0, $0x1  }
0x419: {  	v2 =	vld [tilespmem:s0+$0x7680];
	_ =	sdelay $0x4  }
0x41a: {  	(v2sf) =	vpush v2, $0x0;
	_ =	sdelay $0xe  }
0x41b: {  	s9 =	spop (v2sf)  }
0x41c: {  	s6 =	sadd.s32 $0x1, s0;
	p0 =	sgt.s32 s9, $0xA  }
0x41d: {  	s13 =	smov.u32 @p0 s0;
	s6 =	smov.u32 @p0 s1  }
0x41e: {  	s0 =	sadd.s32 s13, s6  }
0x41f: {  	s0 =	sshrl.u32 s0, $0x1  }
0x420: {  	v2 =	vld [tilespmem:s0+$0x7680];
	_ =	sdelay $0x4  }
0x421: {  	(v2sf) =	vpush v2, $0x0;
	_ =	sdelay $0xe  }
0x422: {  	s11 =	spop (v2sf)  }
0x423: {  	s1 =	sadd.s32 $0x1, s0;
	p0 =	sgt.s32 s11, $0xA  }
0x424: {  	s13 =	smov.u32 @p0 s0;
	s1 =	smov.u32 @p0 s6  }
0x425: {  	s0 =	sadd.s32 s13, s1  }
0x426: {  	s0 =	sshrl.u32 s0, $0x1  }
0x427: {  	v2 =	vld [tilespmem:s0+$0x7680];
	_ =	sdelay $0x4  }
0x428: {  	(v2sf) =	vpush v2, $0x0;
	_ =	sdelay $0xe  }
0x429: {  	s14 =	spop (v2sf)  }
0x42a: {  	s6 =	sadd.s32 $0x1, s0;
	p0 =	sgt.s32 s14, $0xA  }
0x42b: {  	s13 =	smov.u32 @p0 s0;
	s6 =	smov.u32 @p0 s1  }
0x42c: {  	s0 =	sadd.s32 s13, s6  }
0x42d: {  	s0 =	sshrl.u32 s0, $0x1  }
0x42e: {  	v2 =	vld [tilespmem:s0+$0x7680];
	_ =	sdelay $0x4  }
0x42f: {  	(v2sf) =	vpush v2, $0x0;
	_ =	sdelay $0xe  }
0x430: {  	s15 =	spop (v2sf)  }
0x431: {  	s1 =	sadd.s32 $0x1, s0;
	p0 =	sgt.s32 s15, $0xA  }
0x432: {  	s13 =	smov.u32 @p0 s0;
	s1 =	smov.u32 @p0 s6  }
0x433: {  	s0 =	sadd.s32 s13, s1  }
0x434: {  	s0 =	sshrl.u32 s0, $0x1  }
0x435: {  	v2 =	vld [tilespmem:s0+$0x7680];
	_ =	sdelay $0x4  }
0x436: {  	(v2sf) =	vpush v2, $0x0;
	_ =	sdelay $0xe  }
0x437: {  	s20 =	spop (v2sf)  }
0x438: {  	s6 =	sadd.s32 $0x1, s0;
	p0 =	sgt.s32 s20, $0xA  }
0x439: {  	s13 =	smov.u32 @p0 s0;
	s6 =	smov.u32 @p0 s1  }
0x43a: {  	s0 =	sadd.s32 s13, s6  }
0x43b: {  	s0 =	sshrl.u32 s0, $0x1  }
0x43c: {  	v2 =	vld [tilespmem:s0+$0x7680];
	_ =	sdelay $0x4  }
0x43d: {  	(v2sf) =	vpush v2, $0x0;
	_ =	sdelay $0xe  }
0x43e: {  	s21 =	spop (v2sf)  }
0x43f: {  	s1 =	sadd.s32 $0x1, s0;
	p0 =	sgt.s32 s21, $0xA  }
0x440: {  	s13 =	smov.u32 @p0 s0;
	s1 =	smov.u32 @p0 s6  }
0x441: {  	s0 =	sadd.s32 s13, s1  }
0x442: {  	s0 =	sshrl.u32 s0, $0x1  }
0x443: {  	v2 =	vld [tilespmem:s0+$0x7680];
	_ =	sdelay $0x4  }
0x444: {  	(v2sf) =	vpush v2, $0x0;
	_ =	sdelay $0xe  }
0x445: {  	s23 =	spop (v2sf)  }
0x446: {  	s6 =	sadd.s32 $0x1, s0;
	p0 =	sgt.s32 s23, $0xA  }
0x447: {  	s13 =	smov.u32 @p0 s0;
	s6 =	smov.u32 @p0 s1  }
0x448: {  	s0 =	sadd.s32 s13, s6  }
0x449: {  	s0 =	sshrl.u32 s0, $0x1  }
0x44a: {  	v2 =	vld [tilespmem:s0+$0x7680];
	_ =	sdelay $0x4  }
0x44b: {  	(v2sf) =	vpush v2, $0x0;
	_ =	sdelay $0xe  }
0x44c: {  	s24 =	spop (v2sf)  }
0x44d: {  	s1 =	sadd.s32 $0x1, s0;
	p0 =	sgt.s32 s24, $0xA  }
0x44e: {  	s13 =	smov.u32 @p0 s0;
	s1 =	smov.u32 @p0 s6  }
0x44f: {  	s0 =	sadd.s32 s13, s1  }
0x450: {  	p0 =	sgt.s32 s16, $0xB;
	s9 =	sshrl.u32 s0, $0x1;
	s0 =	simm.s32 $0x9C4  }
0x451: {  	v2 =	vld [tilespmem:s9+$0x7680];
	s0 =	simm.s32 @!p0 $0x1D4C  }
0x452: {  	v3 =	vld [tilespmem:s0+$0x7680];
	_ =	sdelay $0x3  }
0x453: {  	(v2sf) =	vpush v2, $0x0  }
0x454: {  	(v2sf) =	vpush v3, $0x0;
	_ =	sdelay $0xd  }
0x455: {  	[dreg:$0x14] =	wrdreg s28;
	s15 =	simm.s32 $0x1388;
	s26 =	spop (v2sf)  }
0x456: {  	s1 =	simm.s32 $0x0;
	s15 =	simm.s32 @!p0 $0x2710;
	s28 =	spop (v2sf)  }
0x457: {  	s1 =	simm.s32 @!p0 $0x1389;
	s11 =	sor.u32 $0x1, s0;
	p1 =	sgt.s32 s28, $0xB  }
0x458: {  	s15 =	smov.u32 @p1 s0;
	s11 =	smov.u32 @p1 s1  }
0x459: {  	s0 =	sadd.s32 s11, s15  }
0x45a: {  	s0 =	sshrl.u32 s0, $0x1  }
0x45b: {  	v2 =	vld [tilespmem:s0+$0x7680];
	_ =	sdelay $0x4  }
0x45c: {  	(v2sf) =	vpush v2, $0x0;
	_ =	sdelay $0xe  }
0x45d: {  	s30 =	spop (v2sf)  }
0x45e: {  	s1 =	sor.u32 $0x1, s0;
	p0 =	sgt.s32 s30, $0xB  }
0x45f: {  	s15 =	smov.u32 @p0 s0;
	s1 =	smov.u32 @p0 s11  }
0x460: {  	s0 =	sadd.s32 s15, s1  }
0x461: {  	s0 =	sshrl.u32 s0, $0x1  }
0x462: {  	v2 =	vld [tilespmem:s0+$0x7680];
	_ =	sdelay $0x4  }
0x463: {  	(v2sf) =	vpush v2, $0x0;
	_ =	sdelay $0xe  }
0x464: {  	s31 =	spop (v2sf)  }
0x465: {  	s11 =	sadd.s32 $0x1, s0;
	p0 =	sgt.s32 s31, $0xB  }
0x466: {  	s15 =	smov.u32 @p0 s0;
	s11 =	smov.u32 @p0 s1  }
0x467: {  	s0 =	sxor.u32 s15, s11  }
0x468: {  	s1 =	sand.u32 s15, s11;
	s0 =	sshrl.u32 s0, $0x1  }
0x469: {  	s0 =	sadd.s32 s0, s1  }
0x46a: {  	v2 =	vld [tilespmem:s0+$0x7680];
	_ =	sdelay $0x4  }
0x46b: {  	(v2sf) =	vpush v2, $0x0;
	_ =	sdelay $0xe  }
0x46c: {  	s2 =	spop (v2sf)  }
0x46d: {  	s1 =	sadd.s32 $0x1, s0;
	p0 =	sgt.s32 s2, $0xB  }
0x46e: {  	s15 =	smov.u32 @p0 s0;
	s1 =	smov.u32 @p0 s11  }
0x46f: {  	s0 =	sadd.s32 s15, s1  }
0x470: {  	s0 =	sshrl.u32 s0, $0x1  }
0x471: {  	v2 =	vld [tilespmem:s0+$0x7680];
	_ =	sdelay $0x4  }
0x472: {  	(v2sf) =	vpush v2, $0x0;
	_ =	sdelay $0xe  }
0x473: {  	s5 =	spop (v2sf)  }
0x474: {  	s11 =	sadd.s32 $0x1, s0;
	p0 =	sgt.s32 s5, $0xB  }
0x475: {  	s15 =	smov.u32 @p0 s0;
	s11 =	smov.u32 @p0 s1  }
0x476: {  	s0 =	sadd.s32 s15, s11  }
0x477: {  	s0 =	sshrl.u32 s0, $0x1  }
0x478: {  	v2 =	vld [tilespmem:s0+$0x7680];
	_ =	sdelay $0x4  }
0x479: {  	(v2sf) =	vpush v2, $0x0;
	_ =	sdelay $0xe  }
0x47a: {  	s6 =	spop (v2sf)  }
0x47b: {  	s1 =	sadd.s32 $0x1, s0;
	p0 =	sgt.s32 s6, $0xB  }
0x47c: {  	s15 =	smov.u32 @p0 s0;
	s1 =	smov.u32 @p0 s11  }
0x47d: {  	s0 =	sadd.s32 s15, s1  }
0x47e: {  	s0 =	sshrl.u32 s0, $0x1  }
0x47f: {  	v2 =	vld [tilespmem:s0+$0x7680];
	_ =	sdelay $0x4  }
0x480: {  	(v2sf) =	vpush v2, $0x0;
	_ =	sdelay $0xe  }
0x481: {  	s14 =	spop (v2sf)  }
0x482: {  	s11 =	sadd.s32 $0x1, s0;
	p0 =	sgt.s32 s14, $0xB  }
0x483: {  	s15 =	smov.u32 @p0 s0;
	s11 =	smov.u32 @p0 s1  }
0x484: {  	s0 =	sadd.s32 s15, s11  }
0x485: {  	s0 =	sshrl.u32 s0, $0x1  }
0x486: {  	v2 =	vld [tilespmem:s0+$0x7680];
	_ =	sdelay $0x4  }
0x487: {  	(v2sf) =	vpush v2, $0x0;
	_ =	sdelay $0xe  }
0x488: {  	s20 =	spop (v2sf)  }
0x489: {  	s1 =	sadd.s32 $0x1, s0;
	p0 =	sgt.s32 s20, $0xB  }
0x48a: {  	s15 =	smov.u32 @p0 s0;
	s1 =	smov.u32 @p0 s11  }
0x48b: {  	s0 =	sadd.s32 s15, s1  }
0x48c: {  	s0 =	sshrl.u32 s0, $0x1  }
0x48d: {  	v2 =	vld [tilespmem:s0+$0x7680];
	_ =	sdelay $0x4  }
0x48e: {  	(v2sf) =	vpush v2, $0x0;
	_ =	sdelay $0xe  }
0x48f: {  	s21 =	spop (v2sf)  }
0x490: {  	s11 =	sadd.s32 $0x1, s0;
	p0 =	sgt.s32 s21, $0xB  }
0x491: {  	s15 =	smov.u32 @p0 s0;
	s11 =	smov.u32 @p0 s1  }
0x492: {  	s0 =	sadd.s32 s15, s11  }
0x493: {  	s0 =	sshrl.u32 s0, $0x1  }
0x494: {  	v2 =	vld [tilespmem:s0+$0x7680];
	_ =	sdelay $0x4  }
0x495: {  	(v2sf) =	vpush v2, $0x0;
	_ =	sdelay $0xe  }
0x496: {  	s23 =	spop (v2sf)  }
0x497: {  	s1 =	sadd.s32 $0x1, s0;
	p0 =	sgt.s32 s23, $0xB  }
0x498: {  	s15 =	smov.u32 @p0 s0;
	s1 =	smov.u32 @p0 s11  }
0x499: {  	s0 =	sadd.s32 s15, s1  }
0x49a: {  	s0 =	sshrl.u32 s0, $0x1  }
0x49b: {  	v2 =	vld [tilespmem:s0+$0x7680];
	_ =	sdelay $0x4  }
0x49c: {  	(v2sf) =	vpush v2, $0x0;
	_ =	sdelay $0xe  }
0x49d: {  	s24 =	spop (v2sf)  }
0x49e: {  	s11 =	sadd.s32 $0x1, s0;
	p0 =	sgt.s32 s24, $0xB  }
0x49f: {  	s15 =	smov.u32 @p0 s0;
	s11 =	smov.u32 @p0 s1  }
0x4a0: {  	s0 =	sadd.s32 s15, s11  }
0x4a1: {  	s0 =	sshrl.u32 s0, $0x1  }
0x4a2: {  	v2 =	vld [tilespmem:s0+$0x7680];
	_ =	sdelay $0x4  }
0x4a3: {  	(v2sf) =	vpush v2, $0x0;
	_ =	sdelay $0xe  }
0x4a4: {  	[dreg:$0x15] =	wrdreg s26;
	s26 =	spop (v2sf)  }
0x4a5: {  	s1 =	sadd.s32 $0x1, s0;
	p0 =	sgt.s32 s26, $0xB  }
0x4a6: {  	s15 =	smov.u32 @p0 s0;
	s1 =	smov.u32 @p0 s11  }
0x4a7: {  	s0 =	sadd.s32 s15, s1  }
0x4a8: {  	p0 =	sgt.s32 s16, $0xC;
	s24 =	sshrl.u32 s0, $0x1;
	s0 =	simm.s32 $0x9C4  }
0x4a9: {  	v2 =	vld [tilespmem:s24+$0x7680];
	s0 =	simm.s32 @!p0 $0x1D4C  }
0x4aa: {  	v3 =	vld [tilespmem:s0+$0x7680];
	_ =	sdelay $0x3  }
0x4ab: {  	(v2sf) =	vpush v2, $0x0  }
0x4ac: {  	(v2sf) =	vpush v3, $0x0;
	_ =	sdelay $0xd  }
0x4ad: {  	s2 =	spop (v2sf)  }
0x4ae: {  	s28 =	spop (v2sf)  }
0x4af: {  	s1 =	simm.s32 $0x0;
	p1 =	sgt.s32 s28, $0xC;
	s28 =	simm.s32 $0x1388  }
0x4b0: {  	s1 =	simm.s32 @!p0 $0x1389;
	s11 =	sor.u32 $0x1, s0;
	s28 =	simm.s32 @!p0 $0x2710  }
0x4b1: {  	s11 =	smov.u32 @p1 s1;
	s28 =	smov.u32 @p1 s0  }
0x4b2: {  	s0 =	sadd.s32 s11, s28  }
0x4b3: {  	s0 =	sshrl.u32 s0, $0x1  }
0x4b4: {  	v2 =	vld [tilespmem:s0+$0x7680];
	_ =	sdelay $0x4  }
0x4b5: {  	(v2sf) =	vpush v2, $0x0;
	_ =	sdelay $0xe  }
0x4b6: {  	s30 =	spop (v2sf)  }
0x4b7: {  	s1 =	sor.u32 $0x1, s0;
	p0 =	sgt.s32 s30, $0xC  }
0x4b8: {  	s28 =	smov.u32 @p0 s0;
	s1 =	smov.u32 @p0 s11  }
0x4b9: {  	s0 =	sadd.s32 s28, s1  }
0x4ba: {  	s0 =	sshrl.u32 s0, $0x1  }
0x4bb: {  	v2 =	vld [tilespmem:s0+$0x7680];
	_ =	sdelay $0x4  }
0x4bc: {  	(v2sf) =	vpush v2, $0x0;
	_ =	sdelay $0xe  }
0x4bd: {  	s31 =	spop (v2sf)  }
0x4be: {  	s11 =	sadd.s32 $0x1, s0;
	p0 =	sgt.s32 s31, $0xC  }
0x4bf: {  	s28 =	smov.u32 @p0 s0;
	s11 =	smov.u32 @p0 s1  }
0x4c0: {  	s0 =	sxor.u32 s28, s11  }
0x4c1: {  	s1 =	sand.u32 s28, s11;
	s0 =	sshrl.u32 s0, $0x1  }
0x4c2: {  	s0 =	sadd.s32 s0, s1  }
0x4c3: {  	v2 =	vld [tilespmem:s0+$0x7680];
	_ =	sdelay $0x4  }
0x4c4: {  	(v2sf) =	vpush v2, $0x0;
	_ =	sdelay $0xe  }
0x4c5: {  	s5 =	spop (v2sf)  }
0x4c6: {  	s1 =	sadd.s32 $0x1, s0;
	p0 =	sgt.s32 s5, $0xC  }
0x4c7: {  	s28 =	smov.u32 @p0 s0;
	s1 =	smov.u32 @p0 s11  }
0x4c8: {  	s0 =	sadd.s32 s28, s1  }
0x4c9: {  	s0 =	sshrl.u32 s0, $0x1  }
0x4ca: {  	v2 =	vld [tilespmem:s0+$0x7680];
	_ =	sdelay $0x4  }
0x4cb: {  	(v2sf) =	vpush v2, $0x0;
	_ =	sdelay $0xe  }
0x4cc: {  	s6 =	spop (v2sf)  }
0x4cd: {  	s11 =	sadd.s32 $0x1, s0;
	p0 =	sgt.s32 s6, $0xC  }
0x4ce: {  	s28 =	smov.u32 @p0 s0;
	s11 =	smov.u32 @p0 s1  }
0x4cf: {  	s0 =	sadd.s32 s28, s11  }
0x4d0: {  	s0 =	sshrl.u32 s0, $0x1  }
0x4d1: {  	v2 =	vld [tilespmem:s0+$0x7680];
	_ =	sdelay $0x4  }
0x4d2: {  	(v2sf) =	vpush v2, $0x0;
	_ =	sdelay $0xe  }
0x4d3: {  	s14 =	spop (v2sf)  }
0x4d4: {  	s1 =	sadd.s32 $0x1, s0;
	p0 =	sgt.s32 s14, $0xC  }
0x4d5: {  	s28 =	smov.u32 @p0 s0;
	s1 =	smov.u32 @p0 s11  }
0x4d6: {  	s0 =	sadd.s32 s28, s1  }
0x4d7: {  	s0 =	sshrl.u32 s0, $0x1  }
0x4d8: {  	v2 =	vld [tilespmem:s0+$0x7680];
	_ =	sdelay $0x4  }
0x4d9: {  	(v2sf) =	vpush v2, $0x0;
	_ =	sdelay $0xe  }
0x4da: {  	s20 =	spop (v2sf)  }
0x4db: {  	s11 =	sadd.s32 $0x1, s0;
	p0 =	sgt.s32 s20, $0xC  }
0x4dc: {  	s28 =	smov.u32 @p0 s0;
	s11 =	smov.u32 @p0 s1  }
0x4dd: {  	s0 =	sadd.s32 s28, s11  }
0x4de: {  	s0 =	sshrl.u32 s0, $0x1  }
0x4df: {  	v2 =	vld [tilespmem:s0+$0x7680];
	_ =	sdelay $0x4  }
0x4e0: {  	(v2sf) =	vpush v2, $0x0;
	_ =	sdelay $0xe  }
0x4e1: {  	s21 =	spop (v2sf)  }
0x4e2: {  	s1 =	sadd.s32 $0x1, s0;
	p0 =	sgt.s32 s21, $0xC  }
0x4e3: {  	s28 =	smov.u32 @p0 s0;
	s1 =	smov.u32 @p0 s11  }
0x4e4: {  	s0 =	sadd.s32 s28, s1  }
0x4e5: {  	s0 =	sshrl.u32 s0, $0x1  }
0x4e6: {  	v2 =	vld [tilespmem:s0+$0x7680];
	_ =	sdelay $0x4  }
0x4e7: {  	(v2sf) =	vpush v2, $0x0;
	_ =	sdelay $0xe  }
0x4e8: {  	s23 =	spop (v2sf)  }
0x4e9: {  	s11 =	sadd.s32 $0x1, s0;
	p0 =	sgt.s32 s23, $0xC  }
0x4ea: {  	s28 =	smov.u32 @p0 s0;
	s11 =	smov.u32 @p0 s1  }
0x4eb: {  	s0 =	sadd.s32 s28, s11  }
0x4ec: {  	s0 =	sshrl.u32 s0, $0x1  }
0x4ed: {  	v2 =	vld [tilespmem:s0+$0x7680];
	_ =	sdelay $0x4  }
0x4ee: {  	(v2sf) =	vpush v2, $0x0;
	_ =	sdelay $0xe  }
0x4ef: {  	s26 =	spop (v2sf)  }
0x4f0: {  	s1 =	sadd.s32 $0x1, s0;
	p0 =	sgt.s32 s26, $0xC  }
0x4f1: {  	s28 =	smov.u32 @p0 s0;
	s1 =	smov.u32 @p0 s11  }
0x4f2: {  	s0 =	sadd.s32 s28, s1  }
0x4f3: {  	s0 =	sshrl.u32 s0, $0x1  }
0x4f4: {  	v2 =	vld [tilespmem:s0+$0x7680];
	_ =	sdelay $0x4  }
0x4f5: {  	(v2sf) =	vpush v2, $0x0;
	_ =	sdelay $0xe  }
0x4f6: {  	s30 =	spop (v2sf)  }
0x4f7: {  	s11 =	sadd.s32 $0x1, s0;
	p0 =	sgt.s32 s30, $0xC  }
0x4f8: {  	s28 =	smov.u32 @p0 s0;
	s11 =	smov.u32 @p0 s1  }
0x4f9: {  	s0 =	sadd.s32 s28, s11  }
0x4fa: {  	s0 =	sshrl.u32 s0, $0x1  }
0x4fb: {  	v2 =	vld [tilespmem:s0+$0x7680];
	_ =	sdelay $0x4  }
0x4fc: {  	(v2sf) =	vpush v2, $0x0;
	_ =	sdelay $0xe  }
0x4fd: {  	s31 =	spop (v2sf)  }
0x4fe: {  	s1 =	sadd.s32 $0x1, s0;
	p0 =	sgt.s32 s31, $0xC  }
0x4ff: {  	s28 =	smov.u32 @p0 s0;
	s1 =	smov.u32 @p0 s11  }
0x500: {  	s0 =	sadd.s32 s28, s1  }
0x501: {  	p0 =	sgt.s32 s16, $0xD;
	s1 =	sshrl.u32 s0, $0x1;
	s0 =	simm.s32 $0x9C4  }
0x502: {  	v2 =	vld [tilespmem:s1+$0x7680];
	s0 =	simm.s32 @!p0 $0x1D4C  }
0x503: {  	v3 =	vld [tilespmem:s0+$0x7680];
	_ =	sdelay $0x3  }
0x504: {  	(v2sf) =	vpush v2, $0x0  }
0x505: {  	(v2sf) =	vpush v3, $0x0;
	_ =	sdelay $0xd  }
0x506: {  	s20 =	simm.s32 $0x1388;
	s23 =	spop (v2sf)  }
0x507: {  	s11 =	simm.s32 $0x0;
	s20 =	simm.s32 @!p0 $0x2710;
	s5 =	spop (v2sf)  }
0x508: {  	s11 =	simm.s32 @!p0 $0x1389;
	s14 =	sor.u32 $0x1, s0;
	p1 =	sgt.s32 s5, $0xD  }
0x509: {  	s20 =	smov.u32 @p1 s0;
	s14 =	smov.u32 @p1 s11  }
0x50a: {  	s0 =	sadd.s32 s14, s20  }
0x50b: {  	s0 =	sshrl.u32 s0, $0x1  }
0x50c: {  	v2 =	vld [tilespmem:s0+$0x7680];
	_ =	sdelay $0x4  }
0x50d: {  	(v2sf) =	vpush v2, $0x0;
	_ =	sdelay $0xe  }
0x50e: {  	s6 =	spop (v2sf)  }
0x50f: {  	s11 =	sor.u32 $0x1, s0;
	p0 =	sgt.s32 s6, $0xD  }
0x510: {  	s20 =	smov.u32 @p0 s0;
	s11 =	smov.u32 @p0 s14  }
0x511: {  	s0 =	sadd.s32 s20, s11  }
0x512: {  	s0 =	sshrl.u32 s0, $0x1  }
0x513: {  	v2 =	vld [tilespmem:s0+$0x7680];
	_ =	sdelay $0x4  }
0x514: {  	(v2sf) =	vpush v2, $0x0;
	_ =	sdelay $0xe  }
0x515: {  	s21 =	spop (v2sf)  }
0x516: {  	s14 =	sadd.s32 $0x1, s0;
	p0 =	sgt.s32 s21, $0xD  }
0x517: {  	s20 =	smov.u32 @p0 s0;
	s14 =	smov.u32 @p0 s11  }
0x518: {  	s0 =	sxor.u32 s20, s14  }
0x519: {  	s11 =	sand.u32 s20, s14;
	s0 =	sshrl.u32 s0, $0x1  }
0x51a: {  	s0 =	sadd.s32 s0, s11  }
0x51b: {  	v2 =	vld [tilespmem:s0+$0x7680];
	_ =	sdelay $0x4  }
0x51c: {  	(v2sf) =	vpush v2, $0x0;
	_ =	sdelay $0xe  }
0x51d: {  	s26 =	spop (v2sf)  }
0x51e: {  	s11 =	sadd.s32 $0x1, s0;
	p0 =	sgt.s32 s26, $0xD  }
0x51f: {  	s20 =	smov.u32 @p0 s0;
	s11 =	smov.u32 @p0 s14  }
0x520: {  	s0 =	sadd.s32 s20, s11  }
0x521: {  	s0 =	sshrl.u32 s0, $0x1  }
0x522: {  	v2 =	vld [tilespmem:s0+$0x7680];
	_ =	sdelay $0x4  }
0x523: {  	(v2sf) =	vpush v2, $0x0;
	_ =	sdelay $0xe  }
0x524: {  	s30 =	spop (v2sf)  }
0x525: {  	s14 =	sadd.s32 $0x1, s0;
	p0 =	sgt.s32 s30, $0xD  }
0x526: {  	s20 =	smov.u32 @p0 s0;
	s14 =	smov.u32 @p0 s11  }
0x527: {  	s0 =	sadd.s32 s20, s14  }
0x528: {  	s0 =	sshrl.u32 s0, $0x1  }
0x529: {  	v2 =	vld [tilespmem:s0+$0x7680];
	_ =	sdelay $0x4  }
0x52a: {  	(v2sf) =	vpush v2, $0x0;
	_ =	sdelay $0xe  }
0x52b: {  	s31 =	spop (v2sf)  }
0x52c: {  	s11 =	sadd.s32 $0x1, s0;
	p0 =	sgt.s32 s31, $0xD  }
0x52d: {  	s20 =	smov.u32 @p0 s0;
	s11 =	smov.u32 @p0 s14  }
0x52e: {  	s0 =	sadd.s32 s20, s11  }
0x52f: {  	s0 =	sshrl.u32 s0, $0x1  }
0x530: {  	v2 =	vld [tilespmem:s0+$0x7680];
	_ =	sdelay $0x4  }
0x531: {  	(v2sf) =	vpush v2, $0x0;
	_ =	sdelay $0xe  }
0x532: {  	s5 =	spop (v2sf)  }
0x533: {  	s14 =	sadd.s32 $0x1, s0;
	p0 =	sgt.s32 s5, $0xD  }
0x534: {  	s20 =	smov.u32 @p0 s0;
	s14 =	smov.u32 @p0 s11  }
0x535: {  	s0 =	sadd.s32 s20, s14  }
0x536: {  	s0 =	sshrl.u32 s0, $0x1  }
0x537: {  	v2 =	vld [tilespmem:s0+$0x7680];
	_ =	sdelay $0x4  }
0x538: {  	(v2sf) =	vpush v2, $0x0;
	_ =	sdelay $0xe  }
0x539: {  	s6 =	spop (v2sf)  }
0x53a: {  	s11 =	sadd.s32 $0x1, s0;
	p0 =	sgt.s32 s6, $0xD  }
0x53b: {  	s20 =	smov.u32 @p0 s0;
	s11 =	smov.u32 @p0 s14  }
0x53c: {  	s0 =	sadd.s32 s20, s11  }
0x53d: {  	s0 =	sshrl.u32 s0, $0x1  }
0x53e: {  	v2 =	vld [tilespmem:s0+$0x7680];
	_ =	sdelay $0x4  }
0x53f: {  	(v2sf) =	vpush v2, $0x0;
	_ =	sdelay $0xe  }
0x540: {  	s21 =	spop (v2sf)  }
0x541: {  	s14 =	sadd.s32 $0x1, s0;
	p0 =	sgt.s32 s21, $0xD  }
0x542: {  	s20 =	smov.u32 @p0 s0;
	s14 =	smov.u32 @p0 s11  }
0x543: {  	s0 =	sadd.s32 s20, s14  }
0x544: {  	s0 =	sshrl.u32 s0, $0x1  }
0x545: {  	v2 =	vld [tilespmem:s0+$0x7680];
	_ =	sdelay $0x4  }
0x546: {  	(v2sf) =	vpush v2, $0x0;
	_ =	sdelay $0xe  }
0x547: {  	s26 =	spop (v2sf)  }
0x548: {  	s11 =	sadd.s32 $0x1, s0;
	p0 =	sgt.s32 s26, $0xD  }
0x549: {  	s20 =	smov.u32 @p0 s0;
	s11 =	smov.u32 @p0 s14  }
0x54a: {  	s0 =	sadd.s32 s20, s11  }
0x54b: {  	s0 =	sshrl.u32 s0, $0x1  }
0x54c: {  	v2 =	vld [tilespmem:s0+$0x7680];
	_ =	sdelay $0x4  }
0x54d: {  	(v2sf) =	vpush v2, $0x0;
	_ =	sdelay $0xe  }
0x54e: {  	s30 =	spop (v2sf)  }
0x54f: {  	s14 =	sadd.s32 $0x1, s0;
	p0 =	sgt.s32 s30, $0xD  }
0x550: {  	s20 =	smov.u32 @p0 s0;
	s14 =	smov.u32 @p0 s11  }
0x551: {  	s0 =	sadd.s32 s20, s14  }
0x552: {  	s0 =	sshrl.u32 s0, $0x1  }
0x553: {  	v2 =	vld [tilespmem:s0+$0x7680];
	_ =	sdelay $0x4  }
0x554: {  	(v2sf) =	vpush v2, $0x0;
	_ =	sdelay $0xe  }
0x555: {  	s31 =	spop (v2sf)  }
0x556: {  	s11 =	sadd.s32 $0x1, s0;
	p0 =	sgt.s32 s31, $0xD  }
0x557: {  	s20 =	smov.u32 @p0 s0;
	s11 =	smov.u32 @p0 s14  }
0x558: {  	s0 =	sadd.s32 s20, s11  }
0x559: {  	p0 =	sgt.s32 s16, $0xE;
	s11 =	sshrl.u32 s0, $0x1;
	s0 =	simm.s32 $0x9C4  }
0x55a: {  	v2 =	vld [tilespmem:s11+$0x7680];
	s0 =	simm.s32 @!p0 $0x1D4C  }
0x55b: {  	v3 =	vld [tilespmem:s0+$0x7680];
	_ =	sdelay $0x3  }
0x55c: {  	(v2sf) =	vpush v2, $0x0  }
0x55d: {  	(v2sf) =	vpush v3, $0x0;
	_ =	sdelay $0xd  }
0x55e: {  	s26 =	simm.s32 $0x1388;
	s30 =	spop (v2sf)  }
0x55f: {  	s14 =	simm.s32 $0x0;
	s26 =	simm.s32 @!p0 $0x2710;
	s5 =	spop (v2sf)  }
0x560: {  	s14 =	simm.s32 @!p0 $0x1389;
	s21 =	sor.u32 $0x1, s0;
	p1 =	sgt.s32 s5, $0xE  }
0x561: {  	s26 =	smov.u32 @p1 s0;
	s21 =	smov.u32 @p1 s14  }
0x562: {  	s0 =	sadd.s32 s21, s26  }
0x563: {  	s0 =	sshrl.u32 s0, $0x1  }
0x564: {  	v2 =	vld [tilespmem:s0+$0x7680];
	_ =	sdelay $0x4  }
0x565: {  	(v2sf) =	vpush v2, $0x0;
	_ =	sdelay $0xe  }
0x566: {  	s6 =	spop (v2sf)  }
0x567: {  	s14 =	sor.u32 $0x1, s0;
	p0 =	sgt.s32 s6, $0xE  }
0x568: {  	s26 =	smov.u32 @p0 s0;
	s14 =	smov.u32 @p0 s21  }
0x569: {  	s0 =	sadd.s32 s26, s14  }
0x56a: {  	s0 =	sshrl.u32 s0, $0x1  }
0x56b: {  	v2 =	vld [tilespmem:s0+$0x7680];
	_ =	sdelay $0x4  }
0x56c: {  	(v2sf) =	vpush v2, $0x0;
	_ =	sdelay $0xe  }
0x56d: {  	s31 =	spop (v2sf)  }
0x56e: {  	s21 =	sadd.s32 $0x1, s0;
	p0 =	sgt.s32 s31, $0xE  }
0x56f: {  	s26 =	smov.u32 @p0 s0;
	s21 =	smov.u32 @p0 s14  }
0x570: {  	s0 =	sxor.u32 s26, s21  }
0x571: {  	s14 =	sand.u32 s26, s21;
	s0 =	sshrl.u32 s0, $0x1  }
0x572: {  	s0 =	sadd.s32 s0, s14  }
0x573: {  	v2 =	vld [tilespmem:s0+$0x7680];
	_ =	sdelay $0x4  }
0x574: {  	(v2sf) =	vpush v2, $0x0;
	_ =	sdelay $0xe  }
0x575: {  	s5 =	spop (v2sf)  }
0x576: {  	s14 =	sadd.s32 $0x1, s0;
	p0 =	sgt.s32 s5, $0xE  }
0x577: {  	s26 =	smov.u32 @p0 s0;
	s14 =	smov.u32 @p0 s21  }
0x578: {  	s0 =	sadd.s32 s26, s14  }
0x579: {  	s0 =	sshrl.u32 s0, $0x1  }
0x57a: {  	v2 =	vld [tilespmem:s0+$0x7680];
	_ =	sdelay $0x4  }
0x57b: {  	(v2sf) =	vpush v2, $0x0;
	_ =	sdelay $0xe  }
0x57c: {  	s6 =	spop (v2sf)  }
0x57d: {  	s21 =	sadd.s32 $0x1, s0;
	p0 =	sgt.s32 s6, $0xE  }
0x57e: {  	s26 =	smov.u32 @p0 s0;
	s21 =	smov.u32 @p0 s14  }
0x57f: {  	s0 =	sadd.s32 s26, s21  }
0x580: {  	s0 =	sshrl.u32 s0, $0x1  }
0x581: {  	v2 =	vld [tilespmem:s0+$0x7680];
	_ =	sdelay $0x4  }
0x582: {  	(v2sf) =	vpush v2, $0x0;
	_ =	sdelay $0xe  }
0x583: {  	s31 =	spop (v2sf)  }
0x584: {  	s14 =	sadd.s32 $0x1, s0;
	p0 =	sgt.s32 s31, $0xE  }
0x585: {  	s26 =	smov.u32 @p0 s0;
	s14 =	smov.u32 @p0 s21  }
0x586: {  	s0 =	sadd.s32 s26, s14  }
0x587: {  	s0 =	sshrl.u32 s0, $0x1  }
0x588: {  	v2 =	vld [tilespmem:s0+$0x7680];
	_ =	sdelay $0x4  }
0x589: {  	(v2sf) =	vpush v2, $0x0;
	_ =	sdelay $0xe  }
0x58a: {  	s5 =	spop (v2sf)  }
0x58b: {  	s21 =	sadd.s32 $0x1, s0;
	p0 =	sgt.s32 s5, $0xE  }
0x58c: {  	s26 =	smov.u32 @p0 s0;
	s21 =	smov.u32 @p0 s14  }
0x58d: {  	s0 =	sadd.s32 s26, s21  }
0x58e: {  	s0 =	sshrl.u32 s0, $0x1  }
0x58f: {  	v2 =	vld [tilespmem:s0+$0x7680];
	_ =	sdelay $0x4  }
0x590: {  	(v2sf) =	vpush v2, $0x0;
	_ =	sdelay $0xe  }
0x591: {  	s6 =	spop (v2sf)  }
0x592: {  	s14 =	sadd.s32 $0x1, s0;
	p0 =	sgt.s32 s6, $0xE  }
0x593: {  	s26 =	smov.u32 @p0 s0;
	s14 =	smov.u32 @p0 s21  }
0x594: {  	s0 =	sadd.s32 s26, s14  }
0x595: {  	s0 =	sshrl.u32 s0, $0x1  }
0x596: {  	v2 =	vld [tilespmem:s0+$0x7680];
	_ =	sdelay $0x4  }
0x597: {  	(v2sf) =	vpush v2, $0x0;
	_ =	sdelay $0xe  }
0x598: {  	s31 =	spop (v2sf)  }
0x599: {  	s21 =	sadd.s32 $0x1, s0;
	p0 =	sgt.s32 s31, $0xE  }
0x59a: {  	s26 =	smov.u32 @p0 s0;
	s21 =	smov.u32 @p0 s14  }
0x59b: {  	s0 =	sadd.s32 s26, s21  }
0x59c: {  	s0 =	sshrl.u32 s0, $0x1  }
0x59d: {  	v2 =	vld [tilespmem:s0+$0x7680];
	_ =	sdelay $0x4  }
0x59e: {  	(v2sf) =	vpush v2, $0x0;
	_ =	sdelay $0xe  }
0x59f: {  	s5 =	spop (v2sf)  }
0x5a0: {  	s14 =	sadd.s32 $0x1, s0;
	p0 =	sgt.s32 s5, $0xE  }
0x5a1: {  	s26 =	smov.u32 @p0 s0;
	s14 =	smov.u32 @p0 s21  }
0x5a2: {  	s0 =	sadd.s32 s26, s14  }
0x5a3: {  	s0 =	sshrl.u32 s0, $0x1  }
0x5a4: {  	v2 =	vld [tilespmem:s0+$0x7680];
	_ =	sdelay $0x4  }
0x5a5: {  	(v2sf) =	vpush v2, $0x0;
	_ =	sdelay $0xe  }
0x5a6: {  	s6 =	spop (v2sf)  }
0x5a7: {  	s21 =	sadd.s32 $0x1, s0;
	p0 =	sgt.s32 s6, $0xE  }
0x5a8: {  	s26 =	smov.u32 @p0 s0;
	s21 =	smov.u32 @p0 s14  }
0x5a9: {  	s0 =	sadd.s32 s26, s21  }
0x5aa: {  	s0 =	sshrl.u32 s0, $0x1  }
0x5ab: {  	v2 =	vld [tilespmem:s0+$0x7680];
	_ =	sdelay $0x4  }
0x5ac: {  	(v2sf) =	vpush v2, $0x0;
	_ =	sdelay $0xe  }
0x5ad: {  	s31 =	spop (v2sf)  }
0x5ae: {  	s14 =	sadd.s32 $0x1, s0;
	p0 =	sgt.s32 s31, $0xE  }
0x5af: {  	s26 =	smov.u32 @p0 s0;
	s14 =	smov.u32 @p0 s21  }
0x5b0: {  	s0 =	sadd.s32 s26, s14  }
0x5b1: {  	p0 =	sgt.s32 s16, $0xF;
	s21 =	simm.s32 $0x9C4;
	s16 =	sshrl.u32 s0, $0x1  }
0x5b2: {  	s21 =	simm.s32 @!p0 $0x1D4C;
	v2 =	vld [tilespmem:s16+$0x7680]  }
0x5b3: {  	v3 =	vld [tilespmem:s21+$0x7680];
	_ =	sdelay $0x3  }
0x5b4: {  	(v2sf) =	vpush v2, $0x0  }
0x5b5: {  	(v2sf) =	vpush v3, $0x0;
	_ =	sdelay $0xd  }
0x5b6: {  	s14 =	spop (v2sf)  }
0x5b7: {  	s5 =	spop (v2sf)  }
0x5b8: {  	s0 =	simm.s32 $0x1388;
	p1 =	sgt.s32 s5, $0xF;
	s5 =	simm.s32 $0x0  }
0x5b9: {  	s31 =	sor.u32 $0x1, s21;
	s0 =	simm.s32 @!p0 $0x2710;
	s5 =	simm.s32 @!p0 $0x1389  }
0x5ba: {  	s0 =	smov.u32 @p1 s21;
	s31 =	smov.u32 @p1 s5  }
0x5bb: {  	s5 =	sadd.s32 s31, s0  }
0x5bc: {  	s5 =	sshrl.u32 s5, $0x1  }
0x5bd: {  	v2 =	vld [tilespmem:s5+$0x7680];
	_ =	sdelay $0x4  }
0x5be: {  	(v2sf) =	vpush v2, $0x0;
	_ =	sdelay $0xe  }
0x5bf: {  	s6 =	spop (v2sf)  }
0x5c0: {  	s21 =	sor.u32 $0x1, s5;
	p0 =	sgt.s32 s6, $0xF  }
0x5c1: {  	s0 =	smov.u32 @p0 s5;
	s21 =	smov.u32 @p0 s31  }
0x5c2: {  	s5 =	sadd.s32 s0, s21  }
0x5c3: {  	s5 =	sshrl.u32 s5, $0x1  }
0x5c4: {  	v2 =	vld [tilespmem:s5+$0x7680];
	_ =	sdelay $0x4  }
0x5c5: {  	(v2sf) =	vpush v2, $0x0;
	_ =	sdelay $0xe  }
0x5c6: {  	s6 =	spop (v2sf)  }
0x5c7: {  	s31 =	sadd.s32 $0x1, s5;
	p0 =	sgt.s32 s6, $0xF  }
0x5c8: {  	s0 =	smov.u32 @p0 s5;
	s31 =	smov.u32 @p0 s21  }
0x5c9: {  	s5 =	sxor.u32 s0, s31  }
0x5ca: {  	s21 =	sand.u32 s0, s31;
	s5 =	sshrl.u32 s5, $0x1  }
0x5cb: {  	s5 =	sadd.s32 s5, s21  }
0x5cc: {  	v2 =	vld [tilespmem:s5+$0x7680];
	_ =	sdelay $0x4  }
0x5cd: {  	(v2sf) =	vpush v2, $0x0;
	_ =	sdelay $0xe  }
0x5ce: {  	s6 =	spop (v2sf)  }
0x5cf: {  	s21 =	sadd.s32 $0x1, s5;
	p0 =	sgt.s32 s6, $0xF  }
0x5d0: {  	s0 =	smov.u32 @p0 s5;
	s21 =	smov.u32 @p0 s31  }
0x5d1: {  	s5 =	sadd.s32 s0, s21  }
0x5d2: {  	s5 =	sshrl.u32 s5, $0x1  }
0x5d3: {  	v2 =	vld [tilespmem:s5+$0x7680];
	_ =	sdelay $0x4  }
0x5d4: {  	(v2sf) =	vpush v2, $0x0;
	_ =	sdelay $0xe  }
0x5d5: {  	s6 =	spop (v2sf)  }
0x5d6: {  	s31 =	sadd.s32 $0x1, s5;
	p0 =	sgt.s32 s6, $0xF  }
0x5d7: {  	s0 =	smov.u32 @p0 s5;
	s31 =	smov.u32 @p0 s21  }
0x5d8: {  	s5 =	sadd.s32 s0, s31  }
0x5d9: {  	s5 =	sshrl.u32 s5, $0x1  }
0x5da: {  	v2 =	vld [tilespmem:s5+$0x7680];
	_ =	sdelay $0x4  }
0x5db: {  	(v2sf) =	vpush v2, $0x0;
	_ =	sdelay $0xe  }
0x5dc: {  	s6 =	spop (v2sf)  }
0x5dd: {  	s21 =	sadd.s32 $0x1, s5;
	p0 =	sgt.s32 s6, $0xF  }
0x5de: {  	s0 =	smov.u32 @p0 s5;
	s21 =	smov.u32 @p0 s31  }
0x5df: {  	s5 =	sadd.s32 s0, s21  }
0x5e0: {  	s5 =	sshrl.u32 s5, $0x1  }
0x5e1: {  	v2 =	vld [tilespmem:s5+$0x7680];
	_ =	sdelay $0x4  }
0x5e2: {  	(v2sf) =	vpush v2, $0x0;
	_ =	sdelay $0xe  }
0x5e3: {  	s6 =	spop (v2sf)  }
0x5e4: {  	s31 =	sadd.s32 $0x1, s5;
	p0 =	sgt.s32 s6, $0xF  }
0x5e5: {  	s0 =	smov.u32 @p0 s5;
	s31 =	smov.u32 @p0 s21  }
0x5e6: {  	s5 =	sadd.s32 s0, s31  }
0x5e7: {  	s5 =	sshrl.u32 s5, $0x1  }
0x5e8: {  	v2 =	vld [tilespmem:s5+$0x7680];
	_ =	sdelay $0x4  }
0x5e9: {  	(v2sf) =	vpush v2, $0x0;
	_ =	sdelay $0xe  }
0x5ea: {  	s6 =	spop (v2sf)  }
0x5eb: {  	s21 =	sadd.s32 $0x1, s5;
	p0 =	sgt.s32 s6, $0xF  }
0x5ec: {  	s0 =	smov.u32 @p0 s5;
	s21 =	smov.u32 @p0 s31  }
0x5ed: {  	s5 =	sadd.s32 s0, s21  }
0x5ee: {  	s5 =	sshrl.u32 s5, $0x1  }
0x5ef: {  	v2 =	vld [tilespmem:s5+$0x7680];
	_ =	sdelay $0x4  }
0x5f0: {  	(v2sf) =	vpush v2, $0x0;
	_ =	sdelay $0xe  }
0x5f1: {  	s6 =	spop (v2sf)  }
0x5f2: {  	s31 =	sadd.s32 $0x1, s5;
	p0 =	sgt.s32 s6, $0xF  }
0x5f3: {  	s0 =	smov.u32 @p0 s5;
	s31 =	smov.u32 @p0 s21  }
0x5f4: {  	s5 =	sadd.s32 s0, s31  }
0x5f5: {  	s5 =	sshrl.u32 s5, $0x1  }
0x5f6: {  	v2 =	vld [tilespmem:s5+$0x7680];
	_ =	sdelay $0x4  }
0x5f7: {  	(v2sf) =	vpush v2, $0x0;
	_ =	sdelay $0xe  }
0x5f8: {  	s6 =	spop (v2sf)  }
0x5f9: {  	s21 =	sadd.s32 $0x1, s5;
	p0 =	sgt.s32 s6, $0xF  }
0x5fa: {  	s0 =	smov.u32 @p0 s5;
	s21 =	smov.u32 @p0 s31  }
0x5fb: {  	s5 =	sadd.s32 s0, s21  }
0x5fc: {  	s5 =	sshrl.u32 s5, $0x1  }
0x5fd: {  	v2 =	vld [tilespmem:s5+$0x7680];
	_ =	sdelay $0x4  }
0x5fe: {  	(v2sf) =	vpush v2, $0x0;
	_ =	sdelay $0xe  }
0x5ff: {  	s6 =	spop (v2sf)  }
0x600: {  	s31 =	sadd.s32 $0x1, s5;
	p0 =	sgt.s32 s6, $0xF  }
0x601: {  	s0 =	smov.u32 @p0 s5;
	s31 =	smov.u32 @p0 s21  }
0x602: {  	s5 =	sadd.s32 s0, s31  }
0x603: {  	s5 =	sshrl.u32 s5, $0x1  }
0x604: {  	v2 =	vld [tilespmem:s5+$0x7680];
	_ =	sdelay $0x4  }
0x605: {  	(v2sf) =	vpush v2, $0x0;
	_ =	sdelay $0xe  }
0x606: {  	[smem:$0x3] =	sst s17;
	s6 =	spop (v2sf)  }
0x607: {  	p0 =	sgt.s32 s6, $0xF;
	s6 =	rddreg [dreg:$0x9]  }
0x608: {  	s21 =	sadd.s32 $0x1, s5;
	s0 =	smov.u32 @p0 s5;
	s5 =	rddreg [dreg:$0x8]  }
0x609: {  	p1 =	sgt.s32 s6, $0x3;
	s21 =	smov.u32 @p0 s31;
	s31 =	rddreg [dreg:$0xb]  }
0x60a: {  	s6 =	rddreg [dreg:$0xa];
	s18 =	smov.u32 @p1 s5  }
0x60b: {  	p0 =	sgt.s32 s31, $0x4;
	[smem:$0x83] =	sst s18  }
0x60c: {  	s21 =	sadd.s32 s0, s21;
	s19 =	smov.u32 @p0 s6;
	s6 =	rddreg [dreg:$0xc]  }
0x60d: {  	s5 =	sshrl.u32 s21, $0x1;
	s21 =	rddreg [dreg:$0x11]  }
0x60e: {  	[smem:$0x4] =	sst s18  }
0x60f: {  	s18 =	rddreg [dreg:$0xd]  }
0x610: {  	[smem:$0x84] =	sst s19  }
0x611: {  	[smem:$0x5] =	sst s19  }
0x612: {  	p0 =	sgt.s32 s18, $0x5;
	s19 =	rddreg [dreg:$0xf]  }
0x613: {  	s22 =	smov.u32 @p0 s6;
	s6 =	rddreg [dreg:$0xe]  }
0x614: {  	[smem:$0x85] =	sst s22  }
0x615: {  	p0 =	sgt.s32 s19, $0x6;
	[smem:$0x6] =	sst s22  }
0x616: {  	v2 =	vld [tilespmem:s5+$0x7680];
	s25 =	smov.u32 @p0 s6;
	s6 =	rddreg [dreg:$0x10]  }
0x617: {  	s22 =	rddreg [dreg:$0x13]  }
0x618: {  	p0 =	sgt.s32 s21, $0x7;
	[smem:$0x86] =	sst s25  }
0x619: {  	s29 =	smov.u32 @p0 s6;
	s6 =	rddreg [dreg:$0x12]  }
0x61a: {  	[smem:$0x7] =	sst s25  }
0x61b: {  	(v2sf) =	vpush v2, $0x0;
	s25 =	rddreg [dreg:$0x14]  }
0x61c: {  	[smem:$0x87] =	sst s29  }
0x61d: {  	p0 =	sgt.s32 s22, $0x8;
	[smem:$0x8] =	sst s29  }
0x61e: {  	s4 =	smov.u32 @p0 s6;
	s29 =	rddreg [dreg:$0x15]  }
0x61f: {  	p0 =	sgt.s32 s25, $0x9;
	[smem:$0x88] =	sst s4  }
0x620: {  	s3 =	smov.u32 @p0 s12;
	[smem:$0x9] =	sst s4  }
0x621: {  	p0 =	sgt.s32 s29, $0xA;
	[smem:$0x89] =	sst s3  }
0x622: {  	s13 =	smov.u32 @p0 s9;
	[smem:$0xA] =	sst s3  }
0x623: {  	p0 =	sgt.s32 s2, $0xB;
	[smem:$0x8A] =	sst s13  }
0x624: {  	s15 =	smov.u32 @p0 s24;
	[smem:$0xB] =	sst s13  }
0x625: {  	p0 =	sgt.s32 s23, $0xC;
	[smem:$0x8B] =	sst s15  }
0x626: {  	s28 =	smov.u32 @p0 s1;
	[smem:$0xC] =	sst s15  }
0x627: {  	p0 =	sgt.s32 s30, $0xD;
	[smem:$0x8C] =	sst s28  }
0x628: {  	s20 =	smov.u32 @p0 s11;
	[smem:$0xD] =	sst s28  }
.Ltmp2:
0x629: {  	p0 =	sgt.s32 s14, $0xE;
	[smem:$0x8D] =	sst s20;
	(pc) =	sbr.rel .LBB2_2-.Ltmp2, $4  }
0x62a: {  	s26 =	smov.u32 @p0 s16;
	[smem:$0xE] =	sst s20;
	s31 =	spop (v2sf)  }
0x62b: {  	[smem:$0x8E] =	sst s26;
	p0 =	sgt.s32 s31, $0xF  }
0x62c: {  	s17 =	simm.s32 $0xED00;
	s0 =	smov.u32 @p0 s5;
	[smem:$0xF] =	sst s26  }
0x62d: {  	s16 =	simm.s32 $0x0;
	[smem:$0x8F] =	sst s0;
	s0 =	simm.s32 $0x0  }
.LBB2_25:
0x62e: {  	s1 =	sshll.u32 s1, $0x3  }
0x62f: {  	s1 =	sadd.s32 s7, s1  }
0x630: {  	[hbm4b:s1+s16] =	stream.linear.scatter [tilespmem:s17], [sflag:$0x1], $0x400, $0x38;
	[tilespmem:$0xF180] =	vst v63  }
0x631: {  	_ =	swait.ge [sflag:s10], $0x400  }
0x632: {  	[sflag:s10] =	ssyncset.done $0x0  }
0x633: {  	[sflag:s10] =	ssyncadd.s32 $0xFFFFFC00  }
.LBB2_26:
0x634: {  	s0 =	sadd.s32 $0x1, s0  }
0x635: {  	p0 =	sne.s32 s0, $0x14  }
.Ltmp3:
0x636: {  	_ = 	snop;
	(pc) =	sbr.rel @!p0 .LBB2_27-.Ltmp3, $1  }
0x637: {  	_ =	sdelay $0x3  }
.LBB2_2:
0x638: {  	s1 =	sshll.u32 s0, $0x4  }
0x639: {  	s1 =	sadd.s32 s8, s1  }
0x63a: {  	p0 =	sgt.u32 s1, $0x270F  }
.Ltmp4:
0x63b: {  	_ = 	snop;
	(pc) =	sbr.rel @p0 .LBB2_26-.Ltmp4, $4  }
.Ltmp5:
0x63c: {  	_ = 	snop;
	(pc) =	sbr.rel @!p0 .LBB2_3-.Ltmp5, $4  }
0x63d: {  	_ = 	snop  }
0x63e: {  	_ = 	snop  }
0x63f: {  	s2 =	simm.s32 $0x0  }
0x640: {  	_ = 	snop  }
.LBB2_17:
0x641: {  	s12 =	simm.s32 $0x0  }
0x642: {  	s13 =	simm.s32 $0xC580;
	s9 =	simm.s32 $0x9E00;
	s11 =	simm.s32 $0x0  }
.LBB2_23:
0x643: {  	s5 =	sadd.s32 @p1 s12, s15;
	s12 =	simm.s32 $0x0  }
0x644: {  	v5, _, _ =	vpop @p0 (xrf0);
	s12 =	smov.u32 @p1 s5  }
0x645: {  	v5 =	vadd.s32 @p0 s12, v5  }
0x646: {  	s5 =	sadd.s32 @p1 $0x10, s13;
	s13 =	simm.s32 $0xC580;
	vm1 =	vlt.s32 @p0 v5, $0x41  }
0x647: {  	s13 =	smov.u32 @p1 s5;
	vm0 =	vmand @p0 vm0, vm1  }
0x648: {  	v5 =	vld @p0 [tilespmem:s13+$0x0];
	v6 =	vmpcnt.ones.xlane @p0 vm0;
	_ =	sdelay $0x1  }
0x649: {  	(v2sf) =	vpush @p0 v6, $0x0;
	_ =	sdelay $0x1  }
0x64a: {  	s5 =	sadd.s32 @p0 $0x10, s9  }
0x64b: {  	s6 =	smov.u32 @p0 s5;
	[tilespmem:v3+s12+$0x0 ss:$0x1] =	vst.idx.msk @p0 vm0, v5  }
0x64c: {  	v5 =	vld [tilespmem:s6+$0x0];
	_ =	sdelay $0x1  }
0x64d: {  	s5 =	sadd.s32 @p0 $0x10, s11;
	s6 =	simm.s32 $0x0  }
0x64e: {  	s6 =	smov.u32 @p0 s5  }
0x64f: {  	v63 =	vor.u32 s6, v0  }
0x650: {  	vm14 =	vlt.s32 v63, v2;
	vm13 =	vle.s32 v5, v4  }
0x651: {  	vm0 =	vmand vm14, vm13  }
0x652: {  	v2 =	vsel vm0, $0x1, v1  }
0x653: {  	(xrf0) =	vadd.scan.msk.s32 $0xffff, v2;
	_ =	sdelay $0x2  }
0x654: {  	s5 =	spop @p0 (v2sf)  }
0x655: {  	s5 =	smov.u32 @p0 s5  }
0x656: {  	s5 =	sadd.s32 @p0 s12, s5  }
0x657: {  	v2, _, _ =	vpop (xrf0);
	s3 =	smov.u32 @p0 s5  }
0x658: {  	v2 =	vadd.s32 s3, v2  }
0x659: {  	vm15 =	vlt.s32 v2, $0x41  }
0x65a: {  	vm0 =	vmand vm0, vm15  }
0x65b: {  	v2 =	vmpcnt.ones.xlane vm0;
	_ =	sdelay $0x1  }
0x65c: {  	(v2sf) =	vpush v2, $0x0;
	_ =	sdelay $0x7  }
0x65d: {  	s5 =	sadd.s32 @p0 $0x10, s13  }
0x65e: {  	s4 =	smov.u32 @p0 s5  }
0x65f: {  	v2 =	vld [tilespmem:s4+$0x0];
	_ =	sdelay $0x4  }
0x660: {  	[tilespmem:v3+s3+$0x0 ss:$0x1] =	vst.idx.msk vm0, v2;
	s31 =	spop (v2sf)  }
.LBB2_24:
0x661: {  	s2 =	sadd.s32 $0x1, s2  }
0x662: {  	p0 =	sne.s32 s2, $0x10  }
.Ltmp6:
0x663: {  	_ = 	snop;
	(pc) =	sbr.rel @!p0 .LBB2_25-.Ltmp6, $1  }
0x664: {  	_ =	sdelay $0x3  }
.LBB2_3:
0x665: {  	s3 =	sor.u32 s1, s2  }
0x666: {  	v2 =	vld [tilespmem:s3+$0x7680];
	_ =	sdelay $0x4  }
0x667: {  	(v2sf) =	vpush v2, $0x0;
	_ =	sdelay $0xe  }
0x668: {  	s4 =	spop (v2sf)  }
0x669: {  	s13 =	sld [smem:s4+$0x0]  }
0x66a: {  	s12 =	sld [smem:s4+$0x80];
	_ =	sdelay $0x1  }
0x66b: {  	s9 =	simm.s32 $0x1;
	s29 =	sshra.s32 s13, $0x1F  }
0x66c: {  	s5 =	sand.u32 $0xF, s13;
	s6 =	sadd.s32 $0xF, s12;
	p0 =	slt.s32 s13, $0x1  }
0x66d: {  	s4 =	sshrl.u32 s29, $0x1C;
	p1 =	sne.s32 s5, $0x0;
	s30 =	sand.u32 $0xF, s6  }
0x66e: {  	p6 =	slt.s32 s6, $0x1;
	s31 =	sshra.s32 s6, $0x1F;
	s4 =	sadd.s32 s4, s13  }
0x66f: {  	p0 =	por !p0, !p1;
	p2 =	sne.s32 s30, $0x0;
	s5 =	sshrl.u32 s31, $0x1C  }
0x670: {  	p1 =	por !p6, !p2;
	s4 =	sshra.s32 s4, $0x4;
	p0 =	por !p0, !p0  }
0x671: {  	s5 =	sadd.s32 s5, s6;
	s6 =	simm.s32 $0x1;
	p1 =	por !p1, !p1  }
0x672: {  	s9 =	simm.s32 @!p0 $0x0;
	s5 =	sshra.s32 s5, $0x4;
	s6 =	simm.s32 @!p1 $0x0  }
0x673: {  	s14 =	ssub.s32 s4, s9;
	s4 =	ssub.s32 s5, s6  }
0x674: {  	p0 =	sge.s32 s14, s4  }
.Ltmp7:
0x675: {  	_ = 	snop;
	(pc) =	sbr.rel @p0 .LBB2_7-.Ltmp7, $2  }
0x676: {  	_ =	sdelay $0x2  }
0x677: {  	s6 =	simm.s32 $0x0  }
0x678: {  	s5 =	sshll.u32 s14, $0x6;
	v2 =	vld.msk [tilespmem:s3+$0x0 ss:$0x0], $0xffff  }
0x679: {  	v3 =	vld.msk [tilespmem:s3+$0x2780 ss:$0x0], $0xffff;
	s6 =	sshra.s32 s5, $0x2  }
0x67a: {  	s5 =	sadd.s32 $0x2780, s6;
	v6 =	vld [tilespmem:s6+$0x0]  }
0x67b: {  	v5 =	vld [tilespmem:s5+$0x0]  }
0x67c: {  	v4 =	vld.msk [tilespmem:s3+$0x4F00 ss:$0x0], $0xffff;
	s9 =	sadd.s32 $0x4F00, s6  }
0x67d: {  	v7 =	vld [tilespmem:s9+$0x0];
	_ =	sdelay $0x2  }
0x67e: {  	v6 =	vsub.f32 v6, v2;
	v5 =	vsub.f32 v5, v3;
	_ =	sdelay $0x1  }
0x67f: {  	v7 =	vsub.f32 v7, v4;
	v6 =	vmul.f32 v6, v6;
	v5 =	vmul.f32 v5, v5;
	_ =	sdelay $0x1  }
0x680: {  	v5 =	vadd.f32 v5, v6;
	v6 =	vmul.f32 v7, v7;
	_ =	sdelay $0x1  }
0x681: {  	s11 =	sshll.u32 s14, $0x4;
	v7 =	vadd.f32 v6, v5;
	v5 =	vmov s13;
	s13 =	sadd.s32 $0x1, s14  }
0x682: {  	v8 =	vor.u32 s11, v0;
	p0 =	slt.s32 s13, s4  }
.Ltmp8:
0x683: {  	v6 =	vmov s12;
	vm1 =	vge.s32 v8, v5;
	vm0 =	vle.f32 v7, $6.399999860e-01;
	(pc) =	sbr.rel @!p0 .LBB2_6-.Ltmp8, $4  }
0x684: {  	vm15 =	vlt.s32 v8, v6;
	vm0 =	vmand vm1, vm0  }
0x685: {  	s12 =	simm.s32 $0x0;
	vm0 =	vmand vm15, vm0  }
0x686: {  	[tilespmem:s12+$0x9E00] =	vst.msk vm0, v7;
	v7 =	vmpcnt.ones.xlane vm0  }
0x687: {  	s14 =	sadd.s32 $0x10, s5;
	[tilespmem:s12+$0xC580] =	vst.msk vm0, v8  }
.LBB2_5:
0x688: {  	v8 =	vld [tilespmem:s14+$0x0];
	s6 =	sadd.s32 $0x10, s6;
	(v2sf) =	vpush v7, $0x0  }
0x689: {  	s13 =	sadd.s32 $0x1, s13;
	v7 =	vld [tilespmem:s6+$0x0]  }
0x68a: {  	s9 =	sadd.s32 $0x10, s9;
	p0 =	slt.s32 s13, s4  }
0x68b: {  	v9 =	vld [tilespmem:s9+$0x0];
	_ =	sdelay $0x2  }
0x68c: {  	v8 =	vsub.f32 v8, v3;
	v7 =	vsub.f32 v7, v2;
	_ =	sdelay $0x1  }
0x68d: {  	v8 =	vmul.f32 v8, v8;
	v9 =	vsub.f32 v9, v4;
	v7 =	vmul.f32 v7, v7;
	_ =	sdelay $0x1  }
0x68e: {  	v7 =	vadd.f32 v8, v7;
	v8 =	vmul.f32 v9, v9;
	_ =	sdelay $0x1  }
0x68f: {  	s11 =	sadd.s32 $0x10, s11;
	v7 =	vadd.f32 v8, v7  }
0x690: {  	v8 =	vor.u32 s11, v0  }
.Ltmp9:
0x691: {  	vm1 =	vge.s32 v8, v5;
	vm0 =	vle.f32 v7, $6.399999860e-01;
	(pc) =	sbr.rel @p0 .LBB2_5-.Ltmp9, $4  }
0x692: {  	vm0 =	vmand vm1, vm0;
	vm1 =	vlt.s32 v8, v6;
	s5 =	spop (v2sf)  }
0x693: {  	vm0 =	vmand vm1, vm0;
	s12 =	sadd.s32 s12, s5  }
0x694: {  	[tilespmem:s12+$0x9E00] =	vst.msk vm0, v7;
	v7 =	vmpcnt.ones.xlane vm0  }
0x695: {  	s14 =	sadd.s32 $0x10, s14;
	[tilespmem:s12+$0xC580] =	vst.msk vm0, v8  }
.LBB2_6:
0x696: {  	(v2sf) =	vpush v7, $0x0;
	_ =	sdelay $0xe  }
0x697: {  	s4 =	spop (v2sf)  }
0x698: {  	s6 =	sadd.s32 s12, s4  }
.LBB2_7:
0x699: {  	s4 =	sadd.s32 $0xF, s6  }
0x69a: {  	s5 =	sand.u32 $0xF, s4  }
0x69b: {  	s31 =	sshra.s32 s4, $0x1F;
	p1 =	slt.s32 s4, $0x1;
	p0 =	sne.s32 s5, $0x0  }
0x69c: {  	s5 =	sshrl.u32 s31, $0x1C;
	p0 =	por !p1, !p0  }
0x69d: {  	s4 =	sadd.s32 s5, s4;
	s5 =	simm.s32 $0x1;
	p0 =	por !p0, !p0  }
0x69e: {  	s5 =	simm.s32 @!p0 $0x0;
	p0 =	slt.s32 s6, $0x41  }
.Ltmp10:
0x69f: {  	_ = 	snop;
	(pc) =	sbr.rel @p0 .LBB2_15-.Ltmp10, $3  }
0x6a0: {  	_ =	sdelay $0x1  }
0x6a1: {  	s4 =	sshra.s32 s4, $0x4  }
0x6a2: {  	s11 =	simm.s32 $0x3F23D70A;
	v2 =	vmov s6;
	s9 =	ssub.s32 s4, s5  }
.Ltmp11:
0x6a3: {  	(pc) =	sbr.rel .LBB2_9-.Ltmp11, $2  }
0x6a4: {  	_ =	sdelay $0x2  }
0x6a5: {  	s6 =	simm.s32 $0x0;
	s11 =	simm.s32 $0x3F23D70A;
	s4 =	simm.s32 $0x0  }
.LBB2_10:
0x6a6: {  	v3 =	vimm.s32 $0x0  }
.LBB2_14:
0x6a7: {  	(v2sf) =	vpush v3, $0x0;
	_ =	sdelay $0xb  }
0x6a8: {  	s4 =	sadd.s32 $0x1, s4  }
0x6a9: {  	p1 =	sne.s32 s4, $0x1F  }
.Ltmp12:
0x6aa: {  	_ = 	snop;
	(pc) =	sbr.rel @!p1 .LBB2_15-.Ltmp12, $4  }
0x6ab: {  	s5 =	spop (v2sf)  }
0x6ac: {  	p0 =	sgt.s32 s5, $0x3F;
	s5 =	sadd.s32 $0x1, s12  }
0x6ad: {  	s5 =	smov.u32 @p0 s6  }
0x6ae: {  	s11 =	smov.u32 @p0 s12;
	s6 =	smov.u32 s5  }
.LBB2_9:
0x6af: {  	p0 =	slt.s32 s9, $0x1  }
.Ltmp13:
0x6b0: {  	_ = 	snop;
	(pc) =	sbr.rel @p0 .LBB2_10-.Ltmp13, $3  }
0x6b1: {  	_ =	sdelay $0x1  }
0x6b2: {  	s5 =	sadd.s32 s6, s11  }
0x6b3: {  	s12 =	sshra.s32 s5, $0x1  }
0x6b4: {  	s5 =	simm.s32 $0x9E00  }
0x6b5: {  	p0 =	sne.s32 s9, $0x1;
	v5 =	vld [tilespmem:s5+$0x0]  }
.Ltmp14:
0x6b6: {  	_ = 	snop;
	(pc) =	sbr.rel @!p0 .LBB2_13-.Ltmp14, $4  }
0x6b7: {  	_ = 	snop  }
0x6b8: {  	s13 =	simm.s32 $0x0  }
0x6b9: {  	v4 =	vmov s12;
	v6 =	vor.u32 s13, v0  }
0x6ba: {  	v3 =	vimm.s32 $0x0;
	s14 =	sadd.s32 $0xFFFFFFFF, s9;
	s15 =	simm.s32 $0x9E10;
	vm1 =	vlt.s32 v6, v2;
	vm0 =	vle.s32 v5, v4  }
.LBB2_12:
0x6bb: {  	v5 =	vld [tilespmem:s15+$0x0];
	p0 =	sne.s32 s14, $0x1;
	s14 =	sadd.s32 $0xFFFFFFFF, s14;
	vm0 =	vmand vm1, vm0  }
.Ltmp15:
0x6bc: {  	v6 =	vmpcnt.ones.xlane vm0;
	(pc) =	sbr.rel @p0 .LBB2_12-.Ltmp15, $4  }
0x6bd: {  	_ = 	snop  }
0x6be: {  	s13 =	sadd.s32 $0x10, s13;
	v3 =	vadd.s32 v3, v6  }
0x6bf: {  	v6 =	vor.u32 s13, v0  }
0x6c0: {  	s15 =	sadd.s32 $0x10, s15;
	vm1 =	vlt.s32 v6, v2;
	vm0 =	vle.s32 v5, v4  }
.LBB2_13:
.Ltmp16:
0x6c1: {  	(pc) =	sbr.rel .LBB2_14-.Ltmp16, $3  }
0x6c2: {  	vm0 =	vmand vm1, vm0  }
0x6c3: {  	v4 =	vmpcnt.ones.xlane vm0;
	_ =	sdelay $0x1  }
0x6c4: {  	v3 =	vadd.s32 v3, v4  }
.LBB2_15:
0x6c5: {  	s4 =	sshll.u32 s2, $0x6;
	p0 =	slt.s32 s9, $0x1  }
.Ltmp17:
0x6c6: {  	v3 =	vmov s3;
	s3 =	sand.u32 $0x3FFFFFC0, s4;
	(pc) =	sbr.rel @p0 .LBB2_24-.Ltmp17, $4  }
0x6c7: {  	[tilespmem:s3+$0xED00] =	vst v3  }
0x6c8: {  	[tilespmem:s3+$0xED10] =	vst v3  }
0x6c9: {  	[tilespmem:s3+$0xED20] =	vst v3  }
0x6ca: {  	[tilespmem:s3+$0xED30] =	vst v3  }
0x6cb: {  	p2 =	sne.s32 s9, $0x1  }
.Ltmp18:
0x6cc: {  	_ = 	snop;
	(pc) =	sbr.rel @!p2 .LBB2_17-.Ltmp18, $4  }
0x6cd: {  	_ = 	snop  }
0x6ce: {  	s5 =	sadd.s32 $0xED00, s3  }
0x6cf: {  	s6 =	simm.s32 $0x9E00;
	s4 =	simm.s32 $0xC580;
	s3 =	simm.s32 $0x0  }
0x6d0: {  	v4 =	vmov s11;
	s9 =	sadd.s32 $0xFFFFFFFF, s9;
	p0 =	por $0x0, $0x0;
	p1 =	por $0x0, $0x0;
	v3 =	vmov s5  }
0x6d1: {  	v5 =	vld [tilespmem:s6+$0x0];
	_ =	sdelay $0x3  }
0x6d2: {  	v6 =	vor.u32 s3, v0  }
0x6d3: {  	vm1 =	vlt.s32 v6, v2;
	vm0 =	vle.s32 v5, v4  }
0x6d4: {  	vm0 =	vmand vm1, vm0  }
0x6d5: {  	p2 =	sne.s32 s9, $0x1;
	v5 =	vsel vm0, $0x1, v1  }
.Ltmp19:
0x6d6: {  	(xrf0) =	vadd.scan.msk.s32 $0xffff, v5;
	(pc) =	sbr.rel @!p2 .LBB2_19-.Ltmp19, $2  }
0x6d7: {  	_ =	sdelay $0x2  }
0x6d8: {  	s12 =	sadd.s32 $0xFFFFFFFF, s9;
	p0 =	por $0x1, $0x1  }
0x6d9: {  	_ = 	snop  }
0x6da: {  	v5, _, _ =	vpop (xrf0)  }
0x6db: {  	v5 =	vadd.s32 s3, v5  }
0x6dc: {  	vm1 =	vlt.s32 v5, $0x41  }
0x6dd: {  	vm0 =	vmand vm0, vm1  }
0x6de: {  	v5 =	vmpcnt.ones.xlane vm0;
	_ =	sdelay $0x1  }
0x6df: {  	(v2sf) =	vpush v5, $0x0;
	v5 =	vld [tilespmem:s4+$0x0];
	_ =	sdelay $0x4  }
0x6e0: {  	s9 =	simm.s32 $0x9E10;
	[tilespmem:v3+s3+$0x0 ss:$0x1] =	vst.idx.msk vm0, v5  }
0x6e1: {  	v5 =	vld [tilespmem:s9+$0x0];
	_ =	sdelay $0x2  }
0x6e2: {  	s11 =	simm.s32 $0x10  }
0x6e3: {  	v6 =	vor.u32 s11, v0  }
0x6e4: {  	vm1 =	vlt.s32 v6, v2;
	vm0 =	vle.s32 v5, v4  }
0x6e5: {  	vm0 =	vmand vm1, vm0  }
0x6e6: {  	p2 =	sne.s32 s12, $0x1;
	v5 =	vsel vm0, $0x1, v1  }
.Ltmp20:
0x6e7: {  	(xrf0) =	vadd.scan.msk.s32 $0xffff, v5;
	(pc) =	sbr.rel @!p2 .LBB2_21-.Ltmp20, $3  }
0x6e8: {  	_ =	sdelay $0x1  }
0x6e9: {  	s14 =	sadd.s32 $0xFFFFFFFF, s12;
	p1 =	por $0x1, $0x1  }
0x6ea: {  	s12 =	simm.s32 $0x0;
	s13 =	simm.s32 $0xC580;
	s15 =	spop (v2sf)  }
.LBB2_22:
0x6eb: {  	p2 =	sne.s32 s14, $0x1;
	s12 =	sadd.s32 s12, s15;
	_ =	sdelay $0x1  }
0x6ec: {  	v5, _, _ =	vpop (xrf0)  }
0x6ed: {  	v5 =	vadd.s32 s12, v5  }
0x6ee: {  	vm1 =	vlt.s32 v5, $0x41  }
0x6ef: {  	s13 =	sadd.s32 $0x10, s13;
	vm0 =	vmand vm0, vm1  }
0x6f0: {  	v5 =	vld [tilespmem:s13+$0x0];
	v6 =	vmpcnt.ones.xlane vm0;
	_ =	sdelay $0x1  }
0x6f1: {  	(v2sf) =	vpush v6, $0x0;
	_ =	sdelay $0x2  }
0x6f2: {  	s9 =	sadd.s32 $0x10, s9;
	[tilespmem:v3+s12+$0x0 ss:$0x1] =	vst.idx.msk vm0, v5  }
0x6f3: {  	v5 =	vld [tilespmem:s9+$0x0];
	_ =	sdelay $0x2  }
0x6f4: {  	s11 =	sadd.s32 $0x10, s11  }
0x6f5: {  	v6 =	vor.u32 s11, v0  }
0x6f6: {  	vm1 =	vlt.s32 v6, v2;
	vm0 =	vle.s32 v5, v4  }
0x6f7: {  	vm0 =	vmand vm1, vm0  }
.Ltmp21:
0x6f8: {  	v5 =	vsel vm0, $0x1, v1;
	(pc) =	sbr.rel @p2 .LBB2_22-.Ltmp21, $2  }
0x6f9: {  	(xrf0) =	vadd.scan.msk.s32 $0xffff, v5;
	_ =	sdelay $0x2  }
0x6fa: {  	s14 =	sadd.s32 $0xFFFFFFFF, s14;
	s15 =	spop (v2sf)  }
.Ltmp22:
0x6fb: {  	_ = 	snop;
	(pc) =	sbr.rel .LBB2_23-.Ltmp22, $1  }
0x6fc: {  	_ =	sdelay $0x3  }
.LBB2_19:
.Ltmp23:
0x6fd: {  	(pc) =	sbr.rel .LBB2_23-.Ltmp23, $3  }
0x6fe: {  	_ =	sdelay $0x1  }
0x6ff: {  	s12 =	simm.s32 $0x0  }
0x700: {  	s13 =	simm.s32 $0xC580;
	s9 =	simm.s32 $0x9E00;
	s11 =	simm.s32 $0x0  }
.LBB2_21:
.Ltmp24:
0x701: {  	(pc) =	sbr.rel .LBB2_23-.Ltmp24, $2  }
0x702: {  	_ =	sdelay $0x2  }
0x703: {  	s12 =	simm.s32 $0x0;
	s13 =	simm.s32 $0xC580  }
.LBB2_28:
0x704: {  	_ =	sfence.sel $0x180000  }
0x705: {  	[bflag:$0x0] =	sbarrier.arrive $0xFFFF  }
0x706: {  	_ =	strace $0x90000047  }
0x707: {  	s0 =	stileid.u32;
	[bflag:$0x2] =	sbarrier.arrive $0xFFFF  }
0x708: {  	p0 =	sne.s32 s0, $0x0;
	s0 =	rddreg [dreg:$0x4]  }
0x709: {  	s0 =	sadd.s32 @!p0 $0x100000, s0  }
0x70a: {  	[sflag:s0] =	ssyncadd.tile.s32 @!p0 $0x1;
	_ =	shalt  }
.Lfunc_end2:
_tile_overlayer_lowered:
.L_overlay_start_2:
0x70b: {  	(tag) =	ssettag $0x2  }
0x70c: {  	s0 =	rddreg [dreg:$0x0];
	s2 =	stileid.u32  }
0x70d: {  	s1 =	rddreg [dreg:$0x1];
	p0 =	sne.s32 s2, $0x0  }
0x70e: {  	s3 =	rddreg [dreg:$0x2];
	[bflag:$0x3] =	sbarrier.arrive $0xFFFF;
	s2 =	simm.s32 @!p0 $0x1C01  }
0x70f: {  	[timem:s3], [sflag:s2] =	dma.local @!p0 [hbm:s0], s1  }
0x710: {  	s0 =	simm.s32 @!p0 $0x1  }
0x711: {  	_ =	swait.ge @!p0 [sflag:s0], s1  }
0x712: {  	s1 =	ssub.s32 @!p0 $0x0, s1;
	[sflag:s0] =	ssyncset.done @!p0 $0x0  }
0x713: {  	[sflag:s0] =	ssyncadd.s32 @!p0 s1  }
0x714: {  	[bflag:$0x3] =	sbarrier.arrive $0xFFFF  }
0x715: {  	_ =	shalt  }

// kernel: kernel.9.cloned.1.call-start
scs
__scs_entry_jumppad:
0x0: {  	(pc) =	sbr.rel $0x88, $3  }
0x1: {  	(tag) =	ssettag $0x0;
	lr =	simm.s32 $0x1  }
0x2: {  	[smem:$0x3F9A] =	sst lr;
	_ =	strace $0xD0000000  }
0x3: {  	_ = 	snop  }
0x4: {  	_ = 	snop  }
0x5: {  	_ = 	snop  }
0x6: {  	_ = 	snop  }
0x7: {  	_ = 	snop  }
__scs_overlays_trampoline_lowered:
0x8: {  	[smem:$0x3FA9] =	sst s0  }
0x9: {  	[smem:$0x3FAA] =	sst s1  }
0xa: {  	[smem:$0x3FAB] =	sst s2  }
0xb: {  	[smem:$0x3FAC] =	sst s3  }
0xc: {  	[smem:$0x3FAD] =	sst s4  }
0xd: {  	[smem:$0x3FAE] =	sst s5  }
0xe: {  	[smem:$0x3FAF] =	sst s6  }
0xf: {  	[smem:$0x3FB0] =	sst s7  }
0x10: {  	[smem:$0x3FB1] =	sst s8  }
0x11: {  	[smem:$0x3FB2] =	sst s9;
	s0 =	simm.s32 @!p0 $0x0  }
0x12: {  	s1 =	sld [smem:$0x3F98];
	s0 =	simm.s32 @p0 $0x1  }
0x13: {  	[smem:$0x3FB3] =	sst s0;
	s0 =	simm.s32 @!p1 $0x0  }
0x14: {  	s2 =	sld [smem:$0x3F97];
	s0 =	simm.s32 @p1 $0x1  }
0x15: {  	[smem:$0x3FB4] =	sst s0;
	s0 =	simm.s32 @!p2 $0x0  }
0x16: {  	s3 =	sld [smem:$0x3FDB];
	s0 =	simm.s32 @p2 $0x1  }
0x17: {  	s4 =	simm.s32 $0x1BF5;
	[smem:$0x3FB6] =	sst s0  }
0x18: {  	s0 =	sld [smem:$0x3F99];
	_ =	swait.ge [sflag:s4], $0x0  }
0x19: {  	s7 =	sld [smem:$0x3F9A]  }
0x1a: {  	s8 =	sadd.s32 $0xFFFFE003, lr  }
0x1b: {  	s9 =	sadd.s32 $0xFFFFFEF7, lr;
	s5 =	simm.s32 $0xFFFFFFFF;
	p2 =	slt.u32 s8, $0xFFFFF086  }
0x1c: {  	p1 =	slt.u32 s9, $0xF7A;
	s5 =	simm.s32 @!p2 $0x0  }
0x1d: {  	s5 =	simm.s32 @p1 $0x1;
	p0 =	seq.s32 s7, s2  }
0x1e: {  	s7 =	smul.u32 @!p0 $0xF7A, s2;
	p2 =	seq.s32 @!p0 s5, $0x0  }
0x1f: {  	s9 =	smul.u32 $0xF7A, s1;
	s8 =	simm.s32 @!p0 $0x1BF5;
	p2 =	por !p2, p0  }
0x20: {  	[sflag:s8] =	ssyncset.s32 @!p0 $0xFFFFF086;
	s6 =	sadd.s32 @!p0 s3, s7;
	s7 =	simm.s32 @!p0 $0x108  }
0x21: {  	s3 =	sadd.s32 s3, s9;
	s6 =	sadd.s32 @!p0 $0x88, s6;
	s7 =	simm.s32 @p2 $0x1082  }
0x22: {  	[simem:s7], [sflag:s8] =	dma.local @!p0 [hbm:s6], $0xF7A  }
0x23: {  	s9 =	sor.u32 $0xD0000000, s2;
	s6 =	simm.s32 $0x108;
	_ =	swait.ge @!p0 [sflag:s8], $0x0  }
0x24: {  	s3 =	sadd.s32 $0x88, s3;
	s6 =	simm.s32 @!p1 $0x1082;
	[sflag:s4] =	ssyncset.s32 $0xFFFFF086  }
0x25: {  	[simem:s6], [sflag:s4] =	dma.local [hbm:s3], $0xF7A  }
0x26: {  	[smem:$0x3F9A] =	sst s1;
	(tag) =	ssettag s2;
	_ =	strace s9  }
0x27: {  	s1 =	sld [smem:$0x3FAA]  }
0x28: {  	s2 =	sld [smem:$0x3FAB]  }
0x29: {  	s4 =	sld [smem:$0x3FAD]  }
0x2a: {  	p0 =	seq.s32 s5, $0x0;
	s5 =	sld [smem:$0x3FAE]  }
0x2b: {  	s6 =	sld [smem:$0x3FAF]  }
0x2c: {  	s7 =	sld [smem:$0x3FB0]  }
0x2d: {  	s3 =	simm.s32 $0x108;
	s8 =	sld [smem:$0x3FB1]  }
0x2e: {  	s3 =	simm.s32 @!p0 $0x1082;
	s9 =	sld [smem:$0x3FB2]  }
0x2f: {  	lr =	sadd.s32 s0, s3;
	s0 =	sld [smem:$0x3FA9]  }
0x30: {  	s3 =	sld [smem:$0x3FAC]  }
0x31: {  	[smem:$0x3FB5] =	sst s10  }
0x32: {  	s10 =	sld [smem:$0x3FB3];
	_ =	sdelay $0x3  }
0x33: {  	p0 =	seq.s32 s10, $0x1;
	s10 =	sld [smem:$0x3FB5];
	_ =	sdelay $0x3  }
0x34: {  	[smem:$0x3FB5] =	sst s10  }
0x35: {  	s10 =	sld [smem:$0x3FB4];
	_ =	sdelay $0x3  }
0x36: {  	p1 =	seq.s32 s10, $0x1;
	s10 =	sld [smem:$0x3FB5];
	_ =	sdelay $0x3  }
0x37: {  	[smem:$0x3FB5] =	sst s10  }
0x38: {  	s10 =	sld [smem:$0x3FB6]  }
0x39: {  	_ = 	snop;
	(pc) =	sbr.ind lr, $3  }
0x3a: {  	_ = 	snop  }
0x3b: {  	_ = 	snop  }
0x3c: {  	p2 =	seq.s32 s10, $0x1;
	s10 =	sld [smem:$0x3FB5]  }
0x3d: {  	_ =	shalt  }
0x3e: {  	_ =	shalt  }
0x3f: {  	_ =	shalt  }
0x40: {  	_ =	shalt  }
0x41: {  	_ =	shalt  }
0x42: {  	_ =	shalt  }
0x43: {  	_ =	shalt  }
0x44: {  	_ =	shalt  }
0x45: {  	_ =	shalt  }
0x46: {  	_ =	shalt  }
0x47: {  	_ =	shalt  }
0x48: {  	_ =	shalt  }
0x49: {  	_ =	shalt  }
0x4a: {  	_ =	shalt  }
0x4b: {  	_ =	shalt  }
0x4c: {  	_ =	shalt  }
0x4d: {  	_ =	shalt  }
0x4e: {  	_ =	shalt  }
0x4f: {  	_ =	shalt  }
0x50: {  	_ =	shalt  }
0x51: {  	_ =	shalt  }
0x52: {  	_ =	shalt  }
0x53: {  	_ =	shalt  }
0x54: {  	_ =	shalt  }
0x55: {  	_ =	shalt  }
0x56: {  	_ =	shalt  }
0x57: {  	_ =	shalt  }
0x58: {  	_ =	shalt  }
0x59: {  	_ =	shalt  }
0x5a: {  	_ =	shalt  }
0x5b: {  	_ =	shalt  }
0x5c: {  	_ =	shalt  }
0x5d: {  	_ =	shalt  }
0x5e: {  	_ =	shalt  }
0x5f: {  	_ =	shalt  }
0x60: {  	_ =	shalt  }
0x61: {  	_ =	shalt  }
0x62: {  	_ =	shalt  }
0x63: {  	_ =	shalt  }
0x64: {  	_ =	shalt  }
0x65: {  	_ =	shalt  }
0x66: {  	_ =	shalt  }
0x67: {  	_ =	shalt  }
0x68: {  	_ =	shalt  }
0x69: {  	_ =	shalt  }
0x6a: {  	_ =	shalt  }
0x6b: {  	_ =	shalt  }
0x6c: {  	_ =	shalt  }
0x6d: {  	_ =	shalt  }
0x6e: {  	_ =	shalt  }
0x6f: {  	_ =	shalt  }
0x70: {  	_ =	shalt  }
0x71: {  	_ =	shalt  }
0x72: {  	_ =	shalt  }
0x73: {  	_ =	shalt  }
0x74: {  	_ =	shalt  }
0x75: {  	_ =	shalt  }
0x76: {  	_ =	shalt  }
0x77: {  	_ =	shalt  }
0x78: {  	_ =	shalt  }
0x79: {  	_ =	shalt  }
0x7a: {  	_ =	shalt  }
0x7b: {  	_ =	shalt  }
0x7c: {  	_ =	shalt  }
0x7d: {  	_ =	shalt  }
0x7e: {  	_ =	shalt  }
0x7f: {  	_ =	shalt  }
0x80: {  	_ =	shalt  }
0x81: {  	_ =	shalt  }
0x82: {  	_ =	shalt  }
0x83: {  	_ =	shalt  }
0x84: {  	_ =	shalt  }
0x85: {  	_ =	shalt  }
0x86: {  	_ =	shalt  }
0x87: {  	_ =	shalt  }
.Lfunc_end0:
.L_simem_size_0:
called_computation.1_lowered:
.L_overlay_start_0:
0x88: {  	s2 =	sld [smem:$0x3FD9]  }
0x89: {  	s3 =	sld [smem:$0x3FFE];
	_ =	sdelay $0x1  }
0x8a: {  	s1 =	srdreg.scid  }
0x8b: {  	s0 =	sand.u32 $0x1, s1  }
0x8c: {  	s14 =	sshll.u32 s0, $0xA;
	s2 =	sadd.s32 s3, s2  }
0x8d: {  	s2 =	sadd.s32 s2, s14  }
0x8e: {  	[smem:$0x3FC1] =	sst s2  }
0x8f: {  	_ = 	snop  }
0x90: {  	s2 =	sld [smem:$0x3FD0];
	_ =	sdelay $0x2  }
0x91: {  	s15 =	simm.s32 $0xA;
	s4 =	simm.s32 $0x10  }
0x92: {  	[smem:s4], [sflag:s15] =	dma.local [hbm:s2], $0x1  }
0x93: {  	_ =	swait.eq [sflag:s15], $0x1  }
0x94: {  	[sflag:s15] =	ssyncset.done $0x0  }
0x95: {  	[sflag:s15] =	ssyncadd.s32 $0xFFFFFFFF  }
0x96: {  	s16 =	sld [smem:$0x10];
	(tm) =	ssettm $0x1  }
0x97: {  	s17 =	sld [smem:$0x3FFB];
	_ =	sdelay $0x3  }
0x98: {  	_ =	strace s17  }
0x99: {  	s3 =	sld [smem:$0x3FFC];
	_ =	sdelay $0x3  }
0x9a: {  	_ =	strace s3  }
0x9b: {  	s3 =	sld [smem:$0x3FFD];
	_ =	sdelay $0x3  }
0x9c: {  	_ =	strace s3  }
0x9d: {  	_ =	strace $0x8FFFFFFF  }
0x9e: {  	s18 =	sld [smem:$0x3FDB];
	_ =	sdelay $0x1  }
0x9f: {  	s19 =	simm.s32 $_scs_section_size  }
0xa0: {  	s5 =	simm.s32 $_size__tile_overlayer_lowered;
	s6 =	simm.s32 $_tile_overlayer_lowered  }
0xa1: {  	s22 =	simm.s32 $0x1BFF;
	s21 =	sshll.u32 s6, $0x1;
	s3 =	sadd.s32 s19, s18  }
0xa2: {  	s7 =	simm.s32 $0x0;
	s20 =	sshll.u32 s5, $0x1;
	s5 =	sadd.s32 s21, s3  }
0xa3: {  	[timem:s7], [sflag:s22] =	dma.local [hbm:s5], s20  }
0xa4: {  	_ =	swait.ge [sflag:s22], s20  }
0xa5: {  	s4 =	ssub.s32 $0x0, s20;
	[sflag:s22] =	ssyncset.done $0x0  }
0xa6: {  	[sflag:s22] =	ssyncadd.s32 s4;
	_ =	sdelay $0x1  }
0xa7: {  	s23 =	simm.s32 $0x1B8B  }
0xa8: {  	_ =	swait.ge [sflag:s23], $0x1  }
0xa9: {  	[sflag:s23] =	ssyncset.done $0x0  }
0xaa: {  	s25 =	simm.s32 $0x1B8E;
	s24 =	sld [smem:$0x3FFE];
	[sflag:s23] =	ssyncadd.s32 $0xFFFFFFFF  }
0xab: {  	s26 =	simm.s32 $execute0_lowered;
	[smem:$0x3FD2] =	sst s25  }
0xac: {  	s5 =	sshll.u32 s26, $0x1;
	_ =	strace $0x80000049;
	[dreg:$0x1] =	wrdreg $0xFFFFFFFF  }
0xad: {  	s28 =	simm.s32 $_size_execute0_lowered;
	s3 =	sadd.s32 s3, s5;
	[dreg:$0x0] =	wrdreg $0x0  }
0xae: {  	s5 =	sshll.u32 s28, $0x1;
	[dreg:$0x2] =	wrdreg s3  }
0xaf: {  	[dreg:$0x3] =	wrdreg s5  }
0xb0: {  	[dreg:$0x4] =	wrdreg $0xC0  }
0xb1: {  	_ =	task [dreg:s7], $0x5FFFF  }
0xb2: {  	[dreg:$0x1] =	wrdreg $0xFFFFFFFF  }
0xb3: {  	[dreg:$0x0] =	wrdreg $0x60  }
0xb4: {  	[dreg:$0x2] =	wrdreg s16  }
0xb5: {  	[dreg:$0x3] =	wrdreg s24  }
0xb6: {  	[dreg:$0x4] =	wrdreg $0x9  }
0xb7: {  	_ =	task.clear_ibuf [dreg:s7], $0x5FFFF;
	_ =	strace $0x90000049  }
0xb8: {  	s29 =	simm.s32 $0x9;
	_ =	strace $0x8000004B  }
0xb9: {  	_ =	swait.ge [sflag:s29], $0x1  }
0xba: {  	[sflag:s29] =	ssyncadd.s32 $0xFFFFFFFF  }
0xbb: {  	_ =	strace $0x9000004B  }
0xbc: {  	_ =	sfence  }
0xbd: {  	s30 =	sld [smem:$0x0];
	_ =	sdelay $0x2  }
0xbe: {  	s31 =	sshll.u32 s1, $0xD;
	s1 =	sshrl.u32 s1, $0x2  }
0xbf: {  	s3 =	sand.u32 $0x4000, s31;
	s1 =	sadd.s32 s1, s30  }
0xc0: {  	s0 =	sor.u32 s3, s0;
	s1 =	sshll.u32 s1, $0x11  }
0xc1: {  	s0 =	sor.u32 s1, s0  }
0xc2: {  	s0 =	sadd.s32 $0x8F2B, s0  }
0xc3: {  	[sflag:s0] =	ssyncadd.remote.s32 $0x1  }
0xc4: {  	_ =	sfence.sel $0xFFFF  }
0xc5: {  	[dreg:$0x0] =	wrdreg $0xFFFFFFFF;
	(pc) =	sbr.abs _section_cstart, $3  }
0xc6: {  	[dreg:$0x1] =	wrdreg $0xFFFFFFFF  }
0xc7: {  	_ =	task.clear_ibuf [dreg:s7], $0x2FFFF;
	_ =	strace $0x9FFFFFFF  }
0xc8: {  	(tm) =	ssettm $0x7FFFFFFF  }
0xc9: {  	_ =	shalt  }
tec
execute0_lowered:
.L_overlay_start_1:
0x0: {  	(tag) =	ssettag $0x1  }
0x1: {  	s0 =	srdreg.scid;
	s2 =	rddreg [dreg:$0x0]  }
0x2: {  	s3 =	stileid.u32;
	s4 =	rddreg [dreg:$0x1];
	s12 =	simm.s32 $0x0  }
0x3: {  	s14 =	simm.s32 $0x4E80;
	s15 =	simm.s32 $0x1;
	s7 =	smul.u32 $0x4E2000, s3  }
0x4: {  	s0 =	sand.u32 $0x1, s0;
	s1 =	sshll.u32 s3, $0x1;
	s10 =	smul.u32 $0x9C400, s3  }
0x5: {  	s16 =	simm.s32 $0x0;
	s1 =	sor.u32 s0, s1;
	s9 =	smul.u32 $0x271000, s0  }
0x6: {  	[smem:$0x7FF] =	sst s12;
	s6 =	ssub.s32 $0x2, s0;
	s5 =	smul.u32 $0x4E20, s1  }
0x7: {  	_ =	strace $0x8000004A;
	s1 =	smul.u32 $0x271000, s1;
	s8 =	sshrl.u32 s6, $0x1  }
0x8: {  	s0 =	smul.u32 $0x4E200, s0;
	s8 =	ssub.s32 s6, s8;
	s11 =	sadd.s32 s9, s7  }
0x9: {  	s5 =	sshrl.u32 s5, $0x3;
	s1 =	sshrl.u32 s1, $0x3;
	s30 =	sadd.s32 $0x4000, s11  }
0xa: {  	s7 =	smax.u32 s8, $0x1;
	s5 =	sadd.s32 s5, s4;
	s4 =	sadd.s32 $0x3CE00, s4  }
0xb: {  	s5 =	sadd.s32 $0x2200, s5;
	s1 =	sadd.s32 s4, s1;
	s31 =	sadd.s32 s10, s4  }
0xc: {  	s10 =	sadd.s32 $0xFFFF8000, s11;
	s6 =	sadd.s32 $0x4E000, s1;
	s1 =	sshrl.u32 s30, $0x3  }
0xd: {  	s11 =	simm.s32 $0xD;
	s8 =	sadd.s32 s0, s31;
	s9 =	sadd.s32 s1, s4  }
.LBB2_1:
0xe: {  	[tilespmem:s12], [sflag:$0xD] =	stream.linear.gather [hbm4b:s5+s12], $0x4E20, $0x38;
	[tilespmem:$0x1CE80] =	vst v63  }
0xf: {  	p0 =	por $0x1, $0x1;
	_ =	swait.ge [sflag:s11], $0x4E20  }
0x10: {  	p2 =	por p0, p0;
	[sflag:s11] =	ssyncset.done $0x0  }
0x11: {  	s0 =	simm.s32 @!p2 $0x7;
	[sflag:s11] =	ssyncadd.s32 $0xFFFFB1E0  }
0x12: {  	p1 =	por $0x1, $0x1;
	p0 =	por $0x0, $0x0;
	_ =	swait.ge @!p2 [sflag:s0], $0x4000  }
0x13: {  	s18 =	simm.s32 @!p1 $0x3;
	s17 =	simm.s32 @!p0 $0x80;
	[sflag:s0] =	ssyncset.done @!p2 $0x0  }
0x14: {  	s1 =	simm.s32 @!p0 $0x4E80;
	[sflag:s0] =	ssyncadd.s32 @!p2 $0xFFFFC000;
	s0 =	simm.s32 @!p0 $0x0  }
0x15: {  	[tilespmem:s1], [sflag:$0x1] =	stream.indirect.gather @!p0 [hbm4b:s2+s17], $0x80, s0, s17, $0xb8;
	[tilespmem:$0x1CE80] =	vst v63  }
0x16: {  	s19 =	sadd.s32 @!p1 $0xFFFF8000, s10;
	s20 =	simm.s32 @!p1 $0xCE80;
	_ =	swait.ge @!p1 [sflag:s18], $0x4000  }
0x17: {  	s21 =	simm.s32 @!p1 $0x0;
	s19 =	sshrl.u32 @!p1 s19, $0x3;
	[sflag:s18] =	ssyncset.done @!p1 $0x0  }
0x18: {  	s19 =	sadd.s32 @!p1 s4, s19;
	s0 =	simm.s32 @!p2 $0x8;
	[sflag:s18] =	ssyncadd.s32 @!p1 $0xFFFFC000  }
0x19: {  	[hbm4b:s19+s21] =	stream.linear.scatter @!p1 [tilespmem:s20], [sflag:$0x9], $0x4000, $0x38;
	[tilespmem:$0x1CE80] =	vst v63  }
0x1a: {  	_ =	swait.ge @!p2 [sflag:s0], $0x4000  }
0x1b: {  	p4 =	por $0x1, $0x1;
	s18 =	simm.s32 @!p0 $0x80;
	[sflag:s0] =	ssyncset.done @!p2 $0x0  }
0x1c: {  	s21 =	simm.s32 @!p0 $0x8E80;
	[sflag:s0] =	ssyncadd.s32 @!p2 $0xFFFFC000;
	s0 =	simm.s32 @!p4 $0x4  }
0x1d: {  	[tilespmem:s21], [sflag:$0x2] =	stream.indirect.gather @!p0 [hbm4b:s2+s17], $0x80, s18, s17, $0xb8;
	[tilespmem:$0x1CE80] =	vst v63  }
0x1e: {  	s19 =	sadd.s32 @!p4 $0xFFFFC000, s10;
	s20 =	simm.s32 @!p1 $0x9;
	_ =	swait.ge @!p4 [sflag:s0], $0x4000  }
0x1f: {  	s18 =	sshrl.u32 @!p4 s19, $0x3;
	s19 =	simm.s32 @!p4 $0x0;
	[sflag:s0] =	ssyncset.done @!p4 $0x0  }
0x20: {  	s18 =	sadd.s32 @!p4 s4, s18;
	[sflag:s0] =	ssyncadd.s32 @!p4 $0xFFFFC000;
	s0 =	simm.s32 @!p4 $0x10E80  }
0x21: {  	[hbm4b:s18+s19] =	stream.linear.scatter @!p4 [tilespmem:s0], [sflag:$0xA], $0x4000, $0x38;
	[tilespmem:$0x1CE80] =	vst v63  }
0x22: {  	_ =	swait.ge @!p1 [sflag:s20], $0x4000  }
0x23: {  	p2 =	por $0x1, $0x1;
	s0 =	simm.s32 @!p0 $0x100;
	[sflag:s20] =	ssyncset.done @!p1 $0x0  }
0x24: {  	s18 =	simm.s32 @!p0 $0xCE80;
	s19 =	simm.s32 @!p2 $0x5;
	[sflag:s20] =	ssyncadd.s32 @!p1 $0xFFFFC000  }
0x25: {  	[tilespmem:s18], [sflag:$0x3] =	stream.indirect.gather @!p0 [hbm4b:s2+s17], $0x80, s0, s17, $0xb8;
	[tilespmem:$0x1CE80] =	vst v63  }
0x26: {  	s20 =	simm.s32 @!p2 $0x14E80;
	_ =	swait.ge @!p2 [sflag:s19], $0x4000  }
0x27: {  	s0 =	sshrl.u32 @!p2 s10, $0x3;
	s18 =	simm.s32 @!p2 $0x0;
	[sflag:s19] =	ssyncset.done @!p2 $0x0  }
0x28: {  	s0 =	sadd.s32 @!p2 s4, s0;
	[sflag:s19] =	ssyncadd.s32 @!p2 $0xFFFFC000;
	s19 =	simm.s32 @!p4 $0xA  }
0x29: {  	[hbm4b:s0+s18] =	stream.linear.scatter @!p2 [tilespmem:s20], [sflag:$0xB], $0x4000, $0x38;
	[tilespmem:$0x1CE80] =	vst v63  }
0x2a: {  	p3 =	por $0x1, $0x1;
	_ =	swait.ge @!p4 [sflag:s19], $0x4000  }
0x2b: {  	s0 =	simm.s32 @!p0 $0x180;
	s18 =	simm.s32 @!p0 $0x10E80;
	[sflag:s19] =	ssyncset.done @!p4 $0x0  }
0x2c: {  	s20 =	sadd.s32 @!p3 $0x4000, s10;
	[sflag:s19] =	ssyncadd.s32 @!p4 $0xFFFFC000;
	s19 =	simm.s32 @!p3 $0x6  }
0x2d: {  	[tilespmem:s18], [sflag:$0x4] =	stream.indirect.gather @!p0 [hbm4b:s2+s17], $0x80, s0, s17, $0xb8;
	[tilespmem:$0x1CE80] =	vst v63  }
0x2e: {  	s0 =	sshrl.u32 @!p3 s20, $0x3;
	_ =	swait.ge @!p3 [sflag:s19], $0x4000  }
0x2f: {  	s18 =	simm.s32 @!p3 $0x18E80;
	s20 =	simm.s32 @!p3 $0x0;
	[sflag:s19] =	ssyncset.done @!p3 $0x0  }
0x30: {  	s0 =	sadd.s32 @!p3 s4, s0;
	[sflag:s19] =	ssyncadd.s32 @!p3 $0xFFFFC000;
	s19 =	simm.s32 @!p2 $0xB  }
0x31: {  	[hbm4b:s0+s20] =	stream.linear.scatter @!p3 [tilespmem:s18], [sflag:$0xC], $0x4000, $0x38;
	[tilespmem:$0x1CE80] =	vst v63  }
0x32: {  	s26 =	simm.s32 $0xC00;
	_ =	swait.ge @!p2 [sflag:s19], $0x4000  }
0x33: {  	p6 =	por $0x0, $0x0;
	s0 =	simm.s32 @!p0 $0x200;
	[sflag:s19] =	ssyncset.done @!p2 $0x0  }
0x34: {  	s18 =	simm.s32 @!p0 $0x14E80;
	s20 =	simm.s32 @!p0 $0x1;
	[sflag:s19] =	ssyncadd.s32 @!p2 $0xFFFFC000  }
0x35: {  	[tilespmem:s18], [sflag:$0x5] =	stream.indirect.gather @!p0 [hbm4b:s2+s17], $0x80, s0, s17, $0xb8;
	[tilespmem:$0x1CE80] =	vst v63  }
0x36: {  	s22 =	simm.s32 $0x1800;
	s24 =	simm.s32 $0x6;
	_ =	swait.ge @!p0 [sflag:s20], $0x4000  }
0x37: {  	s23 =	simm.s32 $0x1;
	s31 =	smov.u32 s9;
	[sflag:s20] =	ssyncset.done @!p0 $0x0  }
0x38: {  	s0 =	simm.s32 @!p0 $0x0;
	s18 =	simm.s32 @!p3 $0xC;
	[sflag:s20] =	ssyncadd.s32 @!p0 $0xFFFFC000  }
0x39: {  	[hbm4b:s8+s0] =	stream.linear.scatter @!p0 [tilespmem:s1], [sflag:$0x7], $0x4000, $0x38;
	[tilespmem:$0x1CE80] =	vst v63  }
0x3a: {  	s28 =	simm.s32 @!p0 $0x2;
	p1 =	por p6, p6;
	_ =	swait.ge @!p3 [sflag:s18], $0x4000  }
0x3b: {  	s19 =	simm.s32 $0x0;
	s20 =	simm.s32 @!p0 $0x18E80;
	[sflag:s18] =	ssyncset.done @!p3 $0x0  }
0x3c: {  	s1 =	simm.s32 @!p0 $0x280;
	[sflag:s18] =	ssyncadd.s32 @!p3 $0xFFFFC000;
	s18 =	sadd.s32 $0x3000, s8  }
0x3d: {  	[tilespmem:s20], [sflag:$0x6] =	stream.indirect.gather @!p0 [hbm4b:s2+s17], $0x80, s1, s17, $0xb8;
	[tilespmem:$0x1CE80] =	vst v63  }
0x3e: {  	s20 =	sadd.s32 $0x18000, s10;
	s17 =	sadd.s32 $0x3000, s9;
	_ =	swait.ge @!p0 [sflag:s28], $0x4000  }
.LBB2_2:
0x3f: {  	p2 =	sgt.u32 s24, $0x9B  }
0x40: {  	s29 =	simm.s32 @!p1 $0x7;
	[sflag:s28] =	ssyncset.done @!p0 $0x0;
	s1 =	smov.u32 s22  }
0x41: {  	s12 =	simm.s32 @!p1 $0x8;
	s13 =	sadd.s32 $0x3, s19;
	[sflag:s28] =	ssyncadd.s32 @!p0 $0xFFFFC000  }
0x42: {  	[hbm4b:s31+s0] =	stream.linear.scatter @!p0 [tilespmem:s21], [sflag:$0x8], $0x4000, $0x38;
	[tilespmem:$0x1CE80] =	vst v63  }
0x43: {  	p0 =	sgt.u32 s23, $0x19;
	s0 =	sadd.s32 $0x2, s19;
	_ =	swait.ge @!p1 [sflag:s29], $0x4000  }
0x44: {  	s25 =	simm.s32 @!p0 $0x80;
	p4 =	sgt.u32 s0, $0x9B;
	[sflag:s29] =	ssyncset.done @!p1 $0x0  }
0x45: {  	s21 =	sshra.s32 @!p0 s26, $0x2;
	s28 =	simm.s32 @!p0 $0x4E80;
	[sflag:s29] =	ssyncadd.s32 @!p1 $0xFFFFC000  }
0x46: {  	s0 =	simm.s32 @!p4 $0x3;
	s26 =	sadd.s32 @!p4 $0xFFFF8000, s20;
	s31 =	sadd.s32 @!p0 $0x80, s21  }
0x47: {  	[tilespmem:s28], [sflag:$0x1] =	stream.indirect.gather @!p0 [hbm4b:s2+s25], $0x80, s21, s25, $0xb8;
	[tilespmem:$0x1CE80] =	vst v63  }
0x48: {  	s26 =	sshrl.u32 @!p4 s26, $0x3;
	s29 =	simm.s32 @!p4 $0xCE80;
	_ =	swait.ge @!p4 [sflag:s0], $0x4000  }
0x49: {  	s30 =	simm.s32 @!p4 $0x0;
	s26 =	sadd.s32 @!p4 s4, s26;
	[sflag:s0] =	ssyncset.done @!p4 $0x0  }
0x4a: {  	s3 =	sadd.s32 @!p0 $0x100, s21;
	[sflag:s0] =	ssyncadd.s32 @!p4 $0xFFFFC000;
	s0 =	sadd.s32 @!p0 $0x180, s21  }
0x4b: {  	[hbm4b:s26+s30] =	stream.linear.scatter @!p4 [tilespmem:s29], [sflag:$0x9], $0x4000, $0x38;
	[tilespmem:$0x1CE80] =	vst v63  }
0x4c: {  	s30 =	sadd.s32 @!p0 $0x200, s21;
	s29 =	sadd.s32 @!p0 $0x280, s21;
	_ =	swait.ge @!p1 [sflag:s12], $0x4000  }
0x4d: {  	p5 =	sgt.u32 s13, $0x9B;
	s21 =	simm.s32 @!p0 $0x8E80;
	[sflag:s12] =	ssyncset.done @!p1 $0x0  }
0x4e: {  	s13 =	sadd.s32 @!p5 $0xFFFFC000, s20;
	[sflag:s12] =	ssyncadd.s32 @!p1 $0xFFFFC000;
	s12 =	simm.s32 @!p5 $0x4  }
0x4f: {  	[tilespmem:s21], [sflag:$0x2] =	stream.indirect.gather @!p0 [hbm4b:s2+s25], $0x80, s31, s25, $0xb8;
	[tilespmem:$0x1CE80] =	vst v63  }
0x50: {  	s13 =	sshrl.u32 @!p5 s13, $0x3;
	s26 =	simm.s32 @!p5 $0x0;
	_ =	swait.ge @!p5 [sflag:s12], $0x4000  }
0x51: {  	s13 =	sadd.s32 @!p5 s4, s13;
	s31 =	simm.s32 @!p4 $0x9;
	[sflag:s12] =	ssyncset.done @!p5 $0x0  }
0x52: {  	s22 =	sadd.s32 $0xC00, s22;
	[sflag:s12] =	ssyncadd.s32 @!p5 $0xFFFFC000;
	s12 =	simm.s32 @!p5 $0x10E80  }
0x53: {  	[hbm4b:s13+s26] =	stream.linear.scatter @!p5 [tilespmem:s12], [sflag:$0xA], $0x4000, $0x38;
	[tilespmem:$0x1CE80] =	vst v63  }
0x54: {  	p3 =	sne.s32 s22, $0x15000;
	s12 =	sadd.s32 $0x4, s19;
	_ =	swait.ge @!p4 [sflag:s31], $0x4000  }
0x55: {  	s13 =	simm.s32 @!p0 $0xCE80;
	p6 =	sgt.u32 s12, $0x9B;
	[sflag:s31] =	ssyncset.done @!p4 $0x0  }
0x56: {  	s12 =	simm.s32 @!p6 $0x5;
	s26 =	sshrl.u32 @!p6 s20, $0x3;
	[sflag:s31] =	ssyncadd.s32 @!p4 $0xFFFFC000  }
0x57: {  	[tilespmem:s13], [sflag:$0x3] =	stream.indirect.gather @!p0 [hbm4b:s2+s25], $0x80, s3, s25, $0xb8;
	[tilespmem:$0x1CE80] =	vst v63  }
0x58: {  	s3 =	sadd.s32 @!p6 s4, s26;
	s26 =	smov.u32 s1;
	_ =	swait.ge @!p6 [sflag:s12], $0x4000  }
0x59: {  	s1 =	simm.s32 @!p6 $0x0;
	s13 =	simm.s32 @!p6 $0x14E80;
	[sflag:s12] =	ssyncset.done @!p6 $0x0  }
0x5a: {  	s31 =	smov.u32 s17;
	[sflag:s12] =	ssyncadd.s32 @!p6 $0xFFFFC000;
	s12 =	simm.s32 @!p5 $0xA  }
0x5b: {  	[hbm4b:s3+s1] =	stream.linear.scatter @!p6 [tilespmem:s13], [sflag:$0xB], $0x4000, $0x38;
	[tilespmem:$0x1CE80] =	vst v63  }
0x5c: {  	s1 =	sadd.s32 $0x5, s19;
	s19 =	smov.u32 s24;
	_ =	swait.ge @!p5 [sflag:s12], $0x4000  }
0x5d: {  	s3 =	simm.s32 @!p0 $0x10E80;
	p4 =	sgt.u32 s1, $0x9B;
	[sflag:s12] =	ssyncset.done @!p5 $0x0  }
0x5e: {  	s1 =	simm.s32 @!p4 $0x6;
	[sflag:s12] =	ssyncadd.s32 @!p5 $0xFFFFC000;
	s12 =	sadd.s32 @!p4 $0x4000, s20  }
0x5f: {  	[tilespmem:s3], [sflag:$0x4] =	stream.indirect.gather @!p0 [hbm4b:s2+s25], $0x80, s0, s25, $0xb8;
	[tilespmem:$0x1CE80] =	vst v63  }
0x60: {  	s0 =	sshrl.u32 @!p4 s12, $0x3;
	s3 =	simm.s32 @!p4 $0x18E80;
	_ =	swait.ge @!p4 [sflag:s1], $0x4000  }
0x61: {  	s12 =	simm.s32 @!p4 $0x0;
	s0 =	sadd.s32 @!p4 s4, s0;
	[sflag:s1] =	ssyncset.done @!p4 $0x0  }
0x62: {  	p1 =	por p2, p2;
	[sflag:s1] =	ssyncadd.s32 @!p4 $0xFFFFC000;
	s1 =	simm.s32 @!p6 $0xB  }
0x63: {  	[hbm4b:s0+s12] =	stream.linear.scatter @!p4 [tilespmem:s3], [sflag:$0xC], $0x4000, $0x38;
	[tilespmem:$0x1CE80] =	vst v63  }
0x64: {  	_ =	swait.ge @!p6 [sflag:s1], $0x4000  }
0x65: {  	s0 =	simm.s32 @!p0 $0x14E80;
	s3 =	simm.s32 @!p0 $0x1;
	[sflag:s1] =	ssyncset.done @!p6 $0x0  }
0x66: {  	[sflag:s1] =	ssyncadd.s32 @!p6 $0xFFFFC000  }
0x67: {  	[tilespmem:s0], [sflag:$0x5] =	stream.indirect.gather @!p0 [hbm4b:s2+s25], $0x80, s30, s25, $0xb8;
	[tilespmem:$0x1CE80] =	vst v63  }
0x68: {  	s0 =	simm.s32 @!p0 $0x0;
	_ =	swait.ge @!p0 [sflag:s3], $0x4000  }
0x69: {  	[sflag:s3] =	ssyncset.done @!p0 $0x0  }
0x6a: {  	s1 =	simm.s32 @!p4 $0xC;
	[sflag:s3] =	ssyncadd.s32 @!p0 $0xFFFFC000  }
0x6b: {  	[hbm4b:s18+s0] =	stream.linear.scatter @!p0 [tilespmem:s28], [sflag:$0x7], $0x4000, $0x38;
	[tilespmem:$0x1CE80] =	vst v63  }
.Ltmp0:
0x6c: {  	s3 =	simm.s32 @!p0 $0x18E80;
	_ =	swait.ge @!p4 [sflag:s1], $0x4000;
	(pc) =	sbr.rel @p3 .LBB2_2-.Ltmp0, $4  }
0x6d: {  	s20 =	sadd.s32 $0x18000, s20;
	s28 =	simm.s32 @!p0 $0x2;
	[sflag:s1] =	ssyncset.done @!p4 $0x0  }
0x6e: {  	s17 =	sadd.s32 $0x3000, s17;
	s18 =	sadd.s32 $0x3000, s18;
	[sflag:s1] =	ssyncadd.s32 @!p4 $0xFFFFC000  }
0x6f: {  	[tilespmem:s3], [sflag:$0x6] =	stream.indirect.gather @!p0 [hbm4b:s2+s25], $0x80, s29, s25, $0xb8;
	[tilespmem:$0x1CE80] =	vst v63  }
0x70: {  	s23 =	sadd.s32 $0x1, s23;
	s24 =	sadd.s32 $0x6, s24;
	_ =	swait.ge @!p0 [sflag:s28], $0x4000  }
0x71: {  	[sflag:s28] =	ssyncset.done @!p0 $0x0;
	s1 =	simm.s32 @!p1 $0x7  }
0x72: {  	s25 =	sadd.s32 $0x2, s19;
	s3 =	simm.s32 @!p1 $0x8;
	[sflag:s28] =	ssyncadd.s32 @!p0 $0xFFFFC000  }
0x73: {  	[hbm4b:s31+s0] =	stream.linear.scatter @!p0 [tilespmem:s21], [sflag:$0x8], $0x4000, $0x38;
	[tilespmem:$0x1CE80] =	vst v63  }
0x74: {  	p2 =	sgt.u32 s25, $0x9B;
	p0 =	sgt.u32 s23, $0x19;
	_ =	swait.ge @!p1 [sflag:s1], $0x4000  }
0x75: {  	s0 =	simm.s32 @!p2 $0x3;
	s21 =	simm.s32 @!p0 $0x80;
	[sflag:s1] =	ssyncset.done @!p1 $0x0  }
0x76: {  	s22 =	simm.s32 @!p0 $0x4E80;
	[sflag:s1] =	ssyncadd.s32 @!p1 $0xFFFFC000;
	s1 =	sshra.s32 @!p0 s26, $0x2  }
0x77: {  	[tilespmem:s22], [sflag:$0x1] =	stream.indirect.gather @!p0 [hbm4b:s2+s21], $0x80, s1, s21, $0xb8;
	[tilespmem:$0x1CE80] =	vst v63  }
0x78: {  	s12 =	sadd.s32 @!p2 $0xFFFF8000, s20;
	s13 =	simm.s32 @!p2 $0xCE80;
	_ =	swait.ge @!p2 [sflag:s0], $0x4000  }
0x79: {  	s23 =	simm.s32 @!p2 $0x0;
	s12 =	sshrl.u32 @!p2 s12, $0x3;
	[sflag:s0] =	ssyncset.done @!p2 $0x0  }
0x7a: {  	s12 =	sadd.s32 @!p2 s4, s12;
	s26 =	sadd.s32 $0x3, s19;
	[sflag:s0] =	ssyncadd.s32 @!p2 $0xFFFFC000  }
0x7b: {  	[hbm4b:s12+s23] =	stream.linear.scatter @!p2 [tilespmem:s13], [sflag:$0x9], $0x4000, $0x38;
	[tilespmem:$0x1CE80] =	vst v63  }
0x7c: {  	p3 =	sgt.u32 s26, $0x9B;
	_ =	swait.ge @!p1 [sflag:s3], $0x4000  }
0x7d: {  	s0 =	simm.s32 @!p3 $0x4;
	[sflag:s3] =	ssyncset.done @!p1 $0x0  }
0x7e: {  	s12 =	sadd.s32 @!p0 $0x80, s1;
	s23 =	simm.s32 @!p0 $0x8E80;
	[sflag:s3] =	ssyncadd.s32 @!p1 $0xFFFFC000  }
0x7f: {  	[tilespmem:s23], [sflag:$0x2] =	stream.indirect.gather @!p0 [hbm4b:s2+s21], $0x80, s12, s21, $0xb8;
	[tilespmem:$0x1CE80] =	vst v63  }
0x80: {  	s13 =	simm.s32 @!p2 $0x9;
	s3 =	sadd.s32 @!p3 $0xFFFFC000, s20;
	_ =	swait.ge @!p3 [sflag:s0], $0x4000  }
0x81: {  	s3 =	sshrl.u32 @!p3 s3, $0x3;
	s12 =	simm.s32 @!p3 $0x0;
	[sflag:s0] =	ssyncset.done @!p3 $0x0  }
0x82: {  	s3 =	sadd.s32 @!p3 s4, s3;
	[sflag:s0] =	ssyncadd.s32 @!p3 $0xFFFFC000;
	s0 =	simm.s32 @!p3 $0x10E80  }
0x83: {  	[hbm4b:s3+s12] =	stream.linear.scatter @!p3 [tilespmem:s0], [sflag:$0xA], $0x4000, $0x38;
	[tilespmem:$0x1CE80] =	vst v63  }
0x84: {  	s28 =	sadd.s32 $0x4, s19;
	_ =	swait.ge @!p2 [sflag:s13], $0x4000  }
0x85: {  	p1 =	sgt.u32 s28, $0x9B;
	s3 =	sadd.s32 @!p0 $0x100, s1;
	[sflag:s13] =	ssyncset.done @!p2 $0x0  }
0x86: {  	s0 =	simm.s32 @!p0 $0xCE80;
	s12 =	simm.s32 @!p1 $0x5;
	[sflag:s13] =	ssyncadd.s32 @!p2 $0xFFFFC000  }
0x87: {  	[tilespmem:s0], [sflag:$0x3] =	stream.indirect.gather @!p0 [hbm4b:s2+s21], $0x80, s3, s21, $0xb8;
	[tilespmem:$0x1CE80] =	vst v63  }
0x88: {  	s29 =	sadd.s32 $0x5, s19;
	s13 =	simm.s32 @!p1 $0x14E80;
	_ =	swait.ge @!p1 [sflag:s12], $0x4000  }
0x89: {  	s0 =	sshrl.u32 @!p1 s20, $0x3;
	s3 =	simm.s32 @!p1 $0x0;
	[sflag:s12] =	ssyncset.done @!p1 $0x0  }
0x8a: {  	s0 =	sadd.s32 @!p1 s4, s0;
	[sflag:s12] =	ssyncadd.s32 @!p1 $0xFFFFC000;
	s12 =	simm.s32 @!p3 $0xA  }
0x8b: {  	[hbm4b:s0+s3] =	stream.linear.scatter @!p1 [tilespmem:s13], [sflag:$0xB], $0x4000, $0x38;
	[tilespmem:$0x1CE80] =	vst v63  }
0x8c: {  	p2 =	sgt.u32 s29, $0x9B;
	_ =	swait.ge @!p3 [sflag:s12], $0x4000  }
0x8d: {  	s0 =	sadd.s32 @!p0 $0x180, s1;
	s13 =	simm.s32 @!p0 $0x10E80;
	[sflag:s12] =	ssyncset.done @!p3 $0x0  }
0x8e: {  	s3 =	simm.s32 @!p2 $0x6;
	[sflag:s12] =	ssyncadd.s32 @!p3 $0xFFFFC000;
	s12 =	sadd.s32 @!p2 $0x4000, s20  }
0x8f: {  	[tilespmem:s13], [sflag:$0x4] =	stream.indirect.gather @!p0 [hbm4b:s2+s21], $0x80, s0, s21, $0xb8;
	[tilespmem:$0x1CE80] =	vst v63  }
0x90: {  	s0 =	sshrl.u32 @!p2 s12, $0x3;
	_ =	swait.ge @!p2 [sflag:s3], $0x4000  }
0x91: {  	s12 =	simm.s32 @!p2 $0x18E80;
	s13 =	simm.s32 @!p2 $0x0;
	[sflag:s3] =	ssyncset.done @!p2 $0x0  }
0x92: {  	s0 =	sadd.s32 @!p2 s4, s0;
	[sflag:s3] =	ssyncadd.s32 @!p2 $0xFFFFC000;
	s3 =	simm.s32 @!p1 $0xB  }
0x93: {  	[hbm4b:s0+s13] =	stream.linear.scatter @!p2 [tilespmem:s12], [sflag:$0xC], $0x4000, $0x38;
	[tilespmem:$0x1CE80] =	vst v63  }
0x94: {  	_ =	swait.ge @!p1 [sflag:s3], $0x4000  }
0x95: {  	s0 =	sadd.s32 @!p0 $0x200, s1;
	[sflag:s3] =	ssyncset.done @!p1 $0x0  }
0x96: {  	s12 =	simm.s32 @!p0 $0x14E80;
	s13 =	simm.s32 @!p0 $0x1;
	[sflag:s3] =	ssyncadd.s32 @!p1 $0xFFFFC000  }
0x97: {  	[tilespmem:s12], [sflag:$0x5] =	stream.indirect.gather @!p0 [hbm4b:s2+s21], $0x80, s0, s21, $0xb8;
	[tilespmem:$0x1CE80] =	vst v63  }
0x98: {  	_ =	swait.ge @!p0 [sflag:s13], $0x4000  }
0x99: {  	[sflag:s13] =	ssyncset.done @!p0 $0x0  }
0x9a: {  	s3 =	simm.s32 @!p2 $0xC;
	s0 =	simm.s32 @!p0 $0x0;
	[sflag:s13] =	ssyncadd.s32 @!p0 $0xFFFFC000  }
0x9b: {  	[hbm4b:s18+s0] =	stream.linear.scatter @!p0 [tilespmem:s22], [sflag:$0x7], $0x4000, $0x38;
	[tilespmem:$0x1CE80] =	vst v63  }
0x9c: {  	_ =	swait.ge @!p2 [sflag:s3], $0x4000  }
0x9d: {  	s1 =	sadd.s32 @!p0 $0x280, s1;
	[sflag:s3] =	ssyncset.done @!p2 $0x0  }
0x9e: {  	s12 =	simm.s32 @!p0 $0x18E80;
	s13 =	simm.s32 @!p0 $0x2;
	[sflag:s3] =	ssyncadd.s32 @!p2 $0xFFFFC000  }
0x9f: {  	[tilespmem:s12], [sflag:$0x6] =	stream.indirect.gather @!p0 [hbm4b:s2+s21], $0x80, s1, s21, $0xb8;
	[tilespmem:$0x1CE80] =	vst v63  }
0xa0: {  	_ =	swait.ge @!p0 [sflag:s13], $0x4000  }
0xa1: {  	[sflag:s13] =	ssyncset.done @!p0 $0x0  }
0xa2: {  	[sflag:s13] =	ssyncadd.s32 @!p0 $0xFFFFC000  }
0xa3: {  	[hbm4b:s17+s0] =	stream.linear.scatter @!p0 [tilespmem:s23], [sflag:$0x8], $0x4000, $0x38;
	[tilespmem:$0x1CE80] =	vst v63  }
0xa4: {  	s30 =	simm.s32 $0x20;
	s31 =	simm.s32 $0x4E00  }
0xa5: {  	[tilespmem:s14], [sflag:$0x1] =	stream.indirect.gather [hbm4b:s2+s30], $0x80, s31, s30, $0xb8;
	[tilespmem:$0x1CE80] =	vst v63  }
0xa6: {  	s16 =	sadd.s32 $0x1, s16;
	_ =	swait.ge [sflag:s15], $0x1000  }
0xa7: {  	p0 =	sne.s32 s16, s7;
	[sflag:s15] =	ssyncset.done $0x0  }
.Ltmp1:
0xa8: {  	s12 =	simm.s32 $0x0;
	[sflag:s15] =	ssyncadd.s32 $0xFFFFF000;
	(pc) =	sbr.rel @p0 .LBB2_1-.Ltmp1, $4  }
0xa9: {  	[hbm4b:s6+s12] =	stream.linear.scatter [tilespmem:s14], [sflag:$0xD], $0x1000, $0x38;
	[tilespmem:$0x1CE80] =	vst v63  }
0xaa: {  	_ =	swait.ge [sflag:s11], $0x1000  }
0xab: {  	[sflag:s11] =	ssyncset.done $0x0  }
0xac: {  	[sflag:s11] =	ssyncadd.s32 $0xFFFFF000  }
0xad: {  	_ =	sfence.sel $0x180000  }
0xae: {  	[bflag:$0x0] =	sbarrier.arrive $0xFFFF  }
0xaf: {  	_ =	strace $0x9000004A  }
0xb0: {  	s0 =	stileid.u32;
	[bflag:$0x2] =	sbarrier.arrive $0xFFFF  }
0xb1: {  	p0 =	sne.s32 s0, $0x0;
	s0 =	rddreg [dreg:$0x2]  }
0xb2: {  	s0 =	sadd.s32 @!p0 $0x100000, s0  }
0xb3: {  	[sflag:s0] =	ssyncadd.tile.s32 @!p0 $0x1;
	_ =	shalt  }
.Lfunc_end2:
_tile_overlayer_lowered:
.L_overlay_start_2:
0xb4: {  	(tag) =	ssettag $0x2  }
0xb5: {  	s0 =	rddreg [dreg:$0x0];
	s2 =	stileid.u32  }
0xb6: {  	s1 =	rddreg [dreg:$0x1];
	p0 =	sne.s32 s2, $0x0  }
0xb7: {  	s3 =	rddreg [dreg:$0x2];
	[bflag:$0x3] =	sbarrier.arrive $0xFFFF;
	s2 =	simm.s32 @!p0 $0x1C0D  }
0xb8: {  	[timem:s3], [sflag:s2] =	dma.local @!p0 [hbm:s0], s1  }
0xb9: {  	s0 =	simm.s32 @!p0 $0xD  }
0xba: {  	_ =	swait.ge @!p0 [sflag:s0], s1  }
0xbb: {  	s1 =	ssub.s32 @!p0 $0x0, s1;
	[sflag:s0] =	ssyncset.done @!p0 $0x0  }
0xbc: {  	[sflag:s0] =	ssyncadd.s32 @!p0 s1  }
0xbd: {  	[bflag:$0x3] =	sbarrier.arrive $0xFFFF  }
0xbe: {  	_ =	shalt  }

</sc_bundles>
